<compile_context>
chip_gen: v7x
topology: tpu7x:2x2x1
jax: 0.10.2.dev20260603
libtpu: 0.0.44.dev20260713+nightly
codegen_flags: <defaults>
</compile_context>

<pallas_src>
import jax
import jax.numpy as jnp
from jax import lax
from jax.experimental import pallas as pl
from jax.experimental.pallas import tpu as pltpu
from jax.experimental.pallas import tpu_sc as plsc

_VOCAB = 1000000
_DIM = 128
_NEG = 10
_DROP = 0.1
_B = 16384

_NC = 2
_NS = 16
_NW = _NC * _NS
_BPW = _B // _NW
_C = 16
_CH = _BPW // _C
_NPC = _C * _NEG
_HALF = _BPW // 4


def _dropout_mask():
    mk = jax.random.key(12345)
    return (jax.random.uniform(mk, (_B, _DIM)) < (1.0 - _DROP)).astype(jnp.float32)


def _sc_body(data, emb0, emb1, maskh, pos_out, neg_out, nmask_out,
             dbuf, idxw, idxc, idxn, wbuf0, wbuf1, cbuf0, cbuf1,
             mbuf0, mbuf1, nbuf0, nbuf1, posbuf, negbuf, nmaskbuf,
             sem0, sem1):
    wid = lax.axis_index("s") * _NC + lax.axis_index("c")
    base = wid * _BPW
    lanes = lax.iota(jnp.int32, 16)

    for h in range(_BPW // _HALF):
        pltpu.sync_copy(data.at[pl.ds(base + h * _HALF, _HALF)], dbuf)

        def extract(g, carry):
            rows = lanes + g * 16
            out0 = h * _HALF + g * 16
            wv = plsc.load_gather(dbuf, [rows, jnp.full((16,), 1, jnp.int32)])
            cv = plsc.load_gather(dbuf, [rows, jnp.full((16,), 0, jnp.int32)])
            idxw[pl.ds(out0, 16)] = wv
            idxc[pl.ds(out0, 16)] = cv
            for k in range(_NEG):
                nv = plsc.load_gather(
                    dbuf, [rows, jnp.full((16,), 2 + k, jnp.int32)])
                idxn[k, pl.ds(out0, 16)] = nv
                mv = plsc.load_gather(
                    dbuf, [rows, jnp.full((16,), 2 + _NEG + k, jnp.int32)])
                nmaskbuf[k, pl.ds(out0, 16)] = mv.astype(jnp.float32)
            return carry

        lax.fori_loop(0, _HALF // 16, extract, 0)

    bufs = ((wbuf0, cbuf0, mbuf0, nbuf0, sem0),
            (wbuf1, cbuf1, mbuf1, nbuf1, sem1))

    def _copies(ch, p):
        wb, cb, mb, nb, sem = bufs[p]
        yield emb0.at[idxw.at[pl.ds(ch * _C, _C)]], wb, sem
        yield emb1.at[idxc.at[pl.ds(ch * _C, _C)]], cb, sem
        yield maskh.at[pl.ds(base + ch * _C, _C)], mb, sem
        for k in range(_NEG):
            yield (emb1.at[idxn.at[k, pl.ds(ch * _C, _C)]],
                   nb.at[pl.ds(k * _C, _C)], sem)

    def fire(ch, p):
        for src, dst, sem in _copies(ch, p):
            pltpu.async_copy(src, dst, sem)

    def drain(ch, p):
        for src, dst, sem in _copies(ch, p):
            pltpu.make_async_copy(src, dst, sem).wait()

    def compute(ch, p):
        wb, cb, mb, nb, _ = bufs[p]
        off = ch * _C

        def rowstep(r, carry):
            wmv = [wb[r, pl.ds(v * 16, 16)] * mb[r, pl.ds(v * 16, 16)]
                   for v in range(_DIM // 16)]
            lanemask = lanes == (r & 15)
            p = wmv[0] * cb[r, pl.ds(0, 16)]
            for v in range(1, _DIM // 16):
                p = p + wmv[v] * cb[r, pl.ds(v * 16, 16)]
            accs = [jnp.where(lanemask, lax.reduce_sum(p, (0,)), carry[0])]
            for k in range(_NEG):
                nr = k * _C + r
                q = wmv[0] * nb[nr, pl.ds(0, 16)]
                for v in range(1, _DIM // 16):
                    q = q + wmv[v] * nb[nr, pl.ds(v * 16, 16)]
                accs.append(
                    jnp.where(lanemask, lax.reduce_sum(q, (0,)), carry[1 + k]))
            flush = (r & 15) == 15

            @pl.when(flush)
            def _():
                posbuf[pl.ds(off + r - 15, 16)] = accs[0]
                for k in range(_NEG):
                    negbuf[k, pl.ds(off + r - 15, 16)] = accs[1 + k]

            return tuple(jnp.where(flush, 0.0, a) for a in accs)

        zeros = tuple(jnp.zeros((16,), jnp.float32) for _ in range(_NEG + 1))
        lax.fori_loop(0, _C, rowstep, zeros)

    fire(0, 0)
    fire(1, 1)

    def pair(j, carry):
        ch0 = j * 2
        drain(ch0, 0)
        compute(ch0, 0)

        @pl.when(ch0 + 2 < _CH)
        def _():
            fire(ch0 + 2, 0)

        drain(ch0 + 1, 1)
        compute(ch0 + 1, 1)

        @pl.when(ch0 + 3 < _CH)
        def _():
            fire(ch0 + 3, 1)

        return carry

    lax.fori_loop(0, _CH // 2, pair, 0)

    pltpu.sync_copy(posbuf, pos_out.at[pl.ds(base, _BPW)])
    pltpu.sync_copy(negbuf, neg_out.at[wid])
    pltpu.sync_copy(nmaskbuf, nmask_out.at[wid])


_sc_call = pl.kernel(
    _sc_body,
    out_type=[
        jax.ShapeDtypeStruct((_B,), jnp.float32),
        jax.ShapeDtypeStruct((_NW, _NEG, _BPW), jnp.float32),
        jax.ShapeDtypeStruct((_NW, _NEG, _BPW), jnp.float32),
    ],
    mesh=plsc.VectorSubcoreMesh(core_axis_name="c", subcore_axis_name="s"),
    compiler_params=pltpu.CompilerParams(needs_layout_passes=False),
    scratch_types=[
        pltpu.VMEM((_HALF, 2 + 2 * _NEG), jnp.int32),
        pltpu.VMEM((_BPW,), jnp.int32),
        pltpu.VMEM((_BPW,), jnp.int32),
        pltpu.VMEM((_NEG, _BPW), jnp.int32),
        pltpu.VMEM((_C, _DIM), jnp.float32),
        pltpu.VMEM((_C, _DIM), jnp.float32),
        pltpu.VMEM((_C, _DIM), jnp.float32),
        pltpu.VMEM((_C, _DIM), jnp.float32),
        pltpu.VMEM((_C, _DIM), jnp.float32),
        pltpu.VMEM((_C, _DIM), jnp.float32),
        pltpu.VMEM((_NPC, _DIM), jnp.float32),
        pltpu.VMEM((_NPC, _DIM), jnp.float32),
        pltpu.VMEM((_BPW,), jnp.float32),
        pltpu.VMEM((_NEG, _BPW), jnp.float32),
        pltpu.VMEM((_NEG, _BPW), jnp.float32),
        pltpu.SemaphoreType.DMA,
        pltpu.SemaphoreType.DMA,
    ],
)


def _loss_body(pos_ref, negs_ref, nm_ref, out_ref):
    pos = pos_ref[...]
    pos_l = jnp.sum(jnp.log(1.0 + jnp.exp(-jnp.clip(pos, -10.0, 10.0))))
    negs = negs_ref[...]
    nl = jnp.log(1.0 + jnp.exp(jnp.clip(negs, -10.0, 10.0))) * nm_ref[...]
    out_ref[...] = jnp.reshape(pos_l + jnp.sum(nl), (1, 1))


_loss_call = pl.pallas_call(
    _loss_body,
    out_shape=jax.ShapeDtypeStruct((1, 1), jnp.float32),
)


def kernel(data, emb0, emb1):
    mask = _dropout_mask()
    pos, negs, nmask = _sc_call(data, emb0, emb1, mask)
    out = _loss_call(pos.reshape(_B // _DIM, _DIM), negs, nmask)
    return out[0, 0]

# --- scband reference (transcript-rebuilt; emitter-appended) ---
"""Pipeline reference for scband-sg-dropout-72997264162975 (READ-ONLY COPY).

The authoritative reference and input builder live on the scoring server;
editing this copy changes nothing except your own understanding.
"""

import jax, jax.numpy as jnp
import numpy as np

VOCAB = 1000000
DIM = 128
NEG = 10
DROP_PROB = 0.1
BATCH = 16384


def setup_inputs(seed: int = 0) -> dict:
    key = jax.random.key(seed)
    k1, k2, k3 = jax.random.split(key, 3)
    data = jax.random.randint(k1, (BATCH, 2 + 2 * NEG), 0, VOCAB, dtype=jnp.int32)
    # emb0: uniform(-0.5/size, 0.5/size) per module init (padding row at index VOCAB)
    emb0 = jax.random.uniform(k2, (VOCAB + 1, DIM), dtype=jnp.float32, minval=-0.5 / DIM, maxval=0.5 / DIM)
    # module inits emb1 to zeros; use small random values for a non-degenerate numeric check
    emb1 = jax.random.normal(k3, (VOCAB, DIM), dtype=jnp.float32) * 0.01
    return {"data": data, "emb0": emb0, "emb1": emb1}


def reference(data, emb0, emb1):
    word_idx = data[:, 1]
    ctx_idx = data[:, 0]
    neg_indices = data[:, 2:2 + NEG]
    neg_mask = data[:, 2 + NEG:].astype(jnp.float32)

    w_embs = jnp.take(emb0, word_idx, axis=0)          # [B, D] gather
    c_embs = jnp.take(emb1, ctx_idx, axis=0)           # [B, D] gather
    n_embs = jnp.take(emb1, neg_indices, axis=0)       # [B, NEG, D] gather

    # dropout mask on word embeddings (fixed key for determinism)
    mkey = jax.random.key(12345)
    w_mask = (jax.random.uniform(mkey, w_embs.shape) < (1.0 - DROP_PROB)).astype(jnp.float32)
    w_embs = w_mask * w_embs

    pos_ips = jnp.sum(w_embs * c_embs, axis=1)                      # [B]
    neg_ips = jnp.einsum('bkd,bd->bk', n_embs, w_embs)              # bmm [B,NEG]

    pos_loss = jnp.sum(-jax.nn.log_sigmoid(jnp.clip(pos_ips, -10.0, 10.0)))
    neg_loss = jnp.sum(-jax.nn.log_sigmoid(jnp.clip(-neg_ips, -10.0, 10.0)) * neg_mask)
    return pos_loss + neg_loss


if False:  # reference __main__ guard neutralized (emitter)
    out = reference(**setup_inputs())
    print(out)

if __name__ == "__main__":
    import jax
    _d = setup_inputs()
    print(jax.jit(kernel)(*tuple(_d.values())))

</pallas_src>

<mosaic_0001>
#map = affine_map<(d0, d1) -> (0, 0)>
#map1 = affine_map<(d0, d1) -> (0)>
#map2 = affine_map<(d0, d1) -> (0, 0, 0)>
module attributes {stable_mosaic.version = 14 : i64} {
  func.func @_sc_body(%arg0: i32, %arg1: i32, %arg2: memref<16384x22xi32, #tpu.memory_space<hbm>>, %arg3: memref<1000001x128xf32, #tpu.memory_space<hbm>>, %arg4: memref<1000000x128xf32, #tpu.memory_space<hbm>>, %arg5: memref<16384x128xf32, #tpu.memory_space<hbm>>, %arg6: memref<16384xf32, #tpu.memory_space<hbm>>, %arg7: memref<32x10x512xf32, #tpu.memory_space<hbm>>, %arg8: memref<32x10x512xf32, #tpu.memory_space<hbm>>, %arg9: memref<128x22xi32, #tpu.memory_space<vmem>>, %arg10: memref<512xi32, #tpu.memory_space<vmem>>, %arg11: memref<512xi32, #tpu.memory_space<vmem>>, %arg12: memref<10x512xi32, #tpu.memory_space<vmem>>, %arg13: memref<16x128xf32, #tpu.memory_space<vmem>>, %arg14: memref<16x128xf32, #tpu.memory_space<vmem>>, %arg15: memref<16x128xf32, #tpu.memory_space<vmem>>, %arg16: memref<16x128xf32, #tpu.memory_space<vmem>>, %arg17: memref<16x128xf32, #tpu.memory_space<vmem>>, %arg18: memref<16x128xf32, #tpu.memory_space<vmem>>, %arg19: memref<160x128xf32, #tpu.memory_space<vmem>>, %arg20: memref<160x128xf32, #tpu.memory_space<vmem>>, %arg21: memref<512xf32, #tpu.memory_space<vmem>>, %arg22: memref<10x512xf32, #tpu.memory_space<vmem>>, %arg23: memref<10x512xf32, #tpu.memory_space<vmem>>, %arg24: memref<!tpu.dma_semaphore, #tpu.memory_space<semaphore_mem>>, %arg25: memref<!tpu.dma_semaphore, #tpu.memory_space<semaphore_mem>>) attributes {dimension_semantics = [#tpu.dimension_semantics<core_parallel>, #tpu.dimension_semantics<subcore_parallel>], iteration_bounds = array<i64: 2, 16>, scalar_prefetch = 0 : i64, scratch_operands = 17 : i64, tpu.core_type = #tpu.core_type<sc_vector_subcore>, window_params = [{transform_indices = #map}, {transform_indices = #map}, {transform_indices = #map}, {transform_indices = #map}, {transform_indices = #map1}, {transform_indices = #map2}, {transform_indices = #map2}]} {
    %mul3A = arith.constant 2 : i32
    %mul3A_0 = arith.muli %arg1, %mul3A : i32
    %add3A = arith.addi %mul3A_0, %arg0 : i32
    %mul3A_1 = arith.constant 512 : i32
    %mul3A_2 = arith.muli %add3A, %mul3A_1 : i32
    %iota3A = tpu.iota {dimensions = array<i32: 0>} : vector<16xi32>
    %add3A_3 = arith.constant 0 : i32
    %add3A_4 = arith.addi %mul3A_2, %add3A_3 : i32
    "tpu.region"() ({
      %run_scoped3A = tpu.sem_alloc : memref<!tpu.dma_semaphore, #tpu.memory_space<semaphore_mem>>
      %dma_start3A_271 = arith.constant 0 : i32
      %dma_start3A_272 = tpu.memref_slice %arg2[%add3A_4, %dma_start3A_271] : memref<16384x22xi32, #tpu.memory_space<hbm>> -> memref<128x22xi32, #tpu.memory_space<hbm>>
      %dma_start3A_273 = arith.constant 0 : i32
      %dma_start3A_274 = tpu.memref_slice %arg2[%add3A_4, %dma_start3A_273] : memref<16384x22xi32, #tpu.memory_space<hbm>> -> memref<128x22xi32, #tpu.memory_space<hbm>>
      tpu.enqueue_dma source(%dma_start3A_274 : memref<128x22xi32, #tpu.memory_space<hbm>>) target(%arg9 : memref<128x22xi32, #tpu.memory_space<vmem>>) target_semaphore(%run_scoped3A : memref<!tpu.dma_semaphore, #tpu.memory_space<semaphore_mem>>)
      %dma_wait3A = arith.constant 0 : i32
      %dma_wait3A_275 = tpu.memref_slice %arg2[%add3A_4, %dma_wait3A] : memref<16384x22xi32, #tpu.memory_space<hbm>> -> memref<128x22xi32, #tpu.memory_space<hbm>>
      %dma_wait3A_276 = arith.constant 0 : i32
      %dma_wait3A_277 = tpu.memref_slice %arg2[%add3A_4, %dma_wait3A_276] : memref<16384x22xi32, #tpu.memory_space<hbm>> -> memref<128x22xi32, #tpu.memory_space<hbm>>
      tpu.wait_dma2 semaphore(%run_scoped3A : memref<!tpu.dma_semaphore, #tpu.memory_space<semaphore_mem>>) src(%dma_wait3A_277 : memref<128x22xi32, #tpu.memory_space<hbm>>) dst(%arg9 : memref<128x22xi32, #tpu.memory_space<vmem>>)
      tpu.yield
    }) : () -> ()
    %scan3A = arith.constant 0 : i32
    %scan3A_5 = arith.constant 0 : i32
    %scan3A_6 = arith.constant 8 : i32
    %scan3A_7 = arith.addi %scan3A_5, %scan3A_6 : i32
    %scan3A_8 = arith.constant 1 : i32
    scf.for %scan3A_271 = %scan3A_5 to %scan3A_7 step %scan3A_8  : i32 {
      %mul3A_272 = arith.constant 16 : i32
      %mul3A_273 = arith.muli %scan3A_271, %mul3A_272 : i32
      %add3A_274 = vector.broadcast %mul3A_273 : i32 to vector<16xi32>
      %add3A_275 = arith.addi %iota3A, %add3A_274 : vector<16xi32>
      %mul3A_276 = arith.constant 16 : i32
      %mul3A_277 = arith.muli %scan3A_271, %mul3A_276 : i32
      %add3A_278 = arith.constant 0 : i32
      %add3A_279 = arith.addi %add3A_278, %mul3A_277 : i32
      %broadcast_in_dim3A = arith.constant 1 : i32
      %broadcast_in_dim3A_280 = vector.broadcast %broadcast_in_dim3A : i32 to vector<16xi32>
      %gather3A = tpu.vector_load_idx %arg9[%add3A_275, %broadcast_in_dim3A_280] : memref<128x22xi32, #tpu.memory_space<vmem>>[vector<16xi32>, vector<16xi32>], vector<16xi32>,
      %broadcast_in_dim3A_281 = arith.constant 0 : i32
      %broadcast_in_dim3A_282 = vector.broadcast %broadcast_in_dim3A_281 : i32 to vector<16xi32>
      %gather3A_283 = tpu.vector_load_idx %arg9[%add3A_275, %broadcast_in_dim3A_282] : memref<128x22xi32, #tpu.memory_space<vmem>>[vector<16xi32>, vector<16xi32>], vector<16xi32>,
      %swap3A = arith.index_cast %add3A_279 : i32 to index
      %swap3A_284 = tpu.vector_load %arg10[%swap3A] {strides = array<i32>} : memref<512xi32, #tpu.memory_space<vmem>>, vector<16xi32>,
      tpu.vector_store %arg10[%swap3A], %gather3A {strides = array<i32>} : memref<512xi32, #tpu.memory_space<vmem>>, vector<16xi32>,
      %swap3A_285 = arith.index_cast %add3A_279 : i32 to index
      %swap3A_286 = tpu.vector_load %arg11[%swap3A_285] {strides = array<i32>} : memref<512xi32, #tpu.memory_space<vmem>>, vector<16xi32>,
      tpu.vector_store %arg11[%swap3A_285], %gather3A_283 {strides = array<i32>} : memref<512xi32, #tpu.memory_space<vmem>>, vector<16xi32>,
      %broadcast_in_dim3A_287 = arith.constant 2 : i32
      %broadcast_in_dim3A_288 = vector.broadcast %broadcast_in_dim3A_287 : i32 to vector<16xi32>
      %gather3A_289 = tpu.vector_load_idx %arg9[%add3A_275, %broadcast_in_dim3A_288] : memref<128x22xi32, #tpu.memory_space<vmem>>[vector<16xi32>, vector<16xi32>], vector<16xi32>,
      %swap3A_290 = arith.constant 0 : i32
      %swap3A_291 = arith.index_cast %swap3A_290 : i32 to index
      %swap3A_292 = arith.index_cast %add3A_279 : i32 to index
      %swap3A_293 = tpu.vector_load %arg12[%swap3A_291, %swap3A_292] {strides = array<i32>} : memref<10x512xi32, #tpu.memory_space<vmem>>, vector<16xi32>,
      tpu.vector_store %arg12[%swap3A_291, %swap3A_292], %gather3A_289 {strides = array<i32>} : memref<10x512xi32, #tpu.memory_space<vmem>>, vector<16xi32>,
      %broadcast_in_dim3A_294 = arith.constant 12 : i32
      %broadcast_in_dim3A_295 = vector.broadcast %broadcast_in_dim3A_294 : i32 to vector<16xi32>
      %gather3A_296 = tpu.vector_load_idx %arg9[%add3A_275, %broadcast_in_dim3A_295] : memref<128x22xi32, #tpu.memory_space<vmem>>[vector<16xi32>, vector<16xi32>], vector<16xi32>,
      %convert_element_type3A = arith.sitofp %gather3A_296 : vector<16xi32> to vector<16xf32>
      %swap3A_297 = arith.constant 0 : i32
      %swap3A_298 = arith.index_cast %swap3A_297 : i32 to index
      %swap3A_299 = arith.index_cast %add3A_279 : i32 to index
      %swap3A_300 = tpu.vector_load %arg23[%swap3A_298, %swap3A_299] {strides = array<i32>} : memref<10x512xf32, #tpu.memory_space<vmem>>, vector<16xf32>,
      tpu.vector_store %arg23[%swap3A_298, %swap3A_299], %convert_element_type3A {strides = array<i32>} : memref<10x512xf32, #tpu.memory_space<vmem>>, vector<16xf32>,
      %broadcast_in_dim3A_301 = arith.constant 3 : i32
      %broadcast_in_dim3A_302 = vector.broadcast %broadcast_in_dim3A_301 : i32 to vector<16xi32>
      %gather3A_303 = tpu.vector_load_idx %arg9[%add3A_275, %broadcast_in_dim3A_302] : memref<128x22xi32, #tpu.memory_space<vmem>>[vector<16xi32>, vector<16xi32>], vector<16xi32>,
      %swap3A_304 = arith.constant 1 : i32
      %swap3A_305 = arith.index_cast %swap3A_304 : i32 to index
      %swap3A_306 = arith.index_cast %add3A_279 : i32 to index
      %swap3A_307 = tpu.vector_load %arg12[%swap3A_305, %swap3A_306] {strides = array<i32>} : memref<10x512xi32, #tpu.memory_space<vmem>>, vector<16xi32>,
      tpu.vector_store %arg12[%swap3A_305, %swap3A_306], %gather3A_303 {strides = array<i32>} : memref<10x512xi32, #tpu.memory_space<vmem>>, vector<16xi32>,
      %broadcast_in_dim3A_308 = arith.constant 13 : i32
      %broadcast_in_dim3A_309 = vector.broadcast %broadcast_in_dim3A_308 : i32 to vector<16xi32>
      %gather3A_310 = tpu.vector_load_idx %arg9[%add3A_275, %broadcast_in_dim3A_309] : memref<128x22xi32, #tpu.memory_space<vmem>>[vector<16xi32>, vector<16xi32>], vector<16xi32>,
      %convert_element_type3A_311 = arith.sitofp %gather3A_310 : vector<16xi32> to vector<16xf32>
      %swap3A_312 = arith.constant 1 : i32
      %swap3A_313 = arith.index_cast %swap3A_312 : i32 to index
      %swap3A_314 = arith.index_cast %add3A_279 : i32 to index
      %swap3A_315 = tpu.vector_load %arg23[%swap3A_313, %swap3A_314] {strides = array<i32>} : memref<10x512xf32, #tpu.memory_space<vmem>>, vector<16xf32>,
      tpu.vector_store %arg23[%swap3A_313, %swap3A_314], %convert_element_type3A_311 {strides = array<i32>} : memref<10x512xf32, #tpu.memory_space<vmem>>, vector<16xf32>,
      %broadcast_in_dim3A_316 = arith.constant 4 : i32
      %broadcast_in_dim3A_317 = vector.broadcast %broadcast_in_dim3A_316 : i32 to vector<16xi32>
      %gather3A_318 = tpu.vector_load_idx %arg9[%add3A_275, %broadcast_in_dim3A_317] : memref<128x22xi32, #tpu.memory_space<vmem>>[vector<16xi32>, vector<16xi32>], vector<16xi32>,
      %swap3A_319 = arith.constant 2 : i32
      %swap3A_320 = arith.index_cast %swap3A_319 : i32 to index
      %swap3A_321 = arith.index_cast %add3A_279 : i32 to index
      %swap3A_322 = tpu.vector_load %arg12[%swap3A_320, %swap3A_321] {strides = array<i32>} : memref<10x512xi32, #tpu.memory_space<vmem>>, vector<16xi32>,
      tpu.vector_store %arg12[%swap3A_320, %swap3A_321], %gather3A_318 {strides = array<i32>} : memref<10x512xi32, #tpu.memory_space<vmem>>, vector<16xi32>,
      %broadcast_in_dim3A_323 = arith.constant 14 : i32
      %broadcast_in_dim3A_324 = vector.broadcast %broadcast_in_dim3A_323 : i32 to vector<16xi32>
      %gather3A_325 = tpu.vector_load_idx %arg9[%add3A_275, %broadcast_in_dim3A_324] : memref<128x22xi32, #tpu.memory_space<vmem>>[vector<16xi32>, vector<16xi32>], vector<16xi32>,
      %convert_element_type3A_326 = arith.sitofp %gather3A_325 : vector<16xi32> to vector<16xf32>
      %swap3A_327 = arith.constant 2 : i32
      %swap3A_328 = arith.index_cast %swap3A_327 : i32 to index
      %swap3A_329 = arith.index_cast %add3A_279 : i32 to index
      %swap3A_330 = tpu.vector_load %arg23[%swap3A_328, %swap3A_329] {strides = array<i32>} : memref<10x512xf32, #tpu.memory_space<vmem>>, vector<16xf32>,
      tpu.vector_store %arg23[%swap3A_328, %swap3A_329], %convert_element_type3A_326 {strides = array<i32>} : memref<10x512xf32, #tpu.memory_space<vmem>>, vector<16xf32>,
      %broadcast_in_dim3A_331 = arith.constant 5 : i32
      %broadcast_in_dim3A_332 = vector.broadcast %broadcast_in_dim3A_331 : i32 to vector<16xi32>
      %gather3A_333 = tpu.vector_load_idx %arg9[%add3A_275, %broadcast_in_dim3A_332] : memref<128x22xi32, #tpu.memory_space<vmem>>[vector<16xi32>, vector<16xi32>], vector<16xi32>,
      %swap3A_334 = arith.constant 3 : i32
      %swap3A_335 = arith.index_cast %swap3A_334 : i32 to index
      %swap3A_336 = arith.index_cast %add3A_279 : i32 to index
      %swap3A_337 = tpu.vector_load %arg12[%swap3A_335, %swap3A_336] {strides = array<i32>} : memref<10x512xi32, #tpu.memory_space<vmem>>, vector<16xi32>,
      tpu.vector_store %arg12[%swap3A_335, %swap3A_336], %gather3A_333 {strides = array<i32>} : memref<10x512xi32, #tpu.memory_space<vmem>>, vector<16xi32>,
      %broadcast_in_dim3A_338 = arith.constant 15 : i32
      %broadcast_in_dim3A_339 = vector.broadcast %broadcast_in_dim3A_338 : i32 to vector<16xi32>
      %gather3A_340 = tpu.vector_load_idx %arg9[%add3A_275, %broadcast_in_dim3A_339] : memref<128x22xi32, #tpu.memory_space<vmem>>[vector<16xi32>, vector<16xi32>], vector<16xi32>,
      %convert_element_type3A_341 = arith.sitofp %gather3A_340 : vector<16xi32> to vector<16xf32>
      %swap3A_342 = arith.constant 3 : i32
      %swap3A_343 = arith.index_cast %swap3A_342 : i32 to index
      %swap3A_344 = arith.index_cast %add3A_279 : i32 to index
      %swap3A_345 = tpu.vector_load %arg23[%swap3A_343, %swap3A_344] {strides = array<i32>} : memref<10x512xf32, #tpu.memory_space<vmem>>, vector<16xf32>,
      tpu.vector_store %arg23[%swap3A_343, %swap3A_344], %convert_element_type3A_341 {strides = array<i32>} : memref<10x512xf32, #tpu.memory_space<vmem>>, vector<16xf32>,
      %broadcast_in_dim3A_346 = arith.constant 6 : i32
      %broadcast_in_dim3A_347 = vector.broadcast %broadcast_in_dim3A_346 : i32 to vector<16xi32>
      %gather3A_348 = tpu.vector_load_idx %arg9[%add3A_275, %broadcast_in_dim3A_347] : memref<128x22xi32, #tpu.memory_space<vmem>>[vector<16xi32>, vector<16xi32>], vector<16xi32>,
      %swap3A_349 = arith.constant 4 : i32
      %swap3A_350 = arith.index_cast %swap3A_349 : i32 to index
      %swap3A_351 = arith.index_cast %add3A_279 : i32 to index
      %swap3A_352 = tpu.vector_load %arg12[%swap3A_350, %swap3A_351] {strides = array<i32>} : memref<10x512xi32, #tpu.memory_space<vmem>>, vector<16xi32>,
      tpu.vector_store %arg12[%swap3A_350, %swap3A_351], %gather3A_348 {strides = array<i32>} : memref<10x512xi32, #tpu.memory_space<vmem>>, vector<16xi32>,
      %broadcast_in_dim3A_353 = arith.constant 16 : i32
      %broadcast_in_dim3A_354 = vector.broadcast %broadcast_in_dim3A_353 : i32 to vector<16xi32>
      %gather3A_355 = tpu.vector_load_idx %arg9[%add3A_275, %broadcast_in_dim3A_354] : memref<128x22xi32, #tpu.memory_space<vmem>>[vector<16xi32>, vector<16xi32>], vector<16xi32>,
      %convert_element_type3A_356 = arith.sitofp %gather3A_355 : vector<16xi32> to vector<16xf32>
      %swap3A_357 = arith.constant 4 : i32
      %swap3A_358 = arith.index_cast %swap3A_357 : i32 to index
      %swap3A_359 = arith.index_cast %add3A_279 : i32 to index
      %swap3A_360 = tpu.vector_load %arg23[%swap3A_358, %swap3A_359] {strides = array<i32>} : memref<10x512xf32, #tpu.memory_space<vmem>>, vector<16xf32>,
      tpu.vector_store %arg23[%swap3A_358, %swap3A_359], %convert_element_type3A_356 {strides = array<i32>} : memref<10x512xf32, #tpu.memory_space<vmem>>, vector<16xf32>,
      %broadcast_in_dim3A_361 = arith.constant 7 : i32
      %broadcast_in_dim3A_362 = vector.broadcast %broadcast_in_dim3A_361 : i32 to vector<16xi32>
      %gather3A_363 = tpu.vector_load_idx %arg9[%add3A_275, %broadcast_in_dim3A_362] : memref<128x22xi32, #tpu.memory_space<vmem>>[vector<16xi32>, vector<16xi32>], vector<16xi32>,
      %swap3A_364 = arith.constant 5 : i32
      %swap3A_365 = arith.index_cast %swap3A_364 : i32 to index
      %swap3A_366 = arith.index_cast %add3A_279 : i32 to index
      %swap3A_367 = tpu.vector_load %arg12[%swap3A_365, %swap3A_366] {strides = array<i32>} : memref<10x512xi32, #tpu.memory_space<vmem>>, vector<16xi32>,
      tpu.vector_store %arg12[%swap3A_365, %swap3A_366], %gather3A_363 {strides = array<i32>} : memref<10x512xi32, #tpu.memory_space<vmem>>, vector<16xi32>,
      %broadcast_in_dim3A_368 = arith.constant 17 : i32
      %broadcast_in_dim3A_369 = vector.broadcast %broadcast_in_dim3A_368 : i32 to vector<16xi32>
      %gather3A_370 = tpu.vector_load_idx %arg9[%add3A_275, %broadcast_in_dim3A_369] : memref<128x22xi32, #tpu.memory_space<vmem>>[vector<16xi32>, vector<16xi32>], vector<16xi32>,
      %convert_element_type3A_371 = arith.sitofp %gather3A_370 : vector<16xi32> to vector<16xf32>
      %swap3A_372 = arith.constant 5 : i32
      %swap3A_373 = arith.index_cast %swap3A_372 : i32 to index
      %swap3A_374 = arith.index_cast %add3A_279 : i32 to index
      %swap3A_375 = tpu.vector_load %arg23[%swap3A_373, %swap3A_374] {strides = array<i32>} : memref<10x512xf32, #tpu.memory_space<vmem>>, vector<16xf32>,
      tpu.vector_store %arg23[%swap3A_373, %swap3A_374], %convert_element_type3A_371 {strides = array<i32>} : memref<10x512xf32, #tpu.memory_space<vmem>>, vector<16xf32>,
      %broadcast_in_dim3A_376 = arith.constant 8 : i32
      %broadcast_in_dim3A_377 = vector.broadcast %broadcast_in_dim3A_376 : i32 to vector<16xi32>
      %gather3A_378 = tpu.vector_load_idx %arg9[%add3A_275, %broadcast_in_dim3A_377] : memref<128x22xi32, #tpu.memory_space<vmem>>[vector<16xi32>, vector<16xi32>], vector<16xi32>,
      %swap3A_379 = arith.constant 6 : i32
      %swap3A_380 = arith.index_cast %swap3A_379 : i32 to index
      %swap3A_381 = arith.index_cast %add3A_279 : i32 to index
      %swap3A_382 = tpu.vector_load %arg12[%swap3A_380, %swap3A_381] {strides = array<i32>} : memref<10x512xi32, #tpu.memory_space<vmem>>, vector<16xi32>,
      tpu.vector_store %arg12[%swap3A_380, %swap3A_381], %gather3A_378 {strides = array<i32>} : memref<10x512xi32, #tpu.memory_space<vmem>>, vector<16xi32>,
      %broadcast_in_dim3A_383 = arith.constant 18 : i32
      %broadcast_in_dim3A_384 = vector.broadcast %broadcast_in_dim3A_383 : i32 to vector<16xi32>
      %gather3A_385 = tpu.vector_load_idx %arg9[%add3A_275, %broadcast_in_dim3A_384] : memref<128x22xi32, #tpu.memory_space<vmem>>[vector<16xi32>, vector<16xi32>], vector<16xi32>,
      %convert_element_type3A_386 = arith.sitofp %gather3A_385 : vector<16xi32> to vector<16xf32>
      %swap3A_387 = arith.constant 6 : i32
      %swap3A_388 = arith.index_cast %swap3A_387 : i32 to index
      %swap3A_389 = arith.index_cast %add3A_279 : i32 to index
      %swap3A_390 = tpu.vector_load %arg23[%swap3A_388, %swap3A_389] {strides = array<i32>} : memref<10x512xf32, #tpu.memory_space<vmem>>, vector<16xf32>,
      tpu.vector_store %arg23[%swap3A_388, %swap3A_389], %convert_element_type3A_386 {strides = array<i32>} : memref<10x512xf32, #tpu.memory_space<vmem>>, vector<16xf32>,
      %broadcast_in_dim3A_391 = arith.constant 9 : i32
      %broadcast_in_dim3A_392 = vector.broadcast %broadcast_in_dim3A_391 : i32 to vector<16xi32>
      %gather3A_393 = tpu.vector_load_idx %arg9[%add3A_275, %broadcast_in_dim3A_392] : memref<128x22xi32, #tpu.memory_space<vmem>>[vector<16xi32>, vector<16xi32>], vector<16xi32>,
      %swap3A_394 = arith.constant 7 : i32
      %swap3A_395 = arith.index_cast %swap3A_394 : i32 to index
      %swap3A_396 = arith.index_cast %add3A_279 : i32 to index
      %swap3A_397 = tpu.vector_load %arg12[%swap3A_395, %swap3A_396] {strides = array<i32>} : memref<10x512xi32, #tpu.memory_space<vmem>>, vector<16xi32>,
      tpu.vector_store %arg12[%swap3A_395, %swap3A_396], %gather3A_393 {strides = array<i32>} : memref<10x512xi32, #tpu.memory_space<vmem>>, vector<16xi32>,
      %broadcast_in_dim3A_398 = arith.constant 19 : i32
      %broadcast_in_dim3A_399 = vector.broadcast %broadcast_in_dim3A_398 : i32 to vector<16xi32>
      %gather3A_400 = tpu.vector_load_idx %arg9[%add3A_275, %broadcast_in_dim3A_399] : memref<128x22xi32, #tpu.memory_space<vmem>>[vector<16xi32>, vector<16xi32>], vector<16xi32>,
      %convert_element_type3A_401 = arith.sitofp %gather3A_400 : vector<16xi32> to vector<16xf32>
      %swap3A_402 = arith.constant 7 : i32
      %swap3A_403 = arith.index_cast %swap3A_402 : i32 to index
      %swap3A_404 = arith.index_cast %add3A_279 : i32 to index
      %swap3A_405 = tpu.vector_load %arg23[%swap3A_403, %swap3A_404] {strides = array<i32>} : memref<10x512xf32, #tpu.memory_space<vmem>>, vector<16xf32>,
      tpu.vector_store %arg23[%swap3A_403, %swap3A_404], %convert_element_type3A_401 {strides = array<i32>} : memref<10x512xf32, #tpu.memory_space<vmem>>, vector<16xf32>,
      %broadcast_in_dim3A_406 = arith.constant 10 : i32
      %broadcast_in_dim3A_407 = vector.broadcast %broadcast_in_dim3A_406 : i32 to vector<16xi32>
      %gather3A_408 = tpu.vector_load_idx %arg9[%add3A_275, %broadcast_in_dim3A_407] : memref<128x22xi32, #tpu.memory_space<vmem>>[vector<16xi32>, vector<16xi32>], vector<16xi32>,
      %swap3A_409 = arith.constant 8 : i32
      %swap3A_410 = arith.index_cast %swap3A_409 : i32 to index
      %swap3A_411 = arith.index_cast %add3A_279 : i32 to index
      %swap3A_412 = tpu.vector_load %arg12[%swap3A_410, %swap3A_411] {strides = array<i32>} : memref<10x512xi32, #tpu.memory_space<vmem>>, vector<16xi32>,
      tpu.vector_store %arg12[%swap3A_410, %swap3A_411], %gather3A_408 {strides = array<i32>} : memref<10x512xi32, #tpu.memory_space<vmem>>, vector<16xi32>,
      %broadcast_in_dim3A_413 = arith.constant 20 : i32
      %broadcast_in_dim3A_414 = vector.broadcast %broadcast_in_dim3A_413 : i32 to vector<16xi32>
      %gather3A_415 = tpu.vector_load_idx %arg9[%add3A_275, %broadcast_in_dim3A_414] : memref<128x22xi32, #tpu.memory_space<vmem>>[vector<16xi32>, vector<16xi32>], vector<16xi32>,
      %convert_element_type3A_416 = arith.sitofp %gather3A_415 : vector<16xi32> to vector<16xf32>
      %swap3A_417 = arith.constant 8 : i32
      %swap3A_418 = arith.index_cast %swap3A_417 : i32 to index
      %swap3A_419 = arith.index_cast %add3A_279 : i32 to index
      %swap3A_420 = tpu.vector_load %arg23[%swap3A_418, %swap3A_419] {strides = array<i32>} : memref<10x512xf32, #tpu.memory_space<vmem>>, vector<16xf32>,
      tpu.vector_store %arg23[%swap3A_418, %swap3A_419], %convert_element_type3A_416 {strides = array<i32>} : memref<10x512xf32, #tpu.memory_space<vmem>>, vector<16xf32>,
      %broadcast_in_dim3A_421 = arith.constant 11 : i32
      %broadcast_in_dim3A_422 = vector.broadcast %broadcast_in_dim3A_421 : i32 to vector<16xi32>
      %gather3A_423 = tpu.vector_load_idx %arg9[%add3A_275, %broadcast_in_dim3A_422] : memref<128x22xi32, #tpu.memory_space<vmem>>[vector<16xi32>, vector<16xi32>], vector<16xi32>,
      %swap3A_424 = arith.constant 9 : i32
      %swap3A_425 = arith.index_cast %swap3A_424 : i32 to index
      %swap3A_426 = arith.index_cast %add3A_279 : i32 to index
      %swap3A_427 = tpu.vector_load %arg12[%swap3A_425, %swap3A_426] {strides = array<i32>} : memref<10x512xi32, #tpu.memory_space<vmem>>, vector<16xi32>,
      tpu.vector_store %arg12[%swap3A_425, %swap3A_426], %gather3A_423 {strides = array<i32>} : memref<10x512xi32, #tpu.memory_space<vmem>>, vector<16xi32>,
      %broadcast_in_dim3A_428 = arith.constant 21 : i32
      %broadcast_in_dim3A_429 = vector.broadcast %broadcast_in_dim3A_428 : i32 to vector<16xi32>
      %gather3A_430 = tpu.vector_load_idx %arg9[%add3A_275, %broadcast_in_dim3A_429] : memref<128x22xi32, #tpu.memory_space<vmem>>[vector<16xi32>, vector<16xi32>], vector<16xi32>,
      %convert_element_type3A_431 = arith.sitofp %gather3A_430 : vector<16xi32> to vector<16xf32>
      %swap3A_432 = arith.constant 9 : i32
      %swap3A_433 = arith.index_cast %swap3A_432 : i32 to index
      %swap3A_434 = arith.index_cast %add3A_279 : i32 to index
      %swap3A_435 = tpu.vector_load %arg23[%swap3A_433, %swap3A_434] {strides = array<i32>} : memref<10x512xf32, #tpu.memory_space<vmem>>, vector<16xf32>,
      tpu.vector_store %arg23[%swap3A_433, %swap3A_434], %convert_element_type3A_431 {strides = array<i32>} : memref<10x512xf32, #tpu.memory_space<vmem>>, vector<16xf32>,
    }
    %scan3A_9 = arith.constant 8 : i32
    %add3A_10 = arith.constant 128 : i32
    %add3A_11 = arith.addi %mul3A_2, %add3A_10 : i32
    "tpu.region"() ({
      %run_scoped3A = tpu.sem_alloc : memref<!tpu.dma_semaphore, #tpu.memory_space<semaphore_mem>>
      %dma_start3A_271 = arith.constant 0 : i32
      %dma_start3A_272 = tpu.memref_slice %arg2[%add3A_11, %dma_start3A_271] : memref<16384x22xi32, #tpu.memory_space<hbm>> -> memref<128x22xi32, #tpu.memory_space<hbm>>
      %dma_start3A_273 = arith.constant 0 : i32
      %dma_start3A_274 = tpu.memref_slice %arg2[%add3A_11, %dma_start3A_273] : memref<16384x22xi32, #tpu.memory_space<hbm>> -> memref<128x22xi32, #tpu.memory_space<hbm>>
      tpu.enqueue_dma source(%dma_start3A_274 : memref<128x22xi32, #tpu.memory_space<hbm>>) target(%arg9 : memref<128x22xi32, #tpu.memory_space<vmem>>) target_semaphore(%run_scoped3A : memref<!tpu.dma_semaphore, #tpu.memory_space<semaphore_mem>>)
      %dma_wait3A = arith.constant 0 : i32
      %dma_wait3A_275 = tpu.memref_slice %arg2[%add3A_11, %dma_wait3A] : memref<16384x22xi32, #tpu.memory_space<hbm>> -> memref<128x22xi32, #tpu.memory_space<hbm>>
      %dma_wait3A_276 = arith.constant 0 : i32
      %dma_wait3A_277 = tpu.memref_slice %arg2[%add3A_11, %dma_wait3A_276] : memref<16384x22xi32, #tpu.memory_space<hbm>> -> memref<128x22xi32, #tpu.memory_space<hbm>>
      tpu.wait_dma2 semaphore(%run_scoped3A : memref<!tpu.dma_semaphore, #tpu.memory_space<semaphore_mem>>) src(%dma_wait3A_277 : memref<128x22xi32, #tpu.memory_space<hbm>>) dst(%arg9 : memref<128x22xi32, #tpu.memory_space<vmem>>)
      tpu.yield
    }) : () -> ()
    %scan3A_12 = arith.constant 0 : i32
    %scan3A_13 = arith.constant 0 : i32
    %scan3A_14 = arith.constant 8 : i32
    %scan3A_15 = arith.addi %scan3A_13, %scan3A_14 : i32
    %scan3A_16 = arith.constant 1 : i32
    scf.for %scan3A_271 = %scan3A_13 to %scan3A_15 step %scan3A_16  : i32 {
      %mul3A_272 = arith.constant 16 : i32
      %mul3A_273 = arith.muli %scan3A_271, %mul3A_272 : i32
      %add3A_274 = vector.broadcast %mul3A_273 : i32 to vector<16xi32>
      %add3A_275 = arith.addi %iota3A, %add3A_274 : vector<16xi32>
      %mul3A_276 = arith.constant 16 : i32
      %mul3A_277 = arith.muli %scan3A_271, %mul3A_276 : i32
      %add3A_278 = arith.constant 128 : i32
      %add3A_279 = arith.addi %add3A_278, %mul3A_277 : i32
      %broadcast_in_dim3A = arith.constant 1 : i32
      %broadcast_in_dim3A_280 = vector.broadcast %broadcast_in_dim3A : i32 to vector<16xi32>
      %gather3A = tpu.vector_load_idx %arg9[%add3A_275, %broadcast_in_dim3A_280] : memref<128x22xi32, #tpu.memory_space<vmem>>[vector<16xi32>, vector<16xi32>], vector<16xi32>,
      %broadcast_in_dim3A_281 = arith.constant 0 : i32
      %broadcast_in_dim3A_282 = vector.broadcast %broadcast_in_dim3A_281 : i32 to vector<16xi32>
      %gather3A_283 = tpu.vector_load_idx %arg9[%add3A_275, %broadcast_in_dim3A_282] : memref<128x22xi32, #tpu.memory_space<vmem>>[vector<16xi32>, vector<16xi32>], vector<16xi32>,
      %swap3A = arith.index_cast %add3A_279 : i32 to index
      %swap3A_284 = tpu.vector_load %arg10[%swap3A] {strides = array<i32>} : memref<512xi32, #tpu.memory_space<vmem>>, vector<16xi32>,
      tpu.vector_store %arg10[%swap3A], %gather3A {strides = array<i32>} : memref<512xi32, #tpu.memory_space<vmem>>, vector<16xi32>,
      %swap3A_285 = arith.index_cast %add3A_279 : i32 to index
      %swap3A_286 = tpu.vector_load %arg11[%swap3A_285] {strides = array<i32>} : memref<512xi32, #tpu.memory_space<vmem>>, vector<16xi32>,
      tpu.vector_store %arg11[%swap3A_285], %gather3A_283 {strides = array<i32>} : memref<512xi32, #tpu.memory_space<vmem>>, vector<16xi32>,
      %broadcast_in_dim3A_287 = arith.constant 2 : i32
      %broadcast_in_dim3A_288 = vector.broadcast %broadcast_in_dim3A_287 : i32 to vector<16xi32>
      %gather3A_289 = tpu.vector_load_idx %arg9[%add3A_275, %broadcast_in_dim3A_288] : memref<128x22xi32, #tpu.memory_space<vmem>>[vector<16xi32>, vector<16xi32>], vector<16xi32>,
      %swap3A_290 = arith.constant 0 : i32
      %swap3A_291 = arith.index_cast %swap3A_290 : i32 to index
      %swap3A_292 = arith.index_cast %add3A_279 : i32 to index
      %swap3A_293 = tpu.vector_load %arg12[%swap3A_291, %swap3A_292] {strides = array<i32>} : memref<10x512xi32, #tpu.memory_space<vmem>>, vector<16xi32>,
      tpu.vector_store %arg12[%swap3A_291, %swap3A_292], %gather3A_289 {strides = array<i32>} : memref<10x512xi32, #tpu.memory_space<vmem>>, vector<16xi32>,
      %broadcast_in_dim3A_294 = arith.constant 12 : i32
      %broadcast_in_dim3A_295 = vector.broadcast %broadcast_in_dim3A_294 : i32 to vector<16xi32>
      %gather3A_296 = tpu.vector_load_idx %arg9[%add3A_275, %broadcast_in_dim3A_295] : memref<128x22xi32, #tpu.memory_space<vmem>>[vector<16xi32>, vector<16xi32>], vector<16xi32>,
      %convert_element_type3A = arith.sitofp %gather3A_296 : vector<16xi32> to vector<16xf32>
      %swap3A_297 = arith.constant 0 : i32
      %swap3A_298 = arith.index_cast %swap3A_297 : i32 to index
      %swap3A_299 = arith.index_cast %add3A_279 : i32 to index
      %swap3A_300 = tpu.vector_load %arg23[%swap3A_298, %swap3A_299] {strides = array<i32>} : memref<10x512xf32, #tpu.memory_space<vmem>>, vector<16xf32>,
      tpu.vector_store %arg23[%swap3A_298, %swap3A_299], %convert_element_type3A {strides = array<i32>} : memref<10x512xf32, #tpu.memory_space<vmem>>, vector<16xf32>,
      %broadcast_in_dim3A_301 = arith.constant 3 : i32
      %broadcast_in_dim3A_302 = vector.broadcast %broadcast_in_dim3A_301 : i32 to vector<16xi32>
      %gather3A_303 = tpu.vector_load_idx %arg9[%add3A_275, %broadcast_in_dim3A_302] : memref<128x22xi32, #tpu.memory_space<vmem>>[vector<16xi32>, vector<16xi32>], vector<16xi32>,
      %swap3A_304 = arith.constant 1 : i32
      %swap3A_305 = arith.index_cast %swap3A_304 : i32 to index
      %swap3A_306 = arith.index_cast %add3A_279 : i32 to index
      %swap3A_307 = tpu.vector_load %arg12[%swap3A_305, %swap3A_306] {strides = array<i32>} : memref<10x512xi32, #tpu.memory_space<vmem>>, vector<16xi32>,
      tpu.vector_store %arg12[%swap3A_305, %swap3A_306], %gather3A_303 {strides = array<i32>} : memref<10x512xi32, #tpu.memory_space<vmem>>, vector<16xi32>,
      %broadcast_in_dim3A_308 = arith.constant 13 : i32
      %broadcast_in_dim3A_309 = vector.broadcast %broadcast_in_dim3A_308 : i32 to vector<16xi32>
      %gather3A_310 = tpu.vector_load_idx %arg9[%add3A_275, %broadcast_in_dim3A_309] : memref<128x22xi32, #tpu.memory_space<vmem>>[vector<16xi32>, vector<16xi32>], vector<16xi32>,
      %convert_element_type3A_311 = arith.sitofp %gather3A_310 : vector<16xi32> to vector<16xf32>
      %swap3A_312 = arith.constant 1 : i32
      %swap3A_313 = arith.index_cast %swap3A_312 : i32 to index
      %swap3A_314 = arith.index_cast %add3A_279 : i32 to index
      %swap3A_315 = tpu.vector_load %arg23[%swap3A_313, %swap3A_314] {strides = array<i32>} : memref<10x512xf32, #tpu.memory_space<vmem>>, vector<16xf32>,
      tpu.vector_store %arg23[%swap3A_313, %swap3A_314], %convert_element_type3A_311 {strides = array<i32>} : memref<10x512xf32, #tpu.memory_space<vmem>>, vector<16xf32>,
      %broadcast_in_dim3A_316 = arith.constant 4 : i32
      %broadcast_in_dim3A_317 = vector.broadcast %broadcast_in_dim3A_316 : i32 to vector<16xi32>
      %gather3A_318 = tpu.vector_load_idx %arg9[%add3A_275, %broadcast_in_dim3A_317] : memref<128x22xi32, #tpu.memory_space<vmem>>[vector<16xi32>, vector<16xi32>], vector<16xi32>,
      %swap3A_319 = arith.constant 2 : i32
      %swap3A_320 = arith.index_cast %swap3A_319 : i32 to index
      %swap3A_321 = arith.index_cast %add3A_279 : i32 to index
      %swap3A_322 = tpu.vector_load %arg12[%swap3A_320, %swap3A_321] {strides = array<i32>} : memref<10x512xi32, #tpu.memory_space<vmem>>, vector<16xi32>,
      tpu.vector_store %arg12[%swap3A_320, %swap3A_321], %gather3A_318 {strides = array<i32>} : memref<10x512xi32, #tpu.memory_space<vmem>>, vector<16xi32>,
      %broadcast_in_dim3A_323 = arith.constant 14 : i32
      %broadcast_in_dim3A_324 = vector.broadcast %broadcast_in_dim3A_323 : i32 to vector<16xi32>
      %gather3A_325 = tpu.vector_load_idx %arg9[%add3A_275, %broadcast_in_dim3A_324] : memref<128x22xi32, #tpu.memory_space<vmem>>[vector<16xi32>, vector<16xi32>], vector<16xi32>,
      %convert_element_type3A_326 = arith.sitofp %gather3A_325 : vector<16xi32> to vector<16xf32>
      %swap3A_327 = arith.constant 2 : i32
      %swap3A_328 = arith.index_cast %swap3A_327 : i32 to index
      %swap3A_329 = arith.index_cast %add3A_279 : i32 to index
      %swap3A_330 = tpu.vector_load %arg23[%swap3A_328, %swap3A_329] {strides = array<i32>} : memref<10x512xf32, #tpu.memory_space<vmem>>, vector<16xf32>,
      tpu.vector_store %arg23[%swap3A_328, %swap3A_329], %convert_element_type3A_326 {strides = array<i32>} : memref<10x512xf32, #tpu.memory_space<vmem>>, vector<16xf32>,
      %broadcast_in_dim3A_331 = arith.constant 5 : i32
      %broadcast_in_dim3A_332 = vector.broadcast %broadcast_in_dim3A_331 : i32 to vector<16xi32>
      %gather3A_333 = tpu.vector_load_idx %arg9[%add3A_275, %broadcast_in_dim3A_332] : memref<128x22xi32, #tpu.memory_space<vmem>>[vector<16xi32>, vector<16xi32>], vector<16xi32>,
      %swap3A_334 = arith.constant 3 : i32
      %swap3A_335 = arith.index_cast %swap3A_334 : i32 to index
      %swap3A_336 = arith.index_cast %add3A_279 : i32 to index
      %swap3A_337 = tpu.vector_load %arg12[%swap3A_335, %swap3A_336] {strides = array<i32>} : memref<10x512xi32, #tpu.memory_space<vmem>>, vector<16xi32>,
      tpu.vector_store %arg12[%swap3A_335, %swap3A_336], %gather3A_333 {strides = array<i32>} : memref<10x512xi32, #tpu.memory_space<vmem>>, vector<16xi32>,
      %broadcast_in_dim3A_338 = arith.constant 15 : i32
      %broadcast_in_dim3A_339 = vector.broadcast %broadcast_in_dim3A_338 : i32 to vector<16xi32>
      %gather3A_340 = tpu.vector_load_idx %arg9[%add3A_275, %broadcast_in_dim3A_339] : memref<128x22xi32, #tpu.memory_space<vmem>>[vector<16xi32>, vector<16xi32>], vector<16xi32>,
      %convert_element_type3A_341 = arith.sitofp %gather3A_340 : vector<16xi32> to vector<16xf32>
      %swap3A_342 = arith.constant 3 : i32
      %swap3A_343 = arith.index_cast %swap3A_342 : i32 to index
      %swap3A_344 = arith.index_cast %add3A_279 : i32 to index
      %swap3A_345 = tpu.vector_load %arg23[%swap3A_343, %swap3A_344] {strides = array<i32>} : memref<10x512xf32, #tpu.memory_space<vmem>>, vector<16xf32>,
      tpu.vector_store %arg23[%swap3A_343, %swap3A_344], %convert_element_type3A_341 {strides = array<i32>} : memref<10x512xf32, #tpu.memory_space<vmem>>, vector<16xf32>,
      %broadcast_in_dim3A_346 = arith.constant 6 : i32
      %broadcast_in_dim3A_347 = vector.broadcast %broadcast_in_dim3A_346 : i32 to vector<16xi32>
      %gather3A_348 = tpu.vector_load_idx %arg9[%add3A_275, %broadcast_in_dim3A_347] : memref<128x22xi32, #tpu.memory_space<vmem>>[vector<16xi32>, vector<16xi32>], vector<16xi32>,
      %swap3A_349 = arith.constant 4 : i32
      %swap3A_350 = arith.index_cast %swap3A_349 : i32 to index
      %swap3A_351 = arith.index_cast %add3A_279 : i32 to index
      %swap3A_352 = tpu.vector_load %arg12[%swap3A_350, %swap3A_351] {strides = array<i32>} : memref<10x512xi32, #tpu.memory_space<vmem>>, vector<16xi32>,
      tpu.vector_store %arg12[%swap3A_350, %swap3A_351], %gather3A_348 {strides = array<i32>} : memref<10x512xi32, #tpu.memory_space<vmem>>, vector<16xi32>,
      %broadcast_in_dim3A_353 = arith.constant 16 : i32
      %broadcast_in_dim3A_354 = vector.broadcast %broadcast_in_dim3A_353 : i32 to vector<16xi32>
      %gather3A_355 = tpu.vector_load_idx %arg9[%add3A_275, %broadcast_in_dim3A_354] : memref<128x22xi32, #tpu.memory_space<vmem>>[vector<16xi32>, vector<16xi32>], vector<16xi32>,
      %convert_element_type3A_356 = arith.sitofp %gather3A_355 : vector<16xi32> to vector<16xf32>
      %swap3A_357 = arith.constant 4 : i32
      %swap3A_358 = arith.index_cast %swap3A_357 : i32 to index
      %swap3A_359 = arith.index_cast %add3A_279 : i32 to index
      %swap3A_360 = tpu.vector_load %arg23[%swap3A_358, %swap3A_359] {strides = array<i32>} : memref<10x512xf32, #tpu.memory_space<vmem>>, vector<16xf32>,
      tpu.vector_store %arg23[%swap3A_358, %swap3A_359], %convert_element_type3A_356 {strides = array<i32>} : memref<10x512xf32, #tpu.memory_space<vmem>>, vector<16xf32>,
      %broadcast_in_dim3A_361 = arith.constant 7 : i32
      %broadcast_in_dim3A_362 = vector.broadcast %broadcast_in_dim3A_361 : i32 to vector<16xi32>
      %gather3A_363 = tpu.vector_load_idx %arg9[%add3A_275, %broadcast_in_dim3A_362] : memref<128x22xi32, #tpu.memory_space<vmem>>[vector<16xi32>, vector<16xi32>], vector<16xi32>,
      %swap3A_364 = arith.constant 5 : i32
      %swap3A_365 = arith.index_cast %swap3A_364 : i32 to index
      %swap3A_366 = arith.index_cast %add3A_279 : i32 to index
      %swap3A_367 = tpu.vector_load %arg12[%swap3A_365, %swap3A_366] {strides = array<i32>} : memref<10x512xi32, #tpu.memory_space<vmem>>, vector<16xi32>,
      tpu.vector_store %arg12[%swap3A_365, %swap3A_366], %gather3A_363 {strides = array<i32>} : memref<10x512xi32, #tpu.memory_space<vmem>>, vector<16xi32>,
      %broadcast_in_dim3A_368 = arith.constant 17 : i32
      %broadcast_in_dim3A_369 = vector.broadcast %broadcast_in_dim3A_368 : i32 to vector<16xi32>
      %gather3A_370 = tpu.vector_load_idx %arg9[%add3A_275, %broadcast_in_dim3A_369] : memref<128x22xi32, #tpu.memory_space<vmem>>[vector<16xi32>, vector<16xi32>], vector<16xi32>,
      %convert_element_type3A_371 = arith.sitofp %gather3A_370 : vector<16xi32> to vector<16xf32>
      %swap3A_372 = arith.constant 5 : i32
      %swap3A_373 = arith.index_cast %swap3A_372 : i32 to index
      %swap3A_374 = arith.index_cast %add3A_279 : i32 to index
      %swap3A_375 = tpu.vector_load %arg23[%swap3A_373, %swap3A_374] {strides = array<i32>} : memref<10x512xf32, #tpu.memory_space<vmem>>, vector<16xf32>,
      tpu.vector_store %arg23[%swap3A_373, %swap3A_374], %convert_element_type3A_371 {strides = array<i32>} : memref<10x512xf32, #tpu.memory_space<vmem>>, vector<16xf32>,
      %broadcast_in_dim3A_376 = arith.constant 8 : i32
      %broadcast_in_dim3A_377 = vector.broadcast %broadcast_in_dim3A_376 : i32 to vector<16xi32>
      %gather3A_378 = tpu.vector_load_idx %arg9[%add3A_275, %broadcast_in_dim3A_377] : memref<128x22xi32, #tpu.memory_space<vmem>>[vector<16xi32>, vector<16xi32>], vector<16xi32>,
      %swap3A_379 = arith.constant 6 : i32
      %swap3A_380 = arith.index_cast %swap3A_379 : i32 to index
      %swap3A_381 = arith.index_cast %add3A_279 : i32 to index
      %swap3A_382 = tpu.vector_load %arg12[%swap3A_380, %swap3A_381] {strides = array<i32>} : memref<10x512xi32, #tpu.memory_space<vmem>>, vector<16xi32>,
      tpu.vector_store %arg12[%swap3A_380, %swap3A_381], %gather3A_378 {strides = array<i32>} : memref<10x512xi32, #tpu.memory_space<vmem>>, vector<16xi32>,
      %broadcast_in_dim3A_383 = arith.constant 18 : i32
      %broadcast_in_dim3A_384 = vector.broadcast %broadcast_in_dim3A_383 : i32 to vector<16xi32>
      %gather3A_385 = tpu.vector_load_idx %arg9[%add3A_275, %broadcast_in_dim3A_384] : memref<128x22xi32, #tpu.memory_space<vmem>>[vector<16xi32>, vector<16xi32>], vector<16xi32>,
      %convert_element_type3A_386 = arith.sitofp %gather3A_385 : vector<16xi32> to vector<16xf32>
      %swap3A_387 = arith.constant 6 : i32
      %swap3A_388 = arith.index_cast %swap3A_387 : i32 to index
      %swap3A_389 = arith.index_cast %add3A_279 : i32 to index
      %swap3A_390 = tpu.vector_load %arg23[%swap3A_388, %swap3A_389] {strides = array<i32>} : memref<10x512xf32, #tpu.memory_space<vmem>>, vector<16xf32>,
      tpu.vector_store %arg23[%swap3A_388, %swap3A_389], %convert_element_type3A_386 {strides = array<i32>} : memref<10x512xf32, #tpu.memory_space<vmem>>, vector<16xf32>,
      %broadcast_in_dim3A_391 = arith.constant 9 : i32
      %broadcast_in_dim3A_392 = vector.broadcast %broadcast_in_dim3A_391 : i32 to vector<16xi32>
      %gather3A_393 = tpu.vector_load_idx %arg9[%add3A_275, %broadcast_in_dim3A_392] : memref<128x22xi32, #tpu.memory_space<vmem>>[vector<16xi32>, vector<16xi32>], vector<16xi32>,
      %swap3A_394 = arith.constant 7 : i32
      %swap3A_395 = arith.index_cast %swap3A_394 : i32 to index
      %swap3A_396 = arith.index_cast %add3A_279 : i32 to index
      %swap3A_397 = tpu.vector_load %arg12[%swap3A_395, %swap3A_396] {strides = array<i32>} : memref<10x512xi32, #tpu.memory_space<vmem>>, vector<16xi32>,
      tpu.vector_store %arg12[%swap3A_395, %swap3A_396], %gather3A_393 {strides = array<i32>} : memref<10x512xi32, #tpu.memory_space<vmem>>, vector<16xi32>,
      %broadcast_in_dim3A_398 = arith.constant 19 : i32
      %broadcast_in_dim3A_399 = vector.broadcast %broadcast_in_dim3A_398 : i32 to vector<16xi32>
      %gather3A_400 = tpu.vector_load_idx %arg9[%add3A_275, %broadcast_in_dim3A_399] : memref<128x22xi32, #tpu.memory_space<vmem>>[vector<16xi32>, vector<16xi32>], vector<16xi32>,
      %convert_element_type3A_401 = arith.sitofp %gather3A_400 : vector<16xi32> to vector<16xf32>
      %swap3A_402 = arith.constant 7 : i32
      %swap3A_403 = arith.index_cast %swap3A_402 : i32 to index
      %swap3A_404 = arith.index_cast %add3A_279 : i32 to index
      %swap3A_405 = tpu.vector_load %arg23[%swap3A_403, %swap3A_404] {strides = array<i32>} : memref<10x512xf32, #tpu.memory_space<vmem>>, vector<16xf32>,
      tpu.vector_store %arg23[%swap3A_403, %swap3A_404], %convert_element_type3A_401 {strides = array<i32>} : memref<10x512xf32, #tpu.memory_space<vmem>>, vector<16xf32>,
      %broadcast_in_dim3A_406 = arith.constant 10 : i32
      %broadcast_in_dim3A_407 = vector.broadcast %broadcast_in_dim3A_406 : i32 to vector<16xi32>
      %gather3A_408 = tpu.vector_load_idx %arg9[%add3A_275, %broadcast_in_dim3A_407] : memref<128x22xi32, #tpu.memory_space<vmem>>[vector<16xi32>, vector<16xi32>], vector<16xi32>,
      %swap3A_409 = arith.constant 8 : i32
      %swap3A_410 = arith.index_cast %swap3A_409 : i32 to index
      %swap3A_411 = arith.index_cast %add3A_279 : i32 to index
      %swap3A_412 = tpu.vector_load %arg12[%swap3A_410, %swap3A_411] {strides = array<i32>} : memref<10x512xi32, #tpu.memory_space<vmem>>, vector<16xi32>,
      tpu.vector_store %arg12[%swap3A_410, %swap3A_411], %gather3A_408 {strides = array<i32>} : memref<10x512xi32, #tpu.memory_space<vmem>>, vector<16xi32>,
      %broadcast_in_dim3A_413 = arith.constant 20 : i32
      %broadcast_in_dim3A_414 = vector.broadcast %broadcast_in_dim3A_413 : i32 to vector<16xi32>
      %gather3A_415 = tpu.vector_load_idx %arg9[%add3A_275, %broadcast_in_dim3A_414] : memref<128x22xi32, #tpu.memory_space<vmem>>[vector<16xi32>, vector<16xi32>], vector<16xi32>,
      %convert_element_type3A_416 = arith.sitofp %gather3A_415 : vector<16xi32> to vector<16xf32>
      %swap3A_417 = arith.constant 8 : i32
      %swap3A_418 = arith.index_cast %swap3A_417 : i32 to index
      %swap3A_419 = arith.index_cast %add3A_279 : i32 to index
      %swap3A_420 = tpu.vector_load %arg23[%swap3A_418, %swap3A_419] {strides = array<i32>} : memref<10x512xf32, #tpu.memory_space<vmem>>, vector<16xf32>,
      tpu.vector_store %arg23[%swap3A_418, %swap3A_419], %convert_element_type3A_416 {strides = array<i32>} : memref<10x512xf32, #tpu.memory_space<vmem>>, vector<16xf32>,
      %broadcast_in_dim3A_421 = arith.constant 11 : i32
      %broadcast_in_dim3A_422 = vector.broadcast %broadcast_in_dim3A_421 : i32 to vector<16xi32>
      %gather3A_423 = tpu.vector_load_idx %arg9[%add3A_275, %broadcast_in_dim3A_422] : memref<128x22xi32, #tpu.memory_space<vmem>>[vector<16xi32>, vector<16xi32>], vector<16xi32>,
      %swap3A_424 = arith.constant 9 : i32
      %swap3A_425 = arith.index_cast %swap3A_424 : i32 to index
      %swap3A_426 = arith.index_cast %add3A_279 : i32 to index
      %swap3A_427 = tpu.vector_load %arg12[%swap3A_425, %swap3A_426] {strides = array<i32>} : memref<10x512xi32, #tpu.memory_space<vmem>>, vector<16xi32>,
      tpu.vector_store %arg12[%swap3A_425, %swap3A_426], %gather3A_423 {strides = array<i32>} : memref<10x512xi32, #tpu.memory_space<vmem>>, vector<16xi32>,
      %broadcast_in_dim3A_428 = arith.constant 21 : i32
      %broadcast_in_dim3A_429 = vector.broadcast %broadcast_in_dim3A_428 : i32 to vector<16xi32>
      %gather3A_430 = tpu.vector_load_idx %arg9[%add3A_275, %broadcast_in_dim3A_429] : memref<128x22xi32, #tpu.memory_space<vmem>>[vector<16xi32>, vector<16xi32>], vector<16xi32>,
      %convert_element_type3A_431 = arith.sitofp %gather3A_430 : vector<16xi32> to vector<16xf32>
      %swap3A_432 = arith.constant 9 : i32
      %swap3A_433 = arith.index_cast %swap3A_432 : i32 to index
      %swap3A_434 = arith.index_cast %add3A_279 : i32 to index
      %swap3A_435 = tpu.vector_load %arg23[%swap3A_433, %swap3A_434] {strides = array<i32>} : memref<10x512xf32, #tpu.memory_space<vmem>>, vector<16xf32>,
      tpu.vector_store %arg23[%swap3A_433, %swap3A_434], %convert_element_type3A_431 {strides = array<i32>} : memref<10x512xf32, #tpu.memory_space<vmem>>, vector<16xf32>,
    }
    %scan3A_17 = arith.constant 8 : i32
    %add3A_18 = arith.constant 256 : i32
    %add3A_19 = arith.addi %mul3A_2, %add3A_18 : i32
    "tpu.region"() ({
      %run_scoped3A = tpu.sem_alloc : memref<!tpu.dma_semaphore, #tpu.memory_space<semaphore_mem>>
      %dma_start3A_271 = arith.constant 0 : i32
      %dma_start3A_272 = tpu.memref_slice %arg2[%add3A_19, %dma_start3A_271] : memref<16384x22xi32, #tpu.memory_space<hbm>> -> memref<128x22xi32, #tpu.memory_space<hbm>>
      %dma_start3A_273 = arith.constant 0 : i32
      %dma_start3A_274 = tpu.memref_slice %arg2[%add3A_19, %dma_start3A_273] : memref<16384x22xi32, #tpu.memory_space<hbm>> -> memref<128x22xi32, #tpu.memory_space<hbm>>
      tpu.enqueue_dma source(%dma_start3A_274 : memref<128x22xi32, #tpu.memory_space<hbm>>) target(%arg9 : memref<128x22xi32, #tpu.memory_space<vmem>>) target_semaphore(%run_scoped3A : memref<!tpu.dma_semaphore, #tpu.memory_space<semaphore_mem>>)
      %dma_wait3A = arith.constant 0 : i32
      %dma_wait3A_275 = tpu.memref_slice %arg2[%add3A_19, %dma_wait3A] : memref<16384x22xi32, #tpu.memory_space<hbm>> -> memref<128x22xi32, #tpu.memory_space<hbm>>
      %dma_wait3A_276 = arith.constant 0 : i32
      %dma_wait3A_277 = tpu.memref_slice %arg2[%add3A_19, %dma_wait3A_276] : memref<16384x22xi32, #tpu.memory_space<hbm>> -> memref<128x22xi32, #tpu.memory_space<hbm>>
      tpu.wait_dma2 semaphore(%run_scoped3A : memref<!tpu.dma_semaphore, #tpu.memory_space<semaphore_mem>>) src(%dma_wait3A_277 : memref<128x22xi32, #tpu.memory_space<hbm>>) dst(%arg9 : memref<128x22xi32, #tpu.memory_space<vmem>>)
      tpu.yield
    }) : () -> ()
    %scan3A_20 = arith.constant 0 : i32
    %scan3A_21 = arith.constant 0 : i32
    %scan3A_22 = arith.constant 8 : i32
    %scan3A_23 = arith.addi %scan3A_21, %scan3A_22 : i32
    %scan3A_24 = arith.constant 1 : i32
    scf.for %scan3A_271 = %scan3A_21 to %scan3A_23 step %scan3A_24  : i32 {
      %mul3A_272 = arith.constant 16 : i32
      %mul3A_273 = arith.muli %scan3A_271, %mul3A_272 : i32
      %add3A_274 = vector.broadcast %mul3A_273 : i32 to vector<16xi32>
      %add3A_275 = arith.addi %iota3A, %add3A_274 : vector<16xi32>
      %mul3A_276 = arith.constant 16 : i32
      %mul3A_277 = arith.muli %scan3A_271, %mul3A_276 : i32
      %add3A_278 = arith.constant 256 : i32
      %add3A_279 = arith.addi %add3A_278, %mul3A_277 : i32
      %broadcast_in_dim3A = arith.constant 1 : i32
      %broadcast_in_dim3A_280 = vector.broadcast %broadcast_in_dim3A : i32 to vector<16xi32>
      %gather3A = tpu.vector_load_idx %arg9[%add3A_275, %broadcast_in_dim3A_280] : memref<128x22xi32, #tpu.memory_space<vmem>>[vector<16xi32>, vector<16xi32>], vector<16xi32>,
      %broadcast_in_dim3A_281 = arith.constant 0 : i32
      %broadcast_in_dim3A_282 = vector.broadcast %broadcast_in_dim3A_281 : i32 to vector<16xi32>
      %gather3A_283 = tpu.vector_load_idx %arg9[%add3A_275, %broadcast_in_dim3A_282] : memref<128x22xi32, #tpu.memory_space<vmem>>[vector<16xi32>, vector<16xi32>], vector<16xi32>,
      %swap3A = arith.index_cast %add3A_279 : i32 to index
      %swap3A_284 = tpu.vector_load %arg10[%swap3A] {strides = array<i32>} : memref<512xi32, #tpu.memory_space<vmem>>, vector<16xi32>,
      tpu.vector_store %arg10[%swap3A], %gather3A {strides = array<i32>} : memref<512xi32, #tpu.memory_space<vmem>>, vector<16xi32>,
      %swap3A_285 = arith.index_cast %add3A_279 : i32 to index
      %swap3A_286 = tpu.vector_load %arg11[%swap3A_285] {strides = array<i32>} : memref<512xi32, #tpu.memory_space<vmem>>, vector<16xi32>,
      tpu.vector_store %arg11[%swap3A_285], %gather3A_283 {strides = array<i32>} : memref<512xi32, #tpu.memory_space<vmem>>, vector<16xi32>,
      %broadcast_in_dim3A_287 = arith.constant 2 : i32
      %broadcast_in_dim3A_288 = vector.broadcast %broadcast_in_dim3A_287 : i32 to vector<16xi32>
      %gather3A_289 = tpu.vector_load_idx %arg9[%add3A_275, %broadcast_in_dim3A_288] : memref<128x22xi32, #tpu.memory_space<vmem>>[vector<16xi32>, vector<16xi32>], vector<16xi32>,
      %swap3A_290 = arith.constant 0 : i32
      %swap3A_291 = arith.index_cast %swap3A_290 : i32 to index
      %swap3A_292 = arith.index_cast %add3A_279 : i32 to index
      %swap3A_293 = tpu.vector_load %arg12[%swap3A_291, %swap3A_292] {strides = array<i32>} : memref<10x512xi32, #tpu.memory_space<vmem>>, vector<16xi32>,
      tpu.vector_store %arg12[%swap3A_291, %swap3A_292], %gather3A_289 {strides = array<i32>} : memref<10x512xi32, #tpu.memory_space<vmem>>, vector<16xi32>,
      %broadcast_in_dim3A_294 = arith.constant 12 : i32
      %broadcast_in_dim3A_295 = vector.broadcast %broadcast_in_dim3A_294 : i32 to vector<16xi32>
      %gather3A_296 = tpu.vector_load_idx %arg9[%add3A_275, %broadcast_in_dim3A_295] : memref<128x22xi32, #tpu.memory_space<vmem>>[vector<16xi32>, vector<16xi32>], vector<16xi32>,
      %convert_element_type3A = arith.sitofp %gather3A_296 : vector<16xi32> to vector<16xf32>
      %swap3A_297 = arith.constant 0 : i32
      %swap3A_298 = arith.index_cast %swap3A_297 : i32 to index
      %swap3A_299 = arith.index_cast %add3A_279 : i32 to index
      %swap3A_300 = tpu.vector_load %arg23[%swap3A_298, %swap3A_299] {strides = array<i32>} : memref<10x512xf32, #tpu.memory_space<vmem>>, vector<16xf32>,
      tpu.vector_store %arg23[%swap3A_298, %swap3A_299], %convert_element_type3A {strides = array<i32>} : memref<10x512xf32, #tpu.memory_space<vmem>>, vector<16xf32>,
      %broadcast_in_dim3A_301 = arith.constant 3 : i32
      %broadcast_in_dim3A_302 = vector.broadcast %broadcast_in_dim3A_301 : i32 to vector<16xi32>
      %gather3A_303 = tpu.vector_load_idx %arg9[%add3A_275, %broadcast_in_dim3A_302] : memref<128x22xi32, #tpu.memory_space<vmem>>[vector<16xi32>, vector<16xi32>], vector<16xi32>,
      %swap3A_304 = arith.constant 1 : i32
      %swap3A_305 = arith.index_cast %swap3A_304 : i32 to index
      %swap3A_306 = arith.index_cast %add3A_279 : i32 to index
      %swap3A_307 = tpu.vector_load %arg12[%swap3A_305, %swap3A_306] {strides = array<i32>} : memref<10x512xi32, #tpu.memory_space<vmem>>, vector<16xi32>,
      tpu.vector_store %arg12[%swap3A_305, %swap3A_306], %gather3A_303 {strides = array<i32>} : memref<10x512xi32, #tpu.memory_space<vmem>>, vector<16xi32>,
      %broadcast_in_dim3A_308 = arith.constant 13 : i32
      %broadcast_in_dim3A_309 = vector.broadcast %broadcast_in_dim3A_308 : i32 to vector<16xi32>
      %gather3A_310 = tpu.vector_load_idx %arg9[%add3A_275, %broadcast_in_dim3A_309] : memref<128x22xi32, #tpu.memory_space<vmem>>[vector<16xi32>, vector<16xi32>], vector<16xi32>,
      %convert_element_type3A_311 = arith.sitofp %gather3A_310 : vector<16xi32> to vector<16xf32>
      %swap3A_312 = arith.constant 1 : i32
      %swap3A_313 = arith.index_cast %swap3A_312 : i32 to index
      %swap3A_314 = arith.index_cast %add3A_279 : i32 to index
      %swap3A_315 = tpu.vector_load %arg23[%swap3A_313, %swap3A_314] {strides = array<i32>} : memref<10x512xf32, #tpu.memory_space<vmem>>, vector<16xf32>,
      tpu.vector_store %arg23[%swap3A_313, %swap3A_314], %convert_element_type3A_311 {strides = array<i32>} : memref<10x512xf32, #tpu.memory_space<vmem>>, vector<16xf32>,
      %broadcast_in_dim3A_316 = arith.constant 4 : i32
      %broadcast_in_dim3A_317 = vector.broadcast %broadcast_in_dim3A_316 : i32 to vector<16xi32>
      %gather3A_318 = tpu.vector_load_idx %arg9[%add3A_275, %broadcast_in_dim3A_317] : memref<128x22xi32, #tpu.memory_space<vmem>>[vector<16xi32>, vector<16xi32>], vector<16xi32>,
      %swap3A_319 = arith.constant 2 : i32
      %swap3A_320 = arith.index_cast %swap3A_319 : i32 to index
      %swap3A_321 = arith.index_cast %add3A_279 : i32 to index
      %swap3A_322 = tpu.vector_load %arg12[%swap3A_320, %swap3A_321] {strides = array<i32>} : memref<10x512xi32, #tpu.memory_space<vmem>>, vector<16xi32>,
      tpu.vector_store %arg12[%swap3A_320, %swap3A_321], %gather3A_318 {strides = array<i32>} : memref<10x512xi32, #tpu.memory_space<vmem>>, vector<16xi32>,
      %broadcast_in_dim3A_323 = arith.constant 14 : i32
      %broadcast_in_dim3A_324 = vector.broadcast %broadcast_in_dim3A_323 : i32 to vector<16xi32>
      %gather3A_325 = tpu.vector_load_idx %arg9[%add3A_275, %broadcast_in_dim3A_324] : memref<128x22xi32, #tpu.memory_space<vmem>>[vector<16xi32>, vector<16xi32>], vector<16xi32>,
      %convert_element_type3A_326 = arith.sitofp %gather3A_325 : vector<16xi32> to vector<16xf32>
      %swap3A_327 = arith.constant 2 : i32
      %swap3A_328 = arith.index_cast %swap3A_327 : i32 to index
      %swap3A_329 = arith.index_cast %add3A_279 : i32 to index
      %swap3A_330 = tpu.vector_load %arg23[%swap3A_328, %swap3A_329] {strides = array<i32>} : memref<10x512xf32, #tpu.memory_space<vmem>>, vector<16xf32>,
      tpu.vector_store %arg23[%swap3A_328, %swap3A_329], %convert_element_type3A_326 {strides = array<i32>} : memref<10x512xf32, #tpu.memory_space<vmem>>, vector<16xf32>,
      %broadcast_in_dim3A_331 = arith.constant 5 : i32
      %broadcast_in_dim3A_332 = vector.broadcast %broadcast_in_dim3A_331 : i32 to vector<16xi32>
      %gather3A_333 = tpu.vector_load_idx %arg9[%add3A_275, %broadcast_in_dim3A_332] : memref<128x22xi32, #tpu.memory_space<vmem>>[vector<16xi32>, vector<16xi32>], vector<16xi32>,
      %swap3A_334 = arith.constant 3 : i32
      %swap3A_335 = arith.index_cast %swap3A_334 : i32 to index
      %swap3A_336 = arith.index_cast %add3A_279 : i32 to index
      %swap3A_337 = tpu.vector_load %arg12[%swap3A_335, %swap3A_336] {strides = array<i32>} : memref<10x512xi32, #tpu.memory_space<vmem>>, vector<16xi32>,
      tpu.vector_store %arg12[%swap3A_335, %swap3A_336], %gather3A_333 {strides = array<i32>} : memref<10x512xi32, #tpu.memory_space<vmem>>, vector<16xi32>,
      %broadcast_in_dim3A_338 = arith.constant 15 : i32
      %broadcast_in_dim3A_339 = vector.broadcast %broadcast_in_dim3A_338 : i32 to vector<16xi32>
      %gather3A_340 = tpu.vector_load_idx %arg9[%add3A_275, %broadcast_in_dim3A_339] : memref<128x22xi32, #tpu.memory_space<vmem>>[vector<16xi32>, vector<16xi32>], vector<16xi32>,
      %convert_element_type3A_341 = arith.sitofp %gather3A_340 : vector<16xi32> to vector<16xf32>
      %swap3A_342 = arith.constant 3 : i32
      %swap3A_343 = arith.index_cast %swap3A_342 : i32 to index
      %swap3A_344 = arith.index_cast %add3A_279 : i32 to index
      %swap3A_345 = tpu.vector_load %arg23[%swap3A_343, %swap3A_344] {strides = array<i32>} : memref<10x512xf32, #tpu.memory_space<vmem>>, vector<16xf32>,
      tpu.vector_store %arg23[%swap3A_343, %swap3A_344], %convert_element_type3A_341 {strides = array<i32>} : memref<10x512xf32, #tpu.memory_space<vmem>>, vector<16xf32>,
      %broadcast_in_dim3A_346 = arith.constant 6 : i32
      %broadcast_in_dim3A_347 = vector.broadcast %broadcast_in_dim3A_346 : i32 to vector<16xi32>
      %gather3A_348 = tpu.vector_load_idx %arg9[%add3A_275, %broadcast_in_dim3A_347] : memref<128x22xi32, #tpu.memory_space<vmem>>[vector<16xi32>, vector<16xi32>], vector<16xi32>,
      %swap3A_349 = arith.constant 4 : i32
      %swap3A_350 = arith.index_cast %swap3A_349 : i32 to index
      %swap3A_351 = arith.index_cast %add3A_279 : i32 to index
      %swap3A_352 = tpu.vector_load %arg12[%swap3A_350, %swap3A_351] {strides = array<i32>} : memref<10x512xi32, #tpu.memory_space<vmem>>, vector<16xi32>,
      tpu.vector_store %arg12[%swap3A_350, %swap3A_351], %gather3A_348 {strides = array<i32>} : memref<10x512xi32, #tpu.memory_space<vmem>>, vector<16xi32>,
      %broadcast_in_dim3A_353 = arith.constant 16 : i32
      %broadcast_in_dim3A_354 = vector.broadcast %broadcast_in_dim3A_353 : i32 to vector<16xi32>
      %gather3A_355 = tpu.vector_load_idx %arg9[%add3A_275, %broadcast_in_dim3A_354] : memref<128x22xi32, #tpu.memory_space<vmem>>[vector<16xi32>, vector<16xi32>], vector<16xi32>,
      %convert_element_type3A_356 = arith.sitofp %gather3A_355 : vector<16xi32> to vector<16xf32>
      %swap3A_357 = arith.constant 4 : i32
      %swap3A_358 = arith.index_cast %swap3A_357 : i32 to index
      %swap3A_359 = arith.index_cast %add3A_279 : i32 to index
      %swap3A_360 = tpu.vector_load %arg23[%swap3A_358, %swap3A_359] {strides = array<i32>} : memref<10x512xf32, #tpu.memory_space<vmem>>, vector<16xf32>,
      tpu.vector_store %arg23[%swap3A_358, %swap3A_359], %convert_element_type3A_356 {strides = array<i32>} : memref<10x512xf32, #tpu.memory_space<vmem>>, vector<16xf32>,
      %broadcast_in_dim3A_361 = arith.constant 7 : i32
      %broadcast_in_dim3A_362 = vector.broadcast %broadcast_in_dim3A_361 : i32 to vector<16xi32>
      %gather3A_363 = tpu.vector_load_idx %arg9[%add3A_275, %broadcast_in_dim3A_362] : memref<128x22xi32, #tpu.memory_space<vmem>>[vector<16xi32>, vector<16xi32>], vector<16xi32>,
      %swap3A_364 = arith.constant 5 : i32
      %swap3A_365 = arith.index_cast %swap3A_364 : i32 to index
      %swap3A_366 = arith.index_cast %add3A_279 : i32 to index
      %swap3A_367 = tpu.vector_load %arg12[%swap3A_365, %swap3A_366] {strides = array<i32>} : memref<10x512xi32, #tpu.memory_space<vmem>>, vector<16xi32>,
      tpu.vector_store %arg12[%swap3A_365, %swap3A_366], %gather3A_363 {strides = array<i32>} : memref<10x512xi32, #tpu.memory_space<vmem>>, vector<16xi32>,
      %broadcast_in_dim3A_368 = arith.constant 17 : i32
      %broadcast_in_dim3A_369 = vector.broadcast %broadcast_in_dim3A_368 : i32 to vector<16xi32>
      %gather3A_370 = tpu.vector_load_idx %arg9[%add3A_275, %broadcast_in_dim3A_369] : memref<128x22xi32, #tpu.memory_space<vmem>>[vector<16xi32>, vector<16xi32>], vector<16xi32>,
      %convert_element_type3A_371 = arith.sitofp %gather3A_370 : vector<16xi32> to vector<16xf32>
      %swap3A_372 = arith.constant 5 : i32
      %swap3A_373 = arith.index_cast %swap3A_372 : i32 to index
      %swap3A_374 = arith.index_cast %add3A_279 : i32 to index
      %swap3A_375 = tpu.vector_load %arg23[%swap3A_373, %swap3A_374] {strides = array<i32>} : memref<10x512xf32, #tpu.memory_space<vmem>>, vector<16xf32>,
      tpu.vector_store %arg23[%swap3A_373, %swap3A_374], %convert_element_type3A_371 {strides = array<i32>} : memref<10x512xf32, #tpu.memory_space<vmem>>, vector<16xf32>,
      %broadcast_in_dim3A_376 = arith.constant 8 : i32
      %broadcast_in_dim3A_377 = vector.broadcast %broadcast_in_dim3A_376 : i32 to vector<16xi32>
      %gather3A_378 = tpu.vector_load_idx %arg9[%add3A_275, %broadcast_in_dim3A_377] : memref<128x22xi32, #tpu.memory_space<vmem>>[vector<16xi32>, vector<16xi32>], vector<16xi32>,
      %swap3A_379 = arith.constant 6 : i32
      %swap3A_380 = arith.index_cast %swap3A_379 : i32 to index
      %swap3A_381 = arith.index_cast %add3A_279 : i32 to index
      %swap3A_382 = tpu.vector_load %arg12[%swap3A_380, %swap3A_381] {strides = array<i32>} : memref<10x512xi32, #tpu.memory_space<vmem>>, vector<16xi32>,
      tpu.vector_store %arg12[%swap3A_380, %swap3A_381], %gather3A_378 {strides = array<i32>} : memref<10x512xi32, #tpu.memory_space<vmem>>, vector<16xi32>,
      %broadcast_in_dim3A_383 = arith.constant 18 : i32
      %broadcast_in_dim3A_384 = vector.broadcast %broadcast_in_dim3A_383 : i32 to vector<16xi32>
      %gather3A_385 = tpu.vector_load_idx %arg9[%add3A_275, %broadcast_in_dim3A_384] : memref<128x22xi32, #tpu.memory_space<vmem>>[vector<16xi32>, vector<16xi32>], vector<16xi32>,
      %convert_element_type3A_386 = arith.sitofp %gather3A_385 : vector<16xi32> to vector<16xf32>
      %swap3A_387 = arith.constant 6 : i32
      %swap3A_388 = arith.index_cast %swap3A_387 : i32 to index
      %swap3A_389 = arith.index_cast %add3A_279 : i32 to index
      %swap3A_390 = tpu.vector_load %arg23[%swap3A_388, %swap3A_389] {strides = array<i32>} : memref<10x512xf32, #tpu.memory_space<vmem>>, vector<16xf32>,
      tpu.vector_store %arg23[%swap3A_388, %swap3A_389], %convert_element_type3A_386 {strides = array<i32>} : memref<10x512xf32, #tpu.memory_space<vmem>>, vector<16xf32>,
      %broadcast_in_dim3A_391 = arith.constant 9 : i32
      %broadcast_in_dim3A_392 = vector.broadcast %broadcast_in_dim3A_391 : i32 to vector<16xi32>
      %gather3A_393 = tpu.vector_load_idx %arg9[%add3A_275, %broadcast_in_dim3A_392] : memref<128x22xi32, #tpu.memory_space<vmem>>[vector<16xi32>, vector<16xi32>], vector<16xi32>,
      %swap3A_394 = arith.constant 7 : i32
      %swap3A_395 = arith.index_cast %swap3A_394 : i32 to index
      %swap3A_396 = arith.index_cast %add3A_279 : i32 to index
      %swap3A_397 = tpu.vector_load %arg12[%swap3A_395, %swap3A_396] {strides = array<i32>} : memref<10x512xi32, #tpu.memory_space<vmem>>, vector<16xi32>,
      tpu.vector_store %arg12[%swap3A_395, %swap3A_396], %gather3A_393 {strides = array<i32>} : memref<10x512xi32, #tpu.memory_space<vmem>>, vector<16xi32>,
      %broadcast_in_dim3A_398 = arith.constant 19 : i32
      %broadcast_in_dim3A_399 = vector.broadcast %broadcast_in_dim3A_398 : i32 to vector<16xi32>
      %gather3A_400 = tpu.vector_load_idx %arg9[%add3A_275, %broadcast_in_dim3A_399] : memref<128x22xi32, #tpu.memory_space<vmem>>[vector<16xi32>, vector<16xi32>], vector<16xi32>,
      %convert_element_type3A_401 = arith.sitofp %gather3A_400 : vector<16xi32> to vector<16xf32>
      %swap3A_402 = arith.constant 7 : i32
      %swap3A_403 = arith.index_cast %swap3A_402 : i32 to index
      %swap3A_404 = arith.index_cast %add3A_279 : i32 to index
      %swap3A_405 = tpu.vector_load %arg23[%swap3A_403, %swap3A_404] {strides = array<i32>} : memref<10x512xf32, #tpu.memory_space<vmem>>, vector<16xf32>,
      tpu.vector_store %arg23[%swap3A_403, %swap3A_404], %convert_element_type3A_401 {strides = array<i32>} : memref<10x512xf32, #tpu.memory_space<vmem>>, vector<16xf32>,
      %broadcast_in_dim3A_406 = arith.constant 10 : i32
      %broadcast_in_dim3A_407 = vector.broadcast %broadcast_in_dim3A_406 : i32 to vector<16xi32>
      %gather3A_408 = tpu.vector_load_idx %arg9[%add3A_275, %broadcast_in_dim3A_407] : memref<128x22xi32, #tpu.memory_space<vmem>>[vector<16xi32>, vector<16xi32>], vector<16xi32>,
      %swap3A_409 = arith.constant 8 : i32
      %swap3A_410 = arith.index_cast %swap3A_409 : i32 to index
      %swap3A_411 = arith.index_cast %add3A_279 : i32 to index
      %swap3A_412 = tpu.vector_load %arg12[%swap3A_410, %swap3A_411] {strides = array<i32>} : memref<10x512xi32, #tpu.memory_space<vmem>>, vector<16xi32>,
      tpu.vector_store %arg12[%swap3A_410, %swap3A_411], %gather3A_408 {strides = array<i32>} : memref<10x512xi32, #tpu.memory_space<vmem>>, vector<16xi32>,
      %broadcast_in_dim3A_413 = arith.constant 20 : i32
      %broadcast_in_dim3A_414 = vector.broadcast %broadcast_in_dim3A_413 : i32 to vector<16xi32>
      %gather3A_415 = tpu.vector_load_idx %arg9[%add3A_275, %broadcast_in_dim3A_414] : memref<128x22xi32, #tpu.memory_space<vmem>>[vector<16xi32>, vector<16xi32>], vector<16xi32>,
      %convert_element_type3A_416 = arith.sitofp %gather3A_415 : vector<16xi32> to vector<16xf32>
      %swap3A_417 = arith.constant 8 : i32
      %swap3A_418 = arith.index_cast %swap3A_417 : i32 to index
      %swap3A_419 = arith.index_cast %add3A_279 : i32 to index
      %swap3A_420 = tpu.vector_load %arg23[%swap3A_418, %swap3A_419] {strides = array<i32>} : memref<10x512xf32, #tpu.memory_space<vmem>>, vector<16xf32>,
      tpu.vector_store %arg23[%swap3A_418, %swap3A_419], %convert_element_type3A_416 {strides = array<i32>} : memref<10x512xf32, #tpu.memory_space<vmem>>, vector<16xf32>,
      %broadcast_in_dim3A_421 = arith.constant 11 : i32
      %broadcast_in_dim3A_422 = vector.broadcast %broadcast_in_dim3A_421 : i32 to vector<16xi32>
      %gather3A_423 = tpu.vector_load_idx %arg9[%add3A_275, %broadcast_in_dim3A_422] : memref<128x22xi32, #tpu.memory_space<vmem>>[vector<16xi32>, vector<16xi32>], vector<16xi32>,
      %swap3A_424 = arith.constant 9 : i32
      %swap3A_425 = arith.index_cast %swap3A_424 : i32 to index
      %swap3A_426 = arith.index_cast %add3A_279 : i32 to index
      %swap3A_427 = tpu.vector_load %arg12[%swap3A_425, %swap3A_426] {strides = array<i32>} : memref<10x512xi32, #tpu.memory_space<vmem>>, vector<16xi32>,
      tpu.vector_store %arg12[%swap3A_425, %swap3A_426], %gather3A_423 {strides = array<i32>} : memref<10x512xi32, #tpu.memory_space<vmem>>, vector<16xi32>,
      %broadcast_in_dim3A_428 = arith.constant 21 : i32
      %broadcast_in_dim3A_429 = vector.broadcast %broadcast_in_dim3A_428 : i32 to vector<16xi32>
      %gather3A_430 = tpu.vector_load_idx %arg9[%add3A_275, %broadcast_in_dim3A_429] : memref<128x22xi32, #tpu.memory_space<vmem>>[vector<16xi32>, vector<16xi32>], vector<16xi32>,
      %convert_element_type3A_431 = arith.sitofp %gather3A_430 : vector<16xi32> to vector<16xf32>
      %swap3A_432 = arith.constant 9 : i32
      %swap3A_433 = arith.index_cast %swap3A_432 : i32 to index
      %swap3A_434 = arith.index_cast %add3A_279 : i32 to index
      %swap3A_435 = tpu.vector_load %arg23[%swap3A_433, %swap3A_434] {strides = array<i32>} : memref<10x512xf32, #tpu.memory_space<vmem>>, vector<16xf32>,
      tpu.vector_store %arg23[%swap3A_433, %swap3A_434], %convert_element_type3A_431 {strides = array<i32>} : memref<10x512xf32, #tpu.memory_space<vmem>>, vector<16xf32>,
    }
    %scan3A_25 = arith.constant 8 : i32
    %add3A_26 = arith.constant 384 : i32
    %add3A_27 = arith.addi %mul3A_2, %add3A_26 : i32
    "tpu.region"() ({
      %run_scoped3A = tpu.sem_alloc : memref<!tpu.dma_semaphore, #tpu.memory_space<semaphore_mem>>
      %dma_start3A_271 = arith.constant 0 : i32
      %dma_start3A_272 = tpu.memref_slice %arg2[%add3A_27, %dma_start3A_271] : memref<16384x22xi32, #tpu.memory_space<hbm>> -> memref<128x22xi32, #tpu.memory_space<hbm>>
      %dma_start3A_273 = arith.constant 0 : i32
      %dma_start3A_274 = tpu.memref_slice %arg2[%add3A_27, %dma_start3A_273] : memref<16384x22xi32, #tpu.memory_space<hbm>> -> memref<128x22xi32, #tpu.memory_space<hbm>>
      tpu.enqueue_dma source(%dma_start3A_274 : memref<128x22xi32, #tpu.memory_space<hbm>>) target(%arg9 : memref<128x22xi32, #tpu.memory_space<vmem>>) target_semaphore(%run_scoped3A : memref<!tpu.dma_semaphore, #tpu.memory_space<semaphore_mem>>)
      %dma_wait3A = arith.constant 0 : i32
      %dma_wait3A_275 = tpu.memref_slice %arg2[%add3A_27, %dma_wait3A] : memref<16384x22xi32, #tpu.memory_space<hbm>> -> memref<128x22xi32, #tpu.memory_space<hbm>>
      %dma_wait3A_276 = arith.constant 0 : i32
      %dma_wait3A_277 = tpu.memref_slice %arg2[%add3A_27, %dma_wait3A_276] : memref<16384x22xi32, #tpu.memory_space<hbm>> -> memref<128x22xi32, #tpu.memory_space<hbm>>
      tpu.wait_dma2 semaphore(%run_scoped3A : memref<!tpu.dma_semaphore, #tpu.memory_space<semaphore_mem>>) src(%dma_wait3A_277 : memref<128x22xi32, #tpu.memory_space<hbm>>) dst(%arg9 : memref<128x22xi32, #tpu.memory_space<vmem>>)
      tpu.yield
    }) : () -> ()
    %scan3A_28 = arith.constant 0 : i32
    %scan3A_29 = arith.constant 0 : i32
    %scan3A_30 = arith.constant 8 : i32
    %scan3A_31 = arith.addi %scan3A_29, %scan3A_30 : i32
    %scan3A_32 = arith.constant 1 : i32
    scf.for %scan3A_271 = %scan3A_29 to %scan3A_31 step %scan3A_32  : i32 {
      %mul3A_272 = arith.constant 16 : i32
      %mul3A_273 = arith.muli %scan3A_271, %mul3A_272 : i32
      %add3A_274 = vector.broadcast %mul3A_273 : i32 to vector<16xi32>
      %add3A_275 = arith.addi %iota3A, %add3A_274 : vector<16xi32>
      %mul3A_276 = arith.constant 16 : i32
      %mul3A_277 = arith.muli %scan3A_271, %mul3A_276 : i32
      %add3A_278 = arith.constant 384 : i32
      %add3A_279 = arith.addi %add3A_278, %mul3A_277 : i32
      %broadcast_in_dim3A = arith.constant 1 : i32
      %broadcast_in_dim3A_280 = vector.broadcast %broadcast_in_dim3A : i32 to vector<16xi32>
      %gather3A = tpu.vector_load_idx %arg9[%add3A_275, %broadcast_in_dim3A_280] : memref<128x22xi32, #tpu.memory_space<vmem>>[vector<16xi32>, vector<16xi32>], vector<16xi32>,
      %broadcast_in_dim3A_281 = arith.constant 0 : i32
      %broadcast_in_dim3A_282 = vector.broadcast %broadcast_in_dim3A_281 : i32 to vector<16xi32>
      %gather3A_283 = tpu.vector_load_idx %arg9[%add3A_275, %broadcast_in_dim3A_282] : memref<128x22xi32, #tpu.memory_space<vmem>>[vector<16xi32>, vector<16xi32>], vector<16xi32>,
      %swap3A = arith.index_cast %add3A_279 : i32 to index
      %swap3A_284 = tpu.vector_load %arg10[%swap3A] {strides = array<i32>} : memref<512xi32, #tpu.memory_space<vmem>>, vector<16xi32>,
      tpu.vector_store %arg10[%swap3A], %gather3A {strides = array<i32>} : memref<512xi32, #tpu.memory_space<vmem>>, vector<16xi32>,
      %swap3A_285 = arith.index_cast %add3A_279 : i32 to index
      %swap3A_286 = tpu.vector_load %arg11[%swap3A_285] {strides = array<i32>} : memref<512xi32, #tpu.memory_space<vmem>>, vector<16xi32>,
      tpu.vector_store %arg11[%swap3A_285], %gather3A_283 {strides = array<i32>} : memref<512xi32, #tpu.memory_space<vmem>>, vector<16xi32>,
      %broadcast_in_dim3A_287 = arith.constant 2 : i32
      %broadcast_in_dim3A_288 = vector.broadcast %broadcast_in_dim3A_287 : i32 to vector<16xi32>
      %gather3A_289 = tpu.vector_load_idx %arg9[%add3A_275, %broadcast_in_dim3A_288] : memref<128x22xi32, #tpu.memory_space<vmem>>[vector<16xi32>, vector<16xi32>], vector<16xi32>,
      %swap3A_290 = arith.constant 0 : i32
      %swap3A_291 = arith.index_cast %swap3A_290 : i32 to index
      %swap3A_292 = arith.index_cast %add3A_279 : i32 to index
      %swap3A_293 = tpu.vector_load %arg12[%swap3A_291, %swap3A_292] {strides = array<i32>} : memref<10x512xi32, #tpu.memory_space<vmem>>, vector<16xi32>,
      tpu.vector_store %arg12[%swap3A_291, %swap3A_292], %gather3A_289 {strides = array<i32>} : memref<10x512xi32, #tpu.memory_space<vmem>>, vector<16xi32>,
      %broadcast_in_dim3A_294 = arith.constant 12 : i32
      %broadcast_in_dim3A_295 = vector.broadcast %broadcast_in_dim3A_294 : i32 to vector<16xi32>
      %gather3A_296 = tpu.vector_load_idx %arg9[%add3A_275, %broadcast_in_dim3A_295] : memref<128x22xi32, #tpu.memory_space<vmem>>[vector<16xi32>, vector<16xi32>], vector<16xi32>,
      %convert_element_type3A = arith.sitofp %gather3A_296 : vector<16xi32> to vector<16xf32>
      %swap3A_297 = arith.constant 0 : i32
      %swap3A_298 = arith.index_cast %swap3A_297 : i32 to index
      %swap3A_299 = arith.index_cast %add3A_279 : i32 to index
      %swap3A_300 = tpu.vector_load %arg23[%swap3A_298, %swap3A_299] {strides = array<i32>} : memref<10x512xf32, #tpu.memory_space<vmem>>, vector<16xf32>,
      tpu.vector_store %arg23[%swap3A_298, %swap3A_299], %convert_element_type3A {strides = array<i32>} : memref<10x512xf32, #tpu.memory_space<vmem>>, vector<16xf32>,
      %broadcast_in_dim3A_301 = arith.constant 3 : i32
      %broadcast_in_dim3A_302 = vector.broadcast %broadcast_in_dim3A_301 : i32 to vector<16xi32>
      %gather3A_303 = tpu.vector_load_idx %arg9[%add3A_275, %broadcast_in_dim3A_302] : memref<128x22xi32, #tpu.memory_space<vmem>>[vector<16xi32>, vector<16xi32>], vector<16xi32>,
      %swap3A_304 = arith.constant 1 : i32
      %swap3A_305 = arith.index_cast %swap3A_304 : i32 to index
      %swap3A_306 = arith.index_cast %add3A_279 : i32 to index
      %swap3A_307 = tpu.vector_load %arg12[%swap3A_305, %swap3A_306] {strides = array<i32>} : memref<10x512xi32, #tpu.memory_space<vmem>>, vector<16xi32>,
      tpu.vector_store %arg12[%swap3A_305, %swap3A_306], %gather3A_303 {strides = array<i32>} : memref<10x512xi32, #tpu.memory_space<vmem>>, vector<16xi32>,
      %broadcast_in_dim3A_308 = arith.constant 13 : i32
      %broadcast_in_dim3A_309 = vector.broadcast %broadcast_in_dim3A_308 : i32 to vector<16xi32>
      %gather3A_310 = tpu.vector_load_idx %arg9[%add3A_275, %broadcast_in_dim3A_309] : memref<128x22xi32, #tpu.memory_space<vmem>>[vector<16xi32>, vector<16xi32>], vector<16xi32>,
      %convert_element_type3A_311 = arith.sitofp %gather3A_310 : vector<16xi32> to vector<16xf32>
      %swap3A_312 = arith.constant 1 : i32
      %swap3A_313 = arith.index_cast %swap3A_312 : i32 to index
      %swap3A_314 = arith.index_cast %add3A_279 : i32 to index
      %swap3A_315 = tpu.vector_load %arg23[%swap3A_313, %swap3A_314] {strides = array<i32>} : memref<10x512xf32, #tpu.memory_space<vmem>>, vector<16xf32>,
      tpu.vector_store %arg23[%swap3A_313, %swap3A_314], %convert_element_type3A_311 {strides = array<i32>} : memref<10x512xf32, #tpu.memory_space<vmem>>, vector<16xf32>,
      %broadcast_in_dim3A_316 = arith.constant 4 : i32
      %broadcast_in_dim3A_317 = vector.broadcast %broadcast_in_dim3A_316 : i32 to vector<16xi32>
      %gather3A_318 = tpu.vector_load_idx %arg9[%add3A_275, %broadcast_in_dim3A_317] : memref<128x22xi32, #tpu.memory_space<vmem>>[vector<16xi32>, vector<16xi32>], vector<16xi32>,
      %swap3A_319 = arith.constant 2 : i32
      %swap3A_320 = arith.index_cast %swap3A_319 : i32 to index
      %swap3A_321 = arith.index_cast %add3A_279 : i32 to index
      %swap3A_322 = tpu.vector_load %arg12[%swap3A_320, %swap3A_321] {strides = array<i32>} : memref<10x512xi32, #tpu.memory_space<vmem>>, vector<16xi32>,
      tpu.vector_store %arg12[%swap3A_320, %swap3A_321], %gather3A_318 {strides = array<i32>} : memref<10x512xi32, #tpu.memory_space<vmem>>, vector<16xi32>,
      %broadcast_in_dim3A_323 = arith.constant 14 : i32
      %broadcast_in_dim3A_324 = vector.broadcast %broadcast_in_dim3A_323 : i32 to vector<16xi32>
      %gather3A_325 = tpu.vector_load_idx %arg9[%add3A_275, %broadcast_in_dim3A_324] : memref<128x22xi32, #tpu.memory_space<vmem>>[vector<16xi32>, vector<16xi32>], vector<16xi32>,
      %convert_element_type3A_326 = arith.sitofp %gather3A_325 : vector<16xi32> to vector<16xf32>
      %swap3A_327 = arith.constant 2 : i32
      %swap3A_328 = arith.index_cast %swap3A_327 : i32 to index
      %swap3A_329 = arith.index_cast %add3A_279 : i32 to index
      %swap3A_330 = tpu.vector_load %arg23[%swap3A_328, %swap3A_329] {strides = array<i32>} : memref<10x512xf32, #tpu.memory_space<vmem>>, vector<16xf32>,
      tpu.vector_store %arg23[%swap3A_328, %swap3A_329], %convert_element_type3A_326 {strides = array<i32>} : memref<10x512xf32, #tpu.memory_space<vmem>>, vector<16xf32>,
      %broadcast_in_dim3A_331 = arith.constant 5 : i32
      %broadcast_in_dim3A_332 = vector.broadcast %broadcast_in_dim3A_331 : i32 to vector<16xi32>
      %gather3A_333 = tpu.vector_load_idx %arg9[%add3A_275, %broadcast_in_dim3A_332] : memref<128x22xi32, #tpu.memory_space<vmem>>[vector<16xi32>, vector<16xi32>], vector<16xi32>,
      %swap3A_334 = arith.constant 3 : i32
      %swap3A_335 = arith.index_cast %swap3A_334 : i32 to index
      %swap3A_336 = arith.index_cast %add3A_279 : i32 to index
      %swap3A_337 = tpu.vector_load %arg12[%swap3A_335, %swap3A_336] {strides = array<i32>} : memref<10x512xi32, #tpu.memory_space<vmem>>, vector<16xi32>,
      tpu.vector_store %arg12[%swap3A_335, %swap3A_336], %gather3A_333 {strides = array<i32>} : memref<10x512xi32, #tpu.memory_space<vmem>>, vector<16xi32>,
      %broadcast_in_dim3A_338 = arith.constant 15 : i32
      %broadcast_in_dim3A_339 = vector.broadcast %broadcast_in_dim3A_338 : i32 to vector<16xi32>
      %gather3A_340 = tpu.vector_load_idx %arg9[%add3A_275, %broadcast_in_dim3A_339] : memref<128x22xi32, #tpu.memory_space<vmem>>[vector<16xi32>, vector<16xi32>], vector<16xi32>,
      %convert_element_type3A_341 = arith.sitofp %gather3A_340 : vector<16xi32> to vector<16xf32>
      %swap3A_342 = arith.constant 3 : i32
      %swap3A_343 = arith.index_cast %swap3A_342 : i32 to index
      %swap3A_344 = arith.index_cast %add3A_279 : i32 to index
      %swap3A_345 = tpu.vector_load %arg23[%swap3A_343, %swap3A_344] {strides = array<i32>} : memref<10x512xf32, #tpu.memory_space<vmem>>, vector<16xf32>,
      tpu.vector_store %arg23[%swap3A_343, %swap3A_344], %convert_element_type3A_341 {strides = array<i32>} : memref<10x512xf32, #tpu.memory_space<vmem>>, vector<16xf32>,
      %broadcast_in_dim3A_346 = arith.constant 6 : i32
      %broadcast_in_dim3A_347 = vector.broadcast %broadcast_in_dim3A_346 : i32 to vector<16xi32>
      %gather3A_348 = tpu.vector_load_idx %arg9[%add3A_275, %broadcast_in_dim3A_347] : memref<128x22xi32, #tpu.memory_space<vmem>>[vector<16xi32>, vector<16xi32>], vector<16xi32>,
      %swap3A_349 = arith.constant 4 : i32
      %swap3A_350 = arith.index_cast %swap3A_349 : i32 to index
      %swap3A_351 = arith.index_cast %add3A_279 : i32 to index
      %swap3A_352 = tpu.vector_load %arg12[%swap3A_350, %swap3A_351] {strides = array<i32>} : memref<10x512xi32, #tpu.memory_space<vmem>>, vector<16xi32>,
      tpu.vector_store %arg12[%swap3A_350, %swap3A_351], %gather3A_348 {strides = array<i32>} : memref<10x512xi32, #tpu.memory_space<vmem>>, vector<16xi32>,
      %broadcast_in_dim3A_353 = arith.constant 16 : i32
      %broadcast_in_dim3A_354 = vector.broadcast %broadcast_in_dim3A_353 : i32 to vector<16xi32>
      %gather3A_355 = tpu.vector_load_idx %arg9[%add3A_275, %broadcast_in_dim3A_354] : memref<128x22xi32, #tpu.memory_space<vmem>>[vector<16xi32>, vector<16xi32>], vector<16xi32>,
      %convert_element_type3A_356 = arith.sitofp %gather3A_355 : vector<16xi32> to vector<16xf32>
      %swap3A_357 = arith.constant 4 : i32
      %swap3A_358 = arith.index_cast %swap3A_357 : i32 to index
      %swap3A_359 = arith.index_cast %add3A_279 : i32 to index
      %swap3A_360 = tpu.vector_load %arg23[%swap3A_358, %swap3A_359] {strides = array<i32>} : memref<10x512xf32, #tpu.memory_space<vmem>>, vector<16xf32>,
      tpu.vector_store %arg23[%swap3A_358, %swap3A_359], %convert_element_type3A_356 {strides = array<i32>} : memref<10x512xf32, #tpu.memory_space<vmem>>, vector<16xf32>,
      %broadcast_in_dim3A_361 = arith.constant 7 : i32
      %broadcast_in_dim3A_362 = vector.broadcast %broadcast_in_dim3A_361 : i32 to vector<16xi32>
      %gather3A_363 = tpu.vector_load_idx %arg9[%add3A_275, %broadcast_in_dim3A_362] : memref<128x22xi32, #tpu.memory_space<vmem>>[vector<16xi32>, vector<16xi32>], vector<16xi32>,
      %swap3A_364 = arith.constant 5 : i32
      %swap3A_365 = arith.index_cast %swap3A_364 : i32 to index
      %swap3A_366 = arith.index_cast %add3A_279 : i32 to index
      %swap3A_367 = tpu.vector_load %arg12[%swap3A_365, %swap3A_366] {strides = array<i32>} : memref<10x512xi32, #tpu.memory_space<vmem>>, vector<16xi32>,
      tpu.vector_store %arg12[%swap3A_365, %swap3A_366], %gather3A_363 {strides = array<i32>} : memref<10x512xi32, #tpu.memory_space<vmem>>, vector<16xi32>,
      %broadcast_in_dim3A_368 = arith.constant 17 : i32
      %broadcast_in_dim3A_369 = vector.broadcast %broadcast_in_dim3A_368 : i32 to vector<16xi32>
      %gather3A_370 = tpu.vector_load_idx %arg9[%add3A_275, %broadcast_in_dim3A_369] : memref<128x22xi32, #tpu.memory_space<vmem>>[vector<16xi32>, vector<16xi32>], vector<16xi32>,
      %convert_element_type3A_371 = arith.sitofp %gather3A_370 : vector<16xi32> to vector<16xf32>
      %swap3A_372 = arith.constant 5 : i32
      %swap3A_373 = arith.index_cast %swap3A_372 : i32 to index
      %swap3A_374 = arith.index_cast %add3A_279 : i32 to index
      %swap3A_375 = tpu.vector_load %arg23[%swap3A_373, %swap3A_374] {strides = array<i32>} : memref<10x512xf32, #tpu.memory_space<vmem>>, vector<16xf32>,
      tpu.vector_store %arg23[%swap3A_373, %swap3A_374], %convert_element_type3A_371 {strides = array<i32>} : memref<10x512xf32, #tpu.memory_space<vmem>>, vector<16xf32>,
      %broadcast_in_dim3A_376 = arith.constant 8 : i32
      %broadcast_in_dim3A_377 = vector.broadcast %broadcast_in_dim3A_376 : i32 to vector<16xi32>
      %gather3A_378 = tpu.vector_load_idx %arg9[%add3A_275, %broadcast_in_dim3A_377] : memref<128x22xi32, #tpu.memory_space<vmem>>[vector<16xi32>, vector<16xi32>], vector<16xi32>,
      %swap3A_379 = arith.constant 6 : i32
      %swap3A_380 = arith.index_cast %swap3A_379 : i32 to index
      %swap3A_381 = arith.index_cast %add3A_279 : i32 to index
      %swap3A_382 = tpu.vector_load %arg12[%swap3A_380, %swap3A_381] {strides = array<i32>} : memref<10x512xi32, #tpu.memory_space<vmem>>, vector<16xi32>,
      tpu.vector_store %arg12[%swap3A_380, %swap3A_381], %gather3A_378 {strides = array<i32>} : memref<10x512xi32, #tpu.memory_space<vmem>>, vector<16xi32>,
      %broadcast_in_dim3A_383 = arith.constant 18 : i32
      %broadcast_in_dim3A_384 = vector.broadcast %broadcast_in_dim3A_383 : i32 to vector<16xi32>
      %gather3A_385 = tpu.vector_load_idx %arg9[%add3A_275, %broadcast_in_dim3A_384] : memref<128x22xi32, #tpu.memory_space<vmem>>[vector<16xi32>, vector<16xi32>], vector<16xi32>,
      %convert_element_type3A_386 = arith.sitofp %gather3A_385 : vector<16xi32> to vector<16xf32>
      %swap3A_387 = arith.constant 6 : i32
      %swap3A_388 = arith.index_cast %swap3A_387 : i32 to index
      %swap3A_389 = arith.index_cast %add3A_279 : i32 to index
      %swap3A_390 = tpu.vector_load %arg23[%swap3A_388, %swap3A_389] {strides = array<i32>} : memref<10x512xf32, #tpu.memory_space<vmem>>, vector<16xf32>,
      tpu.vector_store %arg23[%swap3A_388, %swap3A_389], %convert_element_type3A_386 {strides = array<i32>} : memref<10x512xf32, #tpu.memory_space<vmem>>, vector<16xf32>,
      %broadcast_in_dim3A_391 = arith.constant 9 : i32
      %broadcast_in_dim3A_392 = vector.broadcast %broadcast_in_dim3A_391 : i32 to vector<16xi32>
      %gather3A_393 = tpu.vector_load_idx %arg9[%add3A_275, %broadcast_in_dim3A_392] : memref<128x22xi32, #tpu.memory_space<vmem>>[vector<16xi32>, vector<16xi32>], vector<16xi32>,
      %swap3A_394 = arith.constant 7 : i32
      %swap3A_395 = arith.index_cast %swap3A_394 : i32 to index
      %swap3A_396 = arith.index_cast %add3A_279 : i32 to index
      %swap3A_397 = tpu.vector_load %arg12[%swap3A_395, %swap3A_396] {strides = array<i32>} : memref<10x512xi32, #tpu.memory_space<vmem>>, vector<16xi32>,
      tpu.vector_store %arg12[%swap3A_395, %swap3A_396], %gather3A_393 {strides = array<i32>} : memref<10x512xi32, #tpu.memory_space<vmem>>, vector<16xi32>,
      %broadcast_in_dim3A_398 = arith.constant 19 : i32
      %broadcast_in_dim3A_399 = vector.broadcast %broadcast_in_dim3A_398 : i32 to vector<16xi32>
      %gather3A_400 = tpu.vector_load_idx %arg9[%add3A_275, %broadcast_in_dim3A_399] : memref<128x22xi32, #tpu.memory_space<vmem>>[vector<16xi32>, vector<16xi32>], vector<16xi32>,
      %convert_element_type3A_401 = arith.sitofp %gather3A_400 : vector<16xi32> to vector<16xf32>
      %swap3A_402 = arith.constant 7 : i32
      %swap3A_403 = arith.index_cast %swap3A_402 : i32 to index
      %swap3A_404 = arith.index_cast %add3A_279 : i32 to index
      %swap3A_405 = tpu.vector_load %arg23[%swap3A_403, %swap3A_404] {strides = array<i32>} : memref<10x512xf32, #tpu.memory_space<vmem>>, vector<16xf32>,
      tpu.vector_store %arg23[%swap3A_403, %swap3A_404], %convert_element_type3A_401 {strides = array<i32>} : memref<10x512xf32, #tpu.memory_space<vmem>>, vector<16xf32>,
      %broadcast_in_dim3A_406 = arith.constant 10 : i32
      %broadcast_in_dim3A_407 = vector.broadcast %broadcast_in_dim3A_406 : i32 to vector<16xi32>
      %gather3A_408 = tpu.vector_load_idx %arg9[%add3A_275, %broadcast_in_dim3A_407] : memref<128x22xi32, #tpu.memory_space<vmem>>[vector<16xi32>, vector<16xi32>], vector<16xi32>,
      %swap3A_409 = arith.constant 8 : i32
      %swap3A_410 = arith.index_cast %swap3A_409 : i32 to index
      %swap3A_411 = arith.index_cast %add3A_279 : i32 to index
      %swap3A_412 = tpu.vector_load %arg12[%swap3A_410, %swap3A_411] {strides = array<i32>} : memref<10x512xi32, #tpu.memory_space<vmem>>, vector<16xi32>,
      tpu.vector_store %arg12[%swap3A_410, %swap3A_411], %gather3A_408 {strides = array<i32>} : memref<10x512xi32, #tpu.memory_space<vmem>>, vector<16xi32>,
      %broadcast_in_dim3A_413 = arith.constant 20 : i32
      %broadcast_in_dim3A_414 = vector.broadcast %broadcast_in_dim3A_413 : i32 to vector<16xi32>
      %gather3A_415 = tpu.vector_load_idx %arg9[%add3A_275, %broadcast_in_dim3A_414] : memref<128x22xi32, #tpu.memory_space<vmem>>[vector<16xi32>, vector<16xi32>], vector<16xi32>,
      %convert_element_type3A_416 = arith.sitofp %gather3A_415 : vector<16xi32> to vector<16xf32>
      %swap3A_417 = arith.constant 8 : i32
      %swap3A_418 = arith.index_cast %swap3A_417 : i32 to index
      %swap3A_419 = arith.index_cast %add3A_279 : i32 to index
      %swap3A_420 = tpu.vector_load %arg23[%swap3A_418, %swap3A_419] {strides = array<i32>} : memref<10x512xf32, #tpu.memory_space<vmem>>, vector<16xf32>,
      tpu.vector_store %arg23[%swap3A_418, %swap3A_419], %convert_element_type3A_416 {strides = array<i32>} : memref<10x512xf32, #tpu.memory_space<vmem>>, vector<16xf32>,
      %broadcast_in_dim3A_421 = arith.constant 11 : i32
      %broadcast_in_dim3A_422 = vector.broadcast %broadcast_in_dim3A_421 : i32 to vector<16xi32>
      %gather3A_423 = tpu.vector_load_idx %arg9[%add3A_275, %broadcast_in_dim3A_422] : memref<128x22xi32, #tpu.memory_space<vmem>>[vector<16xi32>, vector<16xi32>], vector<16xi32>,
      %swap3A_424 = arith.constant 9 : i32
      %swap3A_425 = arith.index_cast %swap3A_424 : i32 to index
      %swap3A_426 = arith.index_cast %add3A_279 : i32 to index
      %swap3A_427 = tpu.vector_load %arg12[%swap3A_425, %swap3A_426] {strides = array<i32>} : memref<10x512xi32, #tpu.memory_space<vmem>>, vector<16xi32>,
      tpu.vector_store %arg12[%swap3A_425, %swap3A_426], %gather3A_423 {strides = array<i32>} : memref<10x512xi32, #tpu.memory_space<vmem>>, vector<16xi32>,
      %broadcast_in_dim3A_428 = arith.constant 21 : i32
      %broadcast_in_dim3A_429 = vector.broadcast %broadcast_in_dim3A_428 : i32 to vector<16xi32>
      %gather3A_430 = tpu.vector_load_idx %arg9[%add3A_275, %broadcast_in_dim3A_429] : memref<128x22xi32, #tpu.memory_space<vmem>>[vector<16xi32>, vector<16xi32>], vector<16xi32>,
      %convert_element_type3A_431 = arith.sitofp %gather3A_430 : vector<16xi32> to vector<16xf32>
      %swap3A_432 = arith.constant 9 : i32
      %swap3A_433 = arith.index_cast %swap3A_432 : i32 to index
      %swap3A_434 = arith.index_cast %add3A_279 : i32 to index
      %swap3A_435 = tpu.vector_load %arg23[%swap3A_433, %swap3A_434] {strides = array<i32>} : memref<10x512xf32, #tpu.memory_space<vmem>>, vector<16xf32>,
      tpu.vector_store %arg23[%swap3A_433, %swap3A_434], %convert_element_type3A_431 {strides = array<i32>} : memref<10x512xf32, #tpu.memory_space<vmem>>, vector<16xf32>,
    }
    %scan3A_33 = arith.constant 8 : i32
    %dma_start3A = arith.constant 0 : i32
    %dma_start3A_34 = tpu.memref_slice %arg10[%dma_start3A] : memref<512xi32, #tpu.memory_space<vmem>> -> memref<16xi32, #tpu.memory_space<vmem>>
    %dma_start3A_35 = arith.constant 0 : i32
    %dma_start3A_36 = arith.constant 0 : i32
    %dma_start3A_37 = tpu.memref_slice %arg3[%dma_start3A_35, %dma_start3A_36] : memref<1000001x128xf32, #tpu.memory_space<hbm>> -> memref<1000001x128xf32, #tpu.memory_space<hbm>>
    tpu.enqueue_indirect_dma source(%dma_start3A_37 : memref<1000001x128xf32, #tpu.memory_space<hbm>>) target(%arg13 : memref<16x128xf32, #tpu.memory_space<vmem>>) offsets(%dma_start3A_34 : memref<16xi32, #tpu.memory_space<vmem>>) semaphore(%arg24 : memref<!tpu.dma_semaphore, #tpu.memory_space<semaphore_mem>>)
    %dma_start3A_38 = arith.constant 0 : i32
    %dma_start3A_39 = tpu.memref_slice %arg11[%dma_start3A_38] : memref<512xi32, #tpu.memory_space<vmem>> -> memref<16xi32, #tpu.memory_space<vmem>>
    %dma_start3A_40 = arith.constant 0 : i32
    %dma_start3A_41 = arith.constant 0 : i32
    %dma_start3A_42 = tpu.memref_slice %arg4[%dma_start3A_40, %dma_start3A_41] : memref<1000000x128xf32, #tpu.memory_space<hbm>> -> memref<1000000x128xf32, #tpu.memory_space<hbm>>
    tpu.enqueue_indirect_dma source(%dma_start3A_42 : memref<1000000x128xf32, #tpu.memory_space<hbm>>) target(%arg15 : memref<16x128xf32, #tpu.memory_space<vmem>>) offsets(%dma_start3A_39 : memref<16xi32, #tpu.memory_space<vmem>>) semaphore(%arg24 : memref<!tpu.dma_semaphore, #tpu.memory_space<semaphore_mem>>)
    %add3A_43 = arith.constant 0 : i32
    %add3A_44 = arith.addi %mul3A_2, %add3A_43 : i32
    %dma_start3A_45 = arith.constant 0 : i32
    %dma_start3A_46 = tpu.memref_slice %arg5[%add3A_44, %dma_start3A_45] : memref<16384x128xf32, #tpu.memory_space<hbm>> -> memref<16x128xf32, #tpu.memory_space<hbm>>
    %dma_start3A_47 = arith.constant 0 : i32
    %dma_start3A_48 = tpu.memref_slice %arg5[%add3A_44, %dma_start3A_47] : memref<16384x128xf32, #tpu.memory_space<hbm>> -> memref<16x128xf32, #tpu.memory_space<hbm>>
    tpu.enqueue_dma source(%dma_start3A_48 : memref<16x128xf32, #tpu.memory_space<hbm>>) target(%arg17 : memref<16x128xf32, #tpu.memory_space<vmem>>) target_semaphore(%arg24 : memref<!tpu.dma_semaphore, #tpu.memory_space<semaphore_mem>>)
    %dma_start3A_49 = arith.constant 0 : i32
    %dma_start3A_50 = arith.constant 0 : i32
    %dma_start3A_51 = arith.constant 0 : i32
    %dma_start3A_52 = tpu.memref_slice %arg19[%dma_start3A_50, %dma_start3A_51] : memref<160x128xf32, #tpu.memory_space<vmem>> -> memref<16x128xf32, #tpu.memory_space<vmem>>
    %dma_start3A_53 = arith.constant 0 : i32
    %dma_start3A_54 = tpu.memref_slice %arg12[%dma_start3A_49, %dma_start3A_53] : memref<10x512xi32, #tpu.memory_space<vmem>> -> memref<1x16xi32, #tpu.memory_space<vmem>>
    %dma_start3A_55 = tpu.memref_squeeze %dma_start3A_54 : memref<1x16xi32, #tpu.memory_space<vmem>> -> memref<16xi32, #tpu.memory_space<vmem>>
    %dma_start3A_56 = arith.constant 0 : i32
    %dma_start3A_57 = arith.constant 0 : i32
    %dma_start3A_58 = tpu.memref_slice %arg4[%dma_start3A_56, %dma_start3A_57] : memref<1000000x128xf32, #tpu.memory_space<hbm>> -> memref<1000000x128xf32, #tpu.memory_space<hbm>>
    tpu.enqueue_indirect_dma source(%dma_start3A_58 : memref<1000000x128xf32, #tpu.memory_space<hbm>>) target(%dma_start3A_52 : memref<16x128xf32, #tpu.memory_space<vmem>>) offsets(%dma_start3A_55 : memref<16xi32, #tpu.memory_space<vmem>>) semaphore(%arg24 : memref<!tpu.dma_semaphore, #tpu.memory_space<semaphore_mem>>)
    %dma_start3A_59 = arith.constant 1 : i32
    %dma_start3A_60 = arith.constant 16 : i32
    %dma_start3A_61 = arith.constant 0 : i32
    %dma_start3A_62 = tpu.memref_slice %arg19[%dma_start3A_60, %dma_start3A_61] : memref<160x128xf32, #tpu.memory_space<vmem>> -> memref<16x128xf32, #tpu.memory_space<vmem>>
    %dma_start3A_63 = arith.constant 0 : i32
    %dma_start3A_64 = tpu.memref_slice %arg12[%dma_start3A_59, %dma_start3A_63] : memref<10x512xi32, #tpu.memory_space<vmem>> -> memref<1x16xi32, #tpu.memory_space<vmem>>
    %dma_start3A_65 = tpu.memref_squeeze %dma_start3A_64 : memref<1x16xi32, #tpu.memory_space<vmem>> -> memref<16xi32, #tpu.memory_space<vmem>>
    %dma_start3A_66 = arith.constant 0 : i32
    %dma_start3A_67 = arith.constant 0 : i32
    %dma_start3A_68 = tpu.memref_slice %arg4[%dma_start3A_66, %dma_start3A_67] : memref<1000000x128xf32, #tpu.memory_space<hbm>> -> memref<1000000x128xf32, #tpu.memory_space<hbm>>
    tpu.enqueue_indirect_dma source(%dma_start3A_68 : memref<1000000x128xf32, #tpu.memory_space<hbm>>) target(%dma_start3A_62 : memref<16x128xf32, #tpu.memory_space<vmem>>) offsets(%dma_start3A_65 : memref<16xi32, #tpu.memory_space<vmem>>) semaphore(%arg24 : memref<!tpu.dma_semaphore, #tpu.memory_space<semaphore_mem>>)
    %dma_start3A_69 = arith.constant 2 : i32
    %dma_start3A_70 = arith.constant 32 : i32
    %dma_start3A_71 = arith.constant 0 : i32
    %dma_start3A_72 = tpu.memref_slice %arg19[%dma_start3A_70, %dma_start3A_71] : memref<160x128xf32, #tpu.memory_space<vmem>> -> memref<16x128xf32, #tpu.memory_space<vmem>>
    %dma_start3A_73 = arith.constant 0 : i32
    %dma_start3A_74 = tpu.memref_slice %arg12[%dma_start3A_69, %dma_start3A_73] : memref<10x512xi32, #tpu.memory_space<vmem>> -> memref<1x16xi32, #tpu.memory_space<vmem>>
    %dma_start3A_75 = tpu.memref_squeeze %dma_start3A_74 : memref<1x16xi32, #tpu.memory_space<vmem>> -> memref<16xi32, #tpu.memory_space<vmem>>
    %dma_start3A_76 = arith.constant 0 : i32
    %dma_start3A_77 = arith.constant 0 : i32
    %dma_start3A_78 = tpu.memref_slice %arg4[%dma_start3A_76, %dma_start3A_77] : memref<1000000x128xf32, #tpu.memory_space<hbm>> -> memref<1000000x128xf32, #tpu.memory_space<hbm>>
    tpu.enqueue_indirect_dma source(%dma_start3A_78 : memref<1000000x128xf32, #tpu.memory_space<hbm>>) target(%dma_start3A_72 : memref<16x128xf32, #tpu.memory_space<vmem>>) offsets(%dma_start3A_75 : memref<16xi32, #tpu.memory_space<vmem>>) semaphore(%arg24 : memref<!tpu.dma_semaphore, #tpu.memory_space<semaphore_mem>>)
    %dma_start3A_79 = arith.constant 3 : i32
    %dma_start3A_80 = arith.constant 48 : i32
    %dma_start3A_81 = arith.constant 0 : i32
    %dma_start3A_82 = tpu.memref_slice %arg19[%dma_start3A_80, %dma_start3A_81] : memref<160x128xf32, #tpu.memory_space<vmem>> -> memref<16x128xf32, #tpu.memory_space<vmem>>
    %dma_start3A_83 = arith.constant 0 : i32
    %dma_start3A_84 = tpu.memref_slice %arg12[%dma_start3A_79, %dma_start3A_83] : memref<10x512xi32, #tpu.memory_space<vmem>> -> memref<1x16xi32, #tpu.memory_space<vmem>>
    %dma_start3A_85 = tpu.memref_squeeze %dma_start3A_84 : memref<1x16xi32, #tpu.memory_space<vmem>> -> memref<16xi32, #tpu.memory_space<vmem>>
    %dma_start3A_86 = arith.constant 0 : i32
    %dma_start3A_87 = arith.constant 0 : i32
    %dma_start3A_88 = tpu.memref_slice %arg4[%dma_start3A_86, %dma_start3A_87] : memref<1000000x128xf32, #tpu.memory_space<hbm>> -> memref<1000000x128xf32, #tpu.memory_space<hbm>>
    tpu.enqueue_indirect_dma source(%dma_start3A_88 : memref<1000000x128xf32, #tpu.memory_space<hbm>>) target(%dma_start3A_82 : memref<16x128xf32, #tpu.memory_space<vmem>>) offsets(%dma_start3A_85 : memref<16xi32, #tpu.memory_space<vmem>>) semaphore(%arg24 : memref<!tpu.dma_semaphore, #tpu.memory_space<semaphore_mem>>)
    %dma_start3A_89 = arith.constant 4 : i32
    %dma_start3A_90 = arith.constant 64 : i32
    %dma_start3A_91 = arith.constant 0 : i32
    %dma_start3A_92 = tpu.memref_slice %arg19[%dma_start3A_90, %dma_start3A_91] : memref<160x128xf32, #tpu.memory_space<vmem>> -> memref<16x128xf32, #tpu.memory_space<vmem>>
    %dma_start3A_93 = arith.constant 0 : i32
    %dma_start3A_94 = tpu.memref_slice %arg12[%dma_start3A_89, %dma_start3A_93] : memref<10x512xi32, #tpu.memory_space<vmem>> -> memref<1x16xi32, #tpu.memory_space<vmem>>
    %dma_start3A_95 = tpu.memref_squeeze %dma_start3A_94 : memref<1x16xi32, #tpu.memory_space<vmem>> -> memref<16xi32, #tpu.memory_space<vmem>>
    %dma_start3A_96 = arith.constant 0 : i32
    %dma_start3A_97 = arith.constant 0 : i32
    %dma_start3A_98 = tpu.memref_slice %arg4[%dma_start3A_96, %dma_start3A_97] : memref<1000000x128xf32, #tpu.memory_space<hbm>> -> memref<1000000x128xf32, #tpu.memory_space<hbm>>
    tpu.enqueue_indirect_dma source(%dma_start3A_98 : memref<1000000x128xf32, #tpu.memory_space<hbm>>) target(%dma_start3A_92 : memref<16x128xf32, #tpu.memory_space<vmem>>) offsets(%dma_start3A_95 : memref<16xi32, #tpu.memory_space<vmem>>) semaphore(%arg24 : memref<!tpu.dma_semaphore, #tpu.memory_space<semaphore_mem>>)
    %dma_start3A_99 = arith.constant 5 : i32
    %dma_start3A_100 = arith.constant 80 : i32
    %dma_start3A_101 = arith.constant 0 : i32
    %dma_start3A_102 = tpu.memref_slice %arg19[%dma_start3A_100, %dma_start3A_101] : memref<160x128xf32, #tpu.memory_space<vmem>> -> memref<16x128xf32, #tpu.memory_space<vmem>>
    %dma_start3A_103 = arith.constant 0 : i32
    %dma_start3A_104 = tpu.memref_slice %arg12[%dma_start3A_99, %dma_start3A_103] : memref<10x512xi32, #tpu.memory_space<vmem>> -> memref<1x16xi32, #tpu.memory_space<vmem>>
    %dma_start3A_105 = tpu.memref_squeeze %dma_start3A_104 : memref<1x16xi32, #tpu.memory_space<vmem>> -> memref<16xi32, #tpu.memory_space<vmem>>
    %dma_start3A_106 = arith.constant 0 : i32
    %dma_start3A_107 = arith.constant 0 : i32
    %dma_start3A_108 = tpu.memref_slice %arg4[%dma_start3A_106, %dma_start3A_107] : memref<1000000x128xf32, #tpu.memory_space<hbm>> -> memref<1000000x128xf32, #tpu.memory_space<hbm>>
    tpu.enqueue_indirect_dma source(%dma_start3A_108 : memref<1000000x128xf32, #tpu.memory_space<hbm>>) target(%dma_start3A_102 : memref<16x128xf32, #tpu.memory_space<vmem>>) offsets(%dma_start3A_105 : memref<16xi32, #tpu.memory_space<vmem>>) semaphore(%arg24 : memref<!tpu.dma_semaphore, #tpu.memory_space<semaphore_mem>>)
    %dma_start3A_109 = arith.constant 6 : i32
    %dma_start3A_110 = arith.constant 96 : i32
    %dma_start3A_111 = arith.constant 0 : i32
    %dma_start3A_112 = tpu.memref_slice %arg19[%dma_start3A_110, %dma_start3A_111] : memref<160x128xf32, #tpu.memory_space<vmem>> -> memref<16x128xf32, #tpu.memory_space<vmem>>
    %dma_start3A_113 = arith.constant 0 : i32
    %dma_start3A_114 = tpu.memref_slice %arg12[%dma_start3A_109, %dma_start3A_113] : memref<10x512xi32, #tpu.memory_space<vmem>> -> memref<1x16xi32, #tpu.memory_space<vmem>>
    %dma_start3A_115 = tpu.memref_squeeze %dma_start3A_114 : memref<1x16xi32, #tpu.memory_space<vmem>> -> memref<16xi32, #tpu.memory_space<vmem>>
    %dma_start3A_116 = arith.constant 0 : i32
    %dma_start3A_117 = arith.constant 0 : i32
    %dma_start3A_118 = tpu.memref_slice %arg4[%dma_start3A_116, %dma_start3A_117] : memref<1000000x128xf32, #tpu.memory_space<hbm>> -> memref<1000000x128xf32, #tpu.memory_space<hbm>>
    tpu.enqueue_indirect_dma source(%dma_start3A_118 : memref<1000000x128xf32, #tpu.memory_space<hbm>>) target(%dma_start3A_112 : memref<16x128xf32, #tpu.memory_space<vmem>>) offsets(%dma_start3A_115 : memref<16xi32, #tpu.memory_space<vmem>>) semaphore(%arg24 : memref<!tpu.dma_semaphore, #tpu.memory_space<semaphore_mem>>)
    %dma_start3A_119 = arith.constant 7 : i32
    %dma_start3A_120 = arith.constant 112 : i32
    %dma_start3A_121 = arith.constant 0 : i32
    %dma_start3A_122 = tpu.memref_slice %arg19[%dma_start3A_120, %dma_start3A_121] : memref<160x128xf32, #tpu.memory_space<vmem>> -> memref<16x128xf32, #tpu.memory_space<vmem>>
    %dma_start3A_123 = arith.constant 0 : i32
    %dma_start3A_124 = tpu.memref_slice %arg12[%dma_start3A_119, %dma_start3A_123] : memref<10x512xi32, #tpu.memory_space<vmem>> -> memref<1x16xi32, #tpu.memory_space<vmem>>
    %dma_start3A_125 = tpu.memref_squeeze %dma_start3A_124 : memref<1x16xi32, #tpu.memory_space<vmem>> -> memref<16xi32, #tpu.memory_space<vmem>>
    %dma_start3A_126 = arith.constant 0 : i32
    %dma_start3A_127 = arith.constant 0 : i32
    %dma_start3A_128 = tpu.memref_slice %arg4[%dma_start3A_126, %dma_start3A_127] : memref<1000000x128xf32, #tpu.memory_space<hbm>> -> memref<1000000x128xf32, #tpu.memory_space<hbm>>
    tpu.enqueue_indirect_dma source(%dma_start3A_128 : memref<1000000x128xf32, #tpu.memory_space<hbm>>) target(%dma_start3A_122 : memref<16x128xf32, #tpu.memory_space<vmem>>) offsets(%dma_start3A_125 : memref<16xi32, #tpu.memory_space<vmem>>) semaphore(%arg24 : memref<!tpu.dma_semaphore, #tpu.memory_space<semaphore_mem>>)
    %dma_start3A_129 = arith.constant 8 : i32
    %dma_start3A_130 = arith.constant 128 : i32
    %dma_start3A_131 = arith.constant 0 : i32
    %dma_start3A_132 = tpu.memref_slice %arg19[%dma_start3A_130, %dma_start3A_131] : memref<160x128xf32, #tpu.memory_space<vmem>> -> memref<16x128xf32, #tpu.memory_space<vmem>>
    %dma_start3A_133 = arith.constant 0 : i32
    %dma_start3A_134 = tpu.memref_slice %arg12[%dma_start3A_129, %dma_start3A_133] : memref<10x512xi32, #tpu.memory_space<vmem>> -> memref<1x16xi32, #tpu.memory_space<vmem>>
    %dma_start3A_135 = tpu.memref_squeeze %dma_start3A_134 : memref<1x16xi32, #tpu.memory_space<vmem>> -> memref<16xi32, #tpu.memory_space<vmem>>
    %dma_start3A_136 = arith.constant 0 : i32
    %dma_start3A_137 = arith.constant 0 : i32
    %dma_start3A_138 = tpu.memref_slice %arg4[%dma_start3A_136, %dma_start3A_137] : memref<1000000x128xf32, #tpu.memory_space<hbm>> -> memref<1000000x128xf32, #tpu.memory_space<hbm>>
    tpu.enqueue_indirect_dma source(%dma_start3A_138 : memref<1000000x128xf32, #tpu.memory_space<hbm>>) target(%dma_start3A_132 : memref<16x128xf32, #tpu.memory_space<vmem>>) offsets(%dma_start3A_135 : memref<16xi32, #tpu.memory_space<vmem>>) semaphore(%arg24 : memref<!tpu.dma_semaphore, #tpu.memory_space<semaphore_mem>>)
    %dma_start3A_139 = arith.constant 9 : i32
    %dma_start3A_140 = arith.constant 144 : i32
    %dma_start3A_141 = arith.constant 0 : i32
    %dma_start3A_142 = tpu.memref_slice %arg19[%dma_start3A_140, %dma_start3A_141] : memref<160x128xf32, #tpu.memory_space<vmem>> -> memref<16x128xf32, #tpu.memory_space<vmem>>
    %dma_start3A_143 = arith.constant 0 : i32
    %dma_start3A_144 = tpu.memref_slice %arg12[%dma_start3A_139, %dma_start3A_143] : memref<10x512xi32, #tpu.memory_space<vmem>> -> memref<1x16xi32, #tpu.memory_space<vmem>>
    %dma_start3A_145 = tpu.memref_squeeze %dma_start3A_144 : memref<1x16xi32, #tpu.memory_space<vmem>> -> memref<16xi32, #tpu.memory_space<vmem>>
    %dma_start3A_146 = arith.constant 0 : i32
    %dma_start3A_147 = arith.constant 0 : i32
    %dma_start3A_148 = tpu.memref_slice %arg4[%dma_start3A_146, %dma_start3A_147] : memref<1000000x128xf32, #tpu.memory_space<hbm>> -> memref<1000000x128xf32, #tpu.memory_space<hbm>>
    tpu.enqueue_indirect_dma source(%dma_start3A_148 : memref<1000000x128xf32, #tpu.memory_space<hbm>>) target(%dma_start3A_142 : memref<16x128xf32, #tpu.memory_space<vmem>>) offsets(%dma_start3A_145 : memref<16xi32, #tpu.memory_space<vmem>>) semaphore(%arg24 : memref<!tpu.dma_semaphore, #tpu.memory_space<semaphore_mem>>)
    %dma_start3A_149 = arith.constant 16 : i32
    %dma_start3A_150 = tpu.memref_slice %arg10[%dma_start3A_149] : memref<512xi32, #tpu.memory_space<vmem>> -> memref<16xi32, #tpu.memory_space<vmem>>
    %dma_start3A_151 = arith.constant 0 : i32
    %dma_start3A_152 = arith.constant 0 : i32
    %dma_start3A_153 = tpu.memref_slice %arg3[%dma_start3A_151, %dma_start3A_152] : memref<1000001x128xf32, #tpu.memory_space<hbm>> -> memref<1000001x128xf32, #tpu.memory_space<hbm>>
    tpu.enqueue_indirect_dma source(%dma_start3A_153 : memref<1000001x128xf32, #tpu.memory_space<hbm>>) target(%arg14 : memref<16x128xf32, #tpu.memory_space<vmem>>) offsets(%dma_start3A_150 : memref<16xi32, #tpu.memory_space<vmem>>) semaphore(%arg25 : memref<!tpu.dma_semaphore, #tpu.memory_space<semaphore_mem>>)
    %dma_start3A_154 = arith.constant 16 : i32
    %dma_start3A_155 = tpu.memref_slice %arg11[%dma_start3A_154] : memref<512xi32, #tpu.memory_space<vmem>> -> memref<16xi32, #tpu.memory_space<vmem>>
    %dma_start3A_156 = arith.constant 0 : i32
    %dma_start3A_157 = arith.constant 0 : i32
    %dma_start3A_158 = tpu.memref_slice %arg4[%dma_start3A_156, %dma_start3A_157] : memref<1000000x128xf32, #tpu.memory_space<hbm>> -> memref<1000000x128xf32, #tpu.memory_space<hbm>>
    tpu.enqueue_indirect_dma source(%dma_start3A_158 : memref<1000000x128xf32, #tpu.memory_space<hbm>>) target(%arg16 : memref<16x128xf32, #tpu.memory_space<vmem>>) offsets(%dma_start3A_155 : memref<16xi32, #tpu.memory_space<vmem>>) semaphore(%arg25 : memref<!tpu.dma_semaphore, #tpu.memory_space<semaphore_mem>>)
    %add3A_159 = arith.constant 16 : i32
    %add3A_160 = arith.addi %mul3A_2, %add3A_159 : i32
    %dma_start3A_161 = arith.constant 0 : i32
    %dma_start3A_162 = tpu.memref_slice %arg5[%add3A_160, %dma_start3A_161] : memref<16384x128xf32, #tpu.memory_space<hbm>> -> memref<16x128xf32, #tpu.memory_space<hbm>>
    %dma_start3A_163 = arith.constant 0 : i32
    %dma_start3A_164 = tpu.memref_slice %arg5[%add3A_160, %dma_start3A_163] : memref<16384x128xf32, #tpu.memory_space<hbm>> -> memref<16x128xf32, #tpu.memory_space<hbm>>
    tpu.enqueue_dma source(%dma_start3A_164 : memref<16x128xf32, #tpu.memory_space<hbm>>) target(%arg18 : memref<16x128xf32, #tpu.memory_space<vmem>>) target_semaphore(%arg25 : memref<!tpu.dma_semaphore, #tpu.memory_space<semaphore_mem>>)
    %dma_start3A_165 = arith.constant 0 : i32
    %dma_start3A_166 = arith.constant 0 : i32
    %dma_start3A_167 = arith.constant 0 : i32
    %dma_start3A_168 = tpu.memref_slice %arg20[%dma_start3A_166, %dma_start3A_167] : memref<160x128xf32, #tpu.memory_space<vmem>> -> memref<16x128xf32, #tpu.memory_space<vmem>>
    %dma_start3A_169 = arith.constant 16 : i32
    %dma_start3A_170 = tpu.memref_slice %arg12[%dma_start3A_165, %dma_start3A_169] : memref<10x512xi32, #tpu.memory_space<vmem>> -> memref<1x16xi32, #tpu.memory_space<vmem>>
    %dma_start3A_171 = tpu.memref_squeeze %dma_start3A_170 : memref<1x16xi32, #tpu.memory_space<vmem>> -> memref<16xi32, #tpu.memory_space<vmem>>
    %dma_start3A_172 = arith.constant 0 : i32
    %dma_start3A_173 = arith.constant 0 : i32
    %dma_start3A_174 = tpu.memref_slice %arg4[%dma_start3A_172, %dma_start3A_173] : memref<1000000x128xf32, #tpu.memory_space<hbm>> -> memref<1000000x128xf32, #tpu.memory_space<hbm>>
    tpu.enqueue_indirect_dma source(%dma_start3A_174 : memref<1000000x128xf32, #tpu.memory_space<hbm>>) target(%dma_start3A_168 : memref<16x128xf32, #tpu.memory_space<vmem>>) offsets(%dma_start3A_171 : memref<16xi32, #tpu.memory_space<vmem>>) semaphore(%arg25 : memref<!tpu.dma_semaphore, #tpu.memory_space<semaphore_mem>>)
    %dma_start3A_175 = arith.constant 1 : i32
    %dma_start3A_176 = arith.constant 16 : i32
    %dma_start3A_177 = arith.constant 0 : i32
    %dma_start3A_178 = tpu.memref_slice %arg20[%dma_start3A_176, %dma_start3A_177] : memref<160x128xf32, #tpu.memory_space<vmem>> -> memref<16x128xf32, #tpu.memory_space<vmem>>
    %dma_start3A_179 = arith.constant 16 : i32
    %dma_start3A_180 = tpu.memref_slice %arg12[%dma_start3A_175, %dma_start3A_179] : memref<10x512xi32, #tpu.memory_space<vmem>> -> memref<1x16xi32, #tpu.memory_space<vmem>>
    %dma_start3A_181 = tpu.memref_squeeze %dma_start3A_180 : memref<1x16xi32, #tpu.memory_space<vmem>> -> memref<16xi32, #tpu.memory_space<vmem>>
    %dma_start3A_182 = arith.constant 0 : i32
    %dma_start3A_183 = arith.constant 0 : i32
    %dma_start3A_184 = tpu.memref_slice %arg4[%dma_start3A_182, %dma_start3A_183] : memref<1000000x128xf32, #tpu.memory_space<hbm>> -> memref<1000000x128xf32, #tpu.memory_space<hbm>>
    tpu.enqueue_indirect_dma source(%dma_start3A_184 : memref<1000000x128xf32, #tpu.memory_space<hbm>>) target(%dma_start3A_178 : memref<16x128xf32, #tpu.memory_space<vmem>>) offsets(%dma_start3A_181 : memref<16xi32, #tpu.memory_space<vmem>>) semaphore(%arg25 : memref<!tpu.dma_semaphore, #tpu.memory_space<semaphore_mem>>)
    %dma_start3A_185 = arith.constant 2 : i32
    %dma_start3A_186 = arith.constant 32 : i32
    %dma_start3A_187 = arith.constant 0 : i32
    %dma_start3A_188 = tpu.memref_slice %arg20[%dma_start3A_186, %dma_start3A_187] : memref<160x128xf32, #tpu.memory_space<vmem>> -> memref<16x128xf32, #tpu.memory_space<vmem>>
    %dma_start3A_189 = arith.constant 16 : i32
    %dma_start3A_190 = tpu.memref_slice %arg12[%dma_start3A_185, %dma_start3A_189] : memref<10x512xi32, #tpu.memory_space<vmem>> -> memref<1x16xi32, #tpu.memory_space<vmem>>
    %dma_start3A_191 = tpu.memref_squeeze %dma_start3A_190 : memref<1x16xi32, #tpu.memory_space<vmem>> -> memref<16xi32, #tpu.memory_space<vmem>>
    %dma_start3A_192 = arith.constant 0 : i32
    %dma_start3A_193 = arith.constant 0 : i32
    %dma_start3A_194 = tpu.memref_slice %arg4[%dma_start3A_192, %dma_start3A_193] : memref<1000000x128xf32, #tpu.memory_space<hbm>> -> memref<1000000x128xf32, #tpu.memory_space<hbm>>
    tpu.enqueue_indirect_dma source(%dma_start3A_194 : memref<1000000x128xf32, #tpu.memory_space<hbm>>) target(%dma_start3A_188 : memref<16x128xf32, #tpu.memory_space<vmem>>) offsets(%dma_start3A_191 : memref<16xi32, #tpu.memory_space<vmem>>) semaphore(%arg25 : memref<!tpu.dma_semaphore, #tpu.memory_space<semaphore_mem>>)
    %dma_start3A_195 = arith.constant 3 : i32
    %dma_start3A_196 = arith.constant 48 : i32
    %dma_start3A_197 = arith.constant 0 : i32
    %dma_start3A_198 = tpu.memref_slice %arg20[%dma_start3A_196, %dma_start3A_197] : memref<160x128xf32, #tpu.memory_space<vmem>> -> memref<16x128xf32, #tpu.memory_space<vmem>>
    %dma_start3A_199 = arith.constant 16 : i32
    %dma_start3A_200 = tpu.memref_slice %arg12[%dma_start3A_195, %dma_start3A_199] : memref<10x512xi32, #tpu.memory_space<vmem>> -> memref<1x16xi32, #tpu.memory_space<vmem>>
    %dma_start3A_201 = tpu.memref_squeeze %dma_start3A_200 : memref<1x16xi32, #tpu.memory_space<vmem>> -> memref<16xi32, #tpu.memory_space<vmem>>
    %dma_start3A_202 = arith.constant 0 : i32
    %dma_start3A_203 = arith.constant 0 : i32
    %dma_start3A_204 = tpu.memref_slice %arg4[%dma_start3A_202, %dma_start3A_203] : memref<1000000x128xf32, #tpu.memory_space<hbm>> -> memref<1000000x128xf32, #tpu.memory_space<hbm>>
    tpu.enqueue_indirect_dma source(%dma_start3A_204 : memref<1000000x128xf32, #tpu.memory_space<hbm>>) target(%dma_start3A_198 : memref<16x128xf32, #tpu.memory_space<vmem>>) offsets(%dma_start3A_201 : memref<16xi32, #tpu.memory_space<vmem>>) semaphore(%arg25 : memref<!tpu.dma_semaphore, #tpu.memory_space<semaphore_mem>>)
    %dma_start3A_205 = arith.constant 4 : i32
    %dma_start3A_206 = arith.constant 64 : i32
    %dma_start3A_207 = arith.constant 0 : i32
    %dma_start3A_208 = tpu.memref_slice %arg20[%dma_start3A_206, %dma_start3A_207] : memref<160x128xf32, #tpu.memory_space<vmem>> -> memref<16x128xf32, #tpu.memory_space<vmem>>
    %dma_start3A_209 = arith.constant 16 : i32
    %dma_start3A_210 = tpu.memref_slice %arg12[%dma_start3A_205, %dma_start3A_209] : memref<10x512xi32, #tpu.memory_space<vmem>> -> memref<1x16xi32, #tpu.memory_space<vmem>>
    %dma_start3A_211 = tpu.memref_squeeze %dma_start3A_210 : memref<1x16xi32, #tpu.memory_space<vmem>> -> memref<16xi32, #tpu.memory_space<vmem>>
    %dma_start3A_212 = arith.constant 0 : i32
    %dma_start3A_213 = arith.constant 0 : i32
    %dma_start3A_214 = tpu.memref_slice %arg4[%dma_start3A_212, %dma_start3A_213] : memref<1000000x128xf32, #tpu.memory_space<hbm>> -> memref<1000000x128xf32, #tpu.memory_space<hbm>>
    tpu.enqueue_indirect_dma source(%dma_start3A_214 : memref<1000000x128xf32, #tpu.memory_space<hbm>>) target(%dma_start3A_208 : memref<16x128xf32, #tpu.memory_space<vmem>>) offsets(%dma_start3A_211 : memref<16xi32, #tpu.memory_space<vmem>>) semaphore(%arg25 : memref<!tpu.dma_semaphore, #tpu.memory_space<semaphore_mem>>)
    %dma_start3A_215 = arith.constant 5 : i32
    %dma_start3A_216 = arith.constant 80 : i32
    %dma_start3A_217 = arith.constant 0 : i32
    %dma_start3A_218 = tpu.memref_slice %arg20[%dma_start3A_216, %dma_start3A_217] : memref<160x128xf32, #tpu.memory_space<vmem>> -> memref<16x128xf32, #tpu.memory_space<vmem>>
    %dma_start3A_219 = arith.constant 16 : i32
    %dma_start3A_220 = tpu.memref_slice %arg12[%dma_start3A_215, %dma_start3A_219] : memref<10x512xi32, #tpu.memory_space<vmem>> -> memref<1x16xi32, #tpu.memory_space<vmem>>
    %dma_start3A_221 = tpu.memref_squeeze %dma_start3A_220 : memref<1x16xi32, #tpu.memory_space<vmem>> -> memref<16xi32, #tpu.memory_space<vmem>>
    %dma_start3A_222 = arith.constant 0 : i32
    %dma_start3A_223 = arith.constant 0 : i32
    %dma_start3A_224 = tpu.memref_slice %arg4[%dma_start3A_222, %dma_start3A_223] : memref<1000000x128xf32, #tpu.memory_space<hbm>> -> memref<1000000x128xf32, #tpu.memory_space<hbm>>
    tpu.enqueue_indirect_dma source(%dma_start3A_224 : memref<1000000x128xf32, #tpu.memory_space<hbm>>) target(%dma_start3A_218 : memref<16x128xf32, #tpu.memory_space<vmem>>) offsets(%dma_start3A_221 : memref<16xi32, #tpu.memory_space<vmem>>) semaphore(%arg25 : memref<!tpu.dma_semaphore, #tpu.memory_space<semaphore_mem>>)
    %dma_start3A_225 = arith.constant 6 : i32
    %dma_start3A_226 = arith.constant 96 : i32
    %dma_start3A_227 = arith.constant 0 : i32
    %dma_start3A_228 = tpu.memref_slice %arg20[%dma_start3A_226, %dma_start3A_227] : memref<160x128xf32, #tpu.memory_space<vmem>> -> memref<16x128xf32, #tpu.memory_space<vmem>>
    %dma_start3A_229 = arith.constant 16 : i32
    %dma_start3A_230 = tpu.memref_slice %arg12[%dma_start3A_225, %dma_start3A_229] : memref<10x512xi32, #tpu.memory_space<vmem>> -> memref<1x16xi32, #tpu.memory_space<vmem>>
    %dma_start3A_231 = tpu.memref_squeeze %dma_start3A_230 : memref<1x16xi32, #tpu.memory_space<vmem>> -> memref<16xi32, #tpu.memory_space<vmem>>
    %dma_start3A_232 = arith.constant 0 : i32
    %dma_start3A_233 = arith.constant 0 : i32
    %dma_start3A_234 = tpu.memref_slice %arg4[%dma_start3A_232, %dma_start3A_233] : memref<1000000x128xf32, #tpu.memory_space<hbm>> -> memref<1000000x128xf32, #tpu.memory_space<hbm>>
    tpu.enqueue_indirect_dma source(%dma_start3A_234 : memref<1000000x128xf32, #tpu.memory_space<hbm>>) target(%dma_start3A_228 : memref<16x128xf32, #tpu.memory_space<vmem>>) offsets(%dma_start3A_231 : memref<16xi32, #tpu.memory_space<vmem>>) semaphore(%arg25 : memref<!tpu.dma_semaphore, #tpu.memory_space<semaphore_mem>>)
    %dma_start3A_235 = arith.constant 7 : i32
    %dma_start3A_236 = arith.constant 112 : i32
    %dma_start3A_237 = arith.constant 0 : i32
    %dma_start3A_238 = tpu.memref_slice %arg20[%dma_start3A_236, %dma_start3A_237] : memref<160x128xf32, #tpu.memory_space<vmem>> -> memref<16x128xf32, #tpu.memory_space<vmem>>
    %dma_start3A_239 = arith.constant 16 : i32
    %dma_start3A_240 = tpu.memref_slice %arg12[%dma_start3A_235, %dma_start3A_239] : memref<10x512xi32, #tpu.memory_space<vmem>> -> memref<1x16xi32, #tpu.memory_space<vmem>>
    %dma_start3A_241 = tpu.memref_squeeze %dma_start3A_240 : memref<1x16xi32, #tpu.memory_space<vmem>> -> memref<16xi32, #tpu.memory_space<vmem>>
    %dma_start3A_242 = arith.constant 0 : i32
    %dma_start3A_243 = arith.constant 0 : i32
    %dma_start3A_244 = tpu.memref_slice %arg4[%dma_start3A_242, %dma_start3A_243] : memref<1000000x128xf32, #tpu.memory_space<hbm>> -> memref<1000000x128xf32, #tpu.memory_space<hbm>>
    tpu.enqueue_indirect_dma source(%dma_start3A_244 : memref<1000000x128xf32, #tpu.memory_space<hbm>>) target(%dma_start3A_238 : memref<16x128xf32, #tpu.memory_space<vmem>>) offsets(%dma_start3A_241 : memref<16xi32, #tpu.memory_space<vmem>>) semaphore(%arg25 : memref<!tpu.dma_semaphore, #tpu.memory_space<semaphore_mem>>)
    %dma_start3A_245 = arith.constant 8 : i32
    %dma_start3A_246 = arith.constant 128 : i32
    %dma_start3A_247 = arith.constant 0 : i32
    %dma_start3A_248 = tpu.memref_slice %arg20[%dma_start3A_246, %dma_start3A_247] : memref<160x128xf32, #tpu.memory_space<vmem>> -> memref<16x128xf32, #tpu.memory_space<vmem>>
    %dma_start3A_249 = arith.constant 16 : i32
    %dma_start3A_250 = tpu.memref_slice %arg12[%dma_start3A_245, %dma_start3A_249] : memref<10x512xi32, #tpu.memory_space<vmem>> -> memref<1x16xi32, #tpu.memory_space<vmem>>
    %dma_start3A_251 = tpu.memref_squeeze %dma_start3A_250 : memref<1x16xi32, #tpu.memory_space<vmem>> -> memref<16xi32, #tpu.memory_space<vmem>>
    %dma_start3A_252 = arith.constant 0 : i32
    %dma_start3A_253 = arith.constant 0 : i32
    %dma_start3A_254 = tpu.memref_slice %arg4[%dma_start3A_252, %dma_start3A_253] : memref<1000000x128xf32, #tpu.memory_space<hbm>> -> memref<1000000x128xf32, #tpu.memory_space<hbm>>
    tpu.enqueue_indirect_dma source(%dma_start3A_254 : memref<1000000x128xf32, #tpu.memory_space<hbm>>) target(%dma_start3A_248 : memref<16x128xf32, #tpu.memory_space<vmem>>) offsets(%dma_start3A_251 : memref<16xi32, #tpu.memory_space<vmem>>) semaphore(%arg25 : memref<!tpu.dma_semaphore, #tpu.memory_space<semaphore_mem>>)
    %dma_start3A_255 = arith.constant 9 : i32
    %dma_start3A_256 = arith.constant 144 : i32
    %dma_start3A_257 = arith.constant 0 : i32
    %dma_start3A_258 = tpu.memref_slice %arg20[%dma_start3A_256, %dma_start3A_257] : memref<160x128xf32, #tpu.memory_space<vmem>> -> memref<16x128xf32, #tpu.memory_space<vmem>>
    %dma_start3A_259 = arith.constant 16 : i32
    %dma_start3A_260 = tpu.memref_slice %arg12[%dma_start3A_255, %dma_start3A_259] : memref<10x512xi32, #tpu.memory_space<vmem>> -> memref<1x16xi32, #tpu.memory_space<vmem>>
    %dma_start3A_261 = tpu.memref_squeeze %dma_start3A_260 : memref<1x16xi32, #tpu.memory_space<vmem>> -> memref<16xi32, #tpu.memory_space<vmem>>
    %dma_start3A_262 = arith.constant 0 : i32
    %dma_start3A_263 = arith.constant 0 : i32
    %dma_start3A_264 = tpu.memref_slice %arg4[%dma_start3A_262, %dma_start3A_263] : memref<1000000x128xf32, #tpu.memory_space<hbm>> -> memref<1000000x128xf32, #tpu.memory_space<hbm>>
    tpu.enqueue_indirect_dma source(%dma_start3A_264 : memref<1000000x128xf32, #tpu.memory_space<hbm>>) target(%dma_start3A_258 : memref<16x128xf32, #tpu.memory_space<vmem>>) offsets(%dma_start3A_261 : memref<16xi32, #tpu.memory_space<vmem>>) semaphore(%arg25 : memref<!tpu.dma_semaphore, #tpu.memory_space<semaphore_mem>>)
    %scan3A_265 = arith.constant 0 : i32
    %scan3A_266 = arith.constant 0 : i32
    %scan3A_267 = arith.constant 16 : i32
    %scan3A_268 = arith.addi %scan3A_266, %scan3A_267 : i32
    %scan3A_269 = arith.constant 1 : i32
    scf.for %scan3A_271 = %scan3A_266 to %scan3A_268 step %scan3A_269  : i32 {
      %mul3A_272 = arith.constant 2 : i32
      %mul3A_273 = arith.muli %scan3A_271, %mul3A_272 : i32
      %mul3A_274 = arith.constant 16 : i32
      %mul3A_275 = arith.muli %mul3A_273, %mul3A_274 : i32
      %dma_wait3A = tpu.memref_slice %arg10[%mul3A_275] : memref<512xi32, #tpu.memory_space<vmem>> -> memref<16xi32, #tpu.memory_space<vmem>>
      %dma_wait3A_276 = arith.constant 0 : i32
      %dma_wait3A_277 = arith.constant 0 : i32
      %dma_wait3A_278 = tpu.memref_slice %arg3[%dma_wait3A_276, %dma_wait3A_277] : memref<1000001x128xf32, #tpu.memory_space<hbm>> -> memref<1000001x128xf32, #tpu.memory_space<hbm>>
      tpu.wait_indirect_dma semaphore(%arg24 : memref<!tpu.dma_semaphore, #tpu.memory_space<semaphore_mem>>) src(%dma_wait3A_278 : memref<1000001x128xf32, #tpu.memory_space<hbm>>) dst(%arg13 : memref<16x128xf32, #tpu.memory_space<vmem>>)
      %mul3A_279 = arith.constant 16 : i32
      %mul3A_280 = arith.muli %mul3A_273, %mul3A_279 : i32
      %dma_wait3A_281 = tpu.memref_slice %arg11[%mul3A_280] : memref<512xi32, #tpu.memory_space<vmem>> -> memref<16xi32, #tpu.memory_space<vmem>>
      %dma_wait3A_282 = arith.constant 0 : i32
      %dma_wait3A_283 = arith.constant 0 : i32
      %dma_wait3A_284 = tpu.memref_slice %arg4[%dma_wait3A_282, %dma_wait3A_283] : memref<1000000x128xf32, #tpu.memory_space<hbm>> -> memref<1000000x128xf32, #tpu.memory_space<hbm>>
      tpu.wait_indirect_dma semaphore(%arg24 : memref<!tpu.dma_semaphore, #tpu.memory_space<semaphore_mem>>) src(%dma_wait3A_284 : memref<1000000x128xf32, #tpu.memory_space<hbm>>) dst(%arg15 : memref<16x128xf32, #tpu.memory_space<vmem>>)
      %mul3A_285 = arith.constant 16 : i32
      %mul3A_286 = arith.muli %mul3A_273, %mul3A_285 : i32
      %add3A_287 = arith.addi %mul3A_2, %mul3A_286 : i32
      %dma_wait3A_288 = arith.constant 0 : i32
      %dma_wait3A_289 = tpu.memref_slice %arg5[%add3A_287, %dma_wait3A_288] : memref<16384x128xf32, #tpu.memory_space<hbm>> -> memref<16x128xf32, #tpu.memory_space<hbm>>
      %dma_wait3A_290 = arith.constant 0 : i32
      %dma_wait3A_291 = tpu.memref_slice %arg5[%add3A_287, %dma_wait3A_290] : memref<16384x128xf32, #tpu.memory_space<hbm>> -> memref<16x128xf32, #tpu.memory_space<hbm>>
      tpu.wait_dma2 semaphore(%arg24 : memref<!tpu.dma_semaphore, #tpu.memory_space<semaphore_mem>>) src(%dma_wait3A_291 : memref<16x128xf32, #tpu.memory_space<hbm>>) dst(%arg17 : memref<16x128xf32, #tpu.memory_space<vmem>>)
      %mul3A_292 = arith.constant 16 : i32
      %mul3A_293 = arith.muli %mul3A_273, %mul3A_292 : i32
      %dma_wait3A_294 = arith.constant 0 : i32
      %dma_wait3A_295 = arith.constant 0 : i32
      %dma_wait3A_296 = arith.constant 0 : i32
      %dma_wait3A_297 = tpu.memref_slice %arg19[%dma_wait3A_295, %dma_wait3A_296] : memref<160x128xf32, #tpu.memory_space<vmem>> -> memref<16x128xf32, #tpu.memory_space<vmem>>
      %dma_wait3A_298 = tpu.memref_slice %arg12[%dma_wait3A_294, %mul3A_293] : memref<10x512xi32, #tpu.memory_space<vmem>> -> memref<1x16xi32, #tpu.memory_space<vmem>>
      %dma_wait3A_299 = tpu.memref_squeeze %dma_wait3A_298 : memref<1x16xi32, #tpu.memory_space<vmem>> -> memref<16xi32, #tpu.memory_space<vmem>>
      %dma_wait3A_300 = arith.constant 0 : i32
      %dma_wait3A_301 = arith.constant 0 : i32
      %dma_wait3A_302 = tpu.memref_slice %arg4[%dma_wait3A_300, %dma_wait3A_301] : memref<1000000x128xf32, #tpu.memory_space<hbm>> -> memref<1000000x128xf32, #tpu.memory_space<hbm>>
      tpu.wait_indirect_dma semaphore(%arg24 : memref<!tpu.dma_semaphore, #tpu.memory_space<semaphore_mem>>) src(%dma_wait3A_302 : memref<1000000x128xf32, #tpu.memory_space<hbm>>) dst(%dma_wait3A_297 : memref<16x128xf32, #tpu.memory_space<vmem>>)
      %mul3A_303 = arith.constant 16 : i32
      %mul3A_304 = arith.muli %mul3A_273, %mul3A_303 : i32
      %dma_wait3A_305 = arith.constant 1 : i32
      %dma_wait3A_306 = arith.constant 16 : i32
      %dma_wait3A_307 = arith.constant 0 : i32
      %dma_wait3A_308 = tpu.memref_slice %arg19[%dma_wait3A_306, %dma_wait3A_307] : memref<160x128xf32, #tpu.memory_space<vmem>> -> memref<16x128xf32, #tpu.memory_space<vmem>>
      %dma_wait3A_309 = tpu.memref_slice %arg12[%dma_wait3A_305, %mul3A_304] : memref<10x512xi32, #tpu.memory_space<vmem>> -> memref<1x16xi32, #tpu.memory_space<vmem>>
      %dma_wait3A_310 = tpu.memref_squeeze %dma_wait3A_309 : memref<1x16xi32, #tpu.memory_space<vmem>> -> memref<16xi32, #tpu.memory_space<vmem>>
      %dma_wait3A_311 = arith.constant 0 : i32
      %dma_wait3A_312 = arith.constant 0 : i32
      %dma_wait3A_313 = tpu.memref_slice %arg4[%dma_wait3A_311, %dma_wait3A_312] : memref<1000000x128xf32, #tpu.memory_space<hbm>> -> memref<1000000x128xf32, #tpu.memory_space<hbm>>
      tpu.wait_indirect_dma semaphore(%arg24 : memref<!tpu.dma_semaphore, #tpu.memory_space<semaphore_mem>>) src(%dma_wait3A_313 : memref<1000000x128xf32, #tpu.memory_space<hbm>>) dst(%dma_wait3A_308 : memref<16x128xf32, #tpu.memory_space<vmem>>)
      %mul3A_314 = arith.constant 16 : i32
      %mul3A_315 = arith.muli %mul3A_273, %mul3A_314 : i32
      %dma_wait3A_316 = arith.constant 2 : i32
      %dma_wait3A_317 = arith.constant 32 : i32
      %dma_wait3A_318 = arith.constant 0 : i32
      %dma_wait3A_319 = tpu.memref_slice %arg19[%dma_wait3A_317, %dma_wait3A_318] : memref<160x128xf32, #tpu.memory_space<vmem>> -> memref<16x128xf32, #tpu.memory_space<vmem>>
      %dma_wait3A_320 = tpu.memref_slice %arg12[%dma_wait3A_316, %mul3A_315] : memref<10x512xi32, #tpu.memory_space<vmem>> -> memref<1x16xi32, #tpu.memory_space<vmem>>
      %dma_wait3A_321 = tpu.memref_squeeze %dma_wait3A_320 : memref<1x16xi32, #tpu.memory_space<vmem>> -> memref<16xi32, #tpu.memory_space<vmem>>
      %dma_wait3A_322 = arith.constant 0 : i32
      %dma_wait3A_323 = arith.constant 0 : i32
      %dma_wait3A_324 = tpu.memref_slice %arg4[%dma_wait3A_322, %dma_wait3A_323] : memref<1000000x128xf32, #tpu.memory_space<hbm>> -> memref<1000000x128xf32, #tpu.memory_space<hbm>>
      tpu.wait_indirect_dma semaphore(%arg24 : memref<!tpu.dma_semaphore, #tpu.memory_space<semaphore_mem>>) src(%dma_wait3A_324 : memref<1000000x128xf32, #tpu.memory_space<hbm>>) dst(%dma_wait3A_319 : memref<16x128xf32, #tpu.memory_space<vmem>>)
      %mul3A_325 = arith.constant 16 : i32
      %mul3A_326 = arith.muli %mul3A_273, %mul3A_325 : i32
      %dma_wait3A_327 = arith.constant 3 : i32
      %dma_wait3A_328 = arith.constant 48 : i32
      %dma_wait3A_329 = arith.constant 0 : i32
      %dma_wait3A_330 = tpu.memref_slice %arg19[%dma_wait3A_328, %dma_wait3A_329] : memref<160x128xf32, #tpu.memory_space<vmem>> -> memref<16x128xf32, #tpu.memory_space<vmem>>
      %dma_wait3A_331 = tpu.memref_slice %arg12[%dma_wait3A_327, %mul3A_326] : memref<10x512xi32, #tpu.memory_space<vmem>> -> memref<1x16xi32, #tpu.memory_space<vmem>>
      %dma_wait3A_332 = tpu.memref_squeeze %dma_wait3A_331 : memref<1x16xi32, #tpu.memory_space<vmem>> -> memref<16xi32, #tpu.memory_space<vmem>>
      %dma_wait3A_333 = arith.constant 0 : i32
      %dma_wait3A_334 = arith.constant 0 : i32
      %dma_wait3A_335 = tpu.memref_slice %arg4[%dma_wait3A_333, %dma_wait3A_334] : memref<1000000x128xf32, #tpu.memory_space<hbm>> -> memref<1000000x128xf32, #tpu.memory_space<hbm>>
      tpu.wait_indirect_dma semaphore(%arg24 : memref<!tpu.dma_semaphore, #tpu.memory_space<semaphore_mem>>) src(%dma_wait3A_335 : memref<1000000x128xf32, #tpu.memory_space<hbm>>) dst(%dma_wait3A_330 : memref<16x128xf32, #tpu.memory_space<vmem>>)
      %mul3A_336 = arith.constant 16 : i32
      %mul3A_337 = arith.muli %mul3A_273, %mul3A_336 : i32
      %dma_wait3A_338 = arith.constant 4 : i32
      %dma_wait3A_339 = arith.constant 64 : i32
      %dma_wait3A_340 = arith.constant 0 : i32
      %dma_wait3A_341 = tpu.memref_slice %arg19[%dma_wait3A_339, %dma_wait3A_340] : memref<160x128xf32, #tpu.memory_space<vmem>> -> memref<16x128xf32, #tpu.memory_space<vmem>>
      %dma_wait3A_342 = tpu.memref_slice %arg12[%dma_wait3A_338, %mul3A_337] : memref<10x512xi32, #tpu.memory_space<vmem>> -> memref<1x16xi32, #tpu.memory_space<vmem>>
      %dma_wait3A_343 = tpu.memref_squeeze %dma_wait3A_342 : memref<1x16xi32, #tpu.memory_space<vmem>> -> memref<16xi32, #tpu.memory_space<vmem>>
      %dma_wait3A_344 = arith.constant 0 : i32
      %dma_wait3A_345 = arith.constant 0 : i32
      %dma_wait3A_346 = tpu.memref_slice %arg4[%dma_wait3A_344, %dma_wait3A_345] : memref<1000000x128xf32, #tpu.memory_space<hbm>> -> memref<1000000x128xf32, #tpu.memory_space<hbm>>
      tpu.wait_indirect_dma semaphore(%arg24 : memref<!tpu.dma_semaphore, #tpu.memory_space<semaphore_mem>>) src(%dma_wait3A_346 : memref<1000000x128xf32, #tpu.memory_space<hbm>>) dst(%dma_wait3A_341 : memref<16x128xf32, #tpu.memory_space<vmem>>)
      %mul3A_347 = arith.constant 16 : i32
      %mul3A_348 = arith.muli %mul3A_273, %mul3A_347 : i32
      %dma_wait3A_349 = arith.constant 5 : i32
      %dma_wait3A_350 = arith.constant 80 : i32
      %dma_wait3A_351 = arith.constant 0 : i32
      %dma_wait3A_352 = tpu.memref_slice %arg19[%dma_wait3A_350, %dma_wait3A_351] : memref<160x128xf32, #tpu.memory_space<vmem>> -> memref<16x128xf32, #tpu.memory_space<vmem>>
      %dma_wait3A_353 = tpu.memref_slice %arg12[%dma_wait3A_349, %mul3A_348] : memref<10x512xi32, #tpu.memory_space<vmem>> -> memref<1x16xi32, #tpu.memory_space<vmem>>
      %dma_wait3A_354 = tpu.memref_squeeze %dma_wait3A_353 : memref<1x16xi32, #tpu.memory_space<vmem>> -> memref<16xi32, #tpu.memory_space<vmem>>
      %dma_wait3A_355 = arith.constant 0 : i32
      %dma_wait3A_356 = arith.constant 0 : i32
      %dma_wait3A_357 = tpu.memref_slice %arg4[%dma_wait3A_355, %dma_wait3A_356] : memref<1000000x128xf32, #tpu.memory_space<hbm>> -> memref<1000000x128xf32, #tpu.memory_space<hbm>>
      tpu.wait_indirect_dma semaphore(%arg24 : memref<!tpu.dma_semaphore, #tpu.memory_space<semaphore_mem>>) src(%dma_wait3A_357 : memref<1000000x128xf32, #tpu.memory_space<hbm>>) dst(%dma_wait3A_352 : memref<16x128xf32, #tpu.memory_space<vmem>>)
      %mul3A_358 = arith.constant 16 : i32
      %mul3A_359 = arith.muli %mul3A_273, %mul3A_358 : i32
      %dma_wait3A_360 = arith.constant 6 : i32
      %dma_wait3A_361 = arith.constant 96 : i32
      %dma_wait3A_362 = arith.constant 0 : i32
      %dma_wait3A_363 = tpu.memref_slice %arg19[%dma_wait3A_361, %dma_wait3A_362] : memref<160x128xf32, #tpu.memory_space<vmem>> -> memref<16x128xf32, #tpu.memory_space<vmem>>
      %dma_wait3A_364 = tpu.memref_slice %arg12[%dma_wait3A_360, %mul3A_359] : memref<10x512xi32, #tpu.memory_space<vmem>> -> memref<1x16xi32, #tpu.memory_space<vmem>>
      %dma_wait3A_365 = tpu.memref_squeeze %dma_wait3A_364 : memref<1x16xi32, #tpu.memory_space<vmem>> -> memref<16xi32, #tpu.memory_space<vmem>>
      %dma_wait3A_366 = arith.constant 0 : i32
      %dma_wait3A_367 = arith.constant 0 : i32
      %dma_wait3A_368 = tpu.memref_slice %arg4[%dma_wait3A_366, %dma_wait3A_367] : memref<1000000x128xf32, #tpu.memory_space<hbm>> -> memref<1000000x128xf32, #tpu.memory_space<hbm>>
      tpu.wait_indirect_dma semaphore(%arg24 : memref<!tpu.dma_semaphore, #tpu.memory_space<semaphore_mem>>) src(%dma_wait3A_368 : memref<1000000x128xf32, #tpu.memory_space<hbm>>) dst(%dma_wait3A_363 : memref<16x128xf32, #tpu.memory_space<vmem>>)
      %mul3A_369 = arith.constant 16 : i32
      %mul3A_370 = arith.muli %mul3A_273, %mul3A_369 : i32
      %dma_wait3A_371 = arith.constant 7 : i32
      %dma_wait3A_372 = arith.constant 112 : i32
      %dma_wait3A_373 = arith.constant 0 : i32
      %dma_wait3A_374 = tpu.memref_slice %arg19[%dma_wait3A_372, %dma_wait3A_373] : memref<160x128xf32, #tpu.memory_space<vmem>> -> memref<16x128xf32, #tpu.memory_space<vmem>>
      %dma_wait3A_375 = tpu.memref_slice %arg12[%dma_wait3A_371, %mul3A_370] : memref<10x512xi32, #tpu.memory_space<vmem>> -> memref<1x16xi32, #tpu.memory_space<vmem>>
      %dma_wait3A_376 = tpu.memref_squeeze %dma_wait3A_375 : memref<1x16xi32, #tpu.memory_space<vmem>> -> memref<16xi32, #tpu.memory_space<vmem>>
      %dma_wait3A_377 = arith.constant 0 : i32
      %dma_wait3A_378 = arith.constant 0 : i32
      %dma_wait3A_379 = tpu.memref_slice %arg4[%dma_wait3A_377, %dma_wait3A_378] : memref<1000000x128xf32, #tpu.memory_space<hbm>> -> memref<1000000x128xf32, #tpu.memory_space<hbm>>
      tpu.wait_indirect_dma semaphore(%arg24 : memref<!tpu.dma_semaphore, #tpu.memory_space<semaphore_mem>>) src(%dma_wait3A_379 : memref<1000000x128xf32, #tpu.memory_space<hbm>>) dst(%dma_wait3A_374 : memref<16x128xf32, #tpu.memory_space<vmem>>)
      %mul3A_380 = arith.constant 16 : i32
      %mul3A_381 = arith.muli %mul3A_273, %mul3A_380 : i32
      %dma_wait3A_382 = arith.constant 8 : i32
      %dma_wait3A_383 = arith.constant 128 : i32
      %dma_wait3A_384 = arith.constant 0 : i32
      %dma_wait3A_385 = tpu.memref_slice %arg19[%dma_wait3A_383, %dma_wait3A_384] : memref<160x128xf32, #tpu.memory_space<vmem>> -> memref<16x128xf32, #tpu.memory_space<vmem>>
      %dma_wait3A_386 = tpu.memref_slice %arg12[%dma_wait3A_382, %mul3A_381] : memref<10x512xi32, #tpu.memory_space<vmem>> -> memref<1x16xi32, #tpu.memory_space<vmem>>
      %dma_wait3A_387 = tpu.memref_squeeze %dma_wait3A_386 : memref<1x16xi32, #tpu.memory_space<vmem>> -> memref<16xi32, #tpu.memory_space<vmem>>
      %dma_wait3A_388 = arith.constant 0 : i32
      %dma_wait3A_389 = arith.constant 0 : i32
      %dma_wait3A_390 = tpu.memref_slice %arg4[%dma_wait3A_388, %dma_wait3A_389] : memref<1000000x128xf32, #tpu.memory_space<hbm>> -> memref<1000000x128xf32, #tpu.memory_space<hbm>>
      tpu.wait_indirect_dma semaphore(%arg24 : memref<!tpu.dma_semaphore, #tpu.memory_space<semaphore_mem>>) src(%dma_wait3A_390 : memref<1000000x128xf32, #tpu.memory_space<hbm>>) dst(%dma_wait3A_385 : memref<16x128xf32, #tpu.memory_space<vmem>>)
      %mul3A_391 = arith.constant 16 : i32
      %mul3A_392 = arith.muli %mul3A_273, %mul3A_391 : i32
      %dma_wait3A_393 = arith.constant 9 : i32
      %dma_wait3A_394 = arith.constant 144 : i32
      %dma_wait3A_395 = arith.constant 0 : i32
      %dma_wait3A_396 = tpu.memref_slice %arg19[%dma_wait3A_394, %dma_wait3A_395] : memref<160x128xf32, #tpu.memory_space<vmem>> -> memref<16x128xf32, #tpu.memory_space<vmem>>
      %dma_wait3A_397 = tpu.memref_slice %arg12[%dma_wait3A_393, %mul3A_392] : memref<10x512xi32, #tpu.memory_space<vmem>> -> memref<1x16xi32, #tpu.memory_space<vmem>>
      %dma_wait3A_398 = tpu.memref_squeeze %dma_wait3A_397 : memref<1x16xi32, #tpu.memory_space<vmem>> -> memref<16xi32, #tpu.memory_space<vmem>>
      %dma_wait3A_399 = arith.constant 0 : i32
      %dma_wait3A_400 = arith.constant 0 : i32
      %dma_wait3A_401 = tpu.memref_slice %arg4[%dma_wait3A_399, %dma_wait3A_400] : memref<1000000x128xf32, #tpu.memory_space<hbm>> -> memref<1000000x128xf32, #tpu.memory_space<hbm>>
      tpu.wait_indirect_dma semaphore(%arg24 : memref<!tpu.dma_semaphore, #tpu.memory_space<semaphore_mem>>) src(%dma_wait3A_401 : memref<1000000x128xf32, #tpu.memory_space<hbm>>) dst(%dma_wait3A_396 : memref<16x128xf32, #tpu.memory_space<vmem>>)
      %mul3A_402 = arith.constant 16 : i32
      %mul3A_403 = arith.muli %mul3A_273, %mul3A_402 : i32
      %broadcast_in_dim3A = arith.constant 0.000000e+00 : f32
      %broadcast_in_dim3A_404 = vector.broadcast %broadcast_in_dim3A : f32 to vector<16xf32>
      %broadcast_in_dim3A_405 = arith.constant 0.000000e+00 : f32
      %broadcast_in_dim3A_406 = vector.broadcast %broadcast_in_dim3A_405 : f32 to vector<16xf32>
      %broadcast_in_dim3A_407 = arith.constant 0.000000e+00 : f32
      %broadcast_in_dim3A_408 = vector.broadcast %broadcast_in_dim3A_407 : f32 to vector<16xf32>
      %broadcast_in_dim3A_409 = arith.constant 0.000000e+00 : f32
      %broadcast_in_dim3A_410 = vector.broadcast %broadcast_in_dim3A_409 : f32 to vector<16xf32>
      %broadcast_in_dim3A_411 = arith.constant 0.000000e+00 : f32
      %broadcast_in_dim3A_412 = vector.broadcast %broadcast_in_dim3A_411 : f32 to vector<16xf32>
      %broadcast_in_dim3A_413 = arith.constant 0.000000e+00 : f32
      %broadcast_in_dim3A_414 = vector.broadcast %broadcast_in_dim3A_413 : f32 to vector<16xf32>
      %broadcast_in_dim3A_415 = arith.constant 0.000000e+00 : f32
      %broadcast_in_dim3A_416 = vector.broadcast %broadcast_in_dim3A_415 : f32 to vector<16xf32>
      %broadcast_in_dim3A_417 = arith.constant 0.000000e+00 : f32
      %broadcast_in_dim3A_418 = vector.broadcast %broadcast_in_dim3A_417 : f32 to vector<16xf32>
      %broadcast_in_dim3A_419 = arith.constant 0.000000e+00 : f32
      %broadcast_in_dim3A_420 = vector.broadcast %broadcast_in_dim3A_419 : f32 to vector<16xf32>
      %broadcast_in_dim3A_421 = arith.constant 0.000000e+00 : f32
      %broadcast_in_dim3A_422 = vector.broadcast %broadcast_in_dim3A_421 : f32 to vector<16xf32>
      %broadcast_in_dim3A_423 = arith.constant 0.000000e+00 : f32
      %broadcast_in_dim3A_424 = vector.broadcast %broadcast_in_dim3A_423 : f32 to vector<16xf32>
      %scan3A_425 = arith.constant 0 : i32
      %scan3A_426 = arith.constant 16 : i32
      %scan3A_427 = arith.addi %scan3A_425, %scan3A_426 : i32
      %scan3A_428 = arith.constant 1 : i32
      %scan3A_429:11 = scf.for %scan3A_605 = %scan3A_425 to %scan3A_427 step %scan3A_428 iter_args(%scan3A_606 = %broadcast_in_dim3A_404, %scan3A_607 = %broadcast_in_dim3A_406, %scan3A_608 = %broadcast_in_dim3A_408, %scan3A_609 = %broadcast_in_dim3A_410, %scan3A_610 = %broadcast_in_dim3A_412, %scan3A_611 = %broadcast_in_dim3A_414, %scan3A_612 = %broadcast_in_dim3A_416, %scan3A_613 = %broadcast_in_dim3A_418, %scan3A_614 = %broadcast_in_dim3A_420, %scan3A_615 = %broadcast_in_dim3A_422, %scan3A_616 = %broadcast_in_dim3A_424) -> (vector<16xf32>, vector<16xf32>, vector<16xf32>, vector<16xf32>, vector<16xf32>, vector<16xf32>, vector<16xf32>, vector<16xf32>, vector<16xf32>, vector<16xf32>, vector<16xf32>)  : i32 {
        %get3A = arith.index_cast %scan3A_605 : i32 to index
        %get3A_617 = arith.constant 0 : index
        %get3A_618 = tpu.vector_load %arg13[%get3A, %get3A_617] {strides = array<i32>} : memref<16x128xf32, #tpu.memory_space<vmem>>, vector<16xf32>,
        %get3A_619 = arith.index_cast %scan3A_605 : i32 to index
        %get3A_620 = arith.constant 0 : index
        %get3A_621 = tpu.vector_load %arg17[%get3A_619, %get3A_620] {strides = array<i32>} : memref<16x128xf32, #tpu.memory_space<vmem>>, vector<16xf32>,
        %mul3A_622 = arith.mulf %get3A_618, %get3A_621 : vector<16xf32>
        %get3A_623 = arith.index_cast %scan3A_605 : i32 to index
        %get3A_624 = arith.constant 16 : index
        %get3A_625 = tpu.vector_load %arg13[%get3A_623, %get3A_624] {strides = array<i32>} : memref<16x128xf32, #tpu.memory_space<vmem>>, vector<16xf32>,
        %get3A_626 = arith.index_cast %scan3A_605 : i32 to index
        %get3A_627 = arith.constant 16 : index
        %get3A_628 = tpu.vector_load %arg17[%get3A_626, %get3A_627] {strides = array<i32>} : memref<16x128xf32, #tpu.memory_space<vmem>>, vector<16xf32>,
        %mul3A_629 = arith.mulf %get3A_625, %get3A_628 : vector<16xf32>
        %get3A_630 = arith.index_cast %scan3A_605 : i32 to index
        %get3A_631 = arith.constant 32 : index
        %get3A_632 = tpu.vector_load %arg13[%get3A_630, %get3A_631] {strides = array<i32>} : memref<16x128xf32, #tpu.memory_space<vmem>>, vector<16xf32>,
        %get3A_633 = arith.index_cast %scan3A_605 : i32 to index
        %get3A_634 = arith.constant 32 : index
        %get3A_635 = tpu.vector_load %arg17[%get3A_633, %get3A_634] {strides = array<i32>} : memref<16x128xf32, #tpu.memory_space<vmem>>, vector<16xf32>,
        %mul3A_636 = arith.mulf %get3A_632, %get3A_635 : vector<16xf32>
        %get3A_637 = arith.index_cast %scan3A_605 : i32 to index
        %get3A_638 = arith.constant 48 : index
        %get3A_639 = tpu.vector_load %arg13[%get3A_637, %get3A_638] {strides = array<i32>} : memref<16x128xf32, #tpu.memory_space<vmem>>, vector<16xf32>,
        %get3A_640 = arith.index_cast %scan3A_605 : i32 to index
        %get3A_641 = arith.constant 48 : index
        %get3A_642 = tpu.vector_load %arg17[%get3A_640, %get3A_641] {strides = array<i32>} : memref<16x128xf32, #tpu.memory_space<vmem>>, vector<16xf32>,
        %mul3A_643 = arith.mulf %get3A_639, %get3A_642 : vector<16xf32>
        %get3A_644 = arith.index_cast %scan3A_605 : i32 to index
        %get3A_645 = arith.constant 64 : index
        %get3A_646 = tpu.vector_load %arg13[%get3A_644, %get3A_645] {strides = array<i32>} : memref<16x128xf32, #tpu.memory_space<vmem>>, vector<16xf32>,
        %get3A_647 = arith.index_cast %scan3A_605 : i32 to index
        %get3A_648 = arith.constant 64 : index
        %get3A_649 = tpu.vector_load %arg17[%get3A_647, %get3A_648] {strides = array<i32>} : memref<16x128xf32, #tpu.memory_space<vmem>>, vector<16xf32>,
        %mul3A_650 = arith.mulf %get3A_646, %get3A_649 : vector<16xf32>
        %get3A_651 = arith.index_cast %scan3A_605 : i32 to index
        %get3A_652 = arith.constant 80 : index
        %get3A_653 = tpu.vector_load %arg13[%get3A_651, %get3A_652] {strides = array<i32>} : memref<16x128xf32, #tpu.memory_space<vmem>>, vector<16xf32>,
        %get3A_654 = arith.index_cast %scan3A_605 : i32 to index
        %get3A_655 = arith.constant 80 : index
        %get3A_656 = tpu.vector_load %arg17[%get3A_654, %get3A_655] {strides = array<i32>} : memref<16x128xf32, #tpu.memory_space<vmem>>, vector<16xf32>,
        %mul3A_657 = arith.mulf %get3A_653, %get3A_656 : vector<16xf32>
        %get3A_658 = arith.index_cast %scan3A_605 : i32 to index
        %get3A_659 = arith.constant 96 : index
        %get3A_660 = tpu.vector_load %arg13[%get3A_658, %get3A_659] {strides = array<i32>} : memref<16x128xf32, #tpu.memory_space<vmem>>, vector<16xf32>,
        %get3A_661 = arith.index_cast %scan3A_605 : i32 to index
        %get3A_662 = arith.constant 96 : index
        %get3A_663 = tpu.vector_load %arg17[%get3A_661, %get3A_662] {strides = array<i32>} : memref<16x128xf32, #tpu.memory_space<vmem>>, vector<16xf32>,
        %mul3A_664 = arith.mulf %get3A_660, %get3A_663 : vector<16xf32>
        %get3A_665 = arith.index_cast %scan3A_605 : i32 to index
        %get3A_666 = arith.constant 112 : index
        %get3A_667 = tpu.vector_load %arg13[%get3A_665, %get3A_666] {strides = array<i32>} : memref<16x128xf32, #tpu.memory_space<vmem>>, vector<16xf32>,
        %get3A_668 = arith.index_cast %scan3A_605 : i32 to index
        %get3A_669 = arith.constant 112 : index
        %get3A_670 = tpu.vector_load %arg17[%get3A_668, %get3A_669] {strides = array<i32>} : memref<16x128xf32, #tpu.memory_space<vmem>>, vector<16xf32>,
        %mul3A_671 = arith.mulf %get3A_667, %get3A_670 : vector<16xf32>
        %and3A = arith.constant 15 : i32
        %and3A_672 = arith.andi %scan3A_605, %and3A : i32
        %eq3A = vector.broadcast %and3A_672 : i32 to vector<16xi32>
        %eq3A_673 = arith.cmpi eq, %iota3A, %eq3A : vector<16xi32>
        %get3A_674 = arith.index_cast %scan3A_605 : i32 to index
        %get3A_675 = arith.constant 0 : index
        %get3A_676 = tpu.vector_load %arg15[%get3A_674, %get3A_675] {strides = array<i32>} : memref<16x128xf32, #tpu.memory_space<vmem>>, vector<16xf32>,
        %mul3A_677 = arith.mulf %mul3A_622, %get3A_676 : vector<16xf32>
        %get3A_678 = arith.index_cast %scan3A_605 : i32 to index
        %get3A_679 = arith.constant 16 : index
        %get3A_680 = tpu.vector_load %arg15[%get3A_678, %get3A_679] {strides = array<i32>} : memref<16x128xf32, #tpu.memory_space<vmem>>, vector<16xf32>,
        %mul3A_681 = arith.mulf %mul3A_629, %get3A_680 : vector<16xf32>
        %add3A_682 = arith.addf %mul3A_677, %mul3A_681 : vector<16xf32>
        %get3A_683 = arith.index_cast %scan3A_605 : i32 to index
        %get3A_684 = arith.constant 32 : index
        %get3A_685 = tpu.vector_load %arg15[%get3A_683, %get3A_684] {strides = array<i32>} : memref<16x128xf32, #tpu.memory_space<vmem>>, vector<16xf32>,
        %mul3A_686 = arith.mulf %mul3A_636, %get3A_685 : vector<16xf32>
        %add3A_687 = arith.addf %add3A_682, %mul3A_686 : vector<16xf32>
        %get3A_688 = arith.index_cast %scan3A_605 : i32 to index
        %get3A_689 = arith.constant 48 : index
        %get3A_690 = tpu.vector_load %arg15[%get3A_688, %get3A_689] {strides = array<i32>} : memref<16x128xf32, #tpu.memory_space<vmem>>, vector<16xf32>,
        %mul3A_691 = arith.mulf %mul3A_643, %get3A_690 : vector<16xf32>
        %add3A_692 = arith.addf %add3A_687, %mul3A_691 : vector<16xf32>
        %get3A_693 = arith.index_cast %scan3A_605 : i32 to index
        %get3A_694 = arith.constant 64 : index
        %get3A_695 = tpu.vector_load %arg15[%get3A_693, %get3A_694] {strides = array<i32>} : memref<16x128xf32, #tpu.memory_space<vmem>>, vector<16xf32>,
        %mul3A_696 = arith.mulf %mul3A_650, %get3A_695 : vector<16xf32>
        %add3A_697 = arith.addf %add3A_692, %mul3A_696 : vector<16xf32>
        %get3A_698 = arith.index_cast %scan3A_605 : i32 to index
        %get3A_699 = arith.constant 80 : index
        %get3A_700 = tpu.vector_load %arg15[%get3A_698, %get3A_699] {strides = array<i32>} : memref<16x128xf32, #tpu.memory_space<vmem>>, vector<16xf32>,
        %mul3A_701 = arith.mulf %mul3A_657, %get3A_700 : vector<16xf32>
        %add3A_702 = arith.addf %add3A_697, %mul3A_701 : vector<16xf32>
        %get3A_703 = arith.index_cast %scan3A_605 : i32 to index
        %get3A_704 = arith.constant 96 : index
        %get3A_705 = tpu.vector_load %arg15[%get3A_703, %get3A_704] {strides = array<i32>} : memref<16x128xf32, #tpu.memory_space<vmem>>, vector<16xf32>,
        %mul3A_706 = arith.mulf %mul3A_664, %get3A_705 : vector<16xf32>
        %add3A_707 = arith.addf %add3A_702, %mul3A_706 : vector<16xf32>
        %get3A_708 = arith.index_cast %scan3A_605 : i32 to index
        %get3A_709 = arith.constant 112 : index
        %get3A_710 = tpu.vector_load %arg15[%get3A_708, %get3A_709] {strides = array<i32>} : memref<16x128xf32, #tpu.memory_space<vmem>>, vector<16xf32>,
        %mul3A_711 = arith.mulf %mul3A_671, %get3A_710 : vector<16xf32>
        %add3A_712 = arith.addf %add3A_707, %mul3A_711 : vector<16xf32>
        %reduce_sum3A = arith.constant true
        %reduce_sum3A_713 = vector.broadcast %reduce_sum3A : i1 to vector<16xi1>
        %reduce_sum3A_714 = tpu.scan <sum>, %add3A_712 masked %reduce_sum3A_713 : vector<16xf32>, vector<16xi1> -> vector<16xf32>
        %reduce_sum3A_715 = vector.extract %reduce_sum3A_714[15] : f32 from vector<16xf32>
        %broadcast_in_dim3A_716 = vector.broadcast %reduce_sum3A_715 : f32 to vector<16xf32>
        %select_n3A = arith.select %eq3A_673, %broadcast_in_dim3A_716, %scan3A_606 : vector<16xi1>, vector<16xf32>
        %add3A_717 = arith.constant 0 : i32
        %add3A_718 = arith.addi %add3A_717, %scan3A_605 : i32
        %get3A_719 = arith.index_cast %add3A_718 : i32 to index
        %get3A_720 = arith.constant 0 : index
        %get3A_721 = tpu.vector_load %arg19[%get3A_719, %get3A_720] {strides = array<i32>} : memref<160x128xf32, #tpu.memory_space<vmem>>, vector<16xf32>,
        %mul3A_722 = arith.mulf %mul3A_622, %get3A_721 : vector<16xf32>
        %get3A_723 = arith.index_cast %add3A_718 : i32 to index
        %get3A_724 = arith.constant 16 : index
        %get3A_725 = tpu.vector_load %arg19[%get3A_723, %get3A_724] {strides = array<i32>} : memref<160x128xf32, #tpu.memory_space<vmem>>, vector<16xf32>,
        %mul3A_726 = arith.mulf %mul3A_629, %get3A_725 : vector<16xf32>
        %add3A_727 = arith.addf %mul3A_722, %mul3A_726 : vector<16xf32>
        %get3A_728 = arith.index_cast %add3A_718 : i32 to index
        %get3A_729 = arith.constant 32 : index
        %get3A_730 = tpu.vector_load %arg19[%get3A_728, %get3A_729] {strides = array<i32>} : memref<160x128xf32, #tpu.memory_space<vmem>>, vector<16xf32>,
        %mul3A_731 = arith.mulf %mul3A_636, %get3A_730 : vector<16xf32>
        %add3A_732 = arith.addf %add3A_727, %mul3A_731 : vector<16xf32>
        %get3A_733 = arith.index_cast %add3A_718 : i32 to index
        %get3A_734 = arith.constant 48 : index
        %get3A_735 = tpu.vector_load %arg19[%get3A_733, %get3A_734] {strides = array<i32>} : memref<160x128xf32, #tpu.memory_space<vmem>>, vector<16xf32>,
        %mul3A_736 = arith.mulf %mul3A_643, %get3A_735 : vector<16xf32>
        %add3A_737 = arith.addf %add3A_732, %mul3A_736 : vector<16xf32>
        %get3A_738 = arith.index_cast %add3A_718 : i32 to index
        %get3A_739 = arith.constant 64 : index
        %get3A_740 = tpu.vector_load %arg19[%get3A_738, %get3A_739] {strides = array<i32>} : memref<160x128xf32, #tpu.memory_space<vmem>>, vector<16xf32>,
        %mul3A_741 = arith.mulf %mul3A_650, %get3A_740 : vector<16xf32>
        %add3A_742 = arith.addf %add3A_737, %mul3A_741 : vector<16xf32>
        %get3A_743 = arith.index_cast %add3A_718 : i32 to index
        %get3A_744 = arith.constant 80 : index
        %get3A_745 = tpu.vector_load %arg19[%get3A_743, %get3A_744] {strides = array<i32>} : memref<160x128xf32, #tpu.memory_space<vmem>>, vector<16xf32>,
        %mul3A_746 = arith.mulf %mul3A_657, %get3A_745 : vector<16xf32>
        %add3A_747 = arith.addf %add3A_742, %mul3A_746 : vector<16xf32>
        %get3A_748 = arith.index_cast %add3A_718 : i32 to index
        %get3A_749 = arith.constant 96 : index
        %get3A_750 = tpu.vector_load %arg19[%get3A_748, %get3A_749] {strides = array<i32>} : memref<160x128xf32, #tpu.memory_space<vmem>>, vector<16xf32>,
        %mul3A_751 = arith.mulf %mul3A_664, %get3A_750 : vector<16xf32>
        %add3A_752 = arith.addf %add3A_747, %mul3A_751 : vector<16xf32>
        %get3A_753 = arith.index_cast %add3A_718 : i32 to index
        %get3A_754 = arith.constant 112 : index
        %get3A_755 = tpu.vector_load %arg19[%get3A_753, %get3A_754] {strides = array<i32>} : memref<160x128xf32, #tpu.memory_space<vmem>>, vector<16xf32>,
        %mul3A_756 = arith.mulf %mul3A_671, %get3A_755 : vector<16xf32>
        %add3A_757 = arith.addf %add3A_752, %mul3A_756 : vector<16xf32>
        %reduce_sum3A_758 = arith.constant true
        %reduce_sum3A_759 = vector.broadcast %reduce_sum3A_758 : i1 to vector<16xi1>
        %reduce_sum3A_760 = tpu.scan <sum>, %add3A_757 masked %reduce_sum3A_759 : vector<16xf32>, vector<16xi1> -> vector<16xf32>
        %reduce_sum3A_761 = vector.extract %reduce_sum3A_760[15] : f32 from vector<16xf32>
        %broadcast_in_dim3A_762 = vector.broadcast %reduce_sum3A_761 : f32 to vector<16xf32>
        %select_n3A_763 = arith.select %eq3A_673, %broadcast_in_dim3A_762, %scan3A_607 : vector<16xi1>, vector<16xf32>
        %add3A_764 = arith.constant 16 : i32
        %add3A_765 = arith.addi %add3A_764, %scan3A_605 : i32
        %get3A_766 = arith.index_cast %add3A_765 : i32 to index
        %get3A_767 = arith.constant 0 : index
        %get3A_768 = tpu.vector_load %arg19[%get3A_766, %get3A_767] {strides = array<i32>} : memref<160x128xf32, #tpu.memory_space<vmem>>, vector<16xf32>,
        %mul3A_769 = arith.mulf %mul3A_622, %get3A_768 : vector<16xf32>
        %get3A_770 = arith.index_cast %add3A_765 : i32 to index
        %get3A_771 = arith.constant 16 : index
        %get3A_772 = tpu.vector_load %arg19[%get3A_770, %get3A_771] {strides = array<i32>} : memref<160x128xf32, #tpu.memory_space<vmem>>, vector<16xf32>,
        %mul3A_773 = arith.mulf %mul3A_629, %get3A_772 : vector<16xf32>
        %add3A_774 = arith.addf %mul3A_769, %mul3A_773 : vector<16xf32>
        %get3A_775 = arith.index_cast %add3A_765 : i32 to index
        %get3A_776 = arith.constant 32 : index
        %get3A_777 = tpu.vector_load %arg19[%get3A_775, %get3A_776] {strides = array<i32>} : memref<160x128xf32, #tpu.memory_space<vmem>>, vector<16xf32>,
        %mul3A_778 = arith.mulf %mul3A_636, %get3A_777 : vector<16xf32>
        %add3A_779 = arith.addf %add3A_774, %mul3A_778 : vector<16xf32>
        %get3A_780 = arith.index_cast %add3A_765 : i32 to index
        %get3A_781 = arith.constant 48 : index
        %get3A_782 = tpu.vector_load %arg19[%get3A_780, %get3A_781] {strides = array<i32>} : memref<160x128xf32, #tpu.memory_space<vmem>>, vector<16xf32>,
        %mul3A_783 = arith.mulf %mul3A_643, %get3A_782 : vector<16xf32>
        %add3A_784 = arith.addf %add3A_779, %mul3A_783 : vector<16xf32>
        %get3A_785 = arith.index_cast %add3A_765 : i32 to index
        %get3A_786 = arith.constant 64 : index
        %get3A_787 = tpu.vector_load %arg19[%get3A_785, %get3A_786] {strides = array<i32>} : memref<160x128xf32, #tpu.memory_space<vmem>>, vector<16xf32>,
        %mul3A_788 = arith.mulf %mul3A_650, %get3A_787 : vector<16xf32>
        %add3A_789 = arith.addf %add3A_784, %mul3A_788 : vector<16xf32>
        %get3A_790 = arith.index_cast %add3A_765 : i32 to index
        %get3A_791 = arith.constant 80 : index
        %get3A_792 = tpu.vector_load %arg19[%get3A_790, %get3A_791] {strides = array<i32>} : memref<160x128xf32, #tpu.memory_space<vmem>>, vector<16xf32>,
        %mul3A_793 = arith.mulf %mul3A_657, %get3A_792 : vector<16xf32>
        %add3A_794 = arith.addf %add3A_789, %mul3A_793 : vector<16xf32>
        %get3A_795 = arith.index_cast %add3A_765 : i32 to index
        %get3A_796 = arith.constant 96 : index
        %get3A_797 = tpu.vector_load %arg19[%get3A_795, %get3A_796] {strides = array<i32>} : memref<160x128xf32, #tpu.memory_space<vmem>>, vector<16xf32>,
        %mul3A_798 = arith.mulf %mul3A_664, %get3A_797 : vector<16xf32>
        %add3A_799 = arith.addf %add3A_794, %mul3A_798 : vector<16xf32>
        %get3A_800 = arith.index_cast %add3A_765 : i32 to index
        %get3A_801 = arith.constant 112 : index
        %get3A_802 = tpu.vector_load %arg19[%get3A_800, %get3A_801] {strides = array<i32>} : memref<160x128xf32, #tpu.memory_space<vmem>>, vector<16xf32>,
        %mul3A_803 = arith.mulf %mul3A_671, %get3A_802 : vector<16xf32>
        %add3A_804 = arith.addf %add3A_799, %mul3A_803 : vector<16xf32>
        %reduce_sum3A_805 = arith.constant true
        %reduce_sum3A_806 = vector.broadcast %reduce_sum3A_805 : i1 to vector<16xi1>
        %reduce_sum3A_807 = tpu.scan <sum>, %add3A_804 masked %reduce_sum3A_806 : vector<16xf32>, vector<16xi1> -> vector<16xf32>
        %reduce_sum3A_808 = vector.extract %reduce_sum3A_807[15] : f32 from vector<16xf32>
        %broadcast_in_dim3A_809 = vector.broadcast %reduce_sum3A_808 : f32 to vector<16xf32>
        %select_n3A_810 = arith.select %eq3A_673, %broadcast_in_dim3A_809, %scan3A_608 : vector<16xi1>, vector<16xf32>
        %add3A_811 = arith.constant 32 : i32
        %add3A_812 = arith.addi %add3A_811, %scan3A_605 : i32
        %get3A_813 = arith.index_cast %add3A_812 : i32 to index
        %get3A_814 = arith.constant 0 : index
        %get3A_815 = tpu.vector_load %arg19[%get3A_813, %get3A_814] {strides = array<i32>} : memref<160x128xf32, #tpu.memory_space<vmem>>, vector<16xf32>,
        %mul3A_816 = arith.mulf %mul3A_622, %get3A_815 : vector<16xf32>
        %get3A_817 = arith.index_cast %add3A_812 : i32 to index
        %get3A_818 = arith.constant 16 : index
        %get3A_819 = tpu.vector_load %arg19[%get3A_817, %get3A_818] {strides = array<i32>} : memref<160x128xf32, #tpu.memory_space<vmem>>, vector<16xf32>,
        %mul3A_820 = arith.mulf %mul3A_629, %get3A_819 : vector<16xf32>
        %add3A_821 = arith.addf %mul3A_816, %mul3A_820 : vector<16xf32>
        %get3A_822 = arith.index_cast %add3A_812 : i32 to index
        %get3A_823 = arith.constant 32 : index
        %get3A_824 = tpu.vector_load %arg19[%get3A_822, %get3A_823] {strides = array<i32>} : memref<160x128xf32, #tpu.memory_space<vmem>>, vector<16xf32>,
        %mul3A_825 = arith.mulf %mul3A_636, %get3A_824 : vector<16xf32>
        %add3A_826 = arith.addf %add3A_821, %mul3A_825 : vector<16xf32>
        %get3A_827 = arith.index_cast %add3A_812 : i32 to index
        %get3A_828 = arith.constant 48 : index
        %get3A_829 = tpu.vector_load %arg19[%get3A_827, %get3A_828] {strides = array<i32>} : memref<160x128xf32, #tpu.memory_space<vmem>>, vector<16xf32>,
        %mul3A_830 = arith.mulf %mul3A_643, %get3A_829 : vector<16xf32>
        %add3A_831 = arith.addf %add3A_826, %mul3A_830 : vector<16xf32>
        %get3A_832 = arith.index_cast %add3A_812 : i32 to index
        %get3A_833 = arith.constant 64 : index
        %get3A_834 = tpu.vector_load %arg19[%get3A_832, %get3A_833] {strides = array<i32>} : memref<160x128xf32, #tpu.memory_space<vmem>>, vector<16xf32>,
        %mul3A_835 = arith.mulf %mul3A_650, %get3A_834 : vector<16xf32>
        %add3A_836 = arith.addf %add3A_831, %mul3A_835 : vector<16xf32>
        %get3A_837 = arith.index_cast %add3A_812 : i32 to index
        %get3A_838 = arith.constant 80 : index
        %get3A_839 = tpu.vector_load %arg19[%get3A_837, %get3A_838] {strides = array<i32>} : memref<160x128xf32, #tpu.memory_space<vmem>>, vector<16xf32>,
        %mul3A_840 = arith.mulf %mul3A_657, %get3A_839 : vector<16xf32>
        %add3A_841 = arith.addf %add3A_836, %mul3A_840 : vector<16xf32>
        %get3A_842 = arith.index_cast %add3A_812 : i32 to index
        %get3A_843 = arith.constant 96 : index
        %get3A_844 = tpu.vector_load %arg19[%get3A_842, %get3A_843] {strides = array<i32>} : memref<160x128xf32, #tpu.memory_space<vmem>>, vector<16xf32>,
        %mul3A_845 = arith.mulf %mul3A_664, %get3A_844 : vector<16xf32>
        %add3A_846 = arith.addf %add3A_841, %mul3A_845 : vector<16xf32>
        %get3A_847 = arith.index_cast %add3A_812 : i32 to index
        %get3A_848 = arith.constant 112 : index
        %get3A_849 = tpu.vector_load %arg19[%get3A_847, %get3A_848] {strides = array<i32>} : memref<160x128xf32, #tpu.memory_space<vmem>>, vector<16xf32>,
        %mul3A_850 = arith.mulf %mul3A_671, %get3A_849 : vector<16xf32>
        %add3A_851 = arith.addf %add3A_846, %mul3A_850 : vector<16xf32>
        %reduce_sum3A_852 = arith.constant true
        %reduce_sum3A_853 = vector.broadcast %reduce_sum3A_852 : i1 to vector<16xi1>
        %reduce_sum3A_854 = tpu.scan <sum>, %add3A_851 masked %reduce_sum3A_853 : vector<16xf32>, vector<16xi1> -> vector<16xf32>
        %reduce_sum3A_855 = vector.extract %reduce_sum3A_854[15] : f32 from vector<16xf32>
        %broadcast_in_dim3A_856 = vector.broadcast %reduce_sum3A_855 : f32 to vector<16xf32>
        %select_n3A_857 = arith.select %eq3A_673, %broadcast_in_dim3A_856, %scan3A_609 : vector<16xi1>, vector<16xf32>
        %add3A_858 = arith.constant 48 : i32
        %add3A_859 = arith.addi %add3A_858, %scan3A_605 : i32
        %get3A_860 = arith.index_cast %add3A_859 : i32 to index
        %get3A_861 = arith.constant 0 : index
        %get3A_862 = tpu.vector_load %arg19[%get3A_860, %get3A_861] {strides = array<i32>} : memref<160x128xf32, #tpu.memory_space<vmem>>, vector<16xf32>,
        %mul3A_863 = arith.mulf %mul3A_622, %get3A_862 : vector<16xf32>
        %get3A_864 = arith.index_cast %add3A_859 : i32 to index
        %get3A_865 = arith.constant 16 : index
        %get3A_866 = tpu.vector_load %arg19[%get3A_864, %get3A_865] {strides = array<i32>} : memref<160x128xf32, #tpu.memory_space<vmem>>, vector<16xf32>,
        %mul3A_867 = arith.mulf %mul3A_629, %get3A_866 : vector<16xf32>
        %add3A_868 = arith.addf %mul3A_863, %mul3A_867 : vector<16xf32>
        %get3A_869 = arith.index_cast %add3A_859 : i32 to index
        %get3A_870 = arith.constant 32 : index
        %get3A_871 = tpu.vector_load %arg19[%get3A_869, %get3A_870] {strides = array<i32>} : memref<160x128xf32, #tpu.memory_space<vmem>>, vector<16xf32>,
        %mul3A_872 = arith.mulf %mul3A_636, %get3A_871 : vector<16xf32>
        %add3A_873 = arith.addf %add3A_868, %mul3A_872 : vector<16xf32>
        %get3A_874 = arith.index_cast %add3A_859 : i32 to index
        %get3A_875 = arith.constant 48 : index
        %get3A_876 = tpu.vector_load %arg19[%get3A_874, %get3A_875] {strides = array<i32>} : memref<160x128xf32, #tpu.memory_space<vmem>>, vector<16xf32>,
        %mul3A_877 = arith.mulf %mul3A_643, %get3A_876 : vector<16xf32>
        %add3A_878 = arith.addf %add3A_873, %mul3A_877 : vector<16xf32>
        %get3A_879 = arith.index_cast %add3A_859 : i32 to index
        %get3A_880 = arith.constant 64 : index
        %get3A_881 = tpu.vector_load %arg19[%get3A_879, %get3A_880] {strides = array<i32>} : memref<160x128xf32, #tpu.memory_space<vmem>>, vector<16xf32>,
        %mul3A_882 = arith.mulf %mul3A_650, %get3A_881 : vector<16xf32>
        %add3A_883 = arith.addf %add3A_878, %mul3A_882 : vector<16xf32>
        %get3A_884 = arith.index_cast %add3A_859 : i32 to index
        %get3A_885 = arith.constant 80 : index
        %get3A_886 = tpu.vector_load %arg19[%get3A_884, %get3A_885] {strides = array<i32>} : memref<160x128xf32, #tpu.memory_space<vmem>>, vector<16xf32>,
        %mul3A_887 = arith.mulf %mul3A_657, %get3A_886 : vector<16xf32>
        %add3A_888 = arith.addf %add3A_883, %mul3A_887 : vector<16xf32>
        %get3A_889 = arith.index_cast %add3A_859 : i32 to index
        %get3A_890 = arith.constant 96 : index
        %get3A_891 = tpu.vector_load %arg19[%get3A_889, %get3A_890] {strides = array<i32>} : memref<160x128xf32, #tpu.memory_space<vmem>>, vector<16xf32>,
        %mul3A_892 = arith.mulf %mul3A_664, %get3A_891 : vector<16xf32>
        %add3A_893 = arith.addf %add3A_888, %mul3A_892 : vector<16xf32>
        %get3A_894 = arith.index_cast %add3A_859 : i32 to index
        %get3A_895 = arith.constant 112 : index
        %get3A_896 = tpu.vector_load %arg19[%get3A_894, %get3A_895] {strides = array<i32>} : memref<160x128xf32, #tpu.memory_space<vmem>>, vector<16xf32>,
        %mul3A_897 = arith.mulf %mul3A_671, %get3A_896 : vector<16xf32>
        %add3A_898 = arith.addf %add3A_893, %mul3A_897 : vector<16xf32>
        %reduce_sum3A_899 = arith.constant true
        %reduce_sum3A_900 = vector.broadcast %reduce_sum3A_899 : i1 to vector<16xi1>
        %reduce_sum3A_901 = tpu.scan <sum>, %add3A_898 masked %reduce_sum3A_900 : vector<16xf32>, vector<16xi1> -> vector<16xf32>
        %reduce_sum3A_902 = vector.extract %reduce_sum3A_901[15] : f32 from vector<16xf32>
        %broadcast_in_dim3A_903 = vector.broadcast %reduce_sum3A_902 : f32 to vector<16xf32>
        %select_n3A_904 = arith.select %eq3A_673, %broadcast_in_dim3A_903, %scan3A_610 : vector<16xi1>, vector<16xf32>
        %add3A_905 = arith.constant 64 : i32
        %add3A_906 = arith.addi %add3A_905, %scan3A_605 : i32
        %get3A_907 = arith.index_cast %add3A_906 : i32 to index
        %get3A_908 = arith.constant 0 : index
        %get3A_909 = tpu.vector_load %arg19[%get3A_907, %get3A_908] {strides = array<i32>} : memref<160x128xf32, #tpu.memory_space<vmem>>, vector<16xf32>,
        %mul3A_910 = arith.mulf %mul3A_622, %get3A_909 : vector<16xf32>
        %get3A_911 = arith.index_cast %add3A_906 : i32 to index
        %get3A_912 = arith.constant 16 : index
        %get3A_913 = tpu.vector_load %arg19[%get3A_911, %get3A_912] {strides = array<i32>} : memref<160x128xf32, #tpu.memory_space<vmem>>, vector<16xf32>,
        %mul3A_914 = arith.mulf %mul3A_629, %get3A_913 : vector<16xf32>
        %add3A_915 = arith.addf %mul3A_910, %mul3A_914 : vector<16xf32>
        %get3A_916 = arith.index_cast %add3A_906 : i32 to index
        %get3A_917 = arith.constant 32 : index
        %get3A_918 = tpu.vector_load %arg19[%get3A_916, %get3A_917] {strides = array<i32>} : memref<160x128xf32, #tpu.memory_space<vmem>>, vector<16xf32>,
        %mul3A_919 = arith.mulf %mul3A_636, %get3A_918 : vector<16xf32>
        %add3A_920 = arith.addf %add3A_915, %mul3A_919 : vector<16xf32>
        %get3A_921 = arith.index_cast %add3A_906 : i32 to index
        %get3A_922 = arith.constant 48 : index
        %get3A_923 = tpu.vector_load %arg19[%get3A_921, %get3A_922] {strides = array<i32>} : memref<160x128xf32, #tpu.memory_space<vmem>>, vector<16xf32>,
        %mul3A_924 = arith.mulf %mul3A_643, %get3A_923 : vector<16xf32>
        %add3A_925 = arith.addf %add3A_920, %mul3A_924 : vector<16xf32>
        %get3A_926 = arith.index_cast %add3A_906 : i32 to index
        %get3A_927 = arith.constant 64 : index
        %get3A_928 = tpu.vector_load %arg19[%get3A_926, %get3A_927] {strides = array<i32>} : memref<160x128xf32, #tpu.memory_space<vmem>>, vector<16xf32>,
        %mul3A_929 = arith.mulf %mul3A_650, %get3A_928 : vector<16xf32>
        %add3A_930 = arith.addf %add3A_925, %mul3A_929 : vector<16xf32>
        %get3A_931 = arith.index_cast %add3A_906 : i32 to index
        %get3A_932 = arith.constant 80 : index
        %get3A_933 = tpu.vector_load %arg19[%get3A_931, %get3A_932] {strides = array<i32>} : memref<160x128xf32, #tpu.memory_space<vmem>>, vector<16xf32>,
        %mul3A_934 = arith.mulf %mul3A_657, %get3A_933 : vector<16xf32>
        %add3A_935 = arith.addf %add3A_930, %mul3A_934 : vector<16xf32>
        %get3A_936 = arith.index_cast %add3A_906 : i32 to index
        %get3A_937 = arith.constant 96 : index
        %get3A_938 = tpu.vector_load %arg19[%get3A_936, %get3A_937] {strides = array<i32>} : memref<160x128xf32, #tpu.memory_space<vmem>>, vector<16xf32>,
        %mul3A_939 = arith.mulf %mul3A_664, %get3A_938 : vector<16xf32>
        %add3A_940 = arith.addf %add3A_935, %mul3A_939 : vector<16xf32>
        %get3A_941 = arith.index_cast %add3A_906 : i32 to index
        %get3A_942 = arith.constant 112 : index
        %get3A_943 = tpu.vector_load %arg19[%get3A_941, %get3A_942] {strides = array<i32>} : memref<160x128xf32, #tpu.memory_space<vmem>>, vector<16xf32>,
        %mul3A_944 = arith.mulf %mul3A_671, %get3A_943 : vector<16xf32>
        %add3A_945 = arith.addf %add3A_940, %mul3A_944 : vector<16xf32>
        %reduce_sum3A_946 = arith.constant true
        %reduce_sum3A_947 = vector.broadcast %reduce_sum3A_946 : i1 to vector<16xi1>
        %reduce_sum3A_948 = tpu.scan <sum>, %add3A_945 masked %reduce_sum3A_947 : vector<16xf32>, vector<16xi1> -> vector<16xf32>
        %reduce_sum3A_949 = vector.extract %reduce_sum3A_948[15] : f32 from vector<16xf32>
        %broadcast_in_dim3A_950 = vector.broadcast %reduce_sum3A_949 : f32 to vector<16xf32>
        %select_n3A_951 = arith.select %eq3A_673, %broadcast_in_dim3A_950, %scan3A_611 : vector<16xi1>, vector<16xf32>
        %add3A_952 = arith.constant 80 : i32
        %add3A_953 = arith.addi %add3A_952, %scan3A_605 : i32
        %get3A_954 = arith.index_cast %add3A_953 : i32 to index
        %get3A_955 = arith.constant 0 : index
        %get3A_956 = tpu.vector_load %arg19[%get3A_954, %get3A_955] {strides = array<i32>} : memref<160x128xf32, #tpu.memory_space<vmem>>, vector<16xf32>,
        %mul3A_957 = arith.mulf %mul3A_622, %get3A_956 : vector<16xf32>
        %get3A_958 = arith.index_cast %add3A_953 : i32 to index
        %get3A_959 = arith.constant 16 : index
        %get3A_960 = tpu.vector_load %arg19[%get3A_958, %get3A_959] {strides = array<i32>} : memref<160x128xf32, #tpu.memory_space<vmem>>, vector<16xf32>,
        %mul3A_961 = arith.mulf %mul3A_629, %get3A_960 : vector<16xf32>
        %add3A_962 = arith.addf %mul3A_957, %mul3A_961 : vector<16xf32>
        %get3A_963 = arith.index_cast %add3A_953 : i32 to index
        %get3A_964 = arith.constant 32 : index
        %get3A_965 = tpu.vector_load %arg19[%get3A_963, %get3A_964] {strides = array<i32>} : memref<160x128xf32, #tpu.memory_space<vmem>>, vector<16xf32>,
        %mul3A_966 = arith.mulf %mul3A_636, %get3A_965 : vector<16xf32>
        %add3A_967 = arith.addf %add3A_962, %mul3A_966 : vector<16xf32>
        %get3A_968 = arith.index_cast %add3A_953 : i32 to index
        %get3A_969 = arith.constant 48 : index
        %get3A_970 = tpu.vector_load %arg19[%get3A_968, %get3A_969] {strides = array<i32>} : memref<160x128xf32, #tpu.memory_space<vmem>>, vector<16xf32>,
        %mul3A_971 = arith.mulf %mul3A_643, %get3A_970 : vector<16xf32>
        %add3A_972 = arith.addf %add3A_967, %mul3A_971 : vector<16xf32>
        %get3A_973 = arith.index_cast %add3A_953 : i32 to index
        %get3A_974 = arith.constant 64 : index
        %get3A_975 = tpu.vector_load %arg19[%get3A_973, %get3A_974] {strides = array<i32>} : memref<160x128xf32, #tpu.memory_space<vmem>>, vector<16xf32>,
        %mul3A_976 = arith.mulf %mul3A_650, %get3A_975 : vector<16xf32>
        %add3A_977 = arith.addf %add3A_972, %mul3A_976 : vector<16xf32>
        %get3A_978 = arith.index_cast %add3A_953 : i32 to index
        %get3A_979 = arith.constant 80 : index
        %get3A_980 = tpu.vector_load %arg19[%get3A_978, %get3A_979] {strides = array<i32>} : memref<160x128xf32, #tpu.memory_space<vmem>>, vector<16xf32>,
        %mul3A_981 = arith.mulf %mul3A_657, %get3A_980 : vector<16xf32>
        %add3A_982 = arith.addf %add3A_977, %mul3A_981 : vector<16xf32>
        %get3A_983 = arith.index_cast %add3A_953 : i32 to index
        %get3A_984 = arith.constant 96 : index
        %get3A_985 = tpu.vector_load %arg19[%get3A_983, %get3A_984] {strides = array<i32>} : memref<160x128xf32, #tpu.memory_space<vmem>>, vector<16xf32>,
        %mul3A_986 = arith.mulf %mul3A_664, %get3A_985 : vector<16xf32>
        %add3A_987 = arith.addf %add3A_982, %mul3A_986 : vector<16xf32>
        %get3A_988 = arith.index_cast %add3A_953 : i32 to index
        %get3A_989 = arith.constant 112 : index
        %get3A_990 = tpu.vector_load %arg19[%get3A_988, %get3A_989] {strides = array<i32>} : memref<160x128xf32, #tpu.memory_space<vmem>>, vector<16xf32>,
        %mul3A_991 = arith.mulf %mul3A_671, %get3A_990 : vector<16xf32>
        %add3A_992 = arith.addf %add3A_987, %mul3A_991 : vector<16xf32>
        %reduce_sum3A_993 = arith.constant true
        %reduce_sum3A_994 = vector.broadcast %reduce_sum3A_993 : i1 to vector<16xi1>
        %reduce_sum3A_995 = tpu.scan <sum>, %add3A_992 masked %reduce_sum3A_994 : vector<16xf32>, vector<16xi1> -> vector<16xf32>
        %reduce_sum3A_996 = vector.extract %reduce_sum3A_995[15] : f32 from vector<16xf32>
        %broadcast_in_dim3A_997 = vector.broadcast %reduce_sum3A_996 : f32 to vector<16xf32>
        %select_n3A_998 = arith.select %eq3A_673, %broadcast_in_dim3A_997, %scan3A_612 : vector<16xi1>, vector<16xf32>
        %add3A_999 = arith.constant 96 : i32
        %add3A_1000 = arith.addi %add3A_999, %scan3A_605 : i32
        %get3A_1001 = arith.index_cast %add3A_1000 : i32 to index
        %get3A_1002 = arith.constant 0 : index
        %get3A_1003 = tpu.vector_load %arg19[%get3A_1001, %get3A_1002] {strides = array<i32>} : memref<160x128xf32, #tpu.memory_space<vmem>>, vector<16xf32>,
        %mul3A_1004 = arith.mulf %mul3A_622, %get3A_1003 : vector<16xf32>
        %get3A_1005 = arith.index_cast %add3A_1000 : i32 to index
        %get3A_1006 = arith.constant 16 : index
        %get3A_1007 = tpu.vector_load %arg19[%get3A_1005, %get3A_1006] {strides = array<i32>} : memref<160x128xf32, #tpu.memory_space<vmem>>, vector<16xf32>,
        %mul3A_1008 = arith.mulf %mul3A_629, %get3A_1007 : vector<16xf32>
        %add3A_1009 = arith.addf %mul3A_1004, %mul3A_1008 : vector<16xf32>
        %get3A_1010 = arith.index_cast %add3A_1000 : i32 to index
        %get3A_1011 = arith.constant 32 : index
        %get3A_1012 = tpu.vector_load %arg19[%get3A_1010, %get3A_1011] {strides = array<i32>} : memref<160x128xf32, #tpu.memory_space<vmem>>, vector<16xf32>,
        %mul3A_1013 = arith.mulf %mul3A_636, %get3A_1012 : vector<16xf32>
        %add3A_1014 = arith.addf %add3A_1009, %mul3A_1013 : vector<16xf32>
        %get3A_1015 = arith.index_cast %add3A_1000 : i32 to index
        %get3A_1016 = arith.constant 48 : index
        %get3A_1017 = tpu.vector_load %arg19[%get3A_1015, %get3A_1016] {strides = array<i32>} : memref<160x128xf32, #tpu.memory_space<vmem>>, vector<16xf32>,
        %mul3A_1018 = arith.mulf %mul3A_643, %get3A_1017 : vector<16xf32>
        %add3A_1019 = arith.addf %add3A_1014, %mul3A_1018 : vector<16xf32>
        %get3A_1020 = arith.index_cast %add3A_1000 : i32 to index
        %get3A_1021 = arith.constant 64 : index
        %get3A_1022 = tpu.vector_load %arg19[%get3A_1020, %get3A_1021] {strides = array<i32>} : memref<160x128xf32, #tpu.memory_space<vmem>>, vector<16xf32>,
        %mul3A_1023 = arith.mulf %mul3A_650, %get3A_1022 : vector<16xf32>
        %add3A_1024 = arith.addf %add3A_1019, %mul3A_1023 : vector<16xf32>
        %get3A_1025 = arith.index_cast %add3A_1000 : i32 to index
        %get3A_1026 = arith.constant 80 : index
        %get3A_1027 = tpu.vector_load %arg19[%get3A_1025, %get3A_1026] {strides = array<i32>} : memref<160x128xf32, #tpu.memory_space<vmem>>, vector<16xf32>,
        %mul3A_1028 = arith.mulf %mul3A_657, %get3A_1027 : vector<16xf32>
        %add3A_1029 = arith.addf %add3A_1024, %mul3A_1028 : vector<16xf32>
        %get3A_1030 = arith.index_cast %add3A_1000 : i32 to index
        %get3A_1031 = arith.constant 96 : index
        %get3A_1032 = tpu.vector_load %arg19[%get3A_1030, %get3A_1031] {strides = array<i32>} : memref<160x128xf32, #tpu.memory_space<vmem>>, vector<16xf32>,
        %mul3A_1033 = arith.mulf %mul3A_664, %get3A_1032 : vector<16xf32>
        %add3A_1034 = arith.addf %add3A_1029, %mul3A_1033 : vector<16xf32>
        %get3A_1035 = arith.index_cast %add3A_1000 : i32 to index
        %get3A_1036 = arith.constant 112 : index
        %get3A_1037 = tpu.vector_load %arg19[%get3A_1035, %get3A_1036] {strides = array<i32>} : memref<160x128xf32, #tpu.memory_space<vmem>>, vector<16xf32>,
        %mul3A_1038 = arith.mulf %mul3A_671, %get3A_1037 : vector<16xf32>
        %add3A_1039 = arith.addf %add3A_1034, %mul3A_1038 : vector<16xf32>
        %reduce_sum3A_1040 = arith.constant true
        %reduce_sum3A_1041 = vector.broadcast %reduce_sum3A_1040 : i1 to vector<16xi1>
        %reduce_sum3A_1042 = tpu.scan <sum>, %add3A_1039 masked %reduce_sum3A_1041 : vector<16xf32>, vector<16xi1> -> vector<16xf32>
        %reduce_sum3A_1043 = vector.extract %reduce_sum3A_1042[15] : f32 from vector<16xf32>
        %broadcast_in_dim3A_1044 = vector.broadcast %reduce_sum3A_1043 : f32 to vector<16xf32>
        %select_n3A_1045 = arith.select %eq3A_673, %broadcast_in_dim3A_1044, %scan3A_613 : vector<16xi1>, vector<16xf32>
        %add3A_1046 = arith.constant 112 : i32
        %add3A_1047 = arith.addi %add3A_1046, %scan3A_605 : i32
        %get3A_1048 = arith.index_cast %add3A_1047 : i32 to index
        %get3A_1049 = arith.constant 0 : index
        %get3A_1050 = tpu.vector_load %arg19[%get3A_1048, %get3A_1049] {strides = array<i32>} : memref<160x128xf32, #tpu.memory_space<vmem>>, vector<16xf32>,
        %mul3A_1051 = arith.mulf %mul3A_622, %get3A_1050 : vector<16xf32>
        %get3A_1052 = arith.index_cast %add3A_1047 : i32 to index
        %get3A_1053 = arith.constant 16 : index
        %get3A_1054 = tpu.vector_load %arg19[%get3A_1052, %get3A_1053] {strides = array<i32>} : memref<160x128xf32, #tpu.memory_space<vmem>>, vector<16xf32>,
        %mul3A_1055 = arith.mulf %mul3A_629, %get3A_1054 : vector<16xf32>
        %add3A_1056 = arith.addf %mul3A_1051, %mul3A_1055 : vector<16xf32>
        %get3A_1057 = arith.index_cast %add3A_1047 : i32 to index
        %get3A_1058 = arith.constant 32 : index
        %get3A_1059 = tpu.vector_load %arg19[%get3A_1057, %get3A_1058] {strides = array<i32>} : memref<160x128xf32, #tpu.memory_space<vmem>>, vector<16xf32>,
        %mul3A_1060 = arith.mulf %mul3A_636, %get3A_1059 : vector<16xf32>
        %add3A_1061 = arith.addf %add3A_1056, %mul3A_1060 : vector<16xf32>
        %get3A_1062 = arith.index_cast %add3A_1047 : i32 to index
        %get3A_1063 = arith.constant 48 : index
        %get3A_1064 = tpu.vector_load %arg19[%get3A_1062, %get3A_1063] {strides = array<i32>} : memref<160x128xf32, #tpu.memory_space<vmem>>, vector<16xf32>,
        %mul3A_1065 = arith.mulf %mul3A_643, %get3A_1064 : vector<16xf32>
        %add3A_1066 = arith.addf %add3A_1061, %mul3A_1065 : vector<16xf32>
        %get3A_1067 = arith.index_cast %add3A_1047 : i32 to index
        %get3A_1068 = arith.constant 64 : index
        %get3A_1069 = tpu.vector_load %arg19[%get3A_1067, %get3A_1068] {strides = array<i32>} : memref<160x128xf32, #tpu.memory_space<vmem>>, vector<16xf32>,
        %mul3A_1070 = arith.mulf %mul3A_650, %get3A_1069 : vector<16xf32>
        %add3A_1071 = arith.addf %add3A_1066, %mul3A_1070 : vector<16xf32>
        %get3A_1072 = arith.index_cast %add3A_1047 : i32 to index
        %get3A_1073 = arith.constant 80 : index
        %get3A_1074 = tpu.vector_load %arg19[%get3A_1072, %get3A_1073] {strides = array<i32>} : memref<160x128xf32, #tpu.memory_space<vmem>>, vector<16xf32>,
        %mul3A_1075 = arith.mulf %mul3A_657, %get3A_1074 : vector<16xf32>
        %add3A_1076 = arith.addf %add3A_1071, %mul3A_1075 : vector<16xf32>
        %get3A_1077 = arith.index_cast %add3A_1047 : i32 to index
        %get3A_1078 = arith.constant 96 : index
        %get3A_1079 = tpu.vector_load %arg19[%get3A_1077, %get3A_1078] {strides = array<i32>} : memref<160x128xf32, #tpu.memory_space<vmem>>, vector<16xf32>,
        %mul3A_1080 = arith.mulf %mul3A_664, %get3A_1079 : vector<16xf32>
        %add3A_1081 = arith.addf %add3A_1076, %mul3A_1080 : vector<16xf32>
        %get3A_1082 = arith.index_cast %add3A_1047 : i32 to index
        %get3A_1083 = arith.constant 112 : index
        %get3A_1084 = tpu.vector_load %arg19[%get3A_1082, %get3A_1083] {strides = array<i32>} : memref<160x128xf32, #tpu.memory_space<vmem>>, vector<16xf32>,
        %mul3A_1085 = arith.mulf %mul3A_671, %get3A_1084 : vector<16xf32>
        %add3A_1086 = arith.addf %add3A_1081, %mul3A_1085 : vector<16xf32>
        %reduce_sum3A_1087 = arith.constant true
        %reduce_sum3A_1088 = vector.broadcast %reduce_sum3A_1087 : i1 to vector<16xi1>
        %reduce_sum3A_1089 = tpu.scan <sum>, %add3A_1086 masked %reduce_sum3A_1088 : vector<16xf32>, vector<16xi1> -> vector<16xf32>
        %reduce_sum3A_1090 = vector.extract %reduce_sum3A_1089[15] : f32 from vector<16xf32>
        %broadcast_in_dim3A_1091 = vector.broadcast %reduce_sum3A_1090 : f32 to vector<16xf32>
        %select_n3A_1092 = arith.select %eq3A_673, %broadcast_in_dim3A_1091, %scan3A_614 : vector<16xi1>, vector<16xf32>
        %add3A_1093 = arith.constant 128 : i32
        %add3A_1094 = arith.addi %add3A_1093, %scan3A_605 : i32
        %get3A_1095 = arith.index_cast %add3A_1094 : i32 to index
        %get3A_1096 = arith.constant 0 : index
        %get3A_1097 = tpu.vector_load %arg19[%get3A_1095, %get3A_1096] {strides = array<i32>} : memref<160x128xf32, #tpu.memory_space<vmem>>, vector<16xf32>,
        %mul3A_1098 = arith.mulf %mul3A_622, %get3A_1097 : vector<16xf32>
        %get3A_1099 = arith.index_cast %add3A_1094 : i32 to index
        %get3A_1100 = arith.constant 16 : index
        %get3A_1101 = tpu.vector_load %arg19[%get3A_1099, %get3A_1100] {strides = array<i32>} : memref<160x128xf32, #tpu.memory_space<vmem>>, vector<16xf32>,
        %mul3A_1102 = arith.mulf %mul3A_629, %get3A_1101 : vector<16xf32>
        %add3A_1103 = arith.addf %mul3A_1098, %mul3A_1102 : vector<16xf32>
        %get3A_1104 = arith.index_cast %add3A_1094 : i32 to index
        %get3A_1105 = arith.constant 32 : index
        %get3A_1106 = tpu.vector_load %arg19[%get3A_1104, %get3A_1105] {strides = array<i32>} : memref<160x128xf32, #tpu.memory_space<vmem>>, vector<16xf32>,
        %mul3A_1107 = arith.mulf %mul3A_636, %get3A_1106 : vector<16xf32>
        %add3A_1108 = arith.addf %add3A_1103, %mul3A_1107 : vector<16xf32>
        %get3A_1109 = arith.index_cast %add3A_1094 : i32 to index
        %get3A_1110 = arith.constant 48 : index
        %get3A_1111 = tpu.vector_load %arg19[%get3A_1109, %get3A_1110] {strides = array<i32>} : memref<160x128xf32, #tpu.memory_space<vmem>>, vector<16xf32>,
        %mul3A_1112 = arith.mulf %mul3A_643, %get3A_1111 : vector<16xf32>
        %add3A_1113 = arith.addf %add3A_1108, %mul3A_1112 : vector<16xf32>
        %get3A_1114 = arith.index_cast %add3A_1094 : i32 to index
        %get3A_1115 = arith.constant 64 : index
        %get3A_1116 = tpu.vector_load %arg19[%get3A_1114, %get3A_1115] {strides = array<i32>} : memref<160x128xf32, #tpu.memory_space<vmem>>, vector<16xf32>,
        %mul3A_1117 = arith.mulf %mul3A_650, %get3A_1116 : vector<16xf32>
        %add3A_1118 = arith.addf %add3A_1113, %mul3A_1117 : vector<16xf32>
        %get3A_1119 = arith.index_cast %add3A_1094 : i32 to index
        %get3A_1120 = arith.constant 80 : index
        %get3A_1121 = tpu.vector_load %arg19[%get3A_1119, %get3A_1120] {strides = array<i32>} : memref<160x128xf32, #tpu.memory_space<vmem>>, vector<16xf32>,
        %mul3A_1122 = arith.mulf %mul3A_657, %get3A_1121 : vector<16xf32>
        %add3A_1123 = arith.addf %add3A_1118, %mul3A_1122 : vector<16xf32>
        %get3A_1124 = arith.index_cast %add3A_1094 : i32 to index
        %get3A_1125 = arith.constant 96 : index
        %get3A_1126 = tpu.vector_load %arg19[%get3A_1124, %get3A_1125] {strides = array<i32>} : memref<160x128xf32, #tpu.memory_space<vmem>>, vector<16xf32>,
        %mul3A_1127 = arith.mulf %mul3A_664, %get3A_1126 : vector<16xf32>
        %add3A_1128 = arith.addf %add3A_1123, %mul3A_1127 : vector<16xf32>
        %get3A_1129 = arith.index_cast %add3A_1094 : i32 to index
        %get3A_1130 = arith.constant 112 : index
        %get3A_1131 = tpu.vector_load %arg19[%get3A_1129, %get3A_1130] {strides = array<i32>} : memref<160x128xf32, #tpu.memory_space<vmem>>, vector<16xf32>,
        %mul3A_1132 = arith.mulf %mul3A_671, %get3A_1131 : vector<16xf32>
        %add3A_1133 = arith.addf %add3A_1128, %mul3A_1132 : vector<16xf32>
        %reduce_sum3A_1134 = arith.constant true
        %reduce_sum3A_1135 = vector.broadcast %reduce_sum3A_1134 : i1 to vector<16xi1>
        %reduce_sum3A_1136 = tpu.scan <sum>, %add3A_1133 masked %reduce_sum3A_1135 : vector<16xf32>, vector<16xi1> -> vector<16xf32>
        %reduce_sum3A_1137 = vector.extract %reduce_sum3A_1136[15] : f32 from vector<16xf32>
        %broadcast_in_dim3A_1138 = vector.broadcast %reduce_sum3A_1137 : f32 to vector<16xf32>
        %select_n3A_1139 = arith.select %eq3A_673, %broadcast_in_dim3A_1138, %scan3A_615 : vector<16xi1>, vector<16xf32>
        %add3A_1140 = arith.constant 144 : i32
        %add3A_1141 = arith.addi %add3A_1140, %scan3A_605 : i32
        %get3A_1142 = arith.index_cast %add3A_1141 : i32 to index
        %get3A_1143 = arith.constant 0 : index
        %get3A_1144 = tpu.vector_load %arg19[%get3A_1142, %get3A_1143] {strides = array<i32>} : memref<160x128xf32, #tpu.memory_space<vmem>>, vector<16xf32>,
        %mul3A_1145 = arith.mulf %mul3A_622, %get3A_1144 : vector<16xf32>
        %get3A_1146 = arith.index_cast %add3A_1141 : i32 to index
        %get3A_1147 = arith.constant 16 : index
        %get3A_1148 = tpu.vector_load %arg19[%get3A_1146, %get3A_1147] {strides = array<i32>} : memref<160x128xf32, #tpu.memory_space<vmem>>, vector<16xf32>,
        %mul3A_1149 = arith.mulf %mul3A_629, %get3A_1148 : vector<16xf32>
        %add3A_1150 = arith.addf %mul3A_1145, %mul3A_1149 : vector<16xf32>
        %get3A_1151 = arith.index_cast %add3A_1141 : i32 to index
        %get3A_1152 = arith.constant 32 : index
        %get3A_1153 = tpu.vector_load %arg19[%get3A_1151, %get3A_1152] {strides = array<i32>} : memref<160x128xf32, #tpu.memory_space<vmem>>, vector<16xf32>,
        %mul3A_1154 = arith.mulf %mul3A_636, %get3A_1153 : vector<16xf32>
        %add3A_1155 = arith.addf %add3A_1150, %mul3A_1154 : vector<16xf32>
        %get3A_1156 = arith.index_cast %add3A_1141 : i32 to index
        %get3A_1157 = arith.constant 48 : index
        %get3A_1158 = tpu.vector_load %arg19[%get3A_1156, %get3A_1157] {strides = array<i32>} : memref<160x128xf32, #tpu.memory_space<vmem>>, vector<16xf32>,
        %mul3A_1159 = arith.mulf %mul3A_643, %get3A_1158 : vector<16xf32>
        %add3A_1160 = arith.addf %add3A_1155, %mul3A_1159 : vector<16xf32>
        %get3A_1161 = arith.index_cast %add3A_1141 : i32 to index
        %get3A_1162 = arith.constant 64 : index
        %get3A_1163 = tpu.vector_load %arg19[%get3A_1161, %get3A_1162] {strides = array<i32>} : memref<160x128xf32, #tpu.memory_space<vmem>>, vector<16xf32>,
        %mul3A_1164 = arith.mulf %mul3A_650, %get3A_1163 : vector<16xf32>
        %add3A_1165 = arith.addf %add3A_1160, %mul3A_1164 : vector<16xf32>
        %get3A_1166 = arith.index_cast %add3A_1141 : i32 to index
        %get3A_1167 = arith.constant 80 : index
        %get3A_1168 = tpu.vector_load %arg19[%get3A_1166, %get3A_1167] {strides = array<i32>} : memref<160x128xf32, #tpu.memory_space<vmem>>, vector<16xf32>,
        %mul3A_1169 = arith.mulf %mul3A_657, %get3A_1168 : vector<16xf32>
        %add3A_1170 = arith.addf %add3A_1165, %mul3A_1169 : vector<16xf32>
        %get3A_1171 = arith.index_cast %add3A_1141 : i32 to index
        %get3A_1172 = arith.constant 96 : index
        %get3A_1173 = tpu.vector_load %arg19[%get3A_1171, %get3A_1172] {strides = array<i32>} : memref<160x128xf32, #tpu.memory_space<vmem>>, vector<16xf32>,
        %mul3A_1174 = arith.mulf %mul3A_664, %get3A_1173 : vector<16xf32>
        %add3A_1175 = arith.addf %add3A_1170, %mul3A_1174 : vector<16xf32>
        %get3A_1176 = arith.index_cast %add3A_1141 : i32 to index
        %get3A_1177 = arith.constant 112 : index
        %get3A_1178 = tpu.vector_load %arg19[%get3A_1176, %get3A_1177] {strides = array<i32>} : memref<160x128xf32, #tpu.memory_space<vmem>>, vector<16xf32>,
        %mul3A_1179 = arith.mulf %mul3A_671, %get3A_1178 : vector<16xf32>
        %add3A_1180 = arith.addf %add3A_1175, %mul3A_1179 : vector<16xf32>
        %reduce_sum3A_1181 = arith.constant true
        %reduce_sum3A_1182 = vector.broadcast %reduce_sum3A_1181 : i1 to vector<16xi1>
        %reduce_sum3A_1183 = tpu.scan <sum>, %add3A_1180 masked %reduce_sum3A_1182 : vector<16xf32>, vector<16xi1> -> vector<16xf32>
        %reduce_sum3A_1184 = vector.extract %reduce_sum3A_1183[15] : f32 from vector<16xf32>
        %broadcast_in_dim3A_1185 = vector.broadcast %reduce_sum3A_1184 : f32 to vector<16xf32>
        %select_n3A_1186 = arith.select %eq3A_673, %broadcast_in_dim3A_1185, %scan3A_616 : vector<16xi1>, vector<16xf32>
        %and3A_1187 = arith.constant 15 : i32
        %and3A_1188 = arith.andi %scan3A_605, %and3A_1187 : i32
        %eq3A_1189 = arith.constant 15 : i32
        %eq3A_1190 = arith.cmpi eq, %and3A_1188, %eq3A_1189 : i32
        %convert_element_type3A_1191 = arith.extui %eq3A_1190 : i1 to i32
        %cond3A_1192 = arith.constant 0 : i32
        %cond3A_1193 = arith.cmpi ne, %convert_element_type3A_1191, %cond3A_1192 : i32
        scf.if %cond3A_1193 {
          %add3A_1226 = arith.addi %mul3A_403, %scan3A_605 : i32
          %sub3A = arith.constant 15 : i32
          %sub3A_1227 = arith.subi %add3A_1226, %sub3A : i32
          %swap3A = arith.index_cast %sub3A_1227 : i32 to index
          %swap3A_1228 = tpu.vector_load %arg21[%swap3A] {strides = array<i32>} : memref<512xf32, #tpu.memory_space<vmem>>, vector<16xf32>,
          tpu.vector_store %arg21[%swap3A], %select_n3A {strides = array<i32>} : memref<512xf32, #tpu.memory_space<vmem>>, vector<16xf32>,
          %add3A_1229 = arith.addi %mul3A_403, %scan3A_605 : i32
          %sub3A_1230 = arith.constant 15 : i32
          %sub3A_1231 = arith.subi %add3A_1229, %sub3A_1230 : i32
          %swap3A_1232 = arith.constant 0 : i32
          %swap3A_1233 = arith.index_cast %swap3A_1232 : i32 to index
          %swap3A_1234 = arith.index_cast %sub3A_1231 : i32 to index
          %swap3A_1235 = tpu.vector_load %arg22[%swap3A_1233, %swap3A_1234] {strides = array<i32>} : memref<10x512xf32, #tpu.memory_space<vmem>>, vector<16xf32>,
          tpu.vector_store %arg22[%swap3A_1233, %swap3A_1234], %select_n3A_763 {strides = array<i32>} : memref<10x512xf32, #tpu.memory_space<vmem>>, vector<16xf32>,
          %add3A_1236 = arith.addi %mul3A_403, %scan3A_605 : i32
          %sub3A_1237 = arith.constant 15 : i32
          %sub3A_1238 = arith.subi %add3A_1236, %sub3A_1237 : i32
          %swap3A_1239 = arith.constant 1 : i32
          %swap3A_1240 = arith.index_cast %swap3A_1239 : i32 to index
          %swap3A_1241 = arith.index_cast %sub3A_1238 : i32 to index
          %swap3A_1242 = tpu.vector_load %arg22[%swap3A_1240, %swap3A_1241] {strides = array<i32>} : memref<10x512xf32, #tpu.memory_space<vmem>>, vector<16xf32>,
          tpu.vector_store %arg22[%swap3A_1240, %swap3A_1241], %select_n3A_810 {strides = array<i32>} : memref<10x512xf32, #tpu.memory_space<vmem>>, vector<16xf32>,
          %add3A_1243 = arith.addi %mul3A_403, %scan3A_605 : i32
          %sub3A_1244 = arith.constant 15 : i32
          %sub3A_1245 = arith.subi %add3A_1243, %sub3A_1244 : i32
          %swap3A_1246 = arith.constant 2 : i32
          %swap3A_1247 = arith.index_cast %swap3A_1246 : i32 to index
          %swap3A_1248 = arith.index_cast %sub3A_1245 : i32 to index
          %swap3A_1249 = tpu.vector_load %arg22[%swap3A_1247, %swap3A_1248] {strides = array<i32>} : memref<10x512xf32, #tpu.memory_space<vmem>>, vector<16xf32>,
          tpu.vector_store %arg22[%swap3A_1247, %swap3A_1248], %select_n3A_857 {strides = array<i32>} : memref<10x512xf32, #tpu.memory_space<vmem>>, vector<16xf32>,
          %add3A_1250 = arith.addi %mul3A_403, %scan3A_605 : i32
          %sub3A_1251 = arith.constant 15 : i32
          %sub3A_1252 = arith.subi %add3A_1250, %sub3A_1251 : i32
          %swap3A_1253 = arith.constant 3 : i32
          %swap3A_1254 = arith.index_cast %swap3A_1253 : i32 to index
          %swap3A_1255 = arith.index_cast %sub3A_1252 : i32 to index
          %swap3A_1256 = tpu.vector_load %arg22[%swap3A_1254, %swap3A_1255] {strides = array<i32>} : memref<10x512xf32, #tpu.memory_space<vmem>>, vector<16xf32>,
          tpu.vector_store %arg22[%swap3A_1254, %swap3A_1255], %select_n3A_904 {strides = array<i32>} : memref<10x512xf32, #tpu.memory_space<vmem>>, vector<16xf32>,
          %add3A_1257 = arith.addi %mul3A_403, %scan3A_605 : i32
          %sub3A_1258 = arith.constant 15 : i32
          %sub3A_1259 = arith.subi %add3A_1257, %sub3A_1258 : i32
          %swap3A_1260 = arith.constant 4 : i32
          %swap3A_1261 = arith.index_cast %swap3A_1260 : i32 to index
          %swap3A_1262 = arith.index_cast %sub3A_1259 : i32 to index
          %swap3A_1263 = tpu.vector_load %arg22[%swap3A_1261, %swap3A_1262] {strides = array<i32>} : memref<10x512xf32, #tpu.memory_space<vmem>>, vector<16xf32>,
          tpu.vector_store %arg22[%swap3A_1261, %swap3A_1262], %select_n3A_951 {strides = array<i32>} : memref<10x512xf32, #tpu.memory_space<vmem>>, vector<16xf32>,
          %add3A_1264 = arith.addi %mul3A_403, %scan3A_605 : i32
          %sub3A_1265 = arith.constant 15 : i32
          %sub3A_1266 = arith.subi %add3A_1264, %sub3A_1265 : i32
          %swap3A_1267 = arith.constant 5 : i32
          %swap3A_1268 = arith.index_cast %swap3A_1267 : i32 to index
          %swap3A_1269 = arith.index_cast %sub3A_1266 : i32 to index
          %swap3A_1270 = tpu.vector_load %arg22[%swap3A_1268, %swap3A_1269] {strides = array<i32>} : memref<10x512xf32, #tpu.memory_space<vmem>>, vector<16xf32>,
          tpu.vector_store %arg22[%swap3A_1268, %swap3A_1269], %select_n3A_998 {strides = array<i32>} : memref<10x512xf32, #tpu.memory_space<vmem>>, vector<16xf32>,
          %add3A_1271 = arith.addi %mul3A_403, %scan3A_605 : i32
          %sub3A_1272 = arith.constant 15 : i32
          %sub3A_1273 = arith.subi %add3A_1271, %sub3A_1272 : i32
          %swap3A_1274 = arith.constant 6 : i32
          %swap3A_1275 = arith.index_cast %swap3A_1274 : i32 to index
          %swap3A_1276 = arith.index_cast %sub3A_1273 : i32 to index
          %swap3A_1277 = tpu.vector_load %arg22[%swap3A_1275, %swap3A_1276] {strides = array<i32>} : memref<10x512xf32, #tpu.memory_space<vmem>>, vector<16xf32>,
          tpu.vector_store %arg22[%swap3A_1275, %swap3A_1276], %select_n3A_1045 {strides = array<i32>} : memref<10x512xf32, #tpu.memory_space<vmem>>, vector<16xf32>,
          %add3A_1278 = arith.addi %mul3A_403, %scan3A_605 : i32
          %sub3A_1279 = arith.constant 15 : i32
          %sub3A_1280 = arith.subi %add3A_1278, %sub3A_1279 : i32
          %swap3A_1281 = arith.constant 7 : i32
          %swap3A_1282 = arith.index_cast %swap3A_1281 : i32 to index
          %swap3A_1283 = arith.index_cast %sub3A_1280 : i32 to index
          %swap3A_1284 = tpu.vector_load %arg22[%swap3A_1282, %swap3A_1283] {strides = array<i32>} : memref<10x512xf32, #tpu.memory_space<vmem>>, vector<16xf32>,
          tpu.vector_store %arg22[%swap3A_1282, %swap3A_1283], %select_n3A_1092 {strides = array<i32>} : memref<10x512xf32, #tpu.memory_space<vmem>>, vector<16xf32>,
          %add3A_1285 = arith.addi %mul3A_403, %scan3A_605 : i32
          %sub3A_1286 = arith.constant 15 : i32
          %sub3A_1287 = arith.subi %add3A_1285, %sub3A_1286 : i32
          %swap3A_1288 = arith.constant 8 : i32
          %swap3A_1289 = arith.index_cast %swap3A_1288 : i32 to index
          %swap3A_1290 = arith.index_cast %sub3A_1287 : i32 to index
          %swap3A_1291 = tpu.vector_load %arg22[%swap3A_1289, %swap3A_1290] {strides = array<i32>} : memref<10x512xf32, #tpu.memory_space<vmem>>, vector<16xf32>,
          tpu.vector_store %arg22[%swap3A_1289, %swap3A_1290], %select_n3A_1139 {strides = array<i32>} : memref<10x512xf32, #tpu.memory_space<vmem>>, vector<16xf32>,
          %add3A_1292 = arith.addi %mul3A_403, %scan3A_605 : i32
          %sub3A_1293 = arith.constant 15 : i32
          %sub3A_1294 = arith.subi %add3A_1292, %sub3A_1293 : i32
          %swap3A_1295 = arith.constant 9 : i32
          %swap3A_1296 = arith.index_cast %swap3A_1295 : i32 to index
          %swap3A_1297 = arith.index_cast %sub3A_1294 : i32 to index
          %swap3A_1298 = tpu.vector_load %arg22[%swap3A_1296, %swap3A_1297] {strides = array<i32>} : memref<10x512xf32, #tpu.memory_space<vmem>>, vector<16xf32>,
          tpu.vector_store %arg22[%swap3A_1296, %swap3A_1297], %select_n3A_1186 {strides = array<i32>} : memref<10x512xf32, #tpu.memory_space<vmem>>, vector<16xf32>,
        } else {
        }
        %jit3A = arith.constant 0.000000e+00 : f32
        %broadcast_in_dim3A_1194 = vector.broadcast %jit3A : f32 to vector<16xf32>
        %select_n3A_1195 = arith.select %eq3A_1190, %broadcast_in_dim3A_1194, %select_n3A : vector<16xf32>
        %jit3A_1196 = arith.constant 0.000000e+00 : f32
        %broadcast_in_dim3A_1197 = vector.broadcast %jit3A_1196 : f32 to vector<16xf32>
        %select_n3A_1198 = arith.select %eq3A_1190, %broadcast_in_dim3A_1197, %select_n3A_763 : vector<16xf32>
        %jit3A_1199 = arith.constant 0.000000e+00 : f32
        %broadcast_in_dim3A_1200 = vector.broadcast %jit3A_1199 : f32 to vector<16xf32>
        %select_n3A_1201 = arith.select %eq3A_1190, %broadcast_in_dim3A_1200, %select_n3A_810 : vector<16xf32>
        %jit3A_1202 = arith.constant 0.000000e+00 : f32
        %broadcast_in_dim3A_1203 = vector.broadcast %jit3A_1202 : f32 to vector<16xf32>
        %select_n3A_1204 = arith.select %eq3A_1190, %broadcast_in_dim3A_1203, %select_n3A_857 : vector<16xf32>
        %jit3A_1205 = arith.constant 0.000000e+00 : f32
        %broadcast_in_dim3A_1206 = vector.broadcast %jit3A_1205 : f32 to vector<16xf32>
        %select_n3A_1207 = arith.select %eq3A_1190, %broadcast_in_dim3A_1206, %select_n3A_904 : vector<16xf32>
        %jit3A_1208 = arith.constant 0.000000e+00 : f32
        %broadcast_in_dim3A_1209 = vector.broadcast %jit3A_1208 : f32 to vector<16xf32>
        %select_n3A_1210 = arith.select %eq3A_1190, %broadcast_in_dim3A_1209, %select_n3A_951 : vector<16xf32>
        %jit3A_1211 = arith.constant 0.000000e+00 : f32
        %broadcast_in_dim3A_1212 = vector.broadcast %jit3A_1211 : f32 to vector<16xf32>
        %select_n3A_1213 = arith.select %eq3A_1190, %broadcast_in_dim3A_1212, %select_n3A_998 : vector<16xf32>
        %jit3A_1214 = arith.constant 0.000000e+00 : f32
        %broadcast_in_dim3A_1215 = vector.broadcast %jit3A_1214 : f32 to vector<16xf32>
        %select_n3A_1216 = arith.select %eq3A_1190, %broadcast_in_dim3A_1215, %select_n3A_1045 : vector<16xf32>
        %jit3A_1217 = arith.constant 0.000000e+00 : f32
        %broadcast_in_dim3A_1218 = vector.broadcast %jit3A_1217 : f32 to vector<16xf32>
        %select_n3A_1219 = arith.select %eq3A_1190, %broadcast_in_dim3A_1218, %select_n3A_1092 : vector<16xf32>
        %jit3A_1220 = arith.constant 0.000000e+00 : f32
        %broadcast_in_dim3A_1221 = vector.broadcast %jit3A_1220 : f32 to vector<16xf32>
        %select_n3A_1222 = arith.select %eq3A_1190, %broadcast_in_dim3A_1221, %select_n3A_1139 : vector<16xf32>
        %jit3A_1223 = arith.constant 0.000000e+00 : f32
        %broadcast_in_dim3A_1224 = vector.broadcast %jit3A_1223 : f32 to vector<16xf32>
        %select_n3A_1225 = arith.select %eq3A_1190, %broadcast_in_dim3A_1224, %select_n3A_1186 : vector<16xf32>
        scf.yield %select_n3A_1195, %select_n3A_1198, %select_n3A_1201, %select_n3A_1204, %select_n3A_1207, %select_n3A_1210, %select_n3A_1213, %select_n3A_1216, %select_n3A_1219, %select_n3A_1222, %select_n3A_1225 : vector<16xf32>, vector<16xf32>, vector<16xf32>, vector<16xf32>, vector<16xf32>, vector<16xf32>, vector<16xf32>, vector<16xf32>, vector<16xf32>, vector<16xf32>, vector<16xf32>
      }
      %scan3A_430 = arith.constant 16 : i32
      %add3A_431 = arith.constant 2 : i32
      %add3A_432 = arith.addi %mul3A_273, %add3A_431 : i32
      %lt3A = arith.constant 32 : i32
      %lt3A_433 = arith.cmpi slt, %add3A_432, %lt3A : i32
      %convert_element_type3A = arith.extui %lt3A_433 : i1 to i32
      %cond3A = arith.constant 0 : i32
      %cond3A_434 = arith.cmpi ne, %convert_element_type3A, %cond3A : i32
      scf.if %cond3A_434 {
        %add3A_605 = arith.constant 2 : i32
        %add3A_606 = arith.addi %mul3A_273, %add3A_605 : i32
        %mul3A_607 = arith.constant 16 : i32
        %mul3A_608 = arith.muli %add3A_606, %mul3A_607 : i32
        %dma_start3A_609 = tpu.memref_slice %arg10[%mul3A_608] : memref<512xi32, #tpu.memory_space<vmem>> -> memref<16xi32, #tpu.memory_space<vmem>>
        %dma_start3A_610 = arith.constant 0 : i32
        %dma_start3A_611 = arith.constant 0 : i32
        %dma_start3A_612 = tpu.memref_slice %arg3[%dma_start3A_610, %dma_start3A_611] : memref<1000001x128xf32, #tpu.memory_space<hbm>> -> memref<1000001x128xf32, #tpu.memory_space<hbm>>
        tpu.enqueue_indirect_dma source(%dma_start3A_612 : memref<1000001x128xf32, #tpu.memory_space<hbm>>) target(%arg13 : memref<16x128xf32, #tpu.memory_space<vmem>>) offsets(%dma_start3A_609 : memref<16xi32, #tpu.memory_space<vmem>>) semaphore(%arg24 : memref<!tpu.dma_semaphore, #tpu.memory_space<semaphore_mem>>)
        %mul3A_613 = arith.constant 16 : i32
        %mul3A_614 = arith.muli %add3A_606, %mul3A_613 : i32
        %dma_start3A_615 = tpu.memref_slice %arg11[%mul3A_614] : memref<512xi32, #tpu.memory_space<vmem>> -> memref<16xi32, #tpu.memory_space<vmem>>
        %dma_start3A_616 = arith.constant 0 : i32
        %dma_start3A_617 = arith.constant 0 : i32
        %dma_start3A_618 = tpu.memref_slice %arg4[%dma_start3A_616, %dma_start3A_617] : memref<1000000x128xf32, #tpu.memory_space<hbm>> -> memref<1000000x128xf32, #tpu.memory_space<hbm>>
        tpu.enqueue_indirect_dma source(%dma_start3A_618 : memref<1000000x128xf32, #tpu.memory_space<hbm>>) target(%arg15 : memref<16x128xf32, #tpu.memory_space<vmem>>) offsets(%dma_start3A_615 : memref<16xi32, #tpu.memory_space<vmem>>) semaphore(%arg24 : memref<!tpu.dma_semaphore, #tpu.memory_space<semaphore_mem>>)
        %mul3A_619 = arith.constant 16 : i32
        %mul3A_620 = arith.muli %add3A_606, %mul3A_619 : i32
        %add3A_621 = arith.addi %mul3A_2, %mul3A_620 : i32
        %dma_start3A_622 = arith.constant 0 : i32
        %dma_start3A_623 = tpu.memref_slice %arg5[%add3A_621, %dma_start3A_622] : memref<16384x128xf32, #tpu.memory_space<hbm>> -> memref<16x128xf32, #tpu.memory_space<hbm>>
        %dma_start3A_624 = arith.constant 0 : i32
        %dma_start3A_625 = tpu.memref_slice %arg5[%add3A_621, %dma_start3A_624] : memref<16384x128xf32, #tpu.memory_space<hbm>> -> memref<16x128xf32, #tpu.memory_space<hbm>>
        tpu.enqueue_dma source(%dma_start3A_625 : memref<16x128xf32, #tpu.memory_space<hbm>>) target(%arg17 : memref<16x128xf32, #tpu.memory_space<vmem>>) target_semaphore(%arg24 : memref<!tpu.dma_semaphore, #tpu.memory_space<semaphore_mem>>)
        %mul3A_626 = arith.constant 16 : i32
        %mul3A_627 = arith.muli %add3A_606, %mul3A_626 : i32
        %dma_start3A_628 = arith.constant 0 : i32
        %dma_start3A_629 = arith.constant 0 : i32
        %dma_start3A_630 = arith.constant 0 : i32
        %dma_start3A_631 = tpu.memref_slice %arg19[%dma_start3A_629, %dma_start3A_630] : memref<160x128xf32, #tpu.memory_space<vmem>> -> memref<16x128xf32, #tpu.memory_space<vmem>>
        %dma_start3A_632 = tpu.memref_slice %arg12[%dma_start3A_628, %mul3A_627] : memref<10x512xi32, #tpu.memory_space<vmem>> -> memref<1x16xi32, #tpu.memory_space<vmem>>
        %dma_start3A_633 = tpu.memref_squeeze %dma_start3A_632 : memref<1x16xi32, #tpu.memory_space<vmem>> -> memref<16xi32, #tpu.memory_space<vmem>>
        %dma_start3A_634 = arith.constant 0 : i32
        %dma_start3A_635 = arith.constant 0 : i32
        %dma_start3A_636 = tpu.memref_slice %arg4[%dma_start3A_634, %dma_start3A_635] : memref<1000000x128xf32, #tpu.memory_space<hbm>> -> memref<1000000x128xf32, #tpu.memory_space<hbm>>
        tpu.enqueue_indirect_dma source(%dma_start3A_636 : memref<1000000x128xf32, #tpu.memory_space<hbm>>) target(%dma_start3A_631 : memref<16x128xf32, #tpu.memory_space<vmem>>) offsets(%dma_start3A_633 : memref<16xi32, #tpu.memory_space<vmem>>) semaphore(%arg24 : memref<!tpu.dma_semaphore, #tpu.memory_space<semaphore_mem>>)
        %mul3A_637 = arith.constant 16 : i32
        %mul3A_638 = arith.muli %add3A_606, %mul3A_637 : i32
        %dma_start3A_639 = arith.constant 1 : i32
        %dma_start3A_640 = arith.constant 16 : i32
        %dma_start3A_641 = arith.constant 0 : i32
        %dma_start3A_642 = tpu.memref_slice %arg19[%dma_start3A_640, %dma_start3A_641] : memref<160x128xf32, #tpu.memory_space<vmem>> -> memref<16x128xf32, #tpu.memory_space<vmem>>
        %dma_start3A_643 = tpu.memref_slice %arg12[%dma_start3A_639, %mul3A_638] : memref<10x512xi32, #tpu.memory_space<vmem>> -> memref<1x16xi32, #tpu.memory_space<vmem>>
        %dma_start3A_644 = tpu.memref_squeeze %dma_start3A_643 : memref<1x16xi32, #tpu.memory_space<vmem>> -> memref<16xi32, #tpu.memory_space<vmem>>
        %dma_start3A_645 = arith.constant 0 : i32
        %dma_start3A_646 = arith.constant 0 : i32
        %dma_start3A_647 = tpu.memref_slice %arg4[%dma_start3A_645, %dma_start3A_646] : memref<1000000x128xf32, #tpu.memory_space<hbm>> -> memref<1000000x128xf32, #tpu.memory_space<hbm>>
        tpu.enqueue_indirect_dma source(%dma_start3A_647 : memref<1000000x128xf32, #tpu.memory_space<hbm>>) target(%dma_start3A_642 : memref<16x128xf32, #tpu.memory_space<vmem>>) offsets(%dma_start3A_644 : memref<16xi32, #tpu.memory_space<vmem>>) semaphore(%arg24 : memref<!tpu.dma_semaphore, #tpu.memory_space<semaphore_mem>>)
        %mul3A_648 = arith.constant 16 : i32
        %mul3A_649 = arith.muli %add3A_606, %mul3A_648 : i32
        %dma_start3A_650 = arith.constant 2 : i32
        %dma_start3A_651 = arith.constant 32 : i32
        %dma_start3A_652 = arith.constant 0 : i32
        %dma_start3A_653 = tpu.memref_slice %arg19[%dma_start3A_651, %dma_start3A_652] : memref<160x128xf32, #tpu.memory_space<vmem>> -> memref<16x128xf32, #tpu.memory_space<vmem>>
        %dma_start3A_654 = tpu.memref_slice %arg12[%dma_start3A_650, %mul3A_649] : memref<10x512xi32, #tpu.memory_space<vmem>> -> memref<1x16xi32, #tpu.memory_space<vmem>>
        %dma_start3A_655 = tpu.memref_squeeze %dma_start3A_654 : memref<1x16xi32, #tpu.memory_space<vmem>> -> memref<16xi32, #tpu.memory_space<vmem>>
        %dma_start3A_656 = arith.constant 0 : i32
        %dma_start3A_657 = arith.constant 0 : i32
        %dma_start3A_658 = tpu.memref_slice %arg4[%dma_start3A_656, %dma_start3A_657] : memref<1000000x128xf32, #tpu.memory_space<hbm>> -> memref<1000000x128xf32, #tpu.memory_space<hbm>>
        tpu.enqueue_indirect_dma source(%dma_start3A_658 : memref<1000000x128xf32, #tpu.memory_space<hbm>>) target(%dma_start3A_653 : memref<16x128xf32, #tpu.memory_space<vmem>>) offsets(%dma_start3A_655 : memref<16xi32, #tpu.memory_space<vmem>>) semaphore(%arg24 : memref<!tpu.dma_semaphore, #tpu.memory_space<semaphore_mem>>)
        %mul3A_659 = arith.constant 16 : i32
        %mul3A_660 = arith.muli %add3A_606, %mul3A_659 : i32
        %dma_start3A_661 = arith.constant 3 : i32
        %dma_start3A_662 = arith.constant 48 : i32
        %dma_start3A_663 = arith.constant 0 : i32
        %dma_start3A_664 = tpu.memref_slice %arg19[%dma_start3A_662, %dma_start3A_663] : memref<160x128xf32, #tpu.memory_space<vmem>> -> memref<16x128xf32, #tpu.memory_space<vmem>>
        %dma_start3A_665 = tpu.memref_slice %arg12[%dma_start3A_661, %mul3A_660] : memref<10x512xi32, #tpu.memory_space<vmem>> -> memref<1x16xi32, #tpu.memory_space<vmem>>
        %dma_start3A_666 = tpu.memref_squeeze %dma_start3A_665 : memref<1x16xi32, #tpu.memory_space<vmem>> -> memref<16xi32, #tpu.memory_space<vmem>>
        %dma_start3A_667 = arith.constant 0 : i32
        %dma_start3A_668 = arith.constant 0 : i32
        %dma_start3A_669 = tpu.memref_slice %arg4[%dma_start3A_667, %dma_start3A_668] : memref<1000000x128xf32, #tpu.memory_space<hbm>> -> memref<1000000x128xf32, #tpu.memory_space<hbm>>
        tpu.enqueue_indirect_dma source(%dma_start3A_669 : memref<1000000x128xf32, #tpu.memory_space<hbm>>) target(%dma_start3A_664 : memref<16x128xf32, #tpu.memory_space<vmem>>) offsets(%dma_start3A_666 : memref<16xi32, #tpu.memory_space<vmem>>) semaphore(%arg24 : memref<!tpu.dma_semaphore, #tpu.memory_space<semaphore_mem>>)
        %mul3A_670 = arith.constant 16 : i32
        %mul3A_671 = arith.muli %add3A_606, %mul3A_670 : i32
        %dma_start3A_672 = arith.constant 4 : i32
        %dma_start3A_673 = arith.constant 64 : i32
        %dma_start3A_674 = arith.constant 0 : i32
        %dma_start3A_675 = tpu.memref_slice %arg19[%dma_start3A_673, %dma_start3A_674] : memref<160x128xf32, #tpu.memory_space<vmem>> -> memref<16x128xf32, #tpu.memory_space<vmem>>
        %dma_start3A_676 = tpu.memref_slice %arg12[%dma_start3A_672, %mul3A_671] : memref<10x512xi32, #tpu.memory_space<vmem>> -> memref<1x16xi32, #tpu.memory_space<vmem>>
        %dma_start3A_677 = tpu.memref_squeeze %dma_start3A_676 : memref<1x16xi32, #tpu.memory_space<vmem>> -> memref<16xi32, #tpu.memory_space<vmem>>
        %dma_start3A_678 = arith.constant 0 : i32
        %dma_start3A_679 = arith.constant 0 : i32
        %dma_start3A_680 = tpu.memref_slice %arg4[%dma_start3A_678, %dma_start3A_679] : memref<1000000x128xf32, #tpu.memory_space<hbm>> -> memref<1000000x128xf32, #tpu.memory_space<hbm>>
        tpu.enqueue_indirect_dma source(%dma_start3A_680 : memref<1000000x128xf32, #tpu.memory_space<hbm>>) target(%dma_start3A_675 : memref<16x128xf32, #tpu.memory_space<vmem>>) offsets(%dma_start3A_677 : memref<16xi32, #tpu.memory_space<vmem>>) semaphore(%arg24 : memref<!tpu.dma_semaphore, #tpu.memory_space<semaphore_mem>>)
        %mul3A_681 = arith.constant 16 : i32
        %mul3A_682 = arith.muli %add3A_606, %mul3A_681 : i32
        %dma_start3A_683 = arith.constant 5 : i32
        %dma_start3A_684 = arith.constant 80 : i32
        %dma_start3A_685 = arith.constant 0 : i32
        %dma_start3A_686 = tpu.memref_slice %arg19[%dma_start3A_684, %dma_start3A_685] : memref<160x128xf32, #tpu.memory_space<vmem>> -> memref<16x128xf32, #tpu.memory_space<vmem>>
        %dma_start3A_687 = tpu.memref_slice %arg12[%dma_start3A_683, %mul3A_682] : memref<10x512xi32, #tpu.memory_space<vmem>> -> memref<1x16xi32, #tpu.memory_space<vmem>>
        %dma_start3A_688 = tpu.memref_squeeze %dma_start3A_687 : memref<1x16xi32, #tpu.memory_space<vmem>> -> memref<16xi32, #tpu.memory_space<vmem>>
        %dma_start3A_689 = arith.constant 0 : i32
        %dma_start3A_690 = arith.constant 0 : i32
        %dma_start3A_691 = tpu.memref_slice %arg4[%dma_start3A_689, %dma_start3A_690] : memref<1000000x128xf32, #tpu.memory_space<hbm>> -> memref<1000000x128xf32, #tpu.memory_space<hbm>>
        tpu.enqueue_indirect_dma source(%dma_start3A_691 : memref<1000000x128xf32, #tpu.memory_space<hbm>>) target(%dma_start3A_686 : memref<16x128xf32, #tpu.memory_space<vmem>>) offsets(%dma_start3A_688 : memref<16xi32, #tpu.memory_space<vmem>>) semaphore(%arg24 : memref<!tpu.dma_semaphore, #tpu.memory_space<semaphore_mem>>)
        %mul3A_692 = arith.constant 16 : i32
        %mul3A_693 = arith.muli %add3A_606, %mul3A_692 : i32
        %dma_start3A_694 = arith.constant 6 : i32
        %dma_start3A_695 = arith.constant 96 : i32
        %dma_start3A_696 = arith.constant 0 : i32
        %dma_start3A_697 = tpu.memref_slice %arg19[%dma_start3A_695, %dma_start3A_696] : memref<160x128xf32, #tpu.memory_space<vmem>> -> memref<16x128xf32, #tpu.memory_space<vmem>>
        %dma_start3A_698 = tpu.memref_slice %arg12[%dma_start3A_694, %mul3A_693] : memref<10x512xi32, #tpu.memory_space<vmem>> -> memref<1x16xi32, #tpu.memory_space<vmem>>
        %dma_start3A_699 = tpu.memref_squeeze %dma_start3A_698 : memref<1x16xi32, #tpu.memory_space<vmem>> -> memref<16xi32, #tpu.memory_space<vmem>>
        %dma_start3A_700 = arith.constant 0 : i32
        %dma_start3A_701 = arith.constant 0 : i32
        %dma_start3A_702 = tpu.memref_slice %arg4[%dma_start3A_700, %dma_start3A_701] : memref<1000000x128xf32, #tpu.memory_space<hbm>> -> memref<1000000x128xf32, #tpu.memory_space<hbm>>
        tpu.enqueue_indirect_dma source(%dma_start3A_702 : memref<1000000x128xf32, #tpu.memory_space<hbm>>) target(%dma_start3A_697 : memref<16x128xf32, #tpu.memory_space<vmem>>) offsets(%dma_start3A_699 : memref<16xi32, #tpu.memory_space<vmem>>) semaphore(%arg24 : memref<!tpu.dma_semaphore, #tpu.memory_space<semaphore_mem>>)
        %mul3A_703 = arith.constant 16 : i32
        %mul3A_704 = arith.muli %add3A_606, %mul3A_703 : i32
        %dma_start3A_705 = arith.constant 7 : i32
        %dma_start3A_706 = arith.constant 112 : i32
        %dma_start3A_707 = arith.constant 0 : i32
        %dma_start3A_708 = tpu.memref_slice %arg19[%dma_start3A_706, %dma_start3A_707] : memref<160x128xf32, #tpu.memory_space<vmem>> -> memref<16x128xf32, #tpu.memory_space<vmem>>
        %dma_start3A_709 = tpu.memref_slice %arg12[%dma_start3A_705, %mul3A_704] : memref<10x512xi32, #tpu.memory_space<vmem>> -> memref<1x16xi32, #tpu.memory_space<vmem>>
        %dma_start3A_710 = tpu.memref_squeeze %dma_start3A_709 : memref<1x16xi32, #tpu.memory_space<vmem>> -> memref<16xi32, #tpu.memory_space<vmem>>
        %dma_start3A_711 = arith.constant 0 : i32
        %dma_start3A_712 = arith.constant 0 : i32
        %dma_start3A_713 = tpu.memref_slice %arg4[%dma_start3A_711, %dma_start3A_712] : memref<1000000x128xf32, #tpu.memory_space<hbm>> -> memref<1000000x128xf32, #tpu.memory_space<hbm>>
        tpu.enqueue_indirect_dma source(%dma_start3A_713 : memref<1000000x128xf32, #tpu.memory_space<hbm>>) target(%dma_start3A_708 : memref<16x128xf32, #tpu.memory_space<vmem>>) offsets(%dma_start3A_710 : memref<16xi32, #tpu.memory_space<vmem>>) semaphore(%arg24 : memref<!tpu.dma_semaphore, #tpu.memory_space<semaphore_mem>>)
        %mul3A_714 = arith.constant 16 : i32
        %mul3A_715 = arith.muli %add3A_606, %mul3A_714 : i32
        %dma_start3A_716 = arith.constant 8 : i32
        %dma_start3A_717 = arith.constant 128 : i32
        %dma_start3A_718 = arith.constant 0 : i32
        %dma_start3A_719 = tpu.memref_slice %arg19[%dma_start3A_717, %dma_start3A_718] : memref<160x128xf32, #tpu.memory_space<vmem>> -> memref<16x128xf32, #tpu.memory_space<vmem>>
        %dma_start3A_720 = tpu.memref_slice %arg12[%dma_start3A_716, %mul3A_715] : memref<10x512xi32, #tpu.memory_space<vmem>> -> memref<1x16xi32, #tpu.memory_space<vmem>>
        %dma_start3A_721 = tpu.memref_squeeze %dma_start3A_720 : memref<1x16xi32, #tpu.memory_space<vmem>> -> memref<16xi32, #tpu.memory_space<vmem>>
        %dma_start3A_722 = arith.constant 0 : i32
        %dma_start3A_723 = arith.constant 0 : i32
        %dma_start3A_724 = tpu.memref_slice %arg4[%dma_start3A_722, %dma_start3A_723] : memref<1000000x128xf32, #tpu.memory_space<hbm>> -> memref<1000000x128xf32, #tpu.memory_space<hbm>>
        tpu.enqueue_indirect_dma source(%dma_start3A_724 : memref<1000000x128xf32, #tpu.memory_space<hbm>>) target(%dma_start3A_719 : memref<16x128xf32, #tpu.memory_space<vmem>>) offsets(%dma_start3A_721 : memref<16xi32, #tpu.memory_space<vmem>>) semaphore(%arg24 : memref<!tpu.dma_semaphore, #tpu.memory_space<semaphore_mem>>)
        %mul3A_725 = arith.constant 16 : i32
        %mul3A_726 = arith.muli %add3A_606, %mul3A_725 : i32
        %dma_start3A_727 = arith.constant 9 : i32
        %dma_start3A_728 = arith.constant 144 : i32
        %dma_start3A_729 = arith.constant 0 : i32
        %dma_start3A_730 = tpu.memref_slice %arg19[%dma_start3A_728, %dma_start3A_729] : memref<160x128xf32, #tpu.memory_space<vmem>> -> memref<16x128xf32, #tpu.memory_space<vmem>>
        %dma_start3A_731 = tpu.memref_slice %arg12[%dma_start3A_727, %mul3A_726] : memref<10x512xi32, #tpu.memory_space<vmem>> -> memref<1x16xi32, #tpu.memory_space<vmem>>
        %dma_start3A_732 = tpu.memref_squeeze %dma_start3A_731 : memref<1x16xi32, #tpu.memory_space<vmem>> -> memref<16xi32, #tpu.memory_space<vmem>>
        %dma_start3A_733 = arith.constant 0 : i32
        %dma_start3A_734 = arith.constant 0 : i32
        %dma_start3A_735 = tpu.memref_slice %arg4[%dma_start3A_733, %dma_start3A_734] : memref<1000000x128xf32, #tpu.memory_space<hbm>> -> memref<1000000x128xf32, #tpu.memory_space<hbm>>
        tpu.enqueue_indirect_dma source(%dma_start3A_735 : memref<1000000x128xf32, #tpu.memory_space<hbm>>) target(%dma_start3A_730 : memref<16x128xf32, #tpu.memory_space<vmem>>) offsets(%dma_start3A_732 : memref<16xi32, #tpu.memory_space<vmem>>) semaphore(%arg24 : memref<!tpu.dma_semaphore, #tpu.memory_space<semaphore_mem>>)
      } else {
      }
      %add3A_435 = arith.constant 1 : i32
      %add3A_436 = arith.addi %mul3A_273, %add3A_435 : i32
      %mul3A_437 = arith.constant 16 : i32
      %mul3A_438 = arith.muli %add3A_436, %mul3A_437 : i32
      %dma_wait3A_439 = tpu.memref_slice %arg10[%mul3A_438] : memref<512xi32, #tpu.memory_space<vmem>> -> memref<16xi32, #tpu.memory_space<vmem>>
      %dma_wait3A_440 = arith.constant 0 : i32
      %dma_wait3A_441 = arith.constant 0 : i32
      %dma_wait3A_442 = tpu.memref_slice %arg3[%dma_wait3A_440, %dma_wait3A_441] : memref<1000001x128xf32, #tpu.memory_space<hbm>> -> memref<1000001x128xf32, #tpu.memory_space<hbm>>
      tpu.wait_indirect_dma semaphore(%arg25 : memref<!tpu.dma_semaphore, #tpu.memory_space<semaphore_mem>>) src(%dma_wait3A_442 : memref<1000001x128xf32, #tpu.memory_space<hbm>>) dst(%arg14 : memref<16x128xf32, #tpu.memory_space<vmem>>)
      %mul3A_443 = arith.constant 16 : i32
      %mul3A_444 = arith.muli %add3A_436, %mul3A_443 : i32
      %dma_wait3A_445 = tpu.memref_slice %arg11[%mul3A_444] : memref<512xi32, #tpu.memory_space<vmem>> -> memref<16xi32, #tpu.memory_space<vmem>>
      %dma_wait3A_446 = arith.constant 0 : i32
      %dma_wait3A_447 = arith.constant 0 : i32
      %dma_wait3A_448 = tpu.memref_slice %arg4[%dma_wait3A_446, %dma_wait3A_447] : memref<1000000x128xf32, #tpu.memory_space<hbm>> -> memref<1000000x128xf32, #tpu.memory_space<hbm>>
      tpu.wait_indirect_dma semaphore(%arg25 : memref<!tpu.dma_semaphore, #tpu.memory_space<semaphore_mem>>) src(%dma_wait3A_448 : memref<1000000x128xf32, #tpu.memory_space<hbm>>) dst(%arg16 : memref<16x128xf32, #tpu.memory_space<vmem>>)
      %mul3A_449 = arith.constant 16 : i32
      %mul3A_450 = arith.muli %add3A_436, %mul3A_449 : i32
      %add3A_451 = arith.addi %mul3A_2, %mul3A_450 : i32
      %dma_wait3A_452 = arith.constant 0 : i32
      %dma_wait3A_453 = tpu.memref_slice %arg5[%add3A_451, %dma_wait3A_452] : memref<16384x128xf32, #tpu.memory_space<hbm>> -> memref<16x128xf32, #tpu.memory_space<hbm>>
      %dma_wait3A_454 = arith.constant 0 : i32
      %dma_wait3A_455 = tpu.memref_slice %arg5[%add3A_451, %dma_wait3A_454] : memref<16384x128xf32, #tpu.memory_space<hbm>> -> memref<16x128xf32, #tpu.memory_space<hbm>>
      tpu.wait_dma2 semaphore(%arg25 : memref<!tpu.dma_semaphore, #tpu.memory_space<semaphore_mem>>) src(%dma_wait3A_455 : memref<16x128xf32, #tpu.memory_space<hbm>>) dst(%arg18 : memref<16x128xf32, #tpu.memory_space<vmem>>)
      %mul3A_456 = arith.constant 16 : i32
      %mul3A_457 = arith.muli %add3A_436, %mul3A_456 : i32
      %dma_wait3A_458 = arith.constant 0 : i32
      %dma_wait3A_459 = arith.constant 0 : i32
      %dma_wait3A_460 = arith.constant 0 : i32
      %dma_wait3A_461 = tpu.memref_slice %arg20[%dma_wait3A_459, %dma_wait3A_460] : memref<160x128xf32, #tpu.memory_space<vmem>> -> memref<16x128xf32, #tpu.memory_space<vmem>>
      %dma_wait3A_462 = tpu.memref_slice %arg12[%dma_wait3A_458, %mul3A_457] : memref<10x512xi32, #tpu.memory_space<vmem>> -> memref<1x16xi32, #tpu.memory_space<vmem>>
      %dma_wait3A_463 = tpu.memref_squeeze %dma_wait3A_462 : memref<1x16xi32, #tpu.memory_space<vmem>> -> memref<16xi32, #tpu.memory_space<vmem>>
      %dma_wait3A_464 = arith.constant 0 : i32
      %dma_wait3A_465 = arith.constant 0 : i32
      %dma_wait3A_466 = tpu.memref_slice %arg4[%dma_wait3A_464, %dma_wait3A_465] : memref<1000000x128xf32, #tpu.memory_space<hbm>> -> memref<1000000x128xf32, #tpu.memory_space<hbm>>
      tpu.wait_indirect_dma semaphore(%arg25 : memref<!tpu.dma_semaphore, #tpu.memory_space<semaphore_mem>>) src(%dma_wait3A_466 : memref<1000000x128xf32, #tpu.memory_space<hbm>>) dst(%dma_wait3A_461 : memref<16x128xf32, #tpu.memory_space<vmem>>)
      %mul3A_467 = arith.constant 16 : i32
      %mul3A_468 = arith.muli %add3A_436, %mul3A_467 : i32
      %dma_wait3A_469 = arith.constant 1 : i32
      %dma_wait3A_470 = arith.constant 16 : i32
      %dma_wait3A_471 = arith.constant 0 : i32
      %dma_wait3A_472 = tpu.memref_slice %arg20[%dma_wait3A_470, %dma_wait3A_471] : memref<160x128xf32, #tpu.memory_space<vmem>> -> memref<16x128xf32, #tpu.memory_space<vmem>>
      %dma_wait3A_473 = tpu.memref_slice %arg12[%dma_wait3A_469, %mul3A_468] : memref<10x512xi32, #tpu.memory_space<vmem>> -> memref<1x16xi32, #tpu.memory_space<vmem>>
      %dma_wait3A_474 = tpu.memref_squeeze %dma_wait3A_473 : memref<1x16xi32, #tpu.memory_space<vmem>> -> memref<16xi32, #tpu.memory_space<vmem>>
      %dma_wait3A_475 = arith.constant 0 : i32
      %dma_wait3A_476 = arith.constant 0 : i32
      %dma_wait3A_477 = tpu.memref_slice %arg4[%dma_wait3A_475, %dma_wait3A_476] : memref<1000000x128xf32, #tpu.memory_space<hbm>> -> memref<1000000x128xf32, #tpu.memory_space<hbm>>
      tpu.wait_indirect_dma semaphore(%arg25 : memref<!tpu.dma_semaphore, #tpu.memory_space<semaphore_mem>>) src(%dma_wait3A_477 : memref<1000000x128xf32, #tpu.memory_space<hbm>>) dst(%dma_wait3A_472 : memref<16x128xf32, #tpu.memory_space<vmem>>)
      %mul3A_478 = arith.constant 16 : i32
      %mul3A_479 = arith.muli %add3A_436, %mul3A_478 : i32
      %dma_wait3A_480 = arith.constant 2 : i32
      %dma_wait3A_481 = arith.constant 32 : i32
      %dma_wait3A_482 = arith.constant 0 : i32
      %dma_wait3A_483 = tpu.memref_slice %arg20[%dma_wait3A_481, %dma_wait3A_482] : memref<160x128xf32, #tpu.memory_space<vmem>> -> memref<16x128xf32, #tpu.memory_space<vmem>>
      %dma_wait3A_484 = tpu.memref_slice %arg12[%dma_wait3A_480, %mul3A_479] : memref<10x512xi32, #tpu.memory_space<vmem>> -> memref<1x16xi32, #tpu.memory_space<vmem>>
      %dma_wait3A_485 = tpu.memref_squeeze %dma_wait3A_484 : memref<1x16xi32, #tpu.memory_space<vmem>> -> memref<16xi32, #tpu.memory_space<vmem>>
      %dma_wait3A_486 = arith.constant 0 : i32
      %dma_wait3A_487 = arith.constant 0 : i32
      %dma_wait3A_488 = tpu.memref_slice %arg4[%dma_wait3A_486, %dma_wait3A_487] : memref<1000000x128xf32, #tpu.memory_space<hbm>> -> memref<1000000x128xf32, #tpu.memory_space<hbm>>
      tpu.wait_indirect_dma semaphore(%arg25 : memref<!tpu.dma_semaphore, #tpu.memory_space<semaphore_mem>>) src(%dma_wait3A_488 : memref<1000000x128xf32, #tpu.memory_space<hbm>>) dst(%dma_wait3A_483 : memref<16x128xf32, #tpu.memory_space<vmem>>)
      %mul3A_489 = arith.constant 16 : i32
      %mul3A_490 = arith.muli %add3A_436, %mul3A_489 : i32
      %dma_wait3A_491 = arith.constant 3 : i32
      %dma_wait3A_492 = arith.constant 48 : i32
      %dma_wait3A_493 = arith.constant 0 : i32
      %dma_wait3A_494 = tpu.memref_slice %arg20[%dma_wait3A_492, %dma_wait3A_493] : memref<160x128xf32, #tpu.memory_space<vmem>> -> memref<16x128xf32, #tpu.memory_space<vmem>>
      %dma_wait3A_495 = tpu.memref_slice %arg12[%dma_wait3A_491, %mul3A_490] : memref<10x512xi32, #tpu.memory_space<vmem>> -> memref<1x16xi32, #tpu.memory_space<vmem>>
      %dma_wait3A_496 = tpu.memref_squeeze %dma_wait3A_495 : memref<1x16xi32, #tpu.memory_space<vmem>> -> memref<16xi32, #tpu.memory_space<vmem>>
      %dma_wait3A_497 = arith.constant 0 : i32
      %dma_wait3A_498 = arith.constant 0 : i32
      %dma_wait3A_499 = tpu.memref_slice %arg4[%dma_wait3A_497, %dma_wait3A_498] : memref<1000000x128xf32, #tpu.memory_space<hbm>> -> memref<1000000x128xf32, #tpu.memory_space<hbm>>
      tpu.wait_indirect_dma semaphore(%arg25 : memref<!tpu.dma_semaphore, #tpu.memory_space<semaphore_mem>>) src(%dma_wait3A_499 : memref<1000000x128xf32, #tpu.memory_space<hbm>>) dst(%dma_wait3A_494 : memref<16x128xf32, #tpu.memory_space<vmem>>)
      %mul3A_500 = arith.constant 16 : i32
      %mul3A_501 = arith.muli %add3A_436, %mul3A_500 : i32
      %dma_wait3A_502 = arith.constant 4 : i32
      %dma_wait3A_503 = arith.constant 64 : i32
      %dma_wait3A_504 = arith.constant 0 : i32
      %dma_wait3A_505 = tpu.memref_slice %arg20[%dma_wait3A_503, %dma_wait3A_504] : memref<160x128xf32, #tpu.memory_space<vmem>> -> memref<16x128xf32, #tpu.memory_space<vmem>>
      %dma_wait3A_506 = tpu.memref_slice %arg12[%dma_wait3A_502, %mul3A_501] : memref<10x512xi32, #tpu.memory_space<vmem>> -> memref<1x16xi32, #tpu.memory_space<vmem>>
      %dma_wait3A_507 = tpu.memref_squeeze %dma_wait3A_506 : memref<1x16xi32, #tpu.memory_space<vmem>> -> memref<16xi32, #tpu.memory_space<vmem>>
      %dma_wait3A_508 = arith.constant 0 : i32
      %dma_wait3A_509 = arith.constant 0 : i32
      %dma_wait3A_510 = tpu.memref_slice %arg4[%dma_wait3A_508, %dma_wait3A_509] : memref<1000000x128xf32, #tpu.memory_space<hbm>> -> memref<1000000x128xf32, #tpu.memory_space<hbm>>
      tpu.wait_indirect_dma semaphore(%arg25 : memref<!tpu.dma_semaphore, #tpu.memory_space<semaphore_mem>>) src(%dma_wait3A_510 : memref<1000000x128xf32, #tpu.memory_space<hbm>>) dst(%dma_wait3A_505 : memref<16x128xf32, #tpu.memory_space<vmem>>)
      %mul3A_511 = arith.constant 16 : i32
      %mul3A_512 = arith.muli %add3A_436, %mul3A_511 : i32
      %dma_wait3A_513 = arith.constant 5 : i32
      %dma_wait3A_514 = arith.constant 80 : i32
      %dma_wait3A_515 = arith.constant 0 : i32
      %dma_wait3A_516 = tpu.memref_slice %arg20[%dma_wait3A_514, %dma_wait3A_515] : memref<160x128xf32, #tpu.memory_space<vmem>> -> memref<16x128xf32, #tpu.memory_space<vmem>>
      %dma_wait3A_517 = tpu.memref_slice %arg12[%dma_wait3A_513, %mul3A_512] : memref<10x512xi32, #tpu.memory_space<vmem>> -> memref<1x16xi32, #tpu.memory_space<vmem>>
      %dma_wait3A_518 = tpu.memref_squeeze %dma_wait3A_517 : memref<1x16xi32, #tpu.memory_space<vmem>> -> memref<16xi32, #tpu.memory_space<vmem>>
      %dma_wait3A_519 = arith.constant 0 : i32
      %dma_wait3A_520 = arith.constant 0 : i32
      %dma_wait3A_521 = tpu.memref_slice %arg4[%dma_wait3A_519, %dma_wait3A_520] : memref<1000000x128xf32, #tpu.memory_space<hbm>> -> memref<1000000x128xf32, #tpu.memory_space<hbm>>
      tpu.wait_indirect_dma semaphore(%arg25 : memref<!tpu.dma_semaphore, #tpu.memory_space<semaphore_mem>>) src(%dma_wait3A_521 : memref<1000000x128xf32, #tpu.memory_space<hbm>>) dst(%dma_wait3A_516 : memref<16x128xf32, #tpu.memory_space<vmem>>)
      %mul3A_522 = arith.constant 16 : i32
      %mul3A_523 = arith.muli %add3A_436, %mul3A_522 : i32
      %dma_wait3A_524 = arith.constant 6 : i32
      %dma_wait3A_525 = arith.constant 96 : i32
      %dma_wait3A_526 = arith.constant 0 : i32
      %dma_wait3A_527 = tpu.memref_slice %arg20[%dma_wait3A_525, %dma_wait3A_526] : memref<160x128xf32, #tpu.memory_space<vmem>> -> memref<16x128xf32, #tpu.memory_space<vmem>>
      %dma_wait3A_528 = tpu.memref_slice %arg12[%dma_wait3A_524, %mul3A_523] : memref<10x512xi32, #tpu.memory_space<vmem>> -> memref<1x16xi32, #tpu.memory_space<vmem>>
      %dma_wait3A_529 = tpu.memref_squeeze %dma_wait3A_528 : memref<1x16xi32, #tpu.memory_space<vmem>> -> memref<16xi32, #tpu.memory_space<vmem>>
      %dma_wait3A_530 = arith.constant 0 : i32
      %dma_wait3A_531 = arith.constant 0 : i32
      %dma_wait3A_532 = tpu.memref_slice %arg4[%dma_wait3A_530, %dma_wait3A_531] : memref<1000000x128xf32, #tpu.memory_space<hbm>> -> memref<1000000x128xf32, #tpu.memory_space<hbm>>
      tpu.wait_indirect_dma semaphore(%arg25 : memref<!tpu.dma_semaphore, #tpu.memory_space<semaphore_mem>>) src(%dma_wait3A_532 : memref<1000000x128xf32, #tpu.memory_space<hbm>>) dst(%dma_wait3A_527 : memref<16x128xf32, #tpu.memory_space<vmem>>)
      %mul3A_533 = arith.constant 16 : i32
      %mul3A_534 = arith.muli %add3A_436, %mul3A_533 : i32
      %dma_wait3A_535 = arith.constant 7 : i32
      %dma_wait3A_536 = arith.constant 112 : i32
      %dma_wait3A_537 = arith.constant 0 : i32
      %dma_wait3A_538 = tpu.memref_slice %arg20[%dma_wait3A_536, %dma_wait3A_537] : memref<160x128xf32, #tpu.memory_space<vmem>> -> memref<16x128xf32, #tpu.memory_space<vmem>>
      %dma_wait3A_539 = tpu.memref_slice %arg12[%dma_wait3A_535, %mul3A_534] : memref<10x512xi32, #tpu.memory_space<vmem>> -> memref<1x16xi32, #tpu.memory_space<vmem>>
      %dma_wait3A_540 = tpu.memref_squeeze %dma_wait3A_539 : memref<1x16xi32, #tpu.memory_space<vmem>> -> memref<16xi32, #tpu.memory_space<vmem>>
      %dma_wait3A_541 = arith.constant 0 : i32
      %dma_wait3A_542 = arith.constant 0 : i32
      %dma_wait3A_543 = tpu.memref_slice %arg4[%dma_wait3A_541, %dma_wait3A_542] : memref<1000000x128xf32, #tpu.memory_space<hbm>> -> memref<1000000x128xf32, #tpu.memory_space<hbm>>
      tpu.wait_indirect_dma semaphore(%arg25 : memref<!tpu.dma_semaphore, #tpu.memory_space<semaphore_mem>>) src(%dma_wait3A_543 : memref<1000000x128xf32, #tpu.memory_space<hbm>>) dst(%dma_wait3A_538 : memref<16x128xf32, #tpu.memory_space<vmem>>)
      %mul3A_544 = arith.constant 16 : i32
      %mul3A_545 = arith.muli %add3A_436, %mul3A_544 : i32
      %dma_wait3A_546 = arith.constant 8 : i32
      %dma_wait3A_547 = arith.constant 128 : i32
      %dma_wait3A_548 = arith.constant 0 : i32
      %dma_wait3A_549 = tpu.memref_slice %arg20[%dma_wait3A_547, %dma_wait3A_548] : memref<160x128xf32, #tpu.memory_space<vmem>> -> memref<16x128xf32, #tpu.memory_space<vmem>>
      %dma_wait3A_550 = tpu.memref_slice %arg12[%dma_wait3A_546, %mul3A_545] : memref<10x512xi32, #tpu.memory_space<vmem>> -> memref<1x16xi32, #tpu.memory_space<vmem>>
      %dma_wait3A_551 = tpu.memref_squeeze %dma_wait3A_550 : memref<1x16xi32, #tpu.memory_space<vmem>> -> memref<16xi32, #tpu.memory_space<vmem>>
      %dma_wait3A_552 = arith.constant 0 : i32
      %dma_wait3A_553 = arith.constant 0 : i32
      %dma_wait3A_554 = tpu.memref_slice %arg4[%dma_wait3A_552, %dma_wait3A_553] : memref<1000000x128xf32, #tpu.memory_space<hbm>> -> memref<1000000x128xf32, #tpu.memory_space<hbm>>
      tpu.wait_indirect_dma semaphore(%arg25 : memref<!tpu.dma_semaphore, #tpu.memory_space<semaphore_mem>>) src(%dma_wait3A_554 : memref<1000000x128xf32, #tpu.memory_space<hbm>>) dst(%dma_wait3A_549 : memref<16x128xf32, #tpu.memory_space<vmem>>)
      %mul3A_555 = arith.constant 16 : i32
      %mul3A_556 = arith.muli %add3A_436, %mul3A_555 : i32
      %dma_wait3A_557 = arith.constant 9 : i32
      %dma_wait3A_558 = arith.constant 144 : i32
      %dma_wait3A_559 = arith.constant 0 : i32
      %dma_wait3A_560 = tpu.memref_slice %arg20[%dma_wait3A_558, %dma_wait3A_559] : memref<160x128xf32, #tpu.memory_space<vmem>> -> memref<16x128xf32, #tpu.memory_space<vmem>>
      %dma_wait3A_561 = tpu.memref_slice %arg12[%dma_wait3A_557, %mul3A_556] : memref<10x512xi32, #tpu.memory_space<vmem>> -> memref<1x16xi32, #tpu.memory_space<vmem>>
      %dma_wait3A_562 = tpu.memref_squeeze %dma_wait3A_561 : memref<1x16xi32, #tpu.memory_space<vmem>> -> memref<16xi32, #tpu.memory_space<vmem>>
      %dma_wait3A_563 = arith.constant 0 : i32
      %dma_wait3A_564 = arith.constant 0 : i32
      %dma_wait3A_565 = tpu.memref_slice %arg4[%dma_wait3A_563, %dma_wait3A_564] : memref<1000000x128xf32, #tpu.memory_space<hbm>> -> memref<1000000x128xf32, #tpu.memory_space<hbm>>
      tpu.wait_indirect_dma semaphore(%arg25 : memref<!tpu.dma_semaphore, #tpu.memory_space<semaphore_mem>>) src(%dma_wait3A_565 : memref<1000000x128xf32, #tpu.memory_space<hbm>>) dst(%dma_wait3A_560 : memref<16x128xf32, #tpu.memory_space<vmem>>)
      %add3A_566 = arith.constant 1 : i32
      %add3A_567 = arith.addi %mul3A_273, %add3A_566 : i32
      %mul3A_568 = arith.constant 16 : i32
      %mul3A_569 = arith.muli %add3A_567, %mul3A_568 : i32
      %broadcast_in_dim3A_570 = arith.constant 0.000000e+00 : f32
      %broadcast_in_dim3A_571 = vector.broadcast %broadcast_in_dim3A_570 : f32 to vector<16xf32>
      %broadcast_in_dim3A_572 = arith.constant 0.000000e+00 : f32
      %broadcast_in_dim3A_573 = vector.broadcast %broadcast_in_dim3A_572 : f32 to vector<16xf32>
      %broadcast_in_dim3A_574 = arith.constant 0.000000e+00 : f32
      %broadcast_in_dim3A_575 = vector.broadcast %broadcast_in_dim3A_574 : f32 to vector<16xf32>
      %broadcast_in_dim3A_576 = arith.constant 0.000000e+00 : f32
      %broadcast_in_dim3A_577 = vector.broadcast %broadcast_in_dim3A_576 : f32 to vector<16xf32>
      %broadcast_in_dim3A_578 = arith.constant 0.000000e+00 : f32
      %broadcast_in_dim3A_579 = vector.broadcast %broadcast_in_dim3A_578 : f32 to vector<16xf32>
      %broadcast_in_dim3A_580 = arith.constant 0.000000e+00 : f32
      %broadcast_in_dim3A_581 = vector.broadcast %broadcast_in_dim3A_580 : f32 to vector<16xf32>
      %broadcast_in_dim3A_582 = arith.constant 0.000000e+00 : f32
      %broadcast_in_dim3A_583 = vector.broadcast %broadcast_in_dim3A_582 : f32 to vector<16xf32>
      %broadcast_in_dim3A_584 = arith.constant 0.000000e+00 : f32
      %broadcast_in_dim3A_585 = vector.broadcast %broadcast_in_dim3A_584 : f32 to vector<16xf32>
      %broadcast_in_dim3A_586 = arith.constant 0.000000e+00 : f32
      %broadcast_in_dim3A_587 = vector.broadcast %broadcast_in_dim3A_586 : f32 to vector<16xf32>
      %broadcast_in_dim3A_588 = arith.constant 0.000000e+00 : f32
      %broadcast_in_dim3A_589 = vector.broadcast %broadcast_in_dim3A_588 : f32 to vector<16xf32>
      %broadcast_in_dim3A_590 = arith.constant 0.000000e+00 : f32
      %broadcast_in_dim3A_591 = vector.broadcast %broadcast_in_dim3A_590 : f32 to vector<16xf32>
      %scan3A_592 = arith.constant 0 : i32
      %scan3A_593 = arith.constant 16 : i32
      %scan3A_594 = arith.addi %scan3A_592, %scan3A_593 : i32
      %scan3A_595 = arith.constant 1 : i32
      %scan3A_596:11 = scf.for %scan3A_605 = %scan3A_592 to %scan3A_594 step %scan3A_595 iter_args(%scan3A_606 = %broadcast_in_dim3A_571, %scan3A_607 = %broadcast_in_dim3A_573, %scan3A_608 = %broadcast_in_dim3A_575, %scan3A_609 = %broadcast_in_dim3A_577, %scan3A_610 = %broadcast_in_dim3A_579, %scan3A_611 = %broadcast_in_dim3A_581, %scan3A_612 = %broadcast_in_dim3A_583, %scan3A_613 = %broadcast_in_dim3A_585, %scan3A_614 = %broadcast_in_dim3A_587, %scan3A_615 = %broadcast_in_dim3A_589, %scan3A_616 = %broadcast_in_dim3A_591) -> (vector<16xf32>, vector<16xf32>, vector<16xf32>, vector<16xf32>, vector<16xf32>, vector<16xf32>, vector<16xf32>, vector<16xf32>, vector<16xf32>, vector<16xf32>, vector<16xf32>)  : i32 {
        %get3A = arith.index_cast %scan3A_605 : i32 to index
        %get3A_617 = arith.constant 0 : index
        %get3A_618 = tpu.vector_load %arg14[%get3A, %get3A_617] {strides = array<i32>} : memref<16x128xf32, #tpu.memory_space<vmem>>, vector<16xf32>,
        %get3A_619 = arith.index_cast %scan3A_605 : i32 to index
        %get3A_620 = arith.constant 0 : index
        %get3A_621 = tpu.vector_load %arg18[%get3A_619, %get3A_620] {strides = array<i32>} : memref<16x128xf32, #tpu.memory_space<vmem>>, vector<16xf32>,
        %mul3A_622 = arith.mulf %get3A_618, %get3A_621 : vector<16xf32>
        %get3A_623 = arith.index_cast %scan3A_605 : i32 to index
        %get3A_624 = arith.constant 16 : index
        %get3A_625 = tpu.vector_load %arg14[%get3A_623, %get3A_624] {strides = array<i32>} : memref<16x128xf32, #tpu.memory_space<vmem>>, vector<16xf32>,
        %get3A_626 = arith.index_cast %scan3A_605 : i32 to index
        %get3A_627 = arith.constant 16 : index
        %get3A_628 = tpu.vector_load %arg18[%get3A_626, %get3A_627] {strides = array<i32>} : memref<16x128xf32, #tpu.memory_space<vmem>>, vector<16xf32>,
        %mul3A_629 = arith.mulf %get3A_625, %get3A_628 : vector<16xf32>
        %get3A_630 = arith.index_cast %scan3A_605 : i32 to index
        %get3A_631 = arith.constant 32 : index
        %get3A_632 = tpu.vector_load %arg14[%get3A_630, %get3A_631] {strides = array<i32>} : memref<16x128xf32, #tpu.memory_space<vmem>>, vector<16xf32>,
        %get3A_633 = arith.index_cast %scan3A_605 : i32 to index
        %get3A_634 = arith.constant 32 : index
        %get3A_635 = tpu.vector_load %arg18[%get3A_633, %get3A_634] {strides = array<i32>} : memref<16x128xf32, #tpu.memory_space<vmem>>, vector<16xf32>,
        %mul3A_636 = arith.mulf %get3A_632, %get3A_635 : vector<16xf32>
        %get3A_637 = arith.index_cast %scan3A_605 : i32 to index
        %get3A_638 = arith.constant 48 : index
        %get3A_639 = tpu.vector_load %arg14[%get3A_637, %get3A_638] {strides = array<i32>} : memref<16x128xf32, #tpu.memory_space<vmem>>, vector<16xf32>,
        %get3A_640 = arith.index_cast %scan3A_605 : i32 to index
        %get3A_641 = arith.constant 48 : index
        %get3A_642 = tpu.vector_load %arg18[%get3A_640, %get3A_641] {strides = array<i32>} : memref<16x128xf32, #tpu.memory_space<vmem>>, vector<16xf32>,
        %mul3A_643 = arith.mulf %get3A_639, %get3A_642 : vector<16xf32>
        %get3A_644 = arith.index_cast %scan3A_605 : i32 to index
        %get3A_645 = arith.constant 64 : index
        %get3A_646 = tpu.vector_load %arg14[%get3A_644, %get3A_645] {strides = array<i32>} : memref<16x128xf32, #tpu.memory_space<vmem>>, vector<16xf32>,
        %get3A_647 = arith.index_cast %scan3A_605 : i32 to index
        %get3A_648 = arith.constant 64 : index
        %get3A_649 = tpu.vector_load %arg18[%get3A_647, %get3A_648] {strides = array<i32>} : memref<16x128xf32, #tpu.memory_space<vmem>>, vector<16xf32>,
        %mul3A_650 = arith.mulf %get3A_646, %get3A_649 : vector<16xf32>
        %get3A_651 = arith.index_cast %scan3A_605 : i32 to index
        %get3A_652 = arith.constant 80 : index
        %get3A_653 = tpu.vector_load %arg14[%get3A_651, %get3A_652] {strides = array<i32>} : memref<16x128xf32, #tpu.memory_space<vmem>>, vector<16xf32>,
        %get3A_654 = arith.index_cast %scan3A_605 : i32 to index
        %get3A_655 = arith.constant 80 : index
        %get3A_656 = tpu.vector_load %arg18[%get3A_654, %get3A_655] {strides = array<i32>} : memref<16x128xf32, #tpu.memory_space<vmem>>, vector<16xf32>,
        %mul3A_657 = arith.mulf %get3A_653, %get3A_656 : vector<16xf32>
        %get3A_658 = arith.index_cast %scan3A_605 : i32 to index
        %get3A_659 = arith.constant 96 : index
        %get3A_660 = tpu.vector_load %arg14[%get3A_658, %get3A_659] {strides = array<i32>} : memref<16x128xf32, #tpu.memory_space<vmem>>, vector<16xf32>,
        %get3A_661 = arith.index_cast %scan3A_605 : i32 to index
        %get3A_662 = arith.constant 96 : index
        %get3A_663 = tpu.vector_load %arg18[%get3A_661, %get3A_662] {strides = array<i32>} : memref<16x128xf32, #tpu.memory_space<vmem>>, vector<16xf32>,
        %mul3A_664 = arith.mulf %get3A_660, %get3A_663 : vector<16xf32>
        %get3A_665 = arith.index_cast %scan3A_605 : i32 to index
        %get3A_666 = arith.constant 112 : index
        %get3A_667 = tpu.vector_load %arg14[%get3A_665, %get3A_666] {strides = array<i32>} : memref<16x128xf32, #tpu.memory_space<vmem>>, vector<16xf32>,
        %get3A_668 = arith.index_cast %scan3A_605 : i32 to index
        %get3A_669 = arith.constant 112 : index
        %get3A_670 = tpu.vector_load %arg18[%get3A_668, %get3A_669] {strides = array<i32>} : memref<16x128xf32, #tpu.memory_space<vmem>>, vector<16xf32>,
        %mul3A_671 = arith.mulf %get3A_667, %get3A_670 : vector<16xf32>
        %and3A = arith.constant 15 : i32
        %and3A_672 = arith.andi %scan3A_605, %and3A : i32
        %eq3A = vector.broadcast %and3A_672 : i32 to vector<16xi32>
        %eq3A_673 = arith.cmpi eq, %iota3A, %eq3A : vector<16xi32>
        %get3A_674 = arith.index_cast %scan3A_605 : i32 to index
        %get3A_675 = arith.constant 0 : index
        %get3A_676 = tpu.vector_load %arg16[%get3A_674, %get3A_675] {strides = array<i32>} : memref<16x128xf32, #tpu.memory_space<vmem>>, vector<16xf32>,
        %mul3A_677 = arith.mulf %mul3A_622, %get3A_676 : vector<16xf32>
        %get3A_678 = arith.index_cast %scan3A_605 : i32 to index
        %get3A_679 = arith.constant 16 : index
        %get3A_680 = tpu.vector_load %arg16[%get3A_678, %get3A_679] {strides = array<i32>} : memref<16x128xf32, #tpu.memory_space<vmem>>, vector<16xf32>,
        %mul3A_681 = arith.mulf %mul3A_629, %get3A_680 : vector<16xf32>
        %add3A_682 = arith.addf %mul3A_677, %mul3A_681 : vector<16xf32>
        %get3A_683 = arith.index_cast %scan3A_605 : i32 to index
        %get3A_684 = arith.constant 32 : index
        %get3A_685 = tpu.vector_load %arg16[%get3A_683, %get3A_684] {strides = array<i32>} : memref<16x128xf32, #tpu.memory_space<vmem>>, vector<16xf32>,
        %mul3A_686 = arith.mulf %mul3A_636, %get3A_685 : vector<16xf32>
        %add3A_687 = arith.addf %add3A_682, %mul3A_686 : vector<16xf32>
        %get3A_688 = arith.index_cast %scan3A_605 : i32 to index
        %get3A_689 = arith.constant 48 : index
        %get3A_690 = tpu.vector_load %arg16[%get3A_688, %get3A_689] {strides = array<i32>} : memref<16x128xf32, #tpu.memory_space<vmem>>, vector<16xf32>,
        %mul3A_691 = arith.mulf %mul3A_643, %get3A_690 : vector<16xf32>
        %add3A_692 = arith.addf %add3A_687, %mul3A_691 : vector<16xf32>
        %get3A_693 = arith.index_cast %scan3A_605 : i32 to index
        %get3A_694 = arith.constant 64 : index
        %get3A_695 = tpu.vector_load %arg16[%get3A_693, %get3A_694] {strides = array<i32>} : memref<16x128xf32, #tpu.memory_space<vmem>>, vector<16xf32>,
        %mul3A_696 = arith.mulf %mul3A_650, %get3A_695 : vector<16xf32>
        %add3A_697 = arith.addf %add3A_692, %mul3A_696 : vector<16xf32>
        %get3A_698 = arith.index_cast %scan3A_605 : i32 to index
        %get3A_699 = arith.constant 80 : index
        %get3A_700 = tpu.vector_load %arg16[%get3A_698, %get3A_699] {strides = array<i32>} : memref<16x128xf32, #tpu.memory_space<vmem>>, vector<16xf32>,
        %mul3A_701 = arith.mulf %mul3A_657, %get3A_700 : vector<16xf32>
        %add3A_702 = arith.addf %add3A_697, %mul3A_701 : vector<16xf32>
        %get3A_703 = arith.index_cast %scan3A_605 : i32 to index
        %get3A_704 = arith.constant 96 : index
        %get3A_705 = tpu.vector_load %arg16[%get3A_703, %get3A_704] {strides = array<i32>} : memref<16x128xf32, #tpu.memory_space<vmem>>, vector<16xf32>,
        %mul3A_706 = arith.mulf %mul3A_664, %get3A_705 : vector<16xf32>
        %add3A_707 = arith.addf %add3A_702, %mul3A_706 : vector<16xf32>
        %get3A_708 = arith.index_cast %scan3A_605 : i32 to index
        %get3A_709 = arith.constant 112 : index
        %get3A_710 = tpu.vector_load %arg16[%get3A_708, %get3A_709] {strides = array<i32>} : memref<16x128xf32, #tpu.memory_space<vmem>>, vector<16xf32>,
        %mul3A_711 = arith.mulf %mul3A_671, %get3A_710 : vector<16xf32>
        %add3A_712 = arith.addf %add3A_707, %mul3A_711 : vector<16xf32>
        %reduce_sum3A = arith.constant true
        %reduce_sum3A_713 = vector.broadcast %reduce_sum3A : i1 to vector<16xi1>
        %reduce_sum3A_714 = tpu.scan <sum>, %add3A_712 masked %reduce_sum3A_713 : vector<16xf32>, vector<16xi1> -> vector<16xf32>
        %reduce_sum3A_715 = vector.extract %reduce_sum3A_714[15] : f32 from vector<16xf32>
        %broadcast_in_dim3A_716 = vector.broadcast %reduce_sum3A_715 : f32 to vector<16xf32>
        %select_n3A = arith.select %eq3A_673, %broadcast_in_dim3A_716, %scan3A_606 : vector<16xi1>, vector<16xf32>
        %add3A_717 = arith.constant 0 : i32
        %add3A_718 = arith.addi %add3A_717, %scan3A_605 : i32
        %get3A_719 = arith.index_cast %add3A_718 : i32 to index
        %get3A_720 = arith.constant 0 : index
        %get3A_721 = tpu.vector_load %arg20[%get3A_719, %get3A_720] {strides = array<i32>} : memref<160x128xf32, #tpu.memory_space<vmem>>, vector<16xf32>,
        %mul3A_722 = arith.mulf %mul3A_622, %get3A_721 : vector<16xf32>
        %get3A_723 = arith.index_cast %add3A_718 : i32 to index
        %get3A_724 = arith.constant 16 : index
        %get3A_725 = tpu.vector_load %arg20[%get3A_723, %get3A_724] {strides = array<i32>} : memref<160x128xf32, #tpu.memory_space<vmem>>, vector<16xf32>,
        %mul3A_726 = arith.mulf %mul3A_629, %get3A_725 : vector<16xf32>
        %add3A_727 = arith.addf %mul3A_722, %mul3A_726 : vector<16xf32>
        %get3A_728 = arith.index_cast %add3A_718 : i32 to index
        %get3A_729 = arith.constant 32 : index
        %get3A_730 = tpu.vector_load %arg20[%get3A_728, %get3A_729] {strides = array<i32>} : memref<160x128xf32, #tpu.memory_space<vmem>>, vector<16xf32>,
        %mul3A_731 = arith.mulf %mul3A_636, %get3A_730 : vector<16xf32>
        %add3A_732 = arith.addf %add3A_727, %mul3A_731 : vector<16xf32>
        %get3A_733 = arith.index_cast %add3A_718 : i32 to index
        %get3A_734 = arith.constant 48 : index
        %get3A_735 = tpu.vector_load %arg20[%get3A_733, %get3A_734] {strides = array<i32>} : memref<160x128xf32, #tpu.memory_space<vmem>>, vector<16xf32>,
        %mul3A_736 = arith.mulf %mul3A_643, %get3A_735 : vector<16xf32>
        %add3A_737 = arith.addf %add3A_732, %mul3A_736 : vector<16xf32>
        %get3A_738 = arith.index_cast %add3A_718 : i32 to index
        %get3A_739 = arith.constant 64 : index
        %get3A_740 = tpu.vector_load %arg20[%get3A_738, %get3A_739] {strides = array<i32>} : memref<160x128xf32, #tpu.memory_space<vmem>>, vector<16xf32>,
        %mul3A_741 = arith.mulf %mul3A_650, %get3A_740 : vector<16xf32>
        %add3A_742 = arith.addf %add3A_737, %mul3A_741 : vector<16xf32>
        %get3A_743 = arith.index_cast %add3A_718 : i32 to index
        %get3A_744 = arith.constant 80 : index
        %get3A_745 = tpu.vector_load %arg20[%get3A_743, %get3A_744] {strides = array<i32>} : memref<160x128xf32, #tpu.memory_space<vmem>>, vector<16xf32>,
        %mul3A_746 = arith.mulf %mul3A_657, %get3A_745 : vector<16xf32>
        %add3A_747 = arith.addf %add3A_742, %mul3A_746 : vector<16xf32>
        %get3A_748 = arith.index_cast %add3A_718 : i32 to index
        %get3A_749 = arith.constant 96 : index
        %get3A_750 = tpu.vector_load %arg20[%get3A_748, %get3A_749] {strides = array<i32>} : memref<160x128xf32, #tpu.memory_space<vmem>>, vector<16xf32>,
        %mul3A_751 = arith.mulf %mul3A_664, %get3A_750 : vector<16xf32>
        %add3A_752 = arith.addf %add3A_747, %mul3A_751 : vector<16xf32>
        %get3A_753 = arith.index_cast %add3A_718 : i32 to index
        %get3A_754 = arith.constant 112 : index
        %get3A_755 = tpu.vector_load %arg20[%get3A_753, %get3A_754] {strides = array<i32>} : memref<160x128xf32, #tpu.memory_space<vmem>>, vector<16xf32>,
        %mul3A_756 = arith.mulf %mul3A_671, %get3A_755 : vector<16xf32>
        %add3A_757 = arith.addf %add3A_752, %mul3A_756 : vector<16xf32>
        %reduce_sum3A_758 = arith.constant true
        %reduce_sum3A_759 = vector.broadcast %reduce_sum3A_758 : i1 to vector<16xi1>
        %reduce_sum3A_760 = tpu.scan <sum>, %add3A_757 masked %reduce_sum3A_759 : vector<16xf32>, vector<16xi1> -> vector<16xf32>
        %reduce_sum3A_761 = vector.extract %reduce_sum3A_760[15] : f32 from vector<16xf32>
        %broadcast_in_dim3A_762 = vector.broadcast %reduce_sum3A_761 : f32 to vector<16xf32>
        %select_n3A_763 = arith.select %eq3A_673, %broadcast_in_dim3A_762, %scan3A_607 : vector<16xi1>, vector<16xf32>
        %add3A_764 = arith.constant 16 : i32
        %add3A_765 = arith.addi %add3A_764, %scan3A_605 : i32
        %get3A_766 = arith.index_cast %add3A_765 : i32 to index
        %get3A_767 = arith.constant 0 : index
        %get3A_768 = tpu.vector_load %arg20[%get3A_766, %get3A_767] {strides = array<i32>} : memref<160x128xf32, #tpu.memory_space<vmem>>, vector<16xf32>,
        %mul3A_769 = arith.mulf %mul3A_622, %get3A_768 : vector<16xf32>
        %get3A_770 = arith.index_cast %add3A_765 : i32 to index
        %get3A_771 = arith.constant 16 : index
        %get3A_772 = tpu.vector_load %arg20[%get3A_770, %get3A_771] {strides = array<i32>} : memref<160x128xf32, #tpu.memory_space<vmem>>, vector<16xf32>,
        %mul3A_773 = arith.mulf %mul3A_629, %get3A_772 : vector<16xf32>
        %add3A_774 = arith.addf %mul3A_769, %mul3A_773 : vector<16xf32>
        %get3A_775 = arith.index_cast %add3A_765 : i32 to index
        %get3A_776 = arith.constant 32 : index
        %get3A_777 = tpu.vector_load %arg20[%get3A_775, %get3A_776] {strides = array<i32>} : memref<160x128xf32, #tpu.memory_space<vmem>>, vector<16xf32>,
        %mul3A_778 = arith.mulf %mul3A_636, %get3A_777 : vector<16xf32>
        %add3A_779 = arith.addf %add3A_774, %mul3A_778 : vector<16xf32>
        %get3A_780 = arith.index_cast %add3A_765 : i32 to index
        %get3A_781 = arith.constant 48 : index
        %get3A_782 = tpu.vector_load %arg20[%get3A_780, %get3A_781] {strides = array<i32>} : memref<160x128xf32, #tpu.memory_space<vmem>>, vector<16xf32>,
        %mul3A_783 = arith.mulf %mul3A_643, %get3A_782 : vector<16xf32>
        %add3A_784 = arith.addf %add3A_779, %mul3A_783 : vector<16xf32>
        %get3A_785 = arith.index_cast %add3A_765 : i32 to index
        %get3A_786 = arith.constant 64 : index
        %get3A_787 = tpu.vector_load %arg20[%get3A_785, %get3A_786] {strides = array<i32>} : memref<160x128xf32, #tpu.memory_space<vmem>>, vector<16xf32>,
        %mul3A_788 = arith.mulf %mul3A_650, %get3A_787 : vector<16xf32>
        %add3A_789 = arith.addf %add3A_784, %mul3A_788 : vector<16xf32>
        %get3A_790 = arith.index_cast %add3A_765 : i32 to index
        %get3A_791 = arith.constant 80 : index
        %get3A_792 = tpu.vector_load %arg20[%get3A_790, %get3A_791] {strides = array<i32>} : memref<160x128xf32, #tpu.memory_space<vmem>>, vector<16xf32>,
        %mul3A_793 = arith.mulf %mul3A_657, %get3A_792 : vector<16xf32>
        %add3A_794 = arith.addf %add3A_789, %mul3A_793 : vector<16xf32>
        %get3A_795 = arith.index_cast %add3A_765 : i32 to index
        %get3A_796 = arith.constant 96 : index
        %get3A_797 = tpu.vector_load %arg20[%get3A_795, %get3A_796] {strides = array<i32>} : memref<160x128xf32, #tpu.memory_space<vmem>>, vector<16xf32>,
        %mul3A_798 = arith.mulf %mul3A_664, %get3A_797 : vector<16xf32>
        %add3A_799 = arith.addf %add3A_794, %mul3A_798 : vector<16xf32>
        %get3A_800 = arith.index_cast %add3A_765 : i32 to index
        %get3A_801 = arith.constant 112 : index
        %get3A_802 = tpu.vector_load %arg20[%get3A_800, %get3A_801] {strides = array<i32>} : memref<160x128xf32, #tpu.memory_space<vmem>>, vector<16xf32>,
        %mul3A_803 = arith.mulf %mul3A_671, %get3A_802 : vector<16xf32>
        %add3A_804 = arith.addf %add3A_799, %mul3A_803 : vector<16xf32>
        %reduce_sum3A_805 = arith.constant true
        %reduce_sum3A_806 = vector.broadcast %reduce_sum3A_805 : i1 to vector<16xi1>
        %reduce_sum3A_807 = tpu.scan <sum>, %add3A_804 masked %reduce_sum3A_806 : vector<16xf32>, vector<16xi1> -> vector<16xf32>
        %reduce_sum3A_808 = vector.extract %reduce_sum3A_807[15] : f32 from vector<16xf32>
        %broadcast_in_dim3A_809 = vector.broadcast %reduce_sum3A_808 : f32 to vector<16xf32>
        %select_n3A_810 = arith.select %eq3A_673, %broadcast_in_dim3A_809, %scan3A_608 : vector<16xi1>, vector<16xf32>
        %add3A_811 = arith.constant 32 : i32
        %add3A_812 = arith.addi %add3A_811, %scan3A_605 : i32
        %get3A_813 = arith.index_cast %add3A_812 : i32 to index
        %get3A_814 = arith.constant 0 : index
        %get3A_815 = tpu.vector_load %arg20[%get3A_813, %get3A_814] {strides = array<i32>} : memref<160x128xf32, #tpu.memory_space<vmem>>, vector<16xf32>,
        %mul3A_816 = arith.mulf %mul3A_622, %get3A_815 : vector<16xf32>
        %get3A_817 = arith.index_cast %add3A_812 : i32 to index
        %get3A_818 = arith.constant 16 : index
        %get3A_819 = tpu.vector_load %arg20[%get3A_817, %get3A_818] {strides = array<i32>} : memref<160x128xf32, #tpu.memory_space<vmem>>, vector<16xf32>,
        %mul3A_820 = arith.mulf %mul3A_629, %get3A_819 : vector<16xf32>
        %add3A_821 = arith.addf %mul3A_816, %mul3A_820 : vector<16xf32>
        %get3A_822 = arith.index_cast %add3A_812 : i32 to index
        %get3A_823 = arith.constant 32 : index
        %get3A_824 = tpu.vector_load %arg20[%get3A_822, %get3A_823] {strides = array<i32>} : memref<160x128xf32, #tpu.memory_space<vmem>>, vector<16xf32>,
        %mul3A_825 = arith.mulf %mul3A_636, %get3A_824 : vector<16xf32>
        %add3A_826 = arith.addf %add3A_821, %mul3A_825 : vector<16xf32>
        %get3A_827 = arith.index_cast %add3A_812 : i32 to index
        %get3A_828 = arith.constant 48 : index
        %get3A_829 = tpu.vector_load %arg20[%get3A_827, %get3A_828] {strides = array<i32>} : memref<160x128xf32, #tpu.memory_space<vmem>>, vector<16xf32>,
        %mul3A_830 = arith.mulf %mul3A_643, %get3A_829 : vector<16xf32>
        %add3A_831 = arith.addf %add3A_826, %mul3A_830 : vector<16xf32>
        %get3A_832 = arith.index_cast %add3A_812 : i32 to index
        %get3A_833 = arith.constant 64 : index
        %get3A_834 = tpu.vector_load %arg20[%get3A_832, %get3A_833] {strides = array<i32>} : memref<160x128xf32, #tpu.memory_space<vmem>>, vector<16xf32>,
        %mul3A_835 = arith.mulf %mul3A_650, %get3A_834 : vector<16xf32>
        %add3A_836 = arith.addf %add3A_831, %mul3A_835 : vector<16xf32>
        %get3A_837 = arith.index_cast %add3A_812 : i32 to index
        %get3A_838 = arith.constant 80 : index
        %get3A_839 = tpu.vector_load %arg20[%get3A_837, %get3A_838] {strides = array<i32>} : memref<160x128xf32, #tpu.memory_space<vmem>>, vector<16xf32>,
        %mul3A_840 = arith.mulf %mul3A_657, %get3A_839 : vector<16xf32>
        %add3A_841 = arith.addf %add3A_836, %mul3A_840 : vector<16xf32>
        %get3A_842 = arith.index_cast %add3A_812 : i32 to index
        %get3A_843 = arith.constant 96 : index
        %get3A_844 = tpu.vector_load %arg20[%get3A_842, %get3A_843] {strides = array<i32>} : memref<160x128xf32, #tpu.memory_space<vmem>>, vector<16xf32>,
        %mul3A_845 = arith.mulf %mul3A_664, %get3A_844 : vector<16xf32>
        %add3A_846 = arith.addf %add3A_841, %mul3A_845 : vector<16xf32>
        %get3A_847 = arith.index_cast %add3A_812 : i32 to index
        %get3A_848 = arith.constant 112 : index
        %get3A_849 = tpu.vector_load %arg20[%get3A_847, %get3A_848] {strides = array<i32>} : memref<160x128xf32, #tpu.memory_space<vmem>>, vector<16xf32>,
        %mul3A_850 = arith.mulf %mul3A_671, %get3A_849 : vector<16xf32>
        %add3A_851 = arith.addf %add3A_846, %mul3A_850 : vector<16xf32>
        %reduce_sum3A_852 = arith.constant true
        %reduce_sum3A_853 = vector.broadcast %reduce_sum3A_852 : i1 to vector<16xi1>
        %reduce_sum3A_854 = tpu.scan <sum>, %add3A_851 masked %reduce_sum3A_853 : vector<16xf32>, vector<16xi1> -> vector<16xf32>
        %reduce_sum3A_855 = vector.extract %reduce_sum3A_854[15] : f32 from vector<16xf32>
        %broadcast_in_dim3A_856 = vector.broadcast %reduce_sum3A_855 : f32 to vector<16xf32>
        %select_n3A_857 = arith.select %eq3A_673, %broadcast_in_dim3A_856, %scan3A_609 : vector<16xi1>, vector<16xf32>
        %add3A_858 = arith.constant 48 : i32
        %add3A_859 = arith.addi %add3A_858, %scan3A_605 : i32
        %get3A_860 = arith.index_cast %add3A_859 : i32 to index
        %get3A_861 = arith.constant 0 : index
        %get3A_862 = tpu.vector_load %arg20[%get3A_860, %get3A_861] {strides = array<i32>} : memref<160x128xf32, #tpu.memory_space<vmem>>, vector<16xf32>,
        %mul3A_863 = arith.mulf %mul3A_622, %get3A_862 : vector<16xf32>
        %get3A_864 = arith.index_cast %add3A_859 : i32 to index
        %get3A_865 = arith.constant 16 : index
        %get3A_866 = tpu.vector_load %arg20[%get3A_864, %get3A_865] {strides = array<i32>} : memref<160x128xf32, #tpu.memory_space<vmem>>, vector<16xf32>,
        %mul3A_867 = arith.mulf %mul3A_629, %get3A_866 : vector<16xf32>
        %add3A_868 = arith.addf %mul3A_863, %mul3A_867 : vector<16xf32>
        %get3A_869 = arith.index_cast %add3A_859 : i32 to index
        %get3A_870 = arith.constant 32 : index
        %get3A_871 = tpu.vector_load %arg20[%get3A_869, %get3A_870] {strides = array<i32>} : memref<160x128xf32, #tpu.memory_space<vmem>>, vector<16xf32>,
        %mul3A_872 = arith.mulf %mul3A_636, %get3A_871 : vector<16xf32>
        %add3A_873 = arith.addf %add3A_868, %mul3A_872 : vector<16xf32>
        %get3A_874 = arith.index_cast %add3A_859 : i32 to index
        %get3A_875 = arith.constant 48 : index
        %get3A_876 = tpu.vector_load %arg20[%get3A_874, %get3A_875] {strides = array<i32>} : memref<160x128xf32, #tpu.memory_space<vmem>>, vector<16xf32>,
        %mul3A_877 = arith.mulf %mul3A_643, %get3A_876 : vector<16xf32>
        %add3A_878 = arith.addf %add3A_873, %mul3A_877 : vector<16xf32>
        %get3A_879 = arith.index_cast %add3A_859 : i32 to index
        %get3A_880 = arith.constant 64 : index
        %get3A_881 = tpu.vector_load %arg20[%get3A_879, %get3A_880] {strides = array<i32>} : memref<160x128xf32, #tpu.memory_space<vmem>>, vector<16xf32>,
        %mul3A_882 = arith.mulf %mul3A_650, %get3A_881 : vector<16xf32>
        %add3A_883 = arith.addf %add3A_878, %mul3A_882 : vector<16xf32>
        %get3A_884 = arith.index_cast %add3A_859 : i32 to index
        %get3A_885 = arith.constant 80 : index
        %get3A_886 = tpu.vector_load %arg20[%get3A_884, %get3A_885] {strides = array<i32>} : memref<160x128xf32, #tpu.memory_space<vmem>>, vector<16xf32>,
        %mul3A_887 = arith.mulf %mul3A_657, %get3A_886 : vector<16xf32>
        %add3A_888 = arith.addf %add3A_883, %mul3A_887 : vector<16xf32>
        %get3A_889 = arith.index_cast %add3A_859 : i32 to index
        %get3A_890 = arith.constant 96 : index
        %get3A_891 = tpu.vector_load %arg20[%get3A_889, %get3A_890] {strides = array<i32>} : memref<160x128xf32, #tpu.memory_space<vmem>>, vector<16xf32>,
        %mul3A_892 = arith.mulf %mul3A_664, %get3A_891 : vector<16xf32>
        %add3A_893 = arith.addf %add3A_888, %mul3A_892 : vector<16xf32>
        %get3A_894 = arith.index_cast %add3A_859 : i32 to index
        %get3A_895 = arith.constant 112 : index
        %get3A_896 = tpu.vector_load %arg20[%get3A_894, %get3A_895] {strides = array<i32>} : memref<160x128xf32, #tpu.memory_space<vmem>>, vector<16xf32>,
        %mul3A_897 = arith.mulf %mul3A_671, %get3A_896 : vector<16xf32>
        %add3A_898 = arith.addf %add3A_893, %mul3A_897 : vector<16xf32>
        %reduce_sum3A_899 = arith.constant true
        %reduce_sum3A_900 = vector.broadcast %reduce_sum3A_899 : i1 to vector<16xi1>
        %reduce_sum3A_901 = tpu.scan <sum>, %add3A_898 masked %reduce_sum3A_900 : vector<16xf32>, vector<16xi1> -> vector<16xf32>
        %reduce_sum3A_902 = vector.extract %reduce_sum3A_901[15] : f32 from vector<16xf32>
        %broadcast_in_dim3A_903 = vector.broadcast %reduce_sum3A_902 : f32 to vector<16xf32>
        %select_n3A_904 = arith.select %eq3A_673, %broadcast_in_dim3A_903, %scan3A_610 : vector<16xi1>, vector<16xf32>
        %add3A_905 = arith.constant 64 : i32
        %add3A_906 = arith.addi %add3A_905, %scan3A_605 : i32
        %get3A_907 = arith.index_cast %add3A_906 : i32 to index
        %get3A_908 = arith.constant 0 : index
        %get3A_909 = tpu.vector_load %arg20[%get3A_907, %get3A_908] {strides = array<i32>} : memref<160x128xf32, #tpu.memory_space<vmem>>, vector<16xf32>,
        %mul3A_910 = arith.mulf %mul3A_622, %get3A_909 : vector<16xf32>
        %get3A_911 = arith.index_cast %add3A_906 : i32 to index
        %get3A_912 = arith.constant 16 : index
        %get3A_913 = tpu.vector_load %arg20[%get3A_911, %get3A_912] {strides = array<i32>} : memref<160x128xf32, #tpu.memory_space<vmem>>, vector<16xf32>,
        %mul3A_914 = arith.mulf %mul3A_629, %get3A_913 : vector<16xf32>
        %add3A_915 = arith.addf %mul3A_910, %mul3A_914 : vector<16xf32>
        %get3A_916 = arith.index_cast %add3A_906 : i32 to index
        %get3A_917 = arith.constant 32 : index
        %get3A_918 = tpu.vector_load %arg20[%get3A_916, %get3A_917] {strides = array<i32>} : memref<160x128xf32, #tpu.memory_space<vmem>>, vector<16xf32>,
        %mul3A_919 = arith.mulf %mul3A_636, %get3A_918 : vector<16xf32>
        %add3A_920 = arith.addf %add3A_915, %mul3A_919 : vector<16xf32>
        %get3A_921 = arith.index_cast %add3A_906 : i32 to index
        %get3A_922 = arith.constant 48 : index
        %get3A_923 = tpu.vector_load %arg20[%get3A_921, %get3A_922] {strides = array<i32>} : memref<160x128xf32, #tpu.memory_space<vmem>>, vector<16xf32>,
        %mul3A_924 = arith.mulf %mul3A_643, %get3A_923 : vector<16xf32>
        %add3A_925 = arith.addf %add3A_920, %mul3A_924 : vector<16xf32>
        %get3A_926 = arith.index_cast %add3A_906 : i32 to index
        %get3A_927 = arith.constant 64 : index
        %get3A_928 = tpu.vector_load %arg20[%get3A_926, %get3A_927] {strides = array<i32>} : memref<160x128xf32, #tpu.memory_space<vmem>>, vector<16xf32>,
        %mul3A_929 = arith.mulf %mul3A_650, %get3A_928 : vector<16xf32>
        %add3A_930 = arith.addf %add3A_925, %mul3A_929 : vector<16xf32>
        %get3A_931 = arith.index_cast %add3A_906 : i32 to index
        %get3A_932 = arith.constant 80 : index
        %get3A_933 = tpu.vector_load %arg20[%get3A_931, %get3A_932] {strides = array<i32>} : memref<160x128xf32, #tpu.memory_space<vmem>>, vector<16xf32>,
        %mul3A_934 = arith.mulf %mul3A_657, %get3A_933 : vector<16xf32>
        %add3A_935 = arith.addf %add3A_930, %mul3A_934 : vector<16xf32>
        %get3A_936 = arith.index_cast %add3A_906 : i32 to index
        %get3A_937 = arith.constant 96 : index
        %get3A_938 = tpu.vector_load %arg20[%get3A_936, %get3A_937] {strides = array<i32>} : memref<160x128xf32, #tpu.memory_space<vmem>>, vector<16xf32>,
        %mul3A_939 = arith.mulf %mul3A_664, %get3A_938 : vector<16xf32>
        %add3A_940 = arith.addf %add3A_935, %mul3A_939 : vector<16xf32>
        %get3A_941 = arith.index_cast %add3A_906 : i32 to index
        %get3A_942 = arith.constant 112 : index
        %get3A_943 = tpu.vector_load %arg20[%get3A_941, %get3A_942] {strides = array<i32>} : memref<160x128xf32, #tpu.memory_space<vmem>>, vector<16xf32>,
        %mul3A_944 = arith.mulf %mul3A_671, %get3A_943 : vector<16xf32>
        %add3A_945 = arith.addf %add3A_940, %mul3A_944 : vector<16xf32>
        %reduce_sum3A_946 = arith.constant true
        %reduce_sum3A_947 = vector.broadcast %reduce_sum3A_946 : i1 to vector<16xi1>
        %reduce_sum3A_948 = tpu.scan <sum>, %add3A_945 masked %reduce_sum3A_947 : vector<16xf32>, vector<16xi1> -> vector<16xf32>
        %reduce_sum3A_949 = vector.extract %reduce_sum3A_948[15] : f32 from vector<16xf32>
        %broadcast_in_dim3A_950 = vector.broadcast %reduce_sum3A_949 : f32 to vector<16xf32>
        %select_n3A_951 = arith.select %eq3A_673, %broadcast_in_dim3A_950, %scan3A_611 : vector<16xi1>, vector<16xf32>
        %add3A_952 = arith.constant 80 : i32
        %add3A_953 = arith.addi %add3A_952, %scan3A_605 : i32
        %get3A_954 = arith.index_cast %add3A_953 : i32 to index
        %get3A_955 = arith.constant 0 : index
        %get3A_956 = tpu.vector_load %arg20[%get3A_954, %get3A_955] {strides = array<i32>} : memref<160x128xf32, #tpu.memory_space<vmem>>, vector<16xf32>,
        %mul3A_957 = arith.mulf %mul3A_622, %get3A_956 : vector<16xf32>
        %get3A_958 = arith.index_cast %add3A_953 : i32 to index
        %get3A_959 = arith.constant 16 : index
        %get3A_960 = tpu.vector_load %arg20[%get3A_958, %get3A_959] {strides = array<i32>} : memref<160x128xf32, #tpu.memory_space<vmem>>, vector<16xf32>,
        %mul3A_961 = arith.mulf %mul3A_629, %get3A_960 : vector<16xf32>
        %add3A_962 = arith.addf %mul3A_957, %mul3A_961 : vector<16xf32>
        %get3A_963 = arith.index_cast %add3A_953 : i32 to index
        %get3A_964 = arith.constant 32 : index
        %get3A_965 = tpu.vector_load %arg20[%get3A_963, %get3A_964] {strides = array<i32>} : memref<160x128xf32, #tpu.memory_space<vmem>>, vector<16xf32>,
        %mul3A_966 = arith.mulf %mul3A_636, %get3A_965 : vector<16xf32>
        %add3A_967 = arith.addf %add3A_962, %mul3A_966 : vector<16xf32>
        %get3A_968 = arith.index_cast %add3A_953 : i32 to index
        %get3A_969 = arith.constant 48 : index
        %get3A_970 = tpu.vector_load %arg20[%get3A_968, %get3A_969] {strides = array<i32>} : memref<160x128xf32, #tpu.memory_space<vmem>>, vector<16xf32>,
        %mul3A_971 = arith.mulf %mul3A_643, %get3A_970 : vector<16xf32>
        %add3A_972 = arith.addf %add3A_967, %mul3A_971 : vector<16xf32>
        %get3A_973 = arith.index_cast %add3A_953 : i32 to index
        %get3A_974 = arith.constant 64 : index
        %get3A_975 = tpu.vector_load %arg20[%get3A_973, %get3A_974] {strides = array<i32>} : memref<160x128xf32, #tpu.memory_space<vmem>>, vector<16xf32>,
        %mul3A_976 = arith.mulf %mul3A_650, %get3A_975 : vector<16xf32>
        %add3A_977 = arith.addf %add3A_972, %mul3A_976 : vector<16xf32>
        %get3A_978 = arith.index_cast %add3A_953 : i32 to index
        %get3A_979 = arith.constant 80 : index
        %get3A_980 = tpu.vector_load %arg20[%get3A_978, %get3A_979] {strides = array<i32>} : memref<160x128xf32, #tpu.memory_space<vmem>>, vector<16xf32>,
        %mul3A_981 = arith.mulf %mul3A_657, %get3A_980 : vector<16xf32>
        %add3A_982 = arith.addf %add3A_977, %mul3A_981 : vector<16xf32>
        %get3A_983 = arith.index_cast %add3A_953 : i32 to index
        %get3A_984 = arith.constant 96 : index
        %get3A_985 = tpu.vector_load %arg20[%get3A_983, %get3A_984] {strides = array<i32>} : memref<160x128xf32, #tpu.memory_space<vmem>>, vector<16xf32>,
        %mul3A_986 = arith.mulf %mul3A_664, %get3A_985 : vector<16xf32>
        %add3A_987 = arith.addf %add3A_982, %mul3A_986 : vector<16xf32>
        %get3A_988 = arith.index_cast %add3A_953 : i32 to index
        %get3A_989 = arith.constant 112 : index
        %get3A_990 = tpu.vector_load %arg20[%get3A_988, %get3A_989] {strides = array<i32>} : memref<160x128xf32, #tpu.memory_space<vmem>>, vector<16xf32>,
        %mul3A_991 = arith.mulf %mul3A_671, %get3A_990 : vector<16xf32>
        %add3A_992 = arith.addf %add3A_987, %mul3A_991 : vector<16xf32>
        %reduce_sum3A_993 = arith.constant true
        %reduce_sum3A_994 = vector.broadcast %reduce_sum3A_993 : i1 to vector<16xi1>
        %reduce_sum3A_995 = tpu.scan <sum>, %add3A_992 masked %reduce_sum3A_994 : vector<16xf32>, vector<16xi1> -> vector<16xf32>
        %reduce_sum3A_996 = vector.extract %reduce_sum3A_995[15] : f32 from vector<16xf32>
        %broadcast_in_dim3A_997 = vector.broadcast %reduce_sum3A_996 : f32 to vector<16xf32>
        %select_n3A_998 = arith.select %eq3A_673, %broadcast_in_dim3A_997, %scan3A_612 : vector<16xi1>, vector<16xf32>
        %add3A_999 = arith.constant 96 : i32
        %add3A_1000 = arith.addi %add3A_999, %scan3A_605 : i32
        %get3A_1001 = arith.index_cast %add3A_1000 : i32 to index
        %get3A_1002 = arith.constant 0 : index
        %get3A_1003 = tpu.vector_load %arg20[%get3A_1001, %get3A_1002] {strides = array<i32>} : memref<160x128xf32, #tpu.memory_space<vmem>>, vector<16xf32>,
        %mul3A_1004 = arith.mulf %mul3A_622, %get3A_1003 : vector<16xf32>
        %get3A_1005 = arith.index_cast %add3A_1000 : i32 to index
        %get3A_1006 = arith.constant 16 : index
        %get3A_1007 = tpu.vector_load %arg20[%get3A_1005, %get3A_1006] {strides = array<i32>} : memref<160x128xf32, #tpu.memory_space<vmem>>, vector<16xf32>,
        %mul3A_1008 = arith.mulf %mul3A_629, %get3A_1007 : vector<16xf32>
        %add3A_1009 = arith.addf %mul3A_1004, %mul3A_1008 : vector<16xf32>
        %get3A_1010 = arith.index_cast %add3A_1000 : i32 to index
        %get3A_1011 = arith.constant 32 : index
        %get3A_1012 = tpu.vector_load %arg20[%get3A_1010, %get3A_1011] {strides = array<i32>} : memref<160x128xf32, #tpu.memory_space<vmem>>, vector<16xf32>,
        %mul3A_1013 = arith.mulf %mul3A_636, %get3A_1012 : vector<16xf32>
        %add3A_1014 = arith.addf %add3A_1009, %mul3A_1013 : vector<16xf32>
        %get3A_1015 = arith.index_cast %add3A_1000 : i32 to index
        %get3A_1016 = arith.constant 48 : index
        %get3A_1017 = tpu.vector_load %arg20[%get3A_1015, %get3A_1016] {strides = array<i32>} : memref<160x128xf32, #tpu.memory_space<vmem>>, vector<16xf32>,
        %mul3A_1018 = arith.mulf %mul3A_643, %get3A_1017 : vector<16xf32>
        %add3A_1019 = arith.addf %add3A_1014, %mul3A_1018 : vector<16xf32>
        %get3A_1020 = arith.index_cast %add3A_1000 : i32 to index
        %get3A_1021 = arith.constant 64 : index
        %get3A_1022 = tpu.vector_load %arg20[%get3A_1020, %get3A_1021] {strides = array<i32>} : memref<160x128xf32, #tpu.memory_space<vmem>>, vector<16xf32>,
        %mul3A_1023 = arith.mulf %mul3A_650, %get3A_1022 : vector<16xf32>
        %add3A_1024 = arith.addf %add3A_1019, %mul3A_1023 : vector<16xf32>
        %get3A_1025 = arith.index_cast %add3A_1000 : i32 to index
        %get3A_1026 = arith.constant 80 : index
        %get3A_1027 = tpu.vector_load %arg20[%get3A_1025, %get3A_1026] {strides = array<i32>} : memref<160x128xf32, #tpu.memory_space<vmem>>, vector<16xf32>,
        %mul3A_1028 = arith.mulf %mul3A_657, %get3A_1027 : vector<16xf32>
        %add3A_1029 = arith.addf %add3A_1024, %mul3A_1028 : vector<16xf32>
        %get3A_1030 = arith.index_cast %add3A_1000 : i32 to index
        %get3A_1031 = arith.constant 96 : index
        %get3A_1032 = tpu.vector_load %arg20[%get3A_1030, %get3A_1031] {strides = array<i32>} : memref<160x128xf32, #tpu.memory_space<vmem>>, vector<16xf32>,
        %mul3A_1033 = arith.mulf %mul3A_664, %get3A_1032 : vector<16xf32>
        %add3A_1034 = arith.addf %add3A_1029, %mul3A_1033 : vector<16xf32>
        %get3A_1035 = arith.index_cast %add3A_1000 : i32 to index
        %get3A_1036 = arith.constant 112 : index
        %get3A_1037 = tpu.vector_load %arg20[%get3A_1035, %get3A_1036] {strides = array<i32>} : memref<160x128xf32, #tpu.memory_space<vmem>>, vector<16xf32>,
        %mul3A_1038 = arith.mulf %mul3A_671, %get3A_1037 : vector<16xf32>
        %add3A_1039 = arith.addf %add3A_1034, %mul3A_1038 : vector<16xf32>
        %reduce_sum3A_1040 = arith.constant true
        %reduce_sum3A_1041 = vector.broadcast %reduce_sum3A_1040 : i1 to vector<16xi1>
        %reduce_sum3A_1042 = tpu.scan <sum>, %add3A_1039 masked %reduce_sum3A_1041 : vector<16xf32>, vector<16xi1> -> vector<16xf32>
        %reduce_sum3A_1043 = vector.extract %reduce_sum3A_1042[15] : f32 from vector<16xf32>
        %broadcast_in_dim3A_1044 = vector.broadcast %reduce_sum3A_1043 : f32 to vector<16xf32>
        %select_n3A_1045 = arith.select %eq3A_673, %broadcast_in_dim3A_1044, %scan3A_613 : vector<16xi1>, vector<16xf32>
        %add3A_1046 = arith.constant 112 : i32
        %add3A_1047 = arith.addi %add3A_1046, %scan3A_605 : i32
        %get3A_1048 = arith.index_cast %add3A_1047 : i32 to index
        %get3A_1049 = arith.constant 0 : index
        %get3A_1050 = tpu.vector_load %arg20[%get3A_1048, %get3A_1049] {strides = array<i32>} : memref<160x128xf32, #tpu.memory_space<vmem>>, vector<16xf32>,
        %mul3A_1051 = arith.mulf %mul3A_622, %get3A_1050 : vector<16xf32>
        %get3A_1052 = arith.index_cast %add3A_1047 : i32 to index
        %get3A_1053 = arith.constant 16 : index
        %get3A_1054 = tpu.vector_load %arg20[%get3A_1052, %get3A_1053] {strides = array<i32>} : memref<160x128xf32, #tpu.memory_space<vmem>>, vector<16xf32>,
        %mul3A_1055 = arith.mulf %mul3A_629, %get3A_1054 : vector<16xf32>
        %add3A_1056 = arith.addf %mul3A_1051, %mul3A_1055 : vector<16xf32>
        %get3A_1057 = arith.index_cast %add3A_1047 : i32 to index
        %get3A_1058 = arith.constant 32 : index
        %get3A_1059 = tpu.vector_load %arg20[%get3A_1057, %get3A_1058] {strides = array<i32>} : memref<160x128xf32, #tpu.memory_space<vmem>>, vector<16xf32>,
        %mul3A_1060 = arith.mulf %mul3A_636, %get3A_1059 : vector<16xf32>
        %add3A_1061 = arith.addf %add3A_1056, %mul3A_1060 : vector<16xf32>
        %get3A_1062 = arith.index_cast %add3A_1047 : i32 to index
        %get3A_1063 = arith.constant 48 : index
        %get3A_1064 = tpu.vector_load %arg20[%get3A_1062, %get3A_1063] {strides = array<i32>} : memref<160x128xf32, #tpu.memory_space<vmem>>, vector<16xf32>,
        %mul3A_1065 = arith.mulf %mul3A_643, %get3A_1064 : vector<16xf32>
        %add3A_1066 = arith.addf %add3A_1061, %mul3A_1065 : vector<16xf32>
        %get3A_1067 = arith.index_cast %add3A_1047 : i32 to index
        %get3A_1068 = arith.constant 64 : index
        %get3A_1069 = tpu.vector_load %arg20[%get3A_1067, %get3A_1068] {strides = array<i32>} : memref<160x128xf32, #tpu.memory_space<vmem>>, vector<16xf32>,
        %mul3A_1070 = arith.mulf %mul3A_650, %get3A_1069 : vector<16xf32>
        %add3A_1071 = arith.addf %add3A_1066, %mul3A_1070 : vector<16xf32>
        %get3A_1072 = arith.index_cast %add3A_1047 : i32 to index
        %get3A_1073 = arith.constant 80 : index
        %get3A_1074 = tpu.vector_load %arg20[%get3A_1072, %get3A_1073] {strides = array<i32>} : memref<160x128xf32, #tpu.memory_space<vmem>>, vector<16xf32>,
        %mul3A_1075 = arith.mulf %mul3A_657, %get3A_1074 : vector<16xf32>
        %add3A_1076 = arith.addf %add3A_1071, %mul3A_1075 : vector<16xf32>
        %get3A_1077 = arith.index_cast %add3A_1047 : i32 to index
        %get3A_1078 = arith.constant 96 : index
        %get3A_1079 = tpu.vector_load %arg20[%get3A_1077, %get3A_1078] {strides = array<i32>} : memref<160x128xf32, #tpu.memory_space<vmem>>, vector<16xf32>,
        %mul3A_1080 = arith.mulf %mul3A_664, %get3A_1079 : vector<16xf32>
        %add3A_1081 = arith.addf %add3A_1076, %mul3A_1080 : vector<16xf32>
        %get3A_1082 = arith.index_cast %add3A_1047 : i32 to index
        %get3A_1083 = arith.constant 112 : index
        %get3A_1084 = tpu.vector_load %arg20[%get3A_1082, %get3A_1083] {strides = array<i32>} : memref<160x128xf32, #tpu.memory_space<vmem>>, vector<16xf32>,
        %mul3A_1085 = arith.mulf %mul3A_671, %get3A_1084 : vector<16xf32>
        %add3A_1086 = arith.addf %add3A_1081, %mul3A_1085 : vector<16xf32>
        %reduce_sum3A_1087 = arith.constant true
        %reduce_sum3A_1088 = vector.broadcast %reduce_sum3A_1087 : i1 to vector<16xi1>
        %reduce_sum3A_1089 = tpu.scan <sum>, %add3A_1086 masked %reduce_sum3A_1088 : vector<16xf32>, vector<16xi1> -> vector<16xf32>
        %reduce_sum3A_1090 = vector.extract %reduce_sum3A_1089[15] : f32 from vector<16xf32>
        %broadcast_in_dim3A_1091 = vector.broadcast %reduce_sum3A_1090 : f32 to vector<16xf32>
        %select_n3A_1092 = arith.select %eq3A_673, %broadcast_in_dim3A_1091, %scan3A_614 : vector<16xi1>, vector<16xf32>
        %add3A_1093 = arith.constant 128 : i32
        %add3A_1094 = arith.addi %add3A_1093, %scan3A_605 : i32
        %get3A_1095 = arith.index_cast %add3A_1094 : i32 to index
        %get3A_1096 = arith.constant 0 : index
        %get3A_1097 = tpu.vector_load %arg20[%get3A_1095, %get3A_1096] {strides = array<i32>} : memref<160x128xf32, #tpu.memory_space<vmem>>, vector<16xf32>,
        %mul3A_1098 = arith.mulf %mul3A_622, %get3A_1097 : vector<16xf32>
        %get3A_1099 = arith.index_cast %add3A_1094 : i32 to index
        %get3A_1100 = arith.constant 16 : index
        %get3A_1101 = tpu.vector_load %arg20[%get3A_1099, %get3A_1100] {strides = array<i32>} : memref<160x128xf32, #tpu.memory_space<vmem>>, vector<16xf32>,
        %mul3A_1102 = arith.mulf %mul3A_629, %get3A_1101 : vector<16xf32>
        %add3A_1103 = arith.addf %mul3A_1098, %mul3A_1102 : vector<16xf32>
        %get3A_1104 = arith.index_cast %add3A_1094 : i32 to index
        %get3A_1105 = arith.constant 32 : index
        %get3A_1106 = tpu.vector_load %arg20[%get3A_1104, %get3A_1105] {strides = array<i32>} : memref<160x128xf32, #tpu.memory_space<vmem>>, vector<16xf32>,
        %mul3A_1107 = arith.mulf %mul3A_636, %get3A_1106 : vector<16xf32>
        %add3A_1108 = arith.addf %add3A_1103, %mul3A_1107 : vector<16xf32>
        %get3A_1109 = arith.index_cast %add3A_1094 : i32 to index
        %get3A_1110 = arith.constant 48 : index
        %get3A_1111 = tpu.vector_load %arg20[%get3A_1109, %get3A_1110] {strides = array<i32>} : memref<160x128xf32, #tpu.memory_space<vmem>>, vector<16xf32>,
        %mul3A_1112 = arith.mulf %mul3A_643, %get3A_1111 : vector<16xf32>
        %add3A_1113 = arith.addf %add3A_1108, %mul3A_1112 : vector<16xf32>
        %get3A_1114 = arith.index_cast %add3A_1094 : i32 to index
        %get3A_1115 = arith.constant 64 : index
        %get3A_1116 = tpu.vector_load %arg20[%get3A_1114, %get3A_1115] {strides = array<i32>} : memref<160x128xf32, #tpu.memory_space<vmem>>, vector<16xf32>,
        %mul3A_1117 = arith.mulf %mul3A_650, %get3A_1116 : vector<16xf32>
        %add3A_1118 = arith.addf %add3A_1113, %mul3A_1117 : vector<16xf32>
        %get3A_1119 = arith.index_cast %add3A_1094 : i32 to index
        %get3A_1120 = arith.constant 80 : index
        %get3A_1121 = tpu.vector_load %arg20[%get3A_1119, %get3A_1120] {strides = array<i32>} : memref<160x128xf32, #tpu.memory_space<vmem>>, vector<16xf32>,
        %mul3A_1122 = arith.mulf %mul3A_657, %get3A_1121 : vector<16xf32>
        %add3A_1123 = arith.addf %add3A_1118, %mul3A_1122 : vector<16xf32>
        %get3A_1124 = arith.index_cast %add3A_1094 : i32 to index
        %get3A_1125 = arith.constant 96 : index
        %get3A_1126 = tpu.vector_load %arg20[%get3A_1124, %get3A_1125] {strides = array<i32>} : memref<160x128xf32, #tpu.memory_space<vmem>>, vector<16xf32>,
        %mul3A_1127 = arith.mulf %mul3A_664, %get3A_1126 : vector<16xf32>
        %add3A_1128 = arith.addf %add3A_1123, %mul3A_1127 : vector<16xf32>
        %get3A_1129 = arith.index_cast %add3A_1094 : i32 to index
        %get3A_1130 = arith.constant 112 : index
        %get3A_1131 = tpu.vector_load %arg20[%get3A_1129, %get3A_1130] {strides = array<i32>} : memref<160x128xf32, #tpu.memory_space<vmem>>, vector<16xf32>,
        %mul3A_1132 = arith.mulf %mul3A_671, %get3A_1131 : vector<16xf32>
        %add3A_1133 = arith.addf %add3A_1128, %mul3A_1132 : vector<16xf32>
        %reduce_sum3A_1134 = arith.constant true
        %reduce_sum3A_1135 = vector.broadcast %reduce_sum3A_1134 : i1 to vector<16xi1>
        %reduce_sum3A_1136 = tpu.scan <sum>, %add3A_1133 masked %reduce_sum3A_1135 : vector<16xf32>, vector<16xi1> -> vector<16xf32>
        %reduce_sum3A_1137 = vector.extract %reduce_sum3A_1136[15] : f32 from vector<16xf32>
        %broadcast_in_dim3A_1138 = vector.broadcast %reduce_sum3A_1137 : f32 to vector<16xf32>
        %select_n3A_1139 = arith.select %eq3A_673, %broadcast_in_dim3A_1138, %scan3A_615 : vector<16xi1>, vector<16xf32>
        %add3A_1140 = arith.constant 144 : i32
        %add3A_1141 = arith.addi %add3A_1140, %scan3A_605 : i32
        %get3A_1142 = arith.index_cast %add3A_1141 : i32 to index
        %get3A_1143 = arith.constant 0 : index
        %get3A_1144 = tpu.vector_load %arg20[%get3A_1142, %get3A_1143] {strides = array<i32>} : memref<160x128xf32, #tpu.memory_space<vmem>>, vector<16xf32>,
        %mul3A_1145 = arith.mulf %mul3A_622, %get3A_1144 : vector<16xf32>
        %get3A_1146 = arith.index_cast %add3A_1141 : i32 to index
        %get3A_1147 = arith.constant 16 : index
        %get3A_1148 = tpu.vector_load %arg20[%get3A_1146, %get3A_1147] {strides = array<i32>} : memref<160x128xf32, #tpu.memory_space<vmem>>, vector<16xf32>,
        %mul3A_1149 = arith.mulf %mul3A_629, %get3A_1148 : vector<16xf32>
        %add3A_1150 = arith.addf %mul3A_1145, %mul3A_1149 : vector<16xf32>
        %get3A_1151 = arith.index_cast %add3A_1141 : i32 to index
        %get3A_1152 = arith.constant 32 : index
        %get3A_1153 = tpu.vector_load %arg20[%get3A_1151, %get3A_1152] {strides = array<i32>} : memref<160x128xf32, #tpu.memory_space<vmem>>, vector<16xf32>,
        %mul3A_1154 = arith.mulf %mul3A_636, %get3A_1153 : vector<16xf32>
        %add3A_1155 = arith.addf %add3A_1150, %mul3A_1154 : vector<16xf32>
        %get3A_1156 = arith.index_cast %add3A_1141 : i32 to index
        %get3A_1157 = arith.constant 48 : index
        %get3A_1158 = tpu.vector_load %arg20[%get3A_1156, %get3A_1157] {strides = array<i32>} : memref<160x128xf32, #tpu.memory_space<vmem>>, vector<16xf32>,
        %mul3A_1159 = arith.mulf %mul3A_643, %get3A_1158 : vector<16xf32>
        %add3A_1160 = arith.addf %add3A_1155, %mul3A_1159 : vector<16xf32>
        %get3A_1161 = arith.index_cast %add3A_1141 : i32 to index
        %get3A_1162 = arith.constant 64 : index
        %get3A_1163 = tpu.vector_load %arg20[%get3A_1161, %get3A_1162] {strides = array<i32>} : memref<160x128xf32, #tpu.memory_space<vmem>>, vector<16xf32>,
        %mul3A_1164 = arith.mulf %mul3A_650, %get3A_1163 : vector<16xf32>
        %add3A_1165 = arith.addf %add3A_1160, %mul3A_1164 : vector<16xf32>
        %get3A_1166 = arith.index_cast %add3A_1141 : i32 to index
        %get3A_1167 = arith.constant 80 : index
        %get3A_1168 = tpu.vector_load %arg20[%get3A_1166, %get3A_1167] {strides = array<i32>} : memref<160x128xf32, #tpu.memory_space<vmem>>, vector<16xf32>,
        %mul3A_1169 = arith.mulf %mul3A_657, %get3A_1168 : vector<16xf32>
        %add3A_1170 = arith.addf %add3A_1165, %mul3A_1169 : vector<16xf32>
        %get3A_1171 = arith.index_cast %add3A_1141 : i32 to index
        %get3A_1172 = arith.constant 96 : index
        %get3A_1173 = tpu.vector_load %arg20[%get3A_1171, %get3A_1172] {strides = array<i32>} : memref<160x128xf32, #tpu.memory_space<vmem>>, vector<16xf32>,
        %mul3A_1174 = arith.mulf %mul3A_664, %get3A_1173 : vector<16xf32>
        %add3A_1175 = arith.addf %add3A_1170, %mul3A_1174 : vector<16xf32>
        %get3A_1176 = arith.index_cast %add3A_1141 : i32 to index
        %get3A_1177 = arith.constant 112 : index
        %get3A_1178 = tpu.vector_load %arg20[%get3A_1176, %get3A_1177] {strides = array<i32>} : memref<160x128xf32, #tpu.memory_space<vmem>>, vector<16xf32>,
        %mul3A_1179 = arith.mulf %mul3A_671, %get3A_1178 : vector<16xf32>
        %add3A_1180 = arith.addf %add3A_1175, %mul3A_1179 : vector<16xf32>
        %reduce_sum3A_1181 = arith.constant true
        %reduce_sum3A_1182 = vector.broadcast %reduce_sum3A_1181 : i1 to vector<16xi1>
        %reduce_sum3A_1183 = tpu.scan <sum>, %add3A_1180 masked %reduce_sum3A_1182 : vector<16xf32>, vector<16xi1> -> vector<16xf32>
        %reduce_sum3A_1184 = vector.extract %reduce_sum3A_1183[15] : f32 from vector<16xf32>
        %broadcast_in_dim3A_1185 = vector.broadcast %reduce_sum3A_1184 : f32 to vector<16xf32>
        %select_n3A_1186 = arith.select %eq3A_673, %broadcast_in_dim3A_1185, %scan3A_616 : vector<16xi1>, vector<16xf32>
        %and3A_1187 = arith.constant 15 : i32
        %and3A_1188 = arith.andi %scan3A_605, %and3A_1187 : i32
        %eq3A_1189 = arith.constant 15 : i32
        %eq3A_1190 = arith.cmpi eq, %and3A_1188, %eq3A_1189 : i32
        %convert_element_type3A_1191 = arith.extui %eq3A_1190 : i1 to i32
        %cond3A_1192 = arith.constant 0 : i32
        %cond3A_1193 = arith.cmpi ne, %convert_element_type3A_1191, %cond3A_1192 : i32
        scf.if %cond3A_1193 {
          %add3A_1226 = arith.addi %mul3A_569, %scan3A_605 : i32
          %sub3A = arith.constant 15 : i32
          %sub3A_1227 = arith.subi %add3A_1226, %sub3A : i32
          %swap3A = arith.index_cast %sub3A_1227 : i32 to index
          %swap3A_1228 = tpu.vector_load %arg21[%swap3A] {strides = array<i32>} : memref<512xf32, #tpu.memory_space<vmem>>, vector<16xf32>,
          tpu.vector_store %arg21[%swap3A], %select_n3A {strides = array<i32>} : memref<512xf32, #tpu.memory_space<vmem>>, vector<16xf32>,
          %add3A_1229 = arith.addi %mul3A_569, %scan3A_605 : i32
          %sub3A_1230 = arith.constant 15 : i32
          %sub3A_1231 = arith.subi %add3A_1229, %sub3A_1230 : i32
          %swap3A_1232 = arith.constant 0 : i32
          %swap3A_1233 = arith.index_cast %swap3A_1232 : i32 to index
          %swap3A_1234 = arith.index_cast %sub3A_1231 : i32 to index
          %swap3A_1235 = tpu.vector_load %arg22[%swap3A_1233, %swap3A_1234] {strides = array<i32>} : memref<10x512xf32, #tpu.memory_space<vmem>>, vector<16xf32>,
          tpu.vector_store %arg22[%swap3A_1233, %swap3A_1234], %select_n3A_763 {strides = array<i32>} : memref<10x512xf32, #tpu.memory_space<vmem>>, vector<16xf32>,
          %add3A_1236 = arith.addi %mul3A_569, %scan3A_605 : i32
          %sub3A_1237 = arith.constant 15 : i32
          %sub3A_1238 = arith.subi %add3A_1236, %sub3A_1237 : i32
          %swap3A_1239 = arith.constant 1 : i32
          %swap3A_1240 = arith.index_cast %swap3A_1239 : i32 to index
          %swap3A_1241 = arith.index_cast %sub3A_1238 : i32 to index
          %swap3A_1242 = tpu.vector_load %arg22[%swap3A_1240, %swap3A_1241] {strides = array<i32>} : memref<10x512xf32, #tpu.memory_space<vmem>>, vector<16xf32>,
          tpu.vector_store %arg22[%swap3A_1240, %swap3A_1241], %select_n3A_810 {strides = array<i32>} : memref<10x512xf32, #tpu.memory_space<vmem>>, vector<16xf32>,
          %add3A_1243 = arith.addi %mul3A_569, %scan3A_605 : i32
          %sub3A_1244 = arith.constant 15 : i32
          %sub3A_1245 = arith.subi %add3A_1243, %sub3A_1244 : i32
          %swap3A_1246 = arith.constant 2 : i32
          %swap3A_1247 = arith.index_cast %swap3A_1246 : i32 to index
          %swap3A_1248 = arith.index_cast %sub3A_1245 : i32 to index
          %swap3A_1249 = tpu.vector_load %arg22[%swap3A_1247, %swap3A_1248] {strides = array<i32>} : memref<10x512xf32, #tpu.memory_space<vmem>>, vector<16xf32>,
          tpu.vector_store %arg22[%swap3A_1247, %swap3A_1248], %select_n3A_857 {strides = array<i32>} : memref<10x512xf32, #tpu.memory_space<vmem>>, vector<16xf32>,
          %add3A_1250 = arith.addi %mul3A_569, %scan3A_605 : i32
          %sub3A_1251 = arith.constant 15 : i32
          %sub3A_1252 = arith.subi %add3A_1250, %sub3A_1251 : i32
          %swap3A_1253 = arith.constant 3 : i32
          %swap3A_1254 = arith.index_cast %swap3A_1253 : i32 to index
          %swap3A_1255 = arith.index_cast %sub3A_1252 : i32 to index
          %swap3A_1256 = tpu.vector_load %arg22[%swap3A_1254, %swap3A_1255] {strides = array<i32>} : memref<10x512xf32, #tpu.memory_space<vmem>>, vector<16xf32>,
          tpu.vector_store %arg22[%swap3A_1254, %swap3A_1255], %select_n3A_904 {strides = array<i32>} : memref<10x512xf32, #tpu.memory_space<vmem>>, vector<16xf32>,
          %add3A_1257 = arith.addi %mul3A_569, %scan3A_605 : i32
          %sub3A_1258 = arith.constant 15 : i32
          %sub3A_1259 = arith.subi %add3A_1257, %sub3A_1258 : i32
          %swap3A_1260 = arith.constant 4 : i32
          %swap3A_1261 = arith.index_cast %swap3A_1260 : i32 to index
          %swap3A_1262 = arith.index_cast %sub3A_1259 : i32 to index
          %swap3A_1263 = tpu.vector_load %arg22[%swap3A_1261, %swap3A_1262] {strides = array<i32>} : memref<10x512xf32, #tpu.memory_space<vmem>>, vector<16xf32>,
          tpu.vector_store %arg22[%swap3A_1261, %swap3A_1262], %select_n3A_951 {strides = array<i32>} : memref<10x512xf32, #tpu.memory_space<vmem>>, vector<16xf32>,
          %add3A_1264 = arith.addi %mul3A_569, %scan3A_605 : i32
          %sub3A_1265 = arith.constant 15 : i32
          %sub3A_1266 = arith.subi %add3A_1264, %sub3A_1265 : i32
          %swap3A_1267 = arith.constant 5 : i32
          %swap3A_1268 = arith.index_cast %swap3A_1267 : i32 to index
          %swap3A_1269 = arith.index_cast %sub3A_1266 : i32 to index
          %swap3A_1270 = tpu.vector_load %arg22[%swap3A_1268, %swap3A_1269] {strides = array<i32>} : memref<10x512xf32, #tpu.memory_space<vmem>>, vector<16xf32>,
          tpu.vector_store %arg22[%swap3A_1268, %swap3A_1269], %select_n3A_998 {strides = array<i32>} : memref<10x512xf32, #tpu.memory_space<vmem>>, vector<16xf32>,
          %add3A_1271 = arith.addi %mul3A_569, %scan3A_605 : i32
          %sub3A_1272 = arith.constant 15 : i32
          %sub3A_1273 = arith.subi %add3A_1271, %sub3A_1272 : i32
          %swap3A_1274 = arith.constant 6 : i32
          %swap3A_1275 = arith.index_cast %swap3A_1274 : i32 to index
          %swap3A_1276 = arith.index_cast %sub3A_1273 : i32 to index
          %swap3A_1277 = tpu.vector_load %arg22[%swap3A_1275, %swap3A_1276] {strides = array<i32>} : memref<10x512xf32, #tpu.memory_space<vmem>>, vector<16xf32>,
          tpu.vector_store %arg22[%swap3A_1275, %swap3A_1276], %select_n3A_1045 {strides = array<i32>} : memref<10x512xf32, #tpu.memory_space<vmem>>, vector<16xf32>,
          %add3A_1278 = arith.addi %mul3A_569, %scan3A_605 : i32
          %sub3A_1279 = arith.constant 15 : i32
          %sub3A_1280 = arith.subi %add3A_1278, %sub3A_1279 : i32
          %swap3A_1281 = arith.constant 7 : i32
          %swap3A_1282 = arith.index_cast %swap3A_1281 : i32 to index
          %swap3A_1283 = arith.index_cast %sub3A_1280 : i32 to index
          %swap3A_1284 = tpu.vector_load %arg22[%swap3A_1282, %swap3A_1283] {strides = array<i32>} : memref<10x512xf32, #tpu.memory_space<vmem>>, vector<16xf32>,
          tpu.vector_store %arg22[%swap3A_1282, %swap3A_1283], %select_n3A_1092 {strides = array<i32>} : memref<10x512xf32, #tpu.memory_space<vmem>>, vector<16xf32>,
          %add3A_1285 = arith.addi %mul3A_569, %scan3A_605 : i32
          %sub3A_1286 = arith.constant 15 : i32
          %sub3A_1287 = arith.subi %add3A_1285, %sub3A_1286 : i32
          %swap3A_1288 = arith.constant 8 : i32
          %swap3A_1289 = arith.index_cast %swap3A_1288 : i32 to index
          %swap3A_1290 = arith.index_cast %sub3A_1287 : i32 to index
          %swap3A_1291 = tpu.vector_load %arg22[%swap3A_1289, %swap3A_1290] {strides = array<i32>} : memref<10x512xf32, #tpu.memory_space<vmem>>, vector<16xf32>,
          tpu.vector_store %arg22[%swap3A_1289, %swap3A_1290], %select_n3A_1139 {strides = array<i32>} : memref<10x512xf32, #tpu.memory_space<vmem>>, vector<16xf32>,
          %add3A_1292 = arith.addi %mul3A_569, %scan3A_605 : i32
          %sub3A_1293 = arith.constant 15 : i32
          %sub3A_1294 = arith.subi %add3A_1292, %sub3A_1293 : i32
          %swap3A_1295 = arith.constant 9 : i32
          %swap3A_1296 = arith.index_cast %swap3A_1295 : i32 to index
          %swap3A_1297 = arith.index_cast %sub3A_1294 : i32 to index
          %swap3A_1298 = tpu.vector_load %arg22[%swap3A_1296, %swap3A_1297] {strides = array<i32>} : memref<10x512xf32, #tpu.memory_space<vmem>>, vector<16xf32>,
          tpu.vector_store %arg22[%swap3A_1296, %swap3A_1297], %select_n3A_1186 {strides = array<i32>} : memref<10x512xf32, #tpu.memory_space<vmem>>, vector<16xf32>,
        } else {
        }
        %jit3A = arith.constant 0.000000e+00 : f32
        %broadcast_in_dim3A_1194 = vector.broadcast %jit3A : f32 to vector<16xf32>
        %select_n3A_1195 = arith.select %eq3A_1190, %broadcast_in_dim3A_1194, %select_n3A : vector<16xf32>
        %jit3A_1196 = arith.constant 0.000000e+00 : f32
        %broadcast_in_dim3A_1197 = vector.broadcast %jit3A_1196 : f32 to vector<16xf32>
        %select_n3A_1198 = arith.select %eq3A_1190, %broadcast_in_dim3A_1197, %select_n3A_763 : vector<16xf32>
        %jit3A_1199 = arith.constant 0.000000e+00 : f32
        %broadcast_in_dim3A_1200 = vector.broadcast %jit3A_1199 : f32 to vector<16xf32>
        %select_n3A_1201 = arith.select %eq3A_1190, %broadcast_in_dim3A_1200, %select_n3A_810 : vector<16xf32>
        %jit3A_1202 = arith.constant 0.000000e+00 : f32
        %broadcast_in_dim3A_1203 = vector.broadcast %jit3A_1202 : f32 to vector<16xf32>
        %select_n3A_1204 = arith.select %eq3A_1190, %broadcast_in_dim3A_1203, %select_n3A_857 : vector<16xf32>
        %jit3A_1205 = arith.constant 0.000000e+00 : f32
        %broadcast_in_dim3A_1206 = vector.broadcast %jit3A_1205 : f32 to vector<16xf32>
        %select_n3A_1207 = arith.select %eq3A_1190, %broadcast_in_dim3A_1206, %select_n3A_904 : vector<16xf32>
        %jit3A_1208 = arith.constant 0.000000e+00 : f32
        %broadcast_in_dim3A_1209 = vector.broadcast %jit3A_1208 : f32 to vector<16xf32>
        %select_n3A_1210 = arith.select %eq3A_1190, %broadcast_in_dim3A_1209, %select_n3A_951 : vector<16xf32>
        %jit3A_1211 = arith.constant 0.000000e+00 : f32
        %broadcast_in_dim3A_1212 = vector.broadcast %jit3A_1211 : f32 to vector<16xf32>
        %select_n3A_1213 = arith.select %eq3A_1190, %broadcast_in_dim3A_1212, %select_n3A_998 : vector<16xf32>
        %jit3A_1214 = arith.constant 0.000000e+00 : f32
        %broadcast_in_dim3A_1215 = vector.broadcast %jit3A_1214 : f32 to vector<16xf32>
        %select_n3A_1216 = arith.select %eq3A_1190, %broadcast_in_dim3A_1215, %select_n3A_1045 : vector<16xf32>
        %jit3A_1217 = arith.constant 0.000000e+00 : f32
        %broadcast_in_dim3A_1218 = vector.broadcast %jit3A_1217 : f32 to vector<16xf32>
        %select_n3A_1219 = arith.select %eq3A_1190, %broadcast_in_dim3A_1218, %select_n3A_1092 : vector<16xf32>
        %jit3A_1220 = arith.constant 0.000000e+00 : f32
        %broadcast_in_dim3A_1221 = vector.broadcast %jit3A_1220 : f32 to vector<16xf32>
        %select_n3A_1222 = arith.select %eq3A_1190, %broadcast_in_dim3A_1221, %select_n3A_1139 : vector<16xf32>
        %jit3A_1223 = arith.constant 0.000000e+00 : f32
        %broadcast_in_dim3A_1224 = vector.broadcast %jit3A_1223 : f32 to vector<16xf32>
        %select_n3A_1225 = arith.select %eq3A_1190, %broadcast_in_dim3A_1224, %select_n3A_1186 : vector<16xf32>
        scf.yield %select_n3A_1195, %select_n3A_1198, %select_n3A_1201, %select_n3A_1204, %select_n3A_1207, %select_n3A_1210, %select_n3A_1213, %select_n3A_1216, %select_n3A_1219, %select_n3A_1222, %select_n3A_1225 : vector<16xf32>, vector<16xf32>, vector<16xf32>, vector<16xf32>, vector<16xf32>, vector<16xf32>, vector<16xf32>, vector<16xf32>, vector<16xf32>, vector<16xf32>, vector<16xf32>
      }
      %scan3A_597 = arith.constant 16 : i32
      %add3A_598 = arith.constant 3 : i32
      %add3A_599 = arith.addi %mul3A_273, %add3A_598 : i32
      %lt3A_600 = arith.constant 32 : i32
      %lt3A_601 = arith.cmpi slt, %add3A_599, %lt3A_600 : i32
      %convert_element_type3A_602 = arith.extui %lt3A_601 : i1 to i32
      %cond3A_603 = arith.constant 0 : i32
      %cond3A_604 = arith.cmpi ne, %convert_element_type3A_602, %cond3A_603 : i32
      scf.if %cond3A_604 {
        %add3A_605 = arith.constant 3 : i32
        %add3A_606 = arith.addi %mul3A_273, %add3A_605 : i32
        %mul3A_607 = arith.constant 16 : i32
        %mul3A_608 = arith.muli %add3A_606, %mul3A_607 : i32
        %dma_start3A_609 = tpu.memref_slice %arg10[%mul3A_608] : memref<512xi32, #tpu.memory_space<vmem>> -> memref<16xi32, #tpu.memory_space<vmem>>
        %dma_start3A_610 = arith.constant 0 : i32
        %dma_start3A_611 = arith.constant 0 : i32
        %dma_start3A_612 = tpu.memref_slice %arg3[%dma_start3A_610, %dma_start3A_611] : memref<1000001x128xf32, #tpu.memory_space<hbm>> -> memref<1000001x128xf32, #tpu.memory_space<hbm>>
        tpu.enqueue_indirect_dma source(%dma_start3A_612 : memref<1000001x128xf32, #tpu.memory_space<hbm>>) target(%arg14 : memref<16x128xf32, #tpu.memory_space<vmem>>) offsets(%dma_start3A_609 : memref<16xi32, #tpu.memory_space<vmem>>) semaphore(%arg25 : memref<!tpu.dma_semaphore, #tpu.memory_space<semaphore_mem>>)
        %mul3A_613 = arith.constant 16 : i32
        %mul3A_614 = arith.muli %add3A_606, %mul3A_613 : i32
        %dma_start3A_615 = tpu.memref_slice %arg11[%mul3A_614] : memref<512xi32, #tpu.memory_space<vmem>> -> memref<16xi32, #tpu.memory_space<vmem>>
        %dma_start3A_616 = arith.constant 0 : i32
        %dma_start3A_617 = arith.constant 0 : i32
        %dma_start3A_618 = tpu.memref_slice %arg4[%dma_start3A_616, %dma_start3A_617] : memref<1000000x128xf32, #tpu.memory_space<hbm>> -> memref<1000000x128xf32, #tpu.memory_space<hbm>>
        tpu.enqueue_indirect_dma source(%dma_start3A_618 : memref<1000000x128xf32, #tpu.memory_space<hbm>>) target(%arg16 : memref<16x128xf32, #tpu.memory_space<vmem>>) offsets(%dma_start3A_615 : memref<16xi32, #tpu.memory_space<vmem>>) semaphore(%arg25 : memref<!tpu.dma_semaphore, #tpu.memory_space<semaphore_mem>>)
        %mul3A_619 = arith.constant 16 : i32
        %mul3A_620 = arith.muli %add3A_606, %mul3A_619 : i32
        %add3A_621 = arith.addi %mul3A_2, %mul3A_620 : i32
        %dma_start3A_622 = arith.constant 0 : i32
        %dma_start3A_623 = tpu.memref_slice %arg5[%add3A_621, %dma_start3A_622] : memref<16384x128xf32, #tpu.memory_space<hbm>> -> memref<16x128xf32, #tpu.memory_space<hbm>>
        %dma_start3A_624 = arith.constant 0 : i32
        %dma_start3A_625 = tpu.memref_slice %arg5[%add3A_621, %dma_start3A_624] : memref<16384x128xf32, #tpu.memory_space<hbm>> -> memref<16x128xf32, #tpu.memory_space<hbm>>
        tpu.enqueue_dma source(%dma_start3A_625 : memref<16x128xf32, #tpu.memory_space<hbm>>) target(%arg18 : memref<16x128xf32, #tpu.memory_space<vmem>>) target_semaphore(%arg25 : memref<!tpu.dma_semaphore, #tpu.memory_space<semaphore_mem>>)
        %mul3A_626 = arith.constant 16 : i32
        %mul3A_627 = arith.muli %add3A_606, %mul3A_626 : i32
        %dma_start3A_628 = arith.constant 0 : i32
        %dma_start3A_629 = arith.constant 0 : i32
        %dma_start3A_630 = arith.constant 0 : i32
        %dma_start3A_631 = tpu.memref_slice %arg20[%dma_start3A_629, %dma_start3A_630] : memref<160x128xf32, #tpu.memory_space<vmem>> -> memref<16x128xf32, #tpu.memory_space<vmem>>
        %dma_start3A_632 = tpu.memref_slice %arg12[%dma_start3A_628, %mul3A_627] : memref<10x512xi32, #tpu.memory_space<vmem>> -> memref<1x16xi32, #tpu.memory_space<vmem>>
        %dma_start3A_633 = tpu.memref_squeeze %dma_start3A_632 : memref<1x16xi32, #tpu.memory_space<vmem>> -> memref<16xi32, #tpu.memory_space<vmem>>
        %dma_start3A_634 = arith.constant 0 : i32
        %dma_start3A_635 = arith.constant 0 : i32
        %dma_start3A_636 = tpu.memref_slice %arg4[%dma_start3A_634, %dma_start3A_635] : memref<1000000x128xf32, #tpu.memory_space<hbm>> -> memref<1000000x128xf32, #tpu.memory_space<hbm>>
        tpu.enqueue_indirect_dma source(%dma_start3A_636 : memref<1000000x128xf32, #tpu.memory_space<hbm>>) target(%dma_start3A_631 : memref<16x128xf32, #tpu.memory_space<vmem>>) offsets(%dma_start3A_633 : memref<16xi32, #tpu.memory_space<vmem>>) semaphore(%arg25 : memref<!tpu.dma_semaphore, #tpu.memory_space<semaphore_mem>>)
        %mul3A_637 = arith.constant 16 : i32
        %mul3A_638 = arith.muli %add3A_606, %mul3A_637 : i32
        %dma_start3A_639 = arith.constant 1 : i32
        %dma_start3A_640 = arith.constant 16 : i32
        %dma_start3A_641 = arith.constant 0 : i32
        %dma_start3A_642 = tpu.memref_slice %arg20[%dma_start3A_640, %dma_start3A_641] : memref<160x128xf32, #tpu.memory_space<vmem>> -> memref<16x128xf32, #tpu.memory_space<vmem>>
        %dma_start3A_643 = tpu.memref_slice %arg12[%dma_start3A_639, %mul3A_638] : memref<10x512xi32, #tpu.memory_space<vmem>> -> memref<1x16xi32, #tpu.memory_space<vmem>>
        %dma_start3A_644 = tpu.memref_squeeze %dma_start3A_643 : memref<1x16xi32, #tpu.memory_space<vmem>> -> memref<16xi32, #tpu.memory_space<vmem>>
        %dma_start3A_645 = arith.constant 0 : i32
        %dma_start3A_646 = arith.constant 0 : i32
        %dma_start3A_647 = tpu.memref_slice %arg4[%dma_start3A_645, %dma_start3A_646] : memref<1000000x128xf32, #tpu.memory_space<hbm>> -> memref<1000000x128xf32, #tpu.memory_space<hbm>>
        tpu.enqueue_indirect_dma source(%dma_start3A_647 : memref<1000000x128xf32, #tpu.memory_space<hbm>>) target(%dma_start3A_642 : memref<16x128xf32, #tpu.memory_space<vmem>>) offsets(%dma_start3A_644 : memref<16xi32, #tpu.memory_space<vmem>>) semaphore(%arg25 : memref<!tpu.dma_semaphore, #tpu.memory_space<semaphore_mem>>)
        %mul3A_648 = arith.constant 16 : i32
        %mul3A_649 = arith.muli %add3A_606, %mul3A_648 : i32
        %dma_start3A_650 = arith.constant 2 : i32
        %dma_start3A_651 = arith.constant 32 : i32
        %dma_start3A_652 = arith.constant 0 : i32
        %dma_start3A_653 = tpu.memref_slice %arg20[%dma_start3A_651, %dma_start3A_652] : memref<160x128xf32, #tpu.memory_space<vmem>> -> memref<16x128xf32, #tpu.memory_space<vmem>>
        %dma_start3A_654 = tpu.memref_slice %arg12[%dma_start3A_650, %mul3A_649] : memref<10x512xi32, #tpu.memory_space<vmem>> -> memref<1x16xi32, #tpu.memory_space<vmem>>
        %dma_start3A_655 = tpu.memref_squeeze %dma_start3A_654 : memref<1x16xi32, #tpu.memory_space<vmem>> -> memref<16xi32, #tpu.memory_space<vmem>>
        %dma_start3A_656 = arith.constant 0 : i32
        %dma_start3A_657 = arith.constant 0 : i32
        %dma_start3A_658 = tpu.memref_slice %arg4[%dma_start3A_656, %dma_start3A_657] : memref<1000000x128xf32, #tpu.memory_space<hbm>> -> memref<1000000x128xf32, #tpu.memory_space<hbm>>
        tpu.enqueue_indirect_dma source(%dma_start3A_658 : memref<1000000x128xf32, #tpu.memory_space<hbm>>) target(%dma_start3A_653 : memref<16x128xf32, #tpu.memory_space<vmem>>) offsets(%dma_start3A_655 : memref<16xi32, #tpu.memory_space<vmem>>) semaphore(%arg25 : memref<!tpu.dma_semaphore, #tpu.memory_space<semaphore_mem>>)
        %mul3A_659 = arith.constant 16 : i32
        %mul3A_660 = arith.muli %add3A_606, %mul3A_659 : i32
        %dma_start3A_661 = arith.constant 3 : i32
        %dma_start3A_662 = arith.constant 48 : i32
        %dma_start3A_663 = arith.constant 0 : i32
        %dma_start3A_664 = tpu.memref_slice %arg20[%dma_start3A_662, %dma_start3A_663] : memref<160x128xf32, #tpu.memory_space<vmem>> -> memref<16x128xf32, #tpu.memory_space<vmem>>
        %dma_start3A_665 = tpu.memref_slice %arg12[%dma_start3A_661, %mul3A_660] : memref<10x512xi32, #tpu.memory_space<vmem>> -> memref<1x16xi32, #tpu.memory_space<vmem>>
        %dma_start3A_666 = tpu.memref_squeeze %dma_start3A_665 : memref<1x16xi32, #tpu.memory_space<vmem>> -> memref<16xi32, #tpu.memory_space<vmem>>
        %dma_start3A_667 = arith.constant 0 : i32
        %dma_start3A_668 = arith.constant 0 : i32
        %dma_start3A_669 = tpu.memref_slice %arg4[%dma_start3A_667, %dma_start3A_668] : memref<1000000x128xf32, #tpu.memory_space<hbm>> -> memref<1000000x128xf32, #tpu.memory_space<hbm>>
        tpu.enqueue_indirect_dma source(%dma_start3A_669 : memref<1000000x128xf32, #tpu.memory_space<hbm>>) target(%dma_start3A_664 : memref<16x128xf32, #tpu.memory_space<vmem>>) offsets(%dma_start3A_666 : memref<16xi32, #tpu.memory_space<vmem>>) semaphore(%arg25 : memref<!tpu.dma_semaphore, #tpu.memory_space<semaphore_mem>>)
        %mul3A_670 = arith.constant 16 : i32
        %mul3A_671 = arith.muli %add3A_606, %mul3A_670 : i32
        %dma_start3A_672 = arith.constant 4 : i32
        %dma_start3A_673 = arith.constant 64 : i32
        %dma_start3A_674 = arith.constant 0 : i32
        %dma_start3A_675 = tpu.memref_slice %arg20[%dma_start3A_673, %dma_start3A_674] : memref<160x128xf32, #tpu.memory_space<vmem>> -> memref<16x128xf32, #tpu.memory_space<vmem>>
        %dma_start3A_676 = tpu.memref_slice %arg12[%dma_start3A_672, %mul3A_671] : memref<10x512xi32, #tpu.memory_space<vmem>> -> memref<1x16xi32, #tpu.memory_space<vmem>>
        %dma_start3A_677 = tpu.memref_squeeze %dma_start3A_676 : memref<1x16xi32, #tpu.memory_space<vmem>> -> memref<16xi32, #tpu.memory_space<vmem>>
        %dma_start3A_678 = arith.constant 0 : i32
        %dma_start3A_679 = arith.constant 0 : i32
        %dma_start3A_680 = tpu.memref_slice %arg4[%dma_start3A_678, %dma_start3A_679] : memref<1000000x128xf32, #tpu.memory_space<hbm>> -> memref<1000000x128xf32, #tpu.memory_space<hbm>>
        tpu.enqueue_indirect_dma source(%dma_start3A_680 : memref<1000000x128xf32, #tpu.memory_space<hbm>>) target(%dma_start3A_675 : memref<16x128xf32, #tpu.memory_space<vmem>>) offsets(%dma_start3A_677 : memref<16xi32, #tpu.memory_space<vmem>>) semaphore(%arg25 : memref<!tpu.dma_semaphore, #tpu.memory_space<semaphore_mem>>)
        %mul3A_681 = arith.constant 16 : i32
        %mul3A_682 = arith.muli %add3A_606, %mul3A_681 : i32
        %dma_start3A_683 = arith.constant 5 : i32
        %dma_start3A_684 = arith.constant 80 : i32
        %dma_start3A_685 = arith.constant 0 : i32
        %dma_start3A_686 = tpu.memref_slice %arg20[%dma_start3A_684, %dma_start3A_685] : memref<160x128xf32, #tpu.memory_space<vmem>> -> memref<16x128xf32, #tpu.memory_space<vmem>>
        %dma_start3A_687 = tpu.memref_slice %arg12[%dma_start3A_683, %mul3A_682] : memref<10x512xi32, #tpu.memory_space<vmem>> -> memref<1x16xi32, #tpu.memory_space<vmem>>
        %dma_start3A_688 = tpu.memref_squeeze %dma_start3A_687 : memref<1x16xi32, #tpu.memory_space<vmem>> -> memref<16xi32, #tpu.memory_space<vmem>>
        %dma_start3A_689 = arith.constant 0 : i32
        %dma_start3A_690 = arith.constant 0 : i32
        %dma_start3A_691 = tpu.memref_slice %arg4[%dma_start3A_689, %dma_start3A_690] : memref<1000000x128xf32, #tpu.memory_space<hbm>> -> memref<1000000x128xf32, #tpu.memory_space<hbm>>
        tpu.enqueue_indirect_dma source(%dma_start3A_691 : memref<1000000x128xf32, #tpu.memory_space<hbm>>) target(%dma_start3A_686 : memref<16x128xf32, #tpu.memory_space<vmem>>) offsets(%dma_start3A_688 : memref<16xi32, #tpu.memory_space<vmem>>) semaphore(%arg25 : memref<!tpu.dma_semaphore, #tpu.memory_space<semaphore_mem>>)
        %mul3A_692 = arith.constant 16 : i32
        %mul3A_693 = arith.muli %add3A_606, %mul3A_692 : i32
        %dma_start3A_694 = arith.constant 6 : i32
        %dma_start3A_695 = arith.constant 96 : i32
        %dma_start3A_696 = arith.constant 0 : i32
        %dma_start3A_697 = tpu.memref_slice %arg20[%dma_start3A_695, %dma_start3A_696] : memref<160x128xf32, #tpu.memory_space<vmem>> -> memref<16x128xf32, #tpu.memory_space<vmem>>
        %dma_start3A_698 = tpu.memref_slice %arg12[%dma_start3A_694, %mul3A_693] : memref<10x512xi32, #tpu.memory_space<vmem>> -> memref<1x16xi32, #tpu.memory_space<vmem>>
        %dma_start3A_699 = tpu.memref_squeeze %dma_start3A_698 : memref<1x16xi32, #tpu.memory_space<vmem>> -> memref<16xi32, #tpu.memory_space<vmem>>
        %dma_start3A_700 = arith.constant 0 : i32
        %dma_start3A_701 = arith.constant 0 : i32
        %dma_start3A_702 = tpu.memref_slice %arg4[%dma_start3A_700, %dma_start3A_701] : memref<1000000x128xf32, #tpu.memory_space<hbm>> -> memref<1000000x128xf32, #tpu.memory_space<hbm>>
        tpu.enqueue_indirect_dma source(%dma_start3A_702 : memref<1000000x128xf32, #tpu.memory_space<hbm>>) target(%dma_start3A_697 : memref<16x128xf32, #tpu.memory_space<vmem>>) offsets(%dma_start3A_699 : memref<16xi32, #tpu.memory_space<vmem>>) semaphore(%arg25 : memref<!tpu.dma_semaphore, #tpu.memory_space<semaphore_mem>>)
        %mul3A_703 = arith.constant 16 : i32
        %mul3A_704 = arith.muli %add3A_606, %mul3A_703 : i32
        %dma_start3A_705 = arith.constant 7 : i32
        %dma_start3A_706 = arith.constant 112 : i32
        %dma_start3A_707 = arith.constant 0 : i32
        %dma_start3A_708 = tpu.memref_slice %arg20[%dma_start3A_706, %dma_start3A_707] : memref<160x128xf32, #tpu.memory_space<vmem>> -> memref<16x128xf32, #tpu.memory_space<vmem>>
        %dma_start3A_709 = tpu.memref_slice %arg12[%dma_start3A_705, %mul3A_704] : memref<10x512xi32, #tpu.memory_space<vmem>> -> memref<1x16xi32, #tpu.memory_space<vmem>>
        %dma_start3A_710 = tpu.memref_squeeze %dma_start3A_709 : memref<1x16xi32, #tpu.memory_space<vmem>> -> memref<16xi32, #tpu.memory_space<vmem>>
        %dma_start3A_711 = arith.constant 0 : i32
        %dma_start3A_712 = arith.constant 0 : i32
        %dma_start3A_713 = tpu.memref_slice %arg4[%dma_start3A_711, %dma_start3A_712] : memref<1000000x128xf32, #tpu.memory_space<hbm>> -> memref<1000000x128xf32, #tpu.memory_space<hbm>>
        tpu.enqueue_indirect_dma source(%dma_start3A_713 : memref<1000000x128xf32, #tpu.memory_space<hbm>>) target(%dma_start3A_708 : memref<16x128xf32, #tpu.memory_space<vmem>>) offsets(%dma_start3A_710 : memref<16xi32, #tpu.memory_space<vmem>>) semaphore(%arg25 : memref<!tpu.dma_semaphore, #tpu.memory_space<semaphore_mem>>)
        %mul3A_714 = arith.constant 16 : i32
        %mul3A_715 = arith.muli %add3A_606, %mul3A_714 : i32
        %dma_start3A_716 = arith.constant 8 : i32
        %dma_start3A_717 = arith.constant 128 : i32
        %dma_start3A_718 = arith.constant 0 : i32
        %dma_start3A_719 = tpu.memref_slice %arg20[%dma_start3A_717, %dma_start3A_718] : memref<160x128xf32, #tpu.memory_space<vmem>> -> memref<16x128xf32, #tpu.memory_space<vmem>>
        %dma_start3A_720 = tpu.memref_slice %arg12[%dma_start3A_716, %mul3A_715] : memref<10x512xi32, #tpu.memory_space<vmem>> -> memref<1x16xi32, #tpu.memory_space<vmem>>
        %dma_start3A_721 = tpu.memref_squeeze %dma_start3A_720 : memref<1x16xi32, #tpu.memory_space<vmem>> -> memref<16xi32, #tpu.memory_space<vmem>>
        %dma_start3A_722 = arith.constant 0 : i32
        %dma_start3A_723 = arith.constant 0 : i32
        %dma_start3A_724 = tpu.memref_slice %arg4[%dma_start3A_722, %dma_start3A_723] : memref<1000000x128xf32, #tpu.memory_space<hbm>> -> memref<1000000x128xf32, #tpu.memory_space<hbm>>
        tpu.enqueue_indirect_dma source(%dma_start3A_724 : memref<1000000x128xf32, #tpu.memory_space<hbm>>) target(%dma_start3A_719 : memref<16x128xf32, #tpu.memory_space<vmem>>) offsets(%dma_start3A_721 : memref<16xi32, #tpu.memory_space<vmem>>) semaphore(%arg25 : memref<!tpu.dma_semaphore, #tpu.memory_space<semaphore_mem>>)
        %mul3A_725 = arith.constant 16 : i32
        %mul3A_726 = arith.muli %add3A_606, %mul3A_725 : i32
        %dma_start3A_727 = arith.constant 9 : i32
        %dma_start3A_728 = arith.constant 144 : i32
        %dma_start3A_729 = arith.constant 0 : i32
        %dma_start3A_730 = tpu.memref_slice %arg20[%dma_start3A_728, %dma_start3A_729] : memref<160x128xf32, #tpu.memory_space<vmem>> -> memref<16x128xf32, #tpu.memory_space<vmem>>
        %dma_start3A_731 = tpu.memref_slice %arg12[%dma_start3A_727, %mul3A_726] : memref<10x512xi32, #tpu.memory_space<vmem>> -> memref<1x16xi32, #tpu.memory_space<vmem>>
        %dma_start3A_732 = tpu.memref_squeeze %dma_start3A_731 : memref<1x16xi32, #tpu.memory_space<vmem>> -> memref<16xi32, #tpu.memory_space<vmem>>
        %dma_start3A_733 = arith.constant 0 : i32
        %dma_start3A_734 = arith.constant 0 : i32
        %dma_start3A_735 = tpu.memref_slice %arg4[%dma_start3A_733, %dma_start3A_734] : memref<1000000x128xf32, #tpu.memory_space<hbm>> -> memref<1000000x128xf32, #tpu.memory_space<hbm>>
        tpu.enqueue_indirect_dma source(%dma_start3A_735 : memref<1000000x128xf32, #tpu.memory_space<hbm>>) target(%dma_start3A_730 : memref<16x128xf32, #tpu.memory_space<vmem>>) offsets(%dma_start3A_732 : memref<16xi32, #tpu.memory_space<vmem>>) semaphore(%arg25 : memref<!tpu.dma_semaphore, #tpu.memory_space<semaphore_mem>>)
      } else {
      }
    }
    %scan3A_270 = arith.constant 16 : i32
    "tpu.region"() ({
      %run_scoped3A = tpu.sem_alloc : memref<!tpu.dma_semaphore, #tpu.memory_space<semaphore_mem>>
      %dma_start3A_271 = tpu.memref_slice %arg6[%mul3A_2] : memref<16384xf32, #tpu.memory_space<hbm>> -> memref<512xf32, #tpu.memory_space<hbm>>
      %dma_start3A_272 = tpu.memref_slice %arg6[%mul3A_2] : memref<16384xf32, #tpu.memory_space<hbm>> -> memref<512xf32, #tpu.memory_space<hbm>>
      tpu.enqueue_dma source(%arg21 : memref<512xf32, #tpu.memory_space<vmem>>) target(%dma_start3A_272 : memref<512xf32, #tpu.memory_space<hbm>>) target_semaphore(%run_scoped3A : memref<!tpu.dma_semaphore, #tpu.memory_space<semaphore_mem>>)
      %dma_wait3A = tpu.memref_slice %arg6[%mul3A_2] : memref<16384xf32, #tpu.memory_space<hbm>> -> memref<512xf32, #tpu.memory_space<hbm>>
      %dma_wait3A_273 = tpu.memref_slice %arg6[%mul3A_2] : memref<16384xf32, #tpu.memory_space<hbm>> -> memref<512xf32, #tpu.memory_space<hbm>>
      tpu.wait_dma2 semaphore(%run_scoped3A : memref<!tpu.dma_semaphore, #tpu.memory_space<semaphore_mem>>) src(%arg21 : memref<512xf32, #tpu.memory_space<vmem>>) dst(%dma_wait3A_273 : memref<512xf32, #tpu.memory_space<hbm>>)
      tpu.yield
    }) : () -> ()
    "tpu.region"() ({
      %run_scoped3A = tpu.sem_alloc : memref<!tpu.dma_semaphore, #tpu.memory_space<semaphore_mem>>
      %dma_start3A_271 = arith.constant 0 : i32
      %dma_start3A_272 = arith.constant 0 : i32
      %dma_start3A_273 = tpu.memref_slice %arg7[%add3A, %dma_start3A_271, %dma_start3A_272] : memref<32x10x512xf32, #tpu.memory_space<hbm>> -> memref<1x10x512xf32, #tpu.memory_space<hbm>>
      %dma_start3A_274 = tpu.memref_squeeze %dma_start3A_273 : memref<1x10x512xf32, #tpu.memory_space<hbm>> -> memref<10x512xf32, #tpu.memory_space<hbm>>
      %dma_start3A_275 = arith.constant 0 : i32
      %dma_start3A_276 = arith.constant 0 : i32
      %dma_start3A_277 = tpu.memref_slice %arg7[%add3A, %dma_start3A_275, %dma_start3A_276] : memref<32x10x512xf32, #tpu.memory_space<hbm>> -> memref<1x10x512xf32, #tpu.memory_space<hbm>>
      %dma_start3A_278 = tpu.memref_squeeze %dma_start3A_277 : memref<1x10x512xf32, #tpu.memory_space<hbm>> -> memref<10x512xf32, #tpu.memory_space<hbm>>
      tpu.enqueue_dma source(%arg22 : memref<10x512xf32, #tpu.memory_space<vmem>>) target(%dma_start3A_278 : memref<10x512xf32, #tpu.memory_space<hbm>>) target_semaphore(%run_scoped3A : memref<!tpu.dma_semaphore, #tpu.memory_space<semaphore_mem>>)
      %dma_wait3A = arith.constant 0 : i32
      %dma_wait3A_279 = arith.constant 0 : i32
      %dma_wait3A_280 = tpu.memref_slice %arg7[%add3A, %dma_wait3A, %dma_wait3A_279] : memref<32x10x512xf32, #tpu.memory_space<hbm>> -> memref<1x10x512xf32, #tpu.memory_space<hbm>>
      %dma_wait3A_281 = tpu.memref_squeeze %dma_wait3A_280 : memref<1x10x512xf32, #tpu.memory_space<hbm>> -> memref<10x512xf32, #tpu.memory_space<hbm>>
      %dma_wait3A_282 = arith.constant 0 : i32
      %dma_wait3A_283 = arith.constant 0 : i32
      %dma_wait3A_284 = tpu.memref_slice %arg7[%add3A, %dma_wait3A_282, %dma_wait3A_283] : memref<32x10x512xf32, #tpu.memory_space<hbm>> -> memref<1x10x512xf32, #tpu.memory_space<hbm>>
      %dma_wait3A_285 = tpu.memref_squeeze %dma_wait3A_284 : memref<1x10x512xf32, #tpu.memory_space<hbm>> -> memref<10x512xf32, #tpu.memory_space<hbm>>
      tpu.wait_dma2 semaphore(%run_scoped3A : memref<!tpu.dma_semaphore, #tpu.memory_space<semaphore_mem>>) src(%arg22 : memref<10x512xf32, #tpu.memory_space<vmem>>) dst(%dma_wait3A_285 : memref<10x512xf32, #tpu.memory_space<hbm>>)
      tpu.yield
    }) : () -> ()
    "tpu.region"() ({
      %run_scoped3A = tpu.sem_alloc : memref<!tpu.dma_semaphore, #tpu.memory_space<semaphore_mem>>
      %dma_start3A_271 = arith.constant 0 : i32
      %dma_start3A_272 = arith.constant 0 : i32
      %dma_start3A_273 = tpu.memref_slice %arg8[%add3A, %dma_start3A_271, %dma_start3A_272] : memref<32x10x512xf32, #tpu.memory_space<hbm>> -> memref<1x10x512xf32, #tpu.memory_space<hbm>>
      %dma_start3A_274 = tpu.memref_squeeze %dma_start3A_273 : memref<1x10x512xf32, #tpu.memory_space<hbm>> -> memref<10x512xf32, #tpu.memory_space<hbm>>
      %dma_start3A_275 = arith.constant 0 : i32
      %dma_start3A_276 = arith.constant 0 : i32
      %dma_start3A_277 = tpu.memref_slice %arg8[%add3A, %dma_start3A_275, %dma_start3A_276] : memref<32x10x512xf32, #tpu.memory_space<hbm>> -> memref<1x10x512xf32, #tpu.memory_space<hbm>>
      %dma_start3A_278 = tpu.memref_squeeze %dma_start3A_277 : memref<1x10x512xf32, #tpu.memory_space<hbm>> -> memref<10x512xf32, #tpu.memory_space<hbm>>
      tpu.enqueue_dma source(%arg23 : memref<10x512xf32, #tpu.memory_space<vmem>>) target(%dma_start3A_278 : memref<10x512xf32, #tpu.memory_space<hbm>>) target_semaphore(%run_scoped3A : memref<!tpu.dma_semaphore, #tpu.memory_space<semaphore_mem>>)
      %dma_wait3A = arith.constant 0 : i32
      %dma_wait3A_279 = arith.constant 0 : i32
      %dma_wait3A_280 = tpu.memref_slice %arg8[%add3A, %dma_wait3A, %dma_wait3A_279] : memref<32x10x512xf32, #tpu.memory_space<hbm>> -> memref<1x10x512xf32, #tpu.memory_space<hbm>>
      %dma_wait3A_281 = tpu.memref_squeeze %dma_wait3A_280 : memref<1x10x512xf32, #tpu.memory_space<hbm>> -> memref<10x512xf32, #tpu.memory_space<hbm>>
      %dma_wait3A_282 = arith.constant 0 : i32
      %dma_wait3A_283 = arith.constant 0 : i32
      %dma_wait3A_284 = tpu.memref_slice %arg8[%add3A, %dma_wait3A_282, %dma_wait3A_283] : memref<32x10x512xf32, #tpu.memory_space<hbm>> -> memref<1x10x512xf32, #tpu.memory_space<hbm>>
      %dma_wait3A_285 = tpu.memref_squeeze %dma_wait3A_284 : memref<1x10x512xf32, #tpu.memory_space<hbm>> -> memref<10x512xf32, #tpu.memory_space<hbm>>
      tpu.wait_dma2 semaphore(%run_scoped3A : memref<!tpu.dma_semaphore, #tpu.memory_space<semaphore_mem>>) src(%arg23 : memref<10x512xf32, #tpu.memory_space<vmem>>) dst(%dma_wait3A_285 : memref<10x512xf32, #tpu.memory_space<hbm>>)
      tpu.yield
    }) : () -> ()
    return
  }
}

module attributes {stable_mosaic.version = 14 : i64} {
  func.func @_loss_body(%arg0: memref<128x128xf32, #tpu.memory_space<vmem>>, %arg1: memref<32x10x512xf32, #tpu.memory_space<vmem>>, %arg2: memref<32x10x512xf32, #tpu.memory_space<vmem>>, %arg3: memref<1x1xf32, #tpu.memory_space<vmem>>) attributes {dimension_semantics = [], scalar_prefetch = 0 : i64, scratch_operands = 0 : i64, tpu.core_type = #tpu.core_type<tc>} {
    %get3A = arith.constant 0 : index
    %get3A_0 = arith.constant 0 : index
    %get3A_1 = vector.load %arg0[%get3A, %get3A_0] : memref<128x128xf32, #tpu.memory_space<vmem>>, vector<128x128xf32>
    %jit3A = arith.constant -1.000000e+01 : f32
    %jit3A_2 = arith.constant 1.000000e+01 : f32
    %max3A = vector.broadcast %jit3A : f32 to vector<128x128xf32>
    %max3A_3 = arith.maximumf %max3A, %get3A_1 : vector<128x128xf32>
    %min3A = vector.broadcast %jit3A_2 : f32 to vector<128x128xf32>
    %min3A_4 = arith.minimumf %min3A, %max3A_3 : vector<128x128xf32>
    %neg3A = arith.constant 0.000000e+00 : f32
    %neg3A_5 = vector.broadcast %neg3A : f32 to vector<128x128xf32>
    %neg3A_6 = arith.subf %neg3A_5, %min3A_4 : vector<128x128xf32>
    %exp3A = math.exp %neg3A_6 : vector<128x128xf32>
    %add3A = arith.constant 1.000000e+00 : f32
    %add3A_7 = vector.broadcast %add3A : f32 to vector<128x128xf32>
    %add3A_8 = arith.addf %add3A_7, %exp3A : vector<128x128xf32>
    %log3A = math.log %add3A_8 : vector<128x128xf32>
    %reduce_sum3A = vector.shape_cast %log3A : vector<128x128xf32> to vector<1x128x128xf32>
    %reduce_sum3A_9 = arith.constant dense<0.000000e+00> : vector<1xf32>
    %reduce_sum3A_10 = vector.multi_reduction <add>, %reduce_sum3A, %reduce_sum3A_9 [1, 2] : vector<1x128x128xf32> to vector<1xf32>
    %reduce_sum3A_11 = vector.shape_cast %reduce_sum3A_10 : vector<1xf32> to vector<1x1x1xf32>
    %reduce_sum3A_12 = vector.extract %reduce_sum3A_11[0, 0, 0] : f32 from vector<1x1x1xf32>
    %get3A_13 = arith.constant 0 : index
    %get3A_14 = arith.constant 0 : index
    %get3A_15 = arith.constant 0 : index
    %get3A_16 = vector.load %arg1[%get3A_13, %get3A_14, %get3A_15] : memref<32x10x512xf32, #tpu.memory_space<vmem>>, vector<32x10x512xf32>
    %jit3A_17 = arith.constant -1.000000e+01 : f32
    %jit3A_18 = arith.constant 1.000000e+01 : f32
    %max3A_19 = vector.broadcast %jit3A_17 : f32 to vector<32x10x512xf32>
    %max3A_20 = arith.maximumf %max3A_19, %get3A_16 : vector<32x10x512xf32>
    %min3A_21 = vector.broadcast %jit3A_18 : f32 to vector<32x10x512xf32>
    %min3A_22 = arith.minimumf %min3A_21, %max3A_20 : vector<32x10x512xf32>
    %exp3A_23 = math.exp %min3A_22 : vector<32x10x512xf32>
    %add3A_24 = arith.constant 1.000000e+00 : f32
    %add3A_25 = vector.broadcast %add3A_24 : f32 to vector<32x10x512xf32>
    %add3A_26 = arith.addf %add3A_25, %exp3A_23 : vector<32x10x512xf32>
    %log3A_27 = math.log %add3A_26 : vector<32x10x512xf32>
    %get3A_28 = arith.constant 0 : index
    %get3A_29 = arith.constant 0 : index
    %get3A_30 = arith.constant 0 : index
    %get3A_31 = vector.load %arg2[%get3A_28, %get3A_29, %get3A_30] : memref<32x10x512xf32, #tpu.memory_space<vmem>>, vector<32x10x512xf32>
    %mul3A = arith.mulf %log3A_27, %get3A_31 : vector<32x10x512xf32>
    %reduce_sum3A_32 = vector.shape_cast %mul3A : vector<32x10x512xf32> to vector<1x32x10x512xf32>
    %reduce_sum3A_33 = arith.constant dense<0.000000e+00> : vector<1xf32>
    %reduce_sum3A_34 = vector.multi_reduction <add>, %reduce_sum3A_32, %reduce_sum3A_33 [1, 2, 3] : vector<1x32x10x512xf32> to vector<1xf32>
    %reduce_sum3A_35 = vector.shape_cast %reduce_sum3A_34 : vector<1xf32> to vector<1x1x1x1xf32>
    %reduce_sum3A_36 = vector.extract %reduce_sum3A_35[0, 0, 0, 0] : f32 from vector<1x1x1x1xf32>
    %add3A_37 = arith.addf %reduce_sum3A_12, %reduce_sum3A_36 : f32
    %reshape3A = vector.broadcast %add3A_37 : f32 to vector<1x1xf32>
    %swap3A = arith.constant 0 : index
    %swap3A_38 = arith.constant 0 : index
    %swap3A_39 = vector.load %arg3[%swap3A, %swap3A_38] : memref<1x1xf32, #tpu.memory_space<vmem>>, vector<1x1xf32>
    tpu.vector_store %arg3[%swap3A, %swap3A_38], %reshape3A {strides = array<i32>} : memref<1x1xf32, #tpu.memory_space<vmem>>, vector<1x1xf32>,
    return
  }
}

</mosaic_0001>

<sc_bundles>
// kernel: kernel.4.cloned.1.call-start
scs
__scs_entry_jumppad:
0x0: {  	(pc) =	sbr.rel $0x88, $3  }
0x1: {  	(tag) =	ssettag $0x0;
	lr =	simm.s32 $0x1  }
0x2: {  	[smem:$0x3F9E] =	sst lr;
	_ =	strace $0xD0000000  }
0x3: {  	_ = 	snop  }
0x4: {  	_ = 	snop  }
0x5: {  	_ = 	snop  }
0x6: {  	_ = 	snop  }
0x7: {  	_ = 	snop  }
__scs_overlays_trampoline_lowered:
0x8: {  	[smem:$0x3FAD] =	sst s0  }
0x9: {  	[smem:$0x3FAE] =	sst s1  }
0xa: {  	[smem:$0x3FAF] =	sst s2  }
0xb: {  	[smem:$0x3FB0] =	sst s3  }
0xc: {  	[smem:$0x3FB1] =	sst s4  }
0xd: {  	[smem:$0x3FB2] =	sst s5  }
0xe: {  	[smem:$0x3FB3] =	sst s6  }
0xf: {  	[smem:$0x3FB4] =	sst s7  }
0x10: {  	[smem:$0x3FB5] =	sst s8  }
0x11: {  	[smem:$0x3FB6] =	sst s9;
	s0 =	simm.s32 @!p0 $0x0  }
0x12: {  	s1 =	sld [smem:$0x3F9C];
	s0 =	simm.s32 @p0 $0x1  }
0x13: {  	[smem:$0x3FB7] =	sst s0;
	s0 =	simm.s32 @!p1 $0x0  }
0x14: {  	s2 =	sld [smem:$0x3F9B];
	s0 =	simm.s32 @p1 $0x1  }
0x15: {  	[smem:$0x3FB8] =	sst s0;
	s0 =	simm.s32 @!p2 $0x0  }
0x16: {  	s3 =	sld [smem:$0x3FDB];
	s0 =	simm.s32 @p2 $0x1  }
0x17: {  	s4 =	simm.s32 $0x1BF5;
	[smem:$0x3FBA] =	sst s0  }
0x18: {  	s0 =	sld [smem:$0x3F9D];
	_ =	swait.ge [sflag:s4], $0x0  }
0x19: {  	s7 =	sld [smem:$0x3F9E]  }
0x1a: {  	s8 =	sadd.s32 $0xFFFFE003, lr  }
0x1b: {  	s9 =	sadd.s32 $0xFFFFFEF7, lr;
	s5 =	simm.s32 $0xFFFFFFFF;
	p2 =	slt.u32 s8, $0xFFFFF086  }
0x1c: {  	p1 =	slt.u32 s9, $0xF7A;
	s5 =	simm.s32 @!p2 $0x0  }
0x1d: {  	s5 =	simm.s32 @p1 $0x1;
	p0 =	seq.s32 s7, s2  }
0x1e: {  	s7 =	smul.u32 @!p0 $0xF7A, s2;
	p2 =	seq.s32 @!p0 s5, $0x0  }
0x1f: {  	s9 =	smul.u32 $0xF7A, s1;
	s8 =	simm.s32 @!p0 $0x1BF5;
	p2 =	por !p2, p0  }
0x20: {  	[sflag:s8] =	ssyncset.s32 @!p0 $0xFFFFF086;
	s6 =	sadd.s32 @!p0 s3, s7;
	s7 =	simm.s32 @!p0 $0x108  }
0x21: {  	s3 =	sadd.s32 s3, s9;
	s6 =	sadd.s32 @!p0 $0x88, s6;
	s7 =	simm.s32 @p2 $0x1082  }
0x22: {  	[simem:s7], [sflag:s8] =	dma.local @!p0 [hbm:s6], $0xF7A  }
0x23: {  	s9 =	sor.u32 $0xD0000000, s2;
	s6 =	simm.s32 $0x108;
	_ =	swait.ge @!p0 [sflag:s8], $0x0  }
0x24: {  	s3 =	sadd.s32 $0x88, s3;
	s6 =	simm.s32 @!p1 $0x1082;
	[sflag:s4] =	ssyncset.s32 $0xFFFFF086  }
0x25: {  	[simem:s6], [sflag:s4] =	dma.local [hbm:s3], $0xF7A  }
0x26: {  	[smem:$0x3F9E] =	sst s1;
	(tag) =	ssettag s2;
	_ =	strace s9  }
0x27: {  	s1 =	sld [smem:$0x3FAE]  }
0x28: {  	s2 =	sld [smem:$0x3FAF]  }
0x29: {  	s4 =	sld [smem:$0x3FB1]  }
0x2a: {  	p0 =	seq.s32 s5, $0x0;
	s5 =	sld [smem:$0x3FB2]  }
0x2b: {  	s6 =	sld [smem:$0x3FB3]  }
0x2c: {  	s7 =	sld [smem:$0x3FB4]  }
0x2d: {  	s3 =	simm.s32 $0x108;
	s8 =	sld [smem:$0x3FB5]  }
0x2e: {  	s3 =	simm.s32 @!p0 $0x1082;
	s9 =	sld [smem:$0x3FB6]  }
0x2f: {  	lr =	sadd.s32 s0, s3;
	s0 =	sld [smem:$0x3FAD]  }
0x30: {  	s3 =	sld [smem:$0x3FB0]  }
0x31: {  	[smem:$0x3FB9] =	sst s10  }
0x32: {  	s10 =	sld [smem:$0x3FB7];
	_ =	sdelay $0x3  }
0x33: {  	p0 =	seq.s32 s10, $0x1;
	s10 =	sld [smem:$0x3FB9];
	_ =	sdelay $0x3  }
0x34: {  	[smem:$0x3FB9] =	sst s10  }
0x35: {  	s10 =	sld [smem:$0x3FB8];
	_ =	sdelay $0x3  }
0x36: {  	p1 =	seq.s32 s10, $0x1;
	s10 =	sld [smem:$0x3FB9];
	_ =	sdelay $0x3  }
0x37: {  	[smem:$0x3FB9] =	sst s10  }
0x38: {  	s10 =	sld [smem:$0x3FBA]  }
0x39: {  	_ = 	snop;
	(pc) =	sbr.ind lr, $3  }
0x3a: {  	_ = 	snop  }
0x3b: {  	_ = 	snop  }
0x3c: {  	p2 =	seq.s32 s10, $0x1;
	s10 =	sld [smem:$0x3FB9]  }
0x3d: {  	_ =	shalt  }
0x3e: {  	_ =	shalt  }
0x3f: {  	_ =	shalt  }
0x40: {  	_ =	shalt  }
0x41: {  	_ =	shalt  }
0x42: {  	_ =	shalt  }
0x43: {  	_ =	shalt  }
0x44: {  	_ =	shalt  }
0x45: {  	_ =	shalt  }
0x46: {  	_ =	shalt  }
0x47: {  	_ =	shalt  }
0x48: {  	_ =	shalt  }
0x49: {  	_ =	shalt  }
0x4a: {  	_ =	shalt  }
0x4b: {  	_ =	shalt  }
0x4c: {  	_ =	shalt  }
0x4d: {  	_ =	shalt  }
0x4e: {  	_ =	shalt  }
0x4f: {  	_ =	shalt  }
0x50: {  	_ =	shalt  }
0x51: {  	_ =	shalt  }
0x52: {  	_ =	shalt  }
0x53: {  	_ =	shalt  }
0x54: {  	_ =	shalt  }
0x55: {  	_ =	shalt  }
0x56: {  	_ =	shalt  }
0x57: {  	_ =	shalt  }
0x58: {  	_ =	shalt  }
0x59: {  	_ =	shalt  }
0x5a: {  	_ =	shalt  }
0x5b: {  	_ =	shalt  }
0x5c: {  	_ =	shalt  }
0x5d: {  	_ =	shalt  }
0x5e: {  	_ =	shalt  }
0x5f: {  	_ =	shalt  }
0x60: {  	_ =	shalt  }
0x61: {  	_ =	shalt  }
0x62: {  	_ =	shalt  }
0x63: {  	_ =	shalt  }
0x64: {  	_ =	shalt  }
0x65: {  	_ =	shalt  }
0x66: {  	_ =	shalt  }
0x67: {  	_ =	shalt  }
0x68: {  	_ =	shalt  }
0x69: {  	_ =	shalt  }
0x6a: {  	_ =	shalt  }
0x6b: {  	_ =	shalt  }
0x6c: {  	_ =	shalt  }
0x6d: {  	_ =	shalt  }
0x6e: {  	_ =	shalt  }
0x6f: {  	_ =	shalt  }
0x70: {  	_ =	shalt  }
0x71: {  	_ =	shalt  }
0x72: {  	_ =	shalt  }
0x73: {  	_ =	shalt  }
0x74: {  	_ =	shalt  }
0x75: {  	_ =	shalt  }
0x76: {  	_ =	shalt  }
0x77: {  	_ =	shalt  }
0x78: {  	_ =	shalt  }
0x79: {  	_ =	shalt  }
0x7a: {  	_ =	shalt  }
0x7b: {  	_ =	shalt  }
0x7c: {  	_ =	shalt  }
0x7d: {  	_ =	shalt  }
0x7e: {  	_ =	shalt  }
0x7f: {  	_ =	shalt  }
0x80: {  	_ =	shalt  }
0x81: {  	_ =	shalt  }
0x82: {  	_ =	shalt  }
0x83: {  	_ =	shalt  }
0x84: {  	_ =	shalt  }
0x85: {  	_ =	shalt  }
0x86: {  	_ =	shalt  }
0x87: {  	_ =	shalt  }
.Lfunc_end0:
.L_simem_size_0:
called_computation_lowered:
.L_overlay_start_0:
0x88: {  	s2 =	sld [smem:$0x3FD9]  }
0x89: {  	s3 =	sld [smem:$0x3FFE];
	_ =	sdelay $0x1  }
0x8a: {  	s1 =	srdreg.scid  }
0x8b: {  	s0 =	sand.u32 $0x1, s1  }
0x8c: {  	s17 =	sshll.u32 s0, $0xA;
	s2 =	sadd.s32 s3, s2  }
0x8d: {  	s2 =	sadd.s32 s2, s17  }
0x8e: {  	[smem:$0x3FC5] =	sst s2  }
0x8f: {  	_ = 	snop  }
0x90: {  	s2 =	sld [smem:$0x3FC8]  }
0x91: {  	s18 =	sld [smem:$0x3FC7];
	(tm) =	ssettm $0x1  }
0x92: {  	s4 =	sld [smem:$0x3FFB];
	_ =	sdelay $0x3  }
0x93: {  	_ =	strace s4  }
0x94: {  	s4 =	sld [smem:$0x3FFC];
	_ =	sdelay $0x3  }
0x95: {  	_ =	strace s4  }
0x96: {  	s4 =	sld [smem:$0x3FFD];
	_ =	sdelay $0x3  }
0x97: {  	_ =	strace s4  }
0x98: {  	_ =	strace $0x8FFFFFFF  }
0x99: {  	s19 =	sld [smem:$0x3FDB];
	_ =	sdelay $0x1  }
0x9a: {  	s5 =	simm.s32 $_scs_section_size  }
0x9b: {  	s6 =	simm.s32 $_size__tile_overlayer_lowered;
	s7 =	simm.s32 $_tile_overlayer_lowered  }
0x9c: {  	s22 =	simm.s32 $0x1BFF;
	s21 =	sshll.u32 s7, $0x1;
	s4 =	sadd.s32 s5, s19  }
0x9d: {  	s8 =	simm.s32 $0x0;
	s20 =	sshll.u32 s6, $0x1;
	s6 =	sadd.s32 s21, s4  }
0x9e: {  	[timem:s8], [sflag:s22] =	dma.local [hbm:s6], s20  }
0x9f: {  	_ =	swait.ge [sflag:s22], s20  }
0xa0: {  	s5 =	ssub.s32 $0x0, s20;
	[sflag:s22] =	ssyncset.done $0x0  }
0xa1: {  	[sflag:s22] =	ssyncadd.s32 s5;
	_ =	sdelay $0x1  }
0xa2: {  	s23 =	simm.s32 $0x1B8B  }
0xa3: {  	_ =	swait.ge [sflag:s23], $0x1  }
0xa4: {  	[sflag:s23] =	ssyncset.done $0x0  }
0xa5: {  	s25 =	simm.s32 $0x1B8E;
	s24 =	sld [smem:$0x3FFE];
	[sflag:s23] =	ssyncadd.s32 $0xFFFFFFFF  }
0xa6: {  	s26 =	simm.s32 $execute0_lowered;
	[smem:$0x3FD2] =	sst s25  }
0xa7: {  	s6 =	sshll.u32 s26, $0x1;
	_ =	strace $0x80000046;
	[dreg:$0x1] =	wrdreg $0xFFFFFFFF  }
0xa8: {  	s28 =	simm.s32 $_size_execute0_lowered;
	s4 =	sadd.s32 s4, s6;
	[dreg:$0x0] =	wrdreg $0x0  }
0xa9: {  	s6 =	sshll.u32 s28, $0x1;
	[dreg:$0x2] =	wrdreg s4  }
0xaa: {  	[dreg:$0x3] =	wrdreg s6  }
0xab: {  	[dreg:$0x4] =	wrdreg $0xC0  }
0xac: {  	_ =	task [dreg:s8], $0x5FFFF  }
0xad: {  	[dreg:$0x1] =	wrdreg $0xFFFFFFFF  }
0xae: {  	[dreg:$0x0] =	wrdreg $0x60  }
0xaf: {  	[dreg:$0x2] =	wrdreg s24  }
0xb0: {  	[dreg:$0x3] =	wrdreg s2  }
0xb1: {  	[dreg:$0x4] =	wrdreg s18  }
0xb2: {  	[dreg:$0x5] =	wrdreg $0x9  }
0xb3: {  	_ =	task.clear_ibuf [dreg:s8], $0x6FFFF;
	_ =	strace $0x90000046  }
0xb4: {  	s29 =	simm.s32 $0x9;
	_ =	strace $0x80000048  }
0xb5: {  	_ =	swait.ge [sflag:s29], $0x1  }
0xb6: {  	[sflag:s29] =	ssyncadd.s32 $0xFFFFFFFF  }
0xb7: {  	_ =	strace $0x90000048  }
0xb8: {  	_ =	sfence  }
0xb9: {  	s30 =	sld [smem:$0x0];
	_ =	sdelay $0x2  }
0xba: {  	s31 =	sshll.u32 s1, $0xD;
	s1 =	sshrl.u32 s1, $0x2  }
0xbb: {  	s3 =	sand.u32 $0x4000, s31;
	s1 =	sadd.s32 s1, s30  }
0xbc: {  	s0 =	sor.u32 s3, s0;
	s1 =	sshll.u32 s1, $0x11  }
0xbd: {  	s0 =	sor.u32 s1, s0  }
0xbe: {  	s0 =	sadd.s32 $0x8F2B, s0  }
0xbf: {  	[sflag:s0] =	ssyncadd.remote.s32 $0x1  }
0xc0: {  	_ =	sfence.sel $0xFFFF  }
0xc1: {  	[dreg:$0x0] =	wrdreg $0xFFFFFFFF;
	(pc) =	sbr.abs _section_cstart, $3  }
0xc2: {  	[dreg:$0x1] =	wrdreg $0xFFFFFFFF  }
0xc3: {  	_ =	task.clear_ibuf [dreg:s8], $0x2FFFF;
	_ =	strace $0x9FFFFFFF  }
0xc4: {  	(tm) =	ssettm $0x7FFFFFFF  }
0xc5: {  	_ =	shalt  }
tec
execute0_lowered:
.L_overlay_start_1:
0x0: {  	(tag) =	ssettag $0x1  }
0x1: {  	s0 =	rddreg [dreg:$0x0]  }
0x2: {  	s2 =	rddreg [dreg:$0x1]  }
0x3: {  	s3 =	rddreg [dreg:$0x2];
	s1 =	srdreg.scid  }
0x4: {  	s5 =	stileid.u32;
	s4 =	simm.s32 $0x0;
	s17 =	simm.s32 $0x3  }
0x5: {  	s18 =	simm.s32 $0x10;
	s29 =	simm.s32 $0xE400;
	s31 =	simm.s32 $0xEC00  }
0x6: {  	s30 =	simm.s32 $0x10400;
	s20 =	simm.s32 $0x10C00;
	s28 =	simm.s32 $0x11C00  }
0x7: {  	s1 =	sand.u32 $0x1, s1;
	s5 =	sshll.u32 s5, $0x1;
	[smem:$0x7FF] =	sst s4  }
0x8: {  	s19 =	simm.s32 $0x12400;
	s6 =	sor.u32 s1, s5;
	_ =	strace $0x80000047  }
0x9: {  	s5 =	sadd.s32 $0x41000, s0;
	s1 =	ssub.s32 $0x2, s1;
	s7 =	sshll.u32 s6, $0xD  }
0xa: {  	s9 =	sshll.u32 s6, $0x6;
	s8 =	sadd.s32 s7, s0;
	s7 =	sadd.s32 s5, s7  }
0xb: {  	s10 =	sshll.u32 s6, $0xA;
	s21 =	sadd.s32 $0x1000, s8;
	[dreg:$0x8] =	wrdreg s7  }
0xc: {  	s11 =	sshrl.u32 s1, $0x1;
	s22 =	sadd.s32 $0x1800, s8;
	[dreg:$0x4] =	wrdreg s21  }
0xd: {  	s6 =	sshll.u32 s6, $0x9;
	s23 =	sadd.s32 $0x2000, s8;
	[dreg:$0x5] =	wrdreg s22  }
0xe: {  	s9 =	sadd.s32 s9, s0;
	s8 =	sadd.s32 $0x2800, s8;
	[dreg:$0x6] =	wrdreg s23  }
0xf: {  	s0 =	sadd.s32 s10, s0;
	s7 =	sadd.s32 $0x100, s7;
	[dreg:$0x7] =	wrdreg s8  }
0x10: {  	s1 =	ssub.s32 s1, s11;
	s24 =	sadd.s32 $0x91000, s9;
	[dreg:$0x9] =	wrdreg s7  }
0x11: {  	s10 =	simm.s32 $0x15600;
	s25 =	sadd.s32 $0x81000, s0;
	[dreg:$0xa] =	wrdreg s24  }
.Ltmp0:
0x12: {  	s0 =	sadd.s32 $0x89000, s0;
	[dreg:$0xb] =	wrdreg s25;
	(pc) =	sbr.rel .LBB2_1-.Ltmp0, $4  }
0x13: {  	s11 =	simm.s32 $0x0;
	s26 =	smax.u32 s1, $0x1;
	[dreg:$0xc] =	wrdreg s0  }
0x14: {  	s1 =	simm.s32 $0xF400;
	[dreg:$0xd] =	wrdreg s26;
	s22 =	simm.s32 $0x4000  }
0x15: {  	v0 =	vlaneseq.u32;
	s24 =	simm.s32 $0x4200;
	s23 =	simm.s32 $0xFC00;
	s0 =	simm.s32 $0x11400  }
0x16: {  	v1 =	vmul.u32 $0x80, v0;
	s21 =	simm.s32 $0x12C00;
	s7 =	simm.s32 $0x1;
	s8 =	simm.s32 $0x2  }
.LBB2_16:
0x17: {  	s9 =	rddreg [dreg:$0xa];
	s10 =	simm.s32 $0x13400;
	s17 =	simm.s32 $0x3  }
0x18: {  	[hbm4b:s9+s4] =	stream.linear.scatter [tilespmem:s10], [sflag:$0x3], $0x200, $0x38;
	[tilespmem:$0x17600] =	vst v63  }
0x19: {  	_ =	swait.ge [sflag:s17], $0x200  }
0x1a: {  	[sflag:s17] =	ssyncset.done $0x0  }
0x1b: {  	s24 =	simm.s32 $0x13600;
	s22 =	rddreg [dreg:$0xb];
	[sflag:s17] =	ssyncadd.s32 $0xFFFFFE00  }
0x1c: {  	[hbm4b:s22+s4] =	stream.linear.scatter [tilespmem:s24], [sflag:$0x3], $0x2000, $0x38;
	[tilespmem:$0x17600] =	vst v63  }
0x1d: {  	_ =	swait.ge [sflag:s17], $0x2000  }
0x1e: {  	[sflag:s17] =	ssyncset.done $0x0  }
0x1f: {  	s10 =	simm.s32 $0x15600;
	s25 =	rddreg [dreg:$0xc];
	[sflag:s17] =	ssyncadd.s32 $0xFFFFE000  }
0x20: {  	[hbm4b:s25+s4] =	stream.linear.scatter [tilespmem:s10], [sflag:$0x3], $0x2000, $0x38;
	[tilespmem:$0x17600] =	vst v63  }
0x21: {  	_ =	swait.ge [sflag:s17], $0x2000  }
0x22: {  	s11 =	rddreg [dreg:$0xe]  }
0x23: {  	s26 =	rddreg [dreg:$0xd];
	s11 =	sadd.s32 $0x1, s11  }
0x24: {  	p0 =	sne.s32 s11, s26  }
.Ltmp1:
0x25: {  	_ = 	snop;
	(pc) =	sbr.rel @!p0 .LBB2_17-.Ltmp1, $3  }
0x26: {  	_ =	sdelay $0x1  }
0x27: {  	[sflag:s17] =	ssyncset.done $0x0  }
0x28: {  	s22 =	simm.s32 $0x4000;
	s24 =	simm.s32 $0x4200;
	[sflag:s17] =	ssyncadd.s32 $0xFFFFE000  }
.LBB2_1:
0x29: {  	v2 =	vmov s4  }
0x2a: {  	v2 =	vshll.u32 v2, $0x7  }
0x2b: {  	[dreg:$0xe] =	wrdreg s11;
	v2 =	vor.u32 v1, v2  }
0x2c: {  	s9 =	rddreg [dreg:$0x4];
	v3 =	vor.u32 $0x1, v2  }
0x2d: {  	[tilespmem:s4], [sflag:$0x3] =	stream.linear.gather [hbm4b:s9+s4], $0x4000, $0x38;
	[tilespmem:$0x17600] =	vst v63  }
0x2e: {  	_ =	swait.ge [sflag:s17], $0x4000  }
0x2f: {  	[sflag:s17] =	ssyncset.done $0x0  }
0x30: {  	[sflag:s17] =	ssyncadd.s32 $0xFFFFC000  }
0x31: {  	v3 =	vld.idx.msk [tilespmem:v3+s4+$0x0], $0xffff  }
0x32: {  	v4 =	vld.idx.msk [tilespmem:v2+s4+$0x0], $0xffff  }
0x33: {  	v5 =	vor.u32 $0x2, v2;
	_ =	sdelay $0x2  }
0x34: {  	[tilespmem:s22+$0x0] =	vst v3  }
0x35: {  	[tilespmem:s24+$0x0] =	vst v4  }
0x36: {  	v3 =	vld.idx.msk [tilespmem:v5+s4+$0x0], $0xffff  }
0x37: {  	v4 =	vor.u32 $0xC, v2;
	_ =	sdelay $0x2  }
0x38: {  	s16 =	simm.s32 $0x4400  }
0x39: {  	[tilespmem:s16+$0x0] =	vst v3  }
0x3a: {  	v3 =	vld.idx.msk [tilespmem:v4+s4+$0x0], $0xffff;
	_ =	sdelay $0x2  }
0x3b: {  	v4 =	vor.u32 $0x3, v2;
	_ =	sdelay $0x1  }
0x3c: {  	v3 =	vcvt.s32.f32 v3;
	_ =	sdelay $0x1  }
0x3d: {  	[tilespmem:s10+$0x0] =	vst v3  }
0x3e: {  	v3 =	vld.idx.msk [tilespmem:v4+s4+$0x0], $0xffff  }
0x3f: {  	v4 =	vor.u32 $0xD, v2;
	_ =	sdelay $0x3  }
0x40: {  	[tilespmem:s16+$0x80] =	vst v3  }
0x41: {  	v3 =	vld.idx.msk [tilespmem:v4+s4+$0x0], $0xffff;
	_ =	sdelay $0x2  }
0x42: {  	v4 =	vor.u32 $0x4, v2;
	_ =	sdelay $0x1  }
0x43: {  	v3 =	vcvt.s32.f32 v3;
	_ =	sdelay $0x1  }
0x44: {  	[tilespmem:s10+$0x80] =	vst v3  }
0x45: {  	v3 =	vld.idx.msk [tilespmem:v4+s4+$0x0], $0xffff  }
0x46: {  	v4 =	vor.u32 $0xE, v2;
	_ =	sdelay $0x3  }
0x47: {  	[tilespmem:s16+$0x100] =	vst v3  }
0x48: {  	v3 =	vld.idx.msk [tilespmem:v4+s4+$0x0], $0xffff;
	_ =	sdelay $0x2  }
0x49: {  	v4 =	vor.u32 $0x5, v2;
	_ =	sdelay $0x1  }
0x4a: {  	v3 =	vcvt.s32.f32 v3;
	_ =	sdelay $0x1  }
0x4b: {  	[tilespmem:s10+$0x100] =	vst v3  }
0x4c: {  	v3 =	vld.idx.msk [tilespmem:v4+s4+$0x0], $0xffff  }
0x4d: {  	v4 =	vor.u32 $0xF, v2;
	_ =	sdelay $0x3  }
0x4e: {  	[tilespmem:s16+$0x180] =	vst v3  }
0x4f: {  	v3 =	vld.idx.msk [tilespmem:v4+s4+$0x0], $0xffff;
	_ =	sdelay $0x2  }
0x50: {  	v4 =	vor.u32 $0x6, v2;
	_ =	sdelay $0x1  }
0x51: {  	v3 =	vcvt.s32.f32 v3;
	_ =	sdelay $0x1  }
0x52: {  	[tilespmem:s10+$0x180] =	vst v3  }
0x53: {  	v3 =	vld.idx.msk [tilespmem:v4+s4+$0x0], $0xffff  }
0x54: {  	v4 =	vor.u32 $0x10, v2;
	_ =	sdelay $0x3  }
0x55: {  	[tilespmem:s16+$0x200] =	vst v3  }
0x56: {  	v3 =	vld.idx.msk [tilespmem:v4+s4+$0x0], $0xffff;
	_ =	sdelay $0x2  }
0x57: {  	v4 =	vor.u32 $0x7, v2;
	_ =	sdelay $0x1  }
0x58: {  	v3 =	vcvt.s32.f32 v3;
	_ =	sdelay $0x1  }
0x59: {  	[tilespmem:s10+$0x200] =	vst v3  }
0x5a: {  	v3 =	vld.idx.msk [tilespmem:v4+s4+$0x0], $0xffff  }
0x5b: {  	v4 =	vor.u32 $0x11, v2;
	_ =	sdelay $0x3  }
0x5c: {  	[tilespmem:s16+$0x280] =	vst v3  }
0x5d: {  	v3 =	vld.idx.msk [tilespmem:v4+s4+$0x0], $0xffff;
	_ =	sdelay $0x2  }
0x5e: {  	v4 =	vor.u32 $0x8, v2;
	_ =	sdelay $0x1  }
0x5f: {  	v3 =	vcvt.s32.f32 v3;
	_ =	sdelay $0x1  }
0x60: {  	[tilespmem:s10+$0x280] =	vst v3  }
0x61: {  	v3 =	vld.idx.msk [tilespmem:v4+s4+$0x0], $0xffff  }
0x62: {  	v4 =	vor.u32 $0x12, v2;
	_ =	sdelay $0x3  }
0x63: {  	[tilespmem:s16+$0x300] =	vst v3  }
0x64: {  	v3 =	vld.idx.msk [tilespmem:v4+s4+$0x0], $0xffff;
	_ =	sdelay $0x2  }
0x65: {  	v4 =	vor.u32 $0x9, v2;
	_ =	sdelay $0x1  }
0x66: {  	v3 =	vcvt.s32.f32 v3;
	_ =	sdelay $0x1  }
0x67: {  	[tilespmem:s10+$0x300] =	vst v3  }
0x68: {  	v3 =	vld.idx.msk [tilespmem:v4+s4+$0x0], $0xffff  }
0x69: {  	v4 =	vor.u32 $0x13, v2;
	_ =	sdelay $0x3  }
0x6a: {  	[tilespmem:s16+$0x380] =	vst v3  }
0x6b: {  	v3 =	vld.idx.msk [tilespmem:v4+s4+$0x0], $0xffff;
	_ =	sdelay $0x2  }
0x6c: {  	v4 =	vor.u32 $0xA, v2;
	_ =	sdelay $0x1  }
0x6d: {  	v3 =	vcvt.s32.f32 v3;
	_ =	sdelay $0x1  }
0x6e: {  	[tilespmem:s10+$0x380] =	vst v3  }
0x6f: {  	v3 =	vld.idx.msk [tilespmem:v4+s4+$0x0], $0xffff  }
0x70: {  	v4 =	vor.u32 $0x14, v2;
	_ =	sdelay $0x3  }
0x71: {  	[tilespmem:s16+$0x1000] =	vst v3  }
0x72: {  	v3 =	vld.idx.msk [tilespmem:v4+s4+$0x0], $0xffff;
	_ =	sdelay $0x2  }
0x73: {  	v4 =	vor.u32 $0xB, v2;
	_ =	sdelay $0x1  }
0x74: {  	v3 =	vcvt.s32.f32 v3;
	_ =	sdelay $0x1  }
0x75: {  	[tilespmem:s10+$0x1000] =	vst v3  }
0x76: {  	v3 =	vld.idx.msk [tilespmem:v4+s4+$0x0], $0xffff  }
0x77: {  	v2 =	vor.u32 $0x15, v2;
	_ =	sdelay $0x3  }
0x78: {  	s26 =	simm.s32 $0x10;
	[tilespmem:s16+$0x1080] =	vst v3  }
0x79: {  	v4 =	vld.idx.msk [tilespmem:v2+s4+$0x0], $0xffff;
	v2 =	vmov s26  }
0x7a: {  	v2 =	vshll.u32 v2, $0x7  }
0x7b: {  	v2 =	vor.u32 v1, v2  }
0x7c: {  	s25 =	simm.s32 $0x4400;
	v3 =	vor.u32 $0x1, v2  }
0x7d: {  	s13 =	simm.s32 $0x15600;
	s11 =	simm.s32 $0x4200;
	s12 =	simm.s32 $0x4000  }
0x7e: {  	s9 =	simm.s32 $0x15610;
	s10 =	simm.s32 $0x4410;
	s16 =	simm.s32 $0x20;
	v4 =	vcvt.s32.f32 v4  }
.LBB2_2:
0x7f: {  	s11 =	sadd.s32 $0x10, s11;
	s12 =	sadd.s32 $0x10, s12  }
0x80: {  	[tilespmem:s13+$0x1080] =	vst v4;
	s15 =	smov.u32 s16;
	s14 =	sadd.s32 $0x10, s16;
	s13 =	smov.u32 s9  }
0x81: {  	p0 =	sne.s32 s16, $0x70;
	v3 =	vld.idx.msk [tilespmem:v3+s4+$0x0], $0xffff  }
0x82: {  	v4 =	vld.idx.msk [tilespmem:v2+s4+$0x0], $0xffff;
	_ =	sdelay $0x1  }
0x83: {  	v5 =	vor.u32 $0x2, v2;
	_ =	sdelay $0x2  }
0x84: {  	[tilespmem:s12+$0x0] =	vst v3  }
0x85: {  	[tilespmem:s11+$0x0] =	vst v4  }
0x86: {  	v3 =	vld.idx.msk [tilespmem:v5+s4+$0x0], $0xffff;
	_ =	sdelay $0x1  }
0x87: {  	v4 =	vor.u32 $0xC, v2;
	_ =	sdelay $0x3  }
0x88: {  	[tilespmem:s10+$0x0] =	vst v3  }
0x89: {  	v3 =	vld.idx.msk [tilespmem:v4+s4+$0x0], $0xffff;
	_ =	sdelay $0x3  }
0x8a: {  	v4 =	vor.u32 $0x3, v2;
	_ =	sdelay $0x1  }
0x8b: {  	v3 =	vcvt.s32.f32 v3;
	_ =	sdelay $0x1  }
0x8c: {  	[tilespmem:s9+$0x0] =	vst v3  }
0x8d: {  	v3 =	vld.idx.msk [tilespmem:v4+s4+$0x0], $0xffff;
	_ =	sdelay $0x1  }
0x8e: {  	v4 =	vor.u32 $0xD, v2;
	_ =	sdelay $0x3  }
0x8f: {  	[tilespmem:s10+$0x80] =	vst v3  }
0x90: {  	v3 =	vld.idx.msk [tilespmem:v4+s4+$0x0], $0xffff;
	_ =	sdelay $0x3  }
0x91: {  	v4 =	vor.u32 $0x4, v2;
	_ =	sdelay $0x1  }
0x92: {  	v3 =	vcvt.s32.f32 v3;
	_ =	sdelay $0x1  }
0x93: {  	[tilespmem:s9+$0x80] =	vst v3  }
0x94: {  	v3 =	vld.idx.msk [tilespmem:v4+s4+$0x0], $0xffff;
	_ =	sdelay $0x1  }
0x95: {  	v4 =	vor.u32 $0xE, v2;
	_ =	sdelay $0x3  }
0x96: {  	[tilespmem:s10+$0x100] =	vst v3  }
0x97: {  	v3 =	vld.idx.msk [tilespmem:v4+s4+$0x0], $0xffff;
	_ =	sdelay $0x3  }
0x98: {  	v4 =	vor.u32 $0x5, v2;
	_ =	sdelay $0x1  }
0x99: {  	v3 =	vcvt.s32.f32 v3;
	_ =	sdelay $0x1  }
0x9a: {  	[tilespmem:s9+$0x100] =	vst v3  }
0x9b: {  	v3 =	vld.idx.msk [tilespmem:v4+s4+$0x0], $0xffff;
	_ =	sdelay $0x1  }
0x9c: {  	v4 =	vor.u32 $0xF, v2;
	_ =	sdelay $0x3  }
0x9d: {  	[tilespmem:s10+$0x180] =	vst v3  }
0x9e: {  	v3 =	vld.idx.msk [tilespmem:v4+s4+$0x0], $0xffff;
	_ =	sdelay $0x3  }
0x9f: {  	v4 =	vor.u32 $0x6, v2;
	_ =	sdelay $0x1  }
0xa0: {  	v3 =	vcvt.s32.f32 v3;
	_ =	sdelay $0x1  }
0xa1: {  	[tilespmem:s9+$0x180] =	vst v3  }
0xa2: {  	v3 =	vld.idx.msk [tilespmem:v4+s4+$0x0], $0xffff;
	_ =	sdelay $0x1  }
0xa3: {  	v4 =	vor.u32 $0x10, v2;
	_ =	sdelay $0x3  }
0xa4: {  	[tilespmem:s10+$0x200] =	vst v3  }
0xa5: {  	v3 =	vld.idx.msk [tilespmem:v4+s4+$0x0], $0xffff;
	_ =	sdelay $0x3  }
0xa6: {  	v4 =	vor.u32 $0x7, v2;
	_ =	sdelay $0x1  }
0xa7: {  	v3 =	vcvt.s32.f32 v3;
	_ =	sdelay $0x1  }
0xa8: {  	[tilespmem:s9+$0x200] =	vst v3  }
0xa9: {  	v3 =	vld.idx.msk [tilespmem:v4+s4+$0x0], $0xffff;
	_ =	sdelay $0x1  }
0xaa: {  	v4 =	vor.u32 $0x11, v2;
	_ =	sdelay $0x3  }
0xab: {  	[tilespmem:s10+$0x280] =	vst v3  }
0xac: {  	v3 =	vld.idx.msk [tilespmem:v4+s4+$0x0], $0xffff;
	_ =	sdelay $0x3  }
0xad: {  	v4 =	vor.u32 $0x8, v2;
	_ =	sdelay $0x1  }
0xae: {  	v3 =	vcvt.s32.f32 v3;
	_ =	sdelay $0x1  }
0xaf: {  	[tilespmem:s9+$0x280] =	vst v3  }
0xb0: {  	v3 =	vld.idx.msk [tilespmem:v4+s4+$0x0], $0xffff;
	_ =	sdelay $0x1  }
0xb1: {  	v4 =	vor.u32 $0x12, v2;
	_ =	sdelay $0x3  }
0xb2: {  	[tilespmem:s10+$0x300] =	vst v3  }
0xb3: {  	v3 =	vld.idx.msk [tilespmem:v4+s4+$0x0], $0xffff;
	_ =	sdelay $0x3  }
0xb4: {  	v4 =	vor.u32 $0x9, v2;
	_ =	sdelay $0x1  }
0xb5: {  	v3 =	vcvt.s32.f32 v3;
	_ =	sdelay $0x1  }
0xb6: {  	[tilespmem:s9+$0x300] =	vst v3  }
0xb7: {  	v3 =	vld.idx.msk [tilespmem:v4+s4+$0x0], $0xffff;
	_ =	sdelay $0x1  }
0xb8: {  	v4 =	vor.u32 $0x13, v2;
	_ =	sdelay $0x3  }
0xb9: {  	[tilespmem:s10+$0x380] =	vst v3  }
0xba: {  	v3 =	vld.idx.msk [tilespmem:v4+s4+$0x0], $0xffff;
	_ =	sdelay $0x3  }
0xbb: {  	v4 =	vor.u32 $0xA, v2;
	_ =	sdelay $0x1  }
0xbc: {  	v3 =	vcvt.s32.f32 v3;
	_ =	sdelay $0x1  }
0xbd: {  	[tilespmem:s9+$0x380] =	vst v3  }
0xbe: {  	v3 =	vld.idx.msk [tilespmem:v4+s4+$0x0], $0xffff;
	_ =	sdelay $0x1  }
0xbf: {  	v4 =	vor.u32 $0x14, v2;
	_ =	sdelay $0x3  }
0xc0: {  	[tilespmem:s10+$0x1000] =	vst v3  }
0xc1: {  	v3 =	vld.idx.msk [tilespmem:v4+s4+$0x0], $0xffff;
	_ =	sdelay $0x3  }
0xc2: {  	v4 =	vor.u32 $0xB, v2;
	_ =	sdelay $0x1  }
0xc3: {  	v3 =	vcvt.s32.f32 v3;
	_ =	sdelay $0x1  }
0xc4: {  	[tilespmem:s9+$0x1000] =	vst v3  }
0xc5: {  	v3 =	vld.idx.msk [tilespmem:v4+s4+$0x0], $0xffff;
	_ =	sdelay $0x1  }
0xc6: {  	v2 =	vor.u32 $0x15, v2;
	_ =	sdelay $0x3  }
0xc7: {  	[tilespmem:s10+$0x1080] =	vst v3  }
0xc8: {  	v4 =	vld.idx.msk [tilespmem:v2+s4+$0x0], $0xffff  }
0xc9: {  	v2 =	vmov s15  }
0xca: {  	v2 =	vshll.u32 v2, $0x7  }
.Ltmp2:
0xcb: {  	v2 =	vor.u32 v1, v2;
	(pc) =	sbr.rel @p0 .LBB2_2-.Ltmp2, $3  }
0xcc: {  	v3 =	vor.u32 $0x1, v2;
	_ =	sdelay $0x1  }
0xcd: {  	v4 =	vcvt.s32.f32 v4  }
0xce: {  	s16 =	smov.u32 s14;
	s9 =	sadd.s32 $0x10, s9;
	s10 =	sadd.s32 $0x10, s10  }
0xcf: {  	_ =	sdelay $0x2  }
0xd0: {  	[tilespmem:s13+$0x1080] =	vst v4  }
0xd1: {  	v3 =	vld.idx.msk [tilespmem:v3+s4+$0x0], $0xffff  }
0xd2: {  	v4 =	vld.idx.msk [tilespmem:v2+s4+$0x0], $0xffff  }
0xd3: {  	v5 =	vor.u32 $0x2, v2;
	_ =	sdelay $0x1  }
0xd4: {  	s12 =	sadd.s32 $0x10, s12  }
0xd5: {  	s11 =	sadd.s32 $0x10, s11;
	[tilespmem:s12+$0x0] =	vst v3  }
0xd6: {  	[tilespmem:s11+$0x0] =	vst v4  }
0xd7: {  	v3 =	vld.idx.msk [tilespmem:v5+s4+$0x0], $0xffff  }
0xd8: {  	v4 =	vor.u32 $0xC, v2;
	_ =	sdelay $0x3  }
0xd9: {  	[tilespmem:s10+$0x0] =	vst v3  }
0xda: {  	v3 =	vld.idx.msk [tilespmem:v4+s4+$0x0], $0xffff;
	_ =	sdelay $0x2  }
0xdb: {  	v4 =	vor.u32 $0x3, v2;
	_ =	sdelay $0x1  }
0xdc: {  	v3 =	vcvt.s32.f32 v3;
	_ =	sdelay $0x1  }
0xdd: {  	[tilespmem:s9+$0x0] =	vst v3  }
0xde: {  	v3 =	vld.idx.msk [tilespmem:v4+s4+$0x0], $0xffff  }
0xdf: {  	v4 =	vor.u32 $0xD, v2;
	_ =	sdelay $0x3  }
0xe0: {  	[tilespmem:s10+$0x80] =	vst v3  }
0xe1: {  	v3 =	vld.idx.msk [tilespmem:v4+s4+$0x0], $0xffff;
	_ =	sdelay $0x2  }
0xe2: {  	v4 =	vor.u32 $0x4, v2;
	_ =	sdelay $0x1  }
0xe3: {  	v3 =	vcvt.s32.f32 v3;
	_ =	sdelay $0x1  }
0xe4: {  	[tilespmem:s9+$0x80] =	vst v3  }
0xe5: {  	v3 =	vld.idx.msk [tilespmem:v4+s4+$0x0], $0xffff  }
0xe6: {  	v4 =	vor.u32 $0xE, v2;
	_ =	sdelay $0x3  }
0xe7: {  	[tilespmem:s10+$0x100] =	vst v3  }
0xe8: {  	v3 =	vld.idx.msk [tilespmem:v4+s4+$0x0], $0xffff;
	_ =	sdelay $0x2  }
0xe9: {  	v4 =	vor.u32 $0x5, v2;
	_ =	sdelay $0x1  }
0xea: {  	v3 =	vcvt.s32.f32 v3;
	_ =	sdelay $0x1  }
0xeb: {  	[tilespmem:s9+$0x100] =	vst v3  }
0xec: {  	v3 =	vld.idx.msk [tilespmem:v4+s4+$0x0], $0xffff  }
0xed: {  	v4 =	vor.u32 $0xF, v2;
	_ =	sdelay $0x3  }
0xee: {  	[tilespmem:s10+$0x180] =	vst v3  }
0xef: {  	v3 =	vld.idx.msk [tilespmem:v4+s4+$0x0], $0xffff;
	_ =	sdelay $0x2  }
0xf0: {  	v4 =	vor.u32 $0x6, v2;
	_ =	sdelay $0x1  }
0xf1: {  	v3 =	vcvt.s32.f32 v3;
	_ =	sdelay $0x1  }
0xf2: {  	[tilespmem:s9+$0x180] =	vst v3  }
0xf3: {  	v3 =	vld.idx.msk [tilespmem:v4+s4+$0x0], $0xffff  }
0xf4: {  	v4 =	vor.u32 $0x10, v2;
	_ =	sdelay $0x3  }
0xf5: {  	[tilespmem:s10+$0x200] =	vst v3  }
0xf6: {  	v3 =	vld.idx.msk [tilespmem:v4+s4+$0x0], $0xffff;
	_ =	sdelay $0x2  }
0xf7: {  	v4 =	vor.u32 $0x7, v2;
	_ =	sdelay $0x1  }
0xf8: {  	v3 =	vcvt.s32.f32 v3;
	_ =	sdelay $0x1  }
0xf9: {  	[tilespmem:s9+$0x200] =	vst v3  }
0xfa: {  	v3 =	vld.idx.msk [tilespmem:v4+s4+$0x0], $0xffff  }
0xfb: {  	v4 =	vor.u32 $0x11, v2;
	_ =	sdelay $0x3  }
0xfc: {  	[tilespmem:s10+$0x280] =	vst v3  }
0xfd: {  	v3 =	vld.idx.msk [tilespmem:v4+s4+$0x0], $0xffff;
	_ =	sdelay $0x2  }
0xfe: {  	v4 =	vor.u32 $0x8, v2;
	_ =	sdelay $0x1  }
0xff: {  	v3 =	vcvt.s32.f32 v3;
	_ =	sdelay $0x1  }
0x100: {  	[tilespmem:s9+$0x280] =	vst v3  }
0x101: {  	v3 =	vld.idx.msk [tilespmem:v4+s4+$0x0], $0xffff  }
0x102: {  	v4 =	vor.u32 $0x12, v2;
	_ =	sdelay $0x3  }
0x103: {  	[tilespmem:s10+$0x300] =	vst v3  }
0x104: {  	v3 =	vld.idx.msk [tilespmem:v4+s4+$0x0], $0xffff;
	_ =	sdelay $0x2  }
0x105: {  	v4 =	vor.u32 $0x9, v2;
	_ =	sdelay $0x1  }
0x106: {  	v3 =	vcvt.s32.f32 v3;
	_ =	sdelay $0x1  }
0x107: {  	[tilespmem:s9+$0x300] =	vst v3  }
0x108: {  	v3 =	vld.idx.msk [tilespmem:v4+s4+$0x0], $0xffff  }
0x109: {  	v4 =	vor.u32 $0x13, v2;
	_ =	sdelay $0x3  }
0x10a: {  	[tilespmem:s10+$0x380] =	vst v3  }
0x10b: {  	v3 =	vld.idx.msk [tilespmem:v4+s4+$0x0], $0xffff;
	_ =	sdelay $0x2  }
0x10c: {  	v4 =	vor.u32 $0xA, v2;
	_ =	sdelay $0x1  }
0x10d: {  	v3 =	vcvt.s32.f32 v3;
	_ =	sdelay $0x1  }
0x10e: {  	[tilespmem:s9+$0x380] =	vst v3  }
0x10f: {  	v3 =	vld.idx.msk [tilespmem:v4+s4+$0x0], $0xffff  }
0x110: {  	v4 =	vor.u32 $0x14, v2;
	_ =	sdelay $0x3  }
0x111: {  	[tilespmem:s10+$0x1000] =	vst v3  }
0x112: {  	v3 =	vld.idx.msk [tilespmem:v4+s4+$0x0], $0xffff;
	_ =	sdelay $0x2  }
0x113: {  	v4 =	vor.u32 $0xB, v2;
	_ =	sdelay $0x1  }
0x114: {  	v3 =	vcvt.s32.f32 v3;
	_ =	sdelay $0x1  }
0x115: {  	[tilespmem:s9+$0x1000] =	vst v3  }
0x116: {  	v3 =	vld.idx.msk [tilespmem:v4+s4+$0x0], $0xffff  }
0x117: {  	v2 =	vor.u32 $0x15, v2;
	_ =	sdelay $0x3  }
0x118: {  	[tilespmem:s10+$0x1080] =	vst v3  }
0x119: {  	v2 =	vld.idx.msk [tilespmem:v2+s4+$0x0], $0xffff;
	_ =	sdelay $0x2  }
0x11a: {  	s13 =	simm.s32 $0x0  }
0x11b: {  	v3 =	vmov s13  }
0x11c: {  	v3 =	vshll.u32 v3, $0x7;
	v2 =	vcvt.s32.f32 v2  }
0x11d: {  	v3 =	vor.u32 v1, v3  }
0x11e: {  	s14 =	rddreg [dreg:$0x5];
	[tilespmem:s9+$0x1080] =	vst v2;
	v2 =	vor.u32 $0x1, v3  }
0x11f: {  	[tilespmem:s13], [sflag:$0x3] =	stream.linear.gather [hbm4b:s14+s13], $0x4000, $0x38;
	[tilespmem:$0x17600] =	vst v63  }
0x120: {  	_ =	swait.ge [sflag:s17], $0x4000  }
0x121: {  	[sflag:s17] =	ssyncset.done $0x0  }
0x122: {  	[sflag:s17] =	ssyncadd.s32 $0xFFFFC000  }
0x123: {  	v2 =	vld.idx.msk [tilespmem:v2+s4+$0x0], $0xffff  }
0x124: {  	v4 =	vld.idx.msk [tilespmem:v3+s4+$0x0], $0xffff  }
0x125: {  	v5 =	vor.u32 $0x2, v3;
	_ =	sdelay $0x1  }
0x126: {  	s15 =	simm.s32 $0x4080  }
0x127: {  	s16 =	simm.s32 $0x4280;
	[tilespmem:s15+$0x0] =	vst v2  }
0x128: {  	[tilespmem:s16+$0x0] =	vst v4  }
0x129: {  	v2 =	vld.idx.msk [tilespmem:v5+s4+$0x0], $0xffff  }
0x12a: {  	v4 =	vor.u32 $0xC, v3;
	_ =	sdelay $0x2  }
0x12b: {  	s10 =	simm.s32 $0x5800  }
0x12c: {  	[tilespmem:s10+$0xFFFFF000] =	vst v2  }
0x12d: {  	v2 =	vld.idx.msk [tilespmem:v4+s4+$0x0], $0xffff;
	_ =	sdelay $0x2  }
0x12e: {  	v4 =	vor.u32 $0x3, v3;
	_ =	sdelay $0x1  }
0x12f: {  	v2 =	vcvt.s32.f32 v2  }
0x130: {  	s9 =	simm.s32 $0x16A00  }
0x131: {  	[tilespmem:s9+$0xFFFFF000] =	vst v2  }
0x132: {  	v2 =	vld.idx.msk [tilespmem:v4+s4+$0x0], $0xffff  }
0x133: {  	v4 =	vor.u32 $0xD, v3;
	_ =	sdelay $0x3  }
0x134: {  	[tilespmem:s10+$0xFFFFF080] =	vst v2  }
0x135: {  	v2 =	vld.idx.msk [tilespmem:v4+s4+$0x0], $0xffff;
	_ =	sdelay $0x2  }
0x136: {  	v4 =	vor.u32 $0x4, v3;
	_ =	sdelay $0x1  }
0x137: {  	v2 =	vcvt.s32.f32 v2;
	_ =	sdelay $0x1  }
0x138: {  	[tilespmem:s9+$0xFFFFF080] =	vst v2  }
0x139: {  	v2 =	vld.idx.msk [tilespmem:v4+s4+$0x0], $0xffff  }
0x13a: {  	v4 =	vor.u32 $0xE, v3;
	_ =	sdelay $0x3  }
0x13b: {  	[tilespmem:s10+$0xFFFFF100] =	vst v2  }
0x13c: {  	v2 =	vld.idx.msk [tilespmem:v4+s4+$0x0], $0xffff;
	_ =	sdelay $0x2  }
0x13d: {  	v4 =	vor.u32 $0x5, v3;
	_ =	sdelay $0x1  }
0x13e: {  	v2 =	vcvt.s32.f32 v2;
	_ =	sdelay $0x1  }
0x13f: {  	[tilespmem:s9+$0xFFFFF100] =	vst v2  }
0x140: {  	v2 =	vld.idx.msk [tilespmem:v4+s4+$0x0], $0xffff  }
0x141: {  	v4 =	vor.u32 $0xF, v3;
	_ =	sdelay $0x3  }
0x142: {  	[tilespmem:s10+$0xFFFFF180] =	vst v2  }
0x143: {  	v2 =	vld.idx.msk [tilespmem:v4+s4+$0x0], $0xffff;
	_ =	sdelay $0x2  }
0x144: {  	v4 =	vor.u32 $0x6, v3;
	_ =	sdelay $0x1  }
0x145: {  	v2 =	vcvt.s32.f32 v2;
	_ =	sdelay $0x1  }
0x146: {  	[tilespmem:s9+$0xFFFFF180] =	vst v2  }
0x147: {  	v2 =	vld.idx.msk [tilespmem:v4+s4+$0x0], $0xffff  }
0x148: {  	v4 =	vor.u32 $0x10, v3;
	_ =	sdelay $0x3  }
0x149: {  	[tilespmem:s10+$0xFFFFF200] =	vst v2  }
0x14a: {  	v2 =	vld.idx.msk [tilespmem:v4+s4+$0x0], $0xffff;
	_ =	sdelay $0x2  }
0x14b: {  	v4 =	vor.u32 $0x7, v3;
	_ =	sdelay $0x1  }
0x14c: {  	v2 =	vcvt.s32.f32 v2;
	_ =	sdelay $0x1  }
0x14d: {  	[tilespmem:s9+$0xFFFFF200] =	vst v2  }
0x14e: {  	v2 =	vld.idx.msk [tilespmem:v4+s4+$0x0], $0xffff  }
0x14f: {  	v4 =	vor.u32 $0x11, v3;
	_ =	sdelay $0x3  }
0x150: {  	[tilespmem:s10+$0xFFFFF280] =	vst v2  }
0x151: {  	v2 =	vld.idx.msk [tilespmem:v4+s4+$0x0], $0xffff;
	_ =	sdelay $0x2  }
0x152: {  	v4 =	vor.u32 $0x8, v3;
	_ =	sdelay $0x1  }
0x153: {  	v2 =	vcvt.s32.f32 v2;
	_ =	sdelay $0x1  }
0x154: {  	[tilespmem:s9+$0xFFFFF280] =	vst v2  }
0x155: {  	v2 =	vld.idx.msk [tilespmem:v4+s4+$0x0], $0xffff  }
0x156: {  	v4 =	vor.u32 $0x12, v3;
	_ =	sdelay $0x3  }
0x157: {  	[tilespmem:s10+$0xFFFFF300] =	vst v2  }
0x158: {  	v2 =	vld.idx.msk [tilespmem:v4+s4+$0x0], $0xffff;
	_ =	sdelay $0x2  }
0x159: {  	v4 =	vor.u32 $0x9, v3;
	_ =	sdelay $0x1  }
0x15a: {  	v2 =	vcvt.s32.f32 v2;
	_ =	sdelay $0x1  }
0x15b: {  	[tilespmem:s9+$0xFFFFF300] =	vst v2  }
0x15c: {  	v2 =	vld.idx.msk [tilespmem:v4+s4+$0x0], $0xffff  }
0x15d: {  	v4 =	vor.u32 $0x13, v3;
	_ =	sdelay $0x3  }
0x15e: {  	[tilespmem:s10+$0xFFFFF380] =	vst v2  }
0x15f: {  	v2 =	vld.idx.msk [tilespmem:v4+s4+$0x0], $0xffff;
	_ =	sdelay $0x2  }
0x160: {  	v4 =	vor.u32 $0xA, v3;
	_ =	sdelay $0x1  }
0x161: {  	v2 =	vcvt.s32.f32 v2;
	_ =	sdelay $0x1  }
0x162: {  	[tilespmem:s9+$0xFFFFF380] =	vst v2  }
0x163: {  	v2 =	vld.idx.msk [tilespmem:v4+s4+$0x0], $0xffff  }
0x164: {  	v4 =	vor.u32 $0x14, v3;
	_ =	sdelay $0x3  }
0x165: {  	[tilespmem:s10+$0x0] =	vst v2  }
0x166: {  	v2 =	vld.idx.msk [tilespmem:v4+s4+$0x0], $0xffff;
	_ =	sdelay $0x2  }
0x167: {  	v4 =	vor.u32 $0xB, v3;
	_ =	sdelay $0x1  }
0x168: {  	v2 =	vcvt.s32.f32 v2;
	_ =	sdelay $0x1  }
0x169: {  	[tilespmem:s9+$0x0] =	vst v2  }
0x16a: {  	v2 =	vld.idx.msk [tilespmem:v4+s4+$0x0], $0xffff  }
0x16b: {  	v3 =	vor.u32 $0x15, v3;
	_ =	sdelay $0x3  }
0x16c: {  	[tilespmem:s10+$0x80] =	vst v2  }
0x16d: {  	s26 =	simm.s32 $0x10;
	v4 =	vld.idx.msk [tilespmem:v3+s4+$0x0], $0xffff  }
0x16e: {  	v2 =	vmov s26  }
0x16f: {  	v2 =	vshll.u32 v2, $0x7  }
0x170: {  	v2 =	vor.u32 v1, v2  }
0x171: {  	v3 =	vor.u32 $0x1, v2  }
0x172: {  	v4 =	vcvt.s32.f32 v4  }
0x173: {  	s12 =	simm.s32 $0x4090;
	s11 =	simm.s32 $0x4290;
	s15 =	simm.s32 $0x20  }
.LBB2_4:
0x174: {  	[tilespmem:s9+$0x80] =	vst v4;
	s9 =	sadd.s32 $0x10, s9  }
0x175: {  	s10 =	sadd.s32 $0x10, s10;
	s14 =	smov.u32 s15;
	s13 =	sadd.s32 $0x10, s15  }
0x176: {  	p0 =	sne.s32 s15, $0x70;
	v3 =	vld.idx.msk [tilespmem:v3+s4+$0x0], $0xffff  }
0x177: {  	v4 =	vld.idx.msk [tilespmem:v2+s4+$0x0], $0xffff;
	_ =	sdelay $0x1  }
0x178: {  	v5 =	vor.u32 $0x2, v2;
	_ =	sdelay $0x2  }
0x179: {  	[tilespmem:s12+$0x0] =	vst v3  }
0x17a: {  	[tilespmem:s11+$0x0] =	vst v4  }
0x17b: {  	v3 =	vld.idx.msk [tilespmem:v5+s4+$0x0], $0xffff;
	_ =	sdelay $0x1  }
0x17c: {  	v4 =	vor.u32 $0xC, v2;
	_ =	sdelay $0x3  }
0x17d: {  	[tilespmem:s10+$0xFFFFF000] =	vst v3  }
0x17e: {  	v3 =	vld.idx.msk [tilespmem:v4+s4+$0x0], $0xffff;
	_ =	sdelay $0x3  }
0x17f: {  	v4 =	vor.u32 $0x3, v2;
	_ =	sdelay $0x1  }
0x180: {  	v3 =	vcvt.s32.f32 v3;
	_ =	sdelay $0x1  }
0x181: {  	[tilespmem:s9+$0xFFFFF000] =	vst v3  }
0x182: {  	v3 =	vld.idx.msk [tilespmem:v4+s4+$0x0], $0xffff;
	_ =	sdelay $0x1  }
0x183: {  	v4 =	vor.u32 $0xD, v2;
	_ =	sdelay $0x3  }
0x184: {  	[tilespmem:s10+$0xFFFFF080] =	vst v3  }
0x185: {  	v3 =	vld.idx.msk [tilespmem:v4+s4+$0x0], $0xffff;
	_ =	sdelay $0x3  }
0x186: {  	v4 =	vor.u32 $0x4, v2;
	_ =	sdelay $0x1  }
0x187: {  	v3 =	vcvt.s32.f32 v3;
	_ =	sdelay $0x1  }
0x188: {  	[tilespmem:s9+$0xFFFFF080] =	vst v3  }
0x189: {  	v3 =	vld.idx.msk [tilespmem:v4+s4+$0x0], $0xffff;
	_ =	sdelay $0x1  }
0x18a: {  	v4 =	vor.u32 $0xE, v2;
	_ =	sdelay $0x3  }
0x18b: {  	[tilespmem:s10+$0xFFFFF100] =	vst v3  }
0x18c: {  	v3 =	vld.idx.msk [tilespmem:v4+s4+$0x0], $0xffff;
	_ =	sdelay $0x3  }
0x18d: {  	v4 =	vor.u32 $0x5, v2;
	_ =	sdelay $0x1  }
0x18e: {  	v3 =	vcvt.s32.f32 v3;
	_ =	sdelay $0x1  }
0x18f: {  	[tilespmem:s9+$0xFFFFF100] =	vst v3  }
0x190: {  	v3 =	vld.idx.msk [tilespmem:v4+s4+$0x0], $0xffff;
	_ =	sdelay $0x1  }
0x191: {  	v4 =	vor.u32 $0xF, v2;
	_ =	sdelay $0x3  }
0x192: {  	[tilespmem:s10+$0xFFFFF180] =	vst v3  }
0x193: {  	v3 =	vld.idx.msk [tilespmem:v4+s4+$0x0], $0xffff;
	_ =	sdelay $0x3  }
0x194: {  	v4 =	vor.u32 $0x6, v2;
	_ =	sdelay $0x1  }
0x195: {  	v3 =	vcvt.s32.f32 v3;
	_ =	sdelay $0x1  }
0x196: {  	[tilespmem:s9+$0xFFFFF180] =	vst v3  }
0x197: {  	v3 =	vld.idx.msk [tilespmem:v4+s4+$0x0], $0xffff;
	_ =	sdelay $0x1  }
0x198: {  	v4 =	vor.u32 $0x10, v2;
	_ =	sdelay $0x3  }
0x199: {  	[tilespmem:s10+$0xFFFFF200] =	vst v3  }
0x19a: {  	v3 =	vld.idx.msk [tilespmem:v4+s4+$0x0], $0xffff;
	_ =	sdelay $0x3  }
0x19b: {  	v4 =	vor.u32 $0x7, v2;
	_ =	sdelay $0x1  }
0x19c: {  	v3 =	vcvt.s32.f32 v3;
	_ =	sdelay $0x1  }
0x19d: {  	[tilespmem:s9+$0xFFFFF200] =	vst v3  }
0x19e: {  	v3 =	vld.idx.msk [tilespmem:v4+s4+$0x0], $0xffff;
	_ =	sdelay $0x1  }
0x19f: {  	v4 =	vor.u32 $0x11, v2;
	_ =	sdelay $0x3  }
0x1a0: {  	[tilespmem:s10+$0xFFFFF280] =	vst v3  }
0x1a1: {  	v3 =	vld.idx.msk [tilespmem:v4+s4+$0x0], $0xffff;
	_ =	sdelay $0x3  }
0x1a2: {  	v4 =	vor.u32 $0x8, v2;
	_ =	sdelay $0x1  }
0x1a3: {  	v3 =	vcvt.s32.f32 v3;
	_ =	sdelay $0x1  }
0x1a4: {  	[tilespmem:s9+$0xFFFFF280] =	vst v3  }
0x1a5: {  	v3 =	vld.idx.msk [tilespmem:v4+s4+$0x0], $0xffff;
	_ =	sdelay $0x1  }
0x1a6: {  	v4 =	vor.u32 $0x12, v2;
	_ =	sdelay $0x3  }
0x1a7: {  	[tilespmem:s10+$0xFFFFF300] =	vst v3  }
0x1a8: {  	v3 =	vld.idx.msk [tilespmem:v4+s4+$0x0], $0xffff;
	_ =	sdelay $0x3  }
0x1a9: {  	v4 =	vor.u32 $0x9, v2;
	_ =	sdelay $0x1  }
0x1aa: {  	v3 =	vcvt.s32.f32 v3;
	_ =	sdelay $0x1  }
0x1ab: {  	[tilespmem:s9+$0xFFFFF300] =	vst v3  }
0x1ac: {  	v3 =	vld.idx.msk [tilespmem:v4+s4+$0x0], $0xffff;
	_ =	sdelay $0x1  }
0x1ad: {  	v4 =	vor.u32 $0x13, v2;
	_ =	sdelay $0x3  }
0x1ae: {  	[tilespmem:s10+$0xFFFFF380] =	vst v3  }
0x1af: {  	v3 =	vld.idx.msk [tilespmem:v4+s4+$0x0], $0xffff;
	_ =	sdelay $0x3  }
0x1b0: {  	v4 =	vor.u32 $0xA, v2;
	_ =	sdelay $0x1  }
0x1b1: {  	v3 =	vcvt.s32.f32 v3;
	_ =	sdelay $0x1  }
0x1b2: {  	[tilespmem:s9+$0xFFFFF380] =	vst v3  }
0x1b3: {  	v3 =	vld.idx.msk [tilespmem:v4+s4+$0x0], $0xffff;
	_ =	sdelay $0x1  }
0x1b4: {  	v4 =	vor.u32 $0x14, v2;
	_ =	sdelay $0x3  }
0x1b5: {  	[tilespmem:s10+$0x0] =	vst v3  }
0x1b6: {  	v3 =	vld.idx.msk [tilespmem:v4+s4+$0x0], $0xffff;
	_ =	sdelay $0x3  }
0x1b7: {  	v4 =	vor.u32 $0xB, v2;
	_ =	sdelay $0x1  }
0x1b8: {  	v3 =	vcvt.s32.f32 v3;
	_ =	sdelay $0x1  }
0x1b9: {  	[tilespmem:s9+$0x0] =	vst v3  }
0x1ba: {  	v3 =	vld.idx.msk [tilespmem:v4+s4+$0x0], $0xffff;
	_ =	sdelay $0x1  }
0x1bb: {  	v2 =	vor.u32 $0x15, v2;
	_ =	sdelay $0x3  }
0x1bc: {  	[tilespmem:s10+$0x80] =	vst v3  }
0x1bd: {  	v4 =	vld.idx.msk [tilespmem:v2+s4+$0x0], $0xffff  }
0x1be: {  	v2 =	vmov s14  }
0x1bf: {  	v2 =	vshll.u32 v2, $0x7  }
.Ltmp3:
0x1c0: {  	v2 =	vor.u32 v1, v2;
	(pc) =	sbr.rel @p0 .LBB2_4-.Ltmp3, $3  }
0x1c1: {  	v3 =	vor.u32 $0x1, v2;
	_ =	sdelay $0x1  }
0x1c2: {  	v4 =	vcvt.s32.f32 v4  }
0x1c3: {  	s15 =	smov.u32 s13;
	s12 =	sadd.s32 $0x10, s12;
	s11 =	sadd.s32 $0x10, s11  }
0x1c4: {  	_ =	sdelay $0x2  }
0x1c5: {  	[tilespmem:s9+$0x80] =	vst v4  }
0x1c6: {  	v3 =	vld.idx.msk [tilespmem:v3+s4+$0x0], $0xffff  }
0x1c7: {  	v4 =	vld.idx.msk [tilespmem:v2+s4+$0x0], $0xffff  }
0x1c8: {  	v5 =	vor.u32 $0x2, v2;
	_ =	sdelay $0x2  }
0x1c9: {  	[tilespmem:s12+$0x0] =	vst v3  }
0x1ca: {  	[tilespmem:s11+$0x0] =	vst v4  }
0x1cb: {  	v3 =	vld.idx.msk [tilespmem:v5+s4+$0x0], $0xffff  }
0x1cc: {  	v4 =	vor.u32 $0xC, v2;
	_ =	sdelay $0x2  }
0x1cd: {  	s10 =	sadd.s32 $0x10, s10  }
0x1ce: {  	[tilespmem:s10+$0xFFFFF000] =	vst v3  }
0x1cf: {  	v3 =	vld.idx.msk [tilespmem:v4+s4+$0x0], $0xffff;
	_ =	sdelay $0x2  }
0x1d0: {  	v4 =	vor.u32 $0x3, v2;
	_ =	sdelay $0x1  }
0x1d1: {  	v3 =	vcvt.s32.f32 v3  }
0x1d2: {  	s12 =	sadd.s32 $0x10, s9  }
0x1d3: {  	[tilespmem:s12+$0xFFFFF000] =	vst v3  }
0x1d4: {  	v3 =	vld.idx.msk [tilespmem:v4+s4+$0x0], $0xffff  }
0x1d5: {  	v4 =	vor.u32 $0xD, v2;
	_ =	sdelay $0x3  }
0x1d6: {  	[tilespmem:s10+$0xFFFFF080] =	vst v3  }
0x1d7: {  	v3 =	vld.idx.msk [tilespmem:v4+s4+$0x0], $0xffff;
	_ =	sdelay $0x2  }
0x1d8: {  	v4 =	vor.u32 $0x4, v2;
	_ =	sdelay $0x1  }
0x1d9: {  	v3 =	vcvt.s32.f32 v3;
	_ =	sdelay $0x1  }
0x1da: {  	[tilespmem:s12+$0xFFFFF080] =	vst v3  }
0x1db: {  	v3 =	vld.idx.msk [tilespmem:v4+s4+$0x0], $0xffff  }
0x1dc: {  	v4 =	vor.u32 $0xE, v2;
	_ =	sdelay $0x3  }
0x1dd: {  	[tilespmem:s10+$0xFFFFF100] =	vst v3  }
0x1de: {  	v3 =	vld.idx.msk [tilespmem:v4+s4+$0x0], $0xffff;
	_ =	sdelay $0x2  }
0x1df: {  	v4 =	vor.u32 $0x5, v2;
	_ =	sdelay $0x1  }
0x1e0: {  	v3 =	vcvt.s32.f32 v3;
	_ =	sdelay $0x1  }
0x1e1: {  	[tilespmem:s12+$0xFFFFF100] =	vst v3  }
0x1e2: {  	v3 =	vld.idx.msk [tilespmem:v4+s4+$0x0], $0xffff  }
0x1e3: {  	v4 =	vor.u32 $0xF, v2;
	_ =	sdelay $0x3  }
0x1e4: {  	[tilespmem:s10+$0xFFFFF180] =	vst v3  }
0x1e5: {  	v3 =	vld.idx.msk [tilespmem:v4+s4+$0x0], $0xffff;
	_ =	sdelay $0x2  }
0x1e6: {  	v4 =	vor.u32 $0x6, v2;
	_ =	sdelay $0x1  }
0x1e7: {  	v3 =	vcvt.s32.f32 v3;
	_ =	sdelay $0x1  }
0x1e8: {  	[tilespmem:s12+$0xFFFFF180] =	vst v3  }
0x1e9: {  	v3 =	vld.idx.msk [tilespmem:v4+s4+$0x0], $0xffff  }
0x1ea: {  	v4 =	vor.u32 $0x10, v2;
	_ =	sdelay $0x3  }
0x1eb: {  	[tilespmem:s10+$0xFFFFF200] =	vst v3  }
0x1ec: {  	v3 =	vld.idx.msk [tilespmem:v4+s4+$0x0], $0xffff;
	_ =	sdelay $0x2  }
0x1ed: {  	v4 =	vor.u32 $0x7, v2;
	_ =	sdelay $0x1  }
0x1ee: {  	v3 =	vcvt.s32.f32 v3;
	_ =	sdelay $0x1  }
0x1ef: {  	[tilespmem:s12+$0xFFFFF200] =	vst v3  }
0x1f0: {  	v3 =	vld.idx.msk [tilespmem:v4+s4+$0x0], $0xffff  }
0x1f1: {  	v4 =	vor.u32 $0x11, v2;
	_ =	sdelay $0x3  }
0x1f2: {  	[tilespmem:s10+$0xFFFFF280] =	vst v3  }
0x1f3: {  	v3 =	vld.idx.msk [tilespmem:v4+s4+$0x0], $0xffff;
	_ =	sdelay $0x2  }
0x1f4: {  	v4 =	vor.u32 $0x8, v2;
	_ =	sdelay $0x1  }
0x1f5: {  	v3 =	vcvt.s32.f32 v3;
	_ =	sdelay $0x1  }
0x1f6: {  	[tilespmem:s12+$0xFFFFF280] =	vst v3  }
0x1f7: {  	v3 =	vld.idx.msk [tilespmem:v4+s4+$0x0], $0xffff  }
0x1f8: {  	v4 =	vor.u32 $0x12, v2;
	_ =	sdelay $0x3  }
0x1f9: {  	[tilespmem:s10+$0xFFFFF300] =	vst v3  }
0x1fa: {  	v3 =	vld.idx.msk [tilespmem:v4+s4+$0x0], $0xffff;
	_ =	sdelay $0x2  }
0x1fb: {  	v4 =	vor.u32 $0x9, v2;
	_ =	sdelay $0x1  }
0x1fc: {  	v3 =	vcvt.s32.f32 v3;
	_ =	sdelay $0x1  }
0x1fd: {  	[tilespmem:s12+$0xFFFFF300] =	vst v3  }
0x1fe: {  	v3 =	vld.idx.msk [tilespmem:v4+s4+$0x0], $0xffff  }
0x1ff: {  	v4 =	vor.u32 $0x13, v2;
	_ =	sdelay $0x3  }
0x200: {  	[tilespmem:s10+$0xFFFFF380] =	vst v3  }
0x201: {  	v3 =	vld.idx.msk [tilespmem:v4+s4+$0x0], $0xffff;
	_ =	sdelay $0x2  }
0x202: {  	v4 =	vor.u32 $0xA, v2;
	_ =	sdelay $0x1  }
0x203: {  	v3 =	vcvt.s32.f32 v3;
	_ =	sdelay $0x1  }
0x204: {  	[tilespmem:s12+$0xFFFFF380] =	vst v3  }
0x205: {  	v3 =	vld.idx.msk [tilespmem:v4+s4+$0x0], $0xffff  }
0x206: {  	v4 =	vor.u32 $0x14, v2;
	_ =	sdelay $0x3  }
0x207: {  	[tilespmem:s10+$0x0] =	vst v3  }
0x208: {  	v3 =	vld.idx.msk [tilespmem:v4+s4+$0x0], $0xffff;
	_ =	sdelay $0x2  }
0x209: {  	v4 =	vor.u32 $0xB, v2;
	_ =	sdelay $0x1  }
0x20a: {  	v3 =	vcvt.s32.f32 v3;
	_ =	sdelay $0x1  }
0x20b: {  	[tilespmem:s12+$0x0] =	vst v3  }
0x20c: {  	v3 =	vld.idx.msk [tilespmem:v4+s4+$0x0], $0xffff  }
0x20d: {  	v2 =	vor.u32 $0x15, v2;
	_ =	sdelay $0x3  }
0x20e: {  	[tilespmem:s10+$0x80] =	vst v3  }
0x20f: {  	v2 =	vld.idx.msk [tilespmem:v2+s4+$0x0], $0xffff;
	_ =	sdelay $0x2  }
0x210: {  	s13 =	simm.s32 $0x0  }
0x211: {  	v3 =	vmov s13  }
0x212: {  	v3 =	vshll.u32 v3, $0x7;
	v2 =	vcvt.s32.f32 v2  }
0x213: {  	v3 =	vor.u32 v1, v3  }
0x214: {  	s14 =	rddreg [dreg:$0x6];
	[tilespmem:s12+$0x80] =	vst v2;
	v2 =	vor.u32 $0x1, v3  }
0x215: {  	[tilespmem:s13], [sflag:$0x3] =	stream.linear.gather [hbm4b:s14+s13], $0x4000, $0x38;
	[tilespmem:$0x17600] =	vst v63  }
0x216: {  	_ =	swait.ge [sflag:s17], $0x4000  }
0x217: {  	[sflag:s17] =	ssyncset.done $0x0  }
0x218: {  	[sflag:s17] =	ssyncadd.s32 $0xFFFFC000  }
0x219: {  	v2 =	vld.idx.msk [tilespmem:v2+s4+$0x0], $0xffff  }
0x21a: {  	v4 =	vld.idx.msk [tilespmem:v3+s4+$0x0], $0xffff  }
0x21b: {  	v5 =	vor.u32 $0x2, v3;
	_ =	sdelay $0x1  }
0x21c: {  	s15 =	simm.s32 $0x4100  }
0x21d: {  	s16 =	simm.s32 $0x4300;
	[tilespmem:s15+$0x0] =	vst v2  }
0x21e: {  	[tilespmem:s16+$0x0] =	vst v4  }
0x21f: {  	v2 =	vld.idx.msk [tilespmem:v5+s4+$0x0], $0xffff  }
0x220: {  	v4 =	vor.u32 $0xC, v3;
	_ =	sdelay $0x2  }
0x221: {  	s10 =	simm.s32 $0x5C00  }
0x222: {  	[tilespmem:s10+$0xFFFFF000] =	vst v2  }
0x223: {  	v2 =	vld.idx.msk [tilespmem:v4+s4+$0x0], $0xffff;
	_ =	sdelay $0x2  }
0x224: {  	v4 =	vor.u32 $0x3, v3;
	_ =	sdelay $0x1  }
0x225: {  	v2 =	vcvt.s32.f32 v2  }
0x226: {  	s9 =	simm.s32 $0x16E00  }
0x227: {  	[tilespmem:s9+$0xFFFFF000] =	vst v2  }
0x228: {  	v2 =	vld.idx.msk [tilespmem:v4+s4+$0x0], $0xffff  }
0x229: {  	v4 =	vor.u32 $0xD, v3;
	_ =	sdelay $0x3  }
0x22a: {  	[tilespmem:s10+$0xFFFFF080] =	vst v2  }
0x22b: {  	v2 =	vld.idx.msk [tilespmem:v4+s4+$0x0], $0xffff;
	_ =	sdelay $0x2  }
0x22c: {  	v4 =	vor.u32 $0x4, v3;
	_ =	sdelay $0x1  }
0x22d: {  	v2 =	vcvt.s32.f32 v2;
	_ =	sdelay $0x1  }
0x22e: {  	[tilespmem:s9+$0xFFFFF080] =	vst v2  }
0x22f: {  	v2 =	vld.idx.msk [tilespmem:v4+s4+$0x0], $0xffff  }
0x230: {  	v4 =	vor.u32 $0xE, v3;
	_ =	sdelay $0x3  }
0x231: {  	[tilespmem:s10+$0xFFFFF100] =	vst v2  }
0x232: {  	v2 =	vld.idx.msk [tilespmem:v4+s4+$0x0], $0xffff;
	_ =	sdelay $0x2  }
0x233: {  	v4 =	vor.u32 $0x5, v3;
	_ =	sdelay $0x1  }
0x234: {  	v2 =	vcvt.s32.f32 v2;
	_ =	sdelay $0x1  }
0x235: {  	[tilespmem:s9+$0xFFFFF100] =	vst v2  }
0x236: {  	v2 =	vld.idx.msk [tilespmem:v4+s4+$0x0], $0xffff  }
0x237: {  	v4 =	vor.u32 $0xF, v3;
	_ =	sdelay $0x3  }
0x238: {  	[tilespmem:s10+$0xFFFFF180] =	vst v2  }
0x239: {  	v2 =	vld.idx.msk [tilespmem:v4+s4+$0x0], $0xffff;
	_ =	sdelay $0x2  }
0x23a: {  	v4 =	vor.u32 $0x6, v3;
	_ =	sdelay $0x1  }
0x23b: {  	v2 =	vcvt.s32.f32 v2;
	_ =	sdelay $0x1  }
0x23c: {  	[tilespmem:s9+$0xFFFFF180] =	vst v2  }
0x23d: {  	v2 =	vld.idx.msk [tilespmem:v4+s4+$0x0], $0xffff  }
0x23e: {  	v4 =	vor.u32 $0x10, v3;
	_ =	sdelay $0x3  }
0x23f: {  	[tilespmem:s10+$0xFFFFF200] =	vst v2  }
0x240: {  	v2 =	vld.idx.msk [tilespmem:v4+s4+$0x0], $0xffff;
	_ =	sdelay $0x2  }
0x241: {  	v4 =	vor.u32 $0x7, v3;
	_ =	sdelay $0x1  }
0x242: {  	v2 =	vcvt.s32.f32 v2;
	_ =	sdelay $0x1  }
0x243: {  	[tilespmem:s9+$0xFFFFF200] =	vst v2  }
0x244: {  	v2 =	vld.idx.msk [tilespmem:v4+s4+$0x0], $0xffff  }
0x245: {  	v4 =	vor.u32 $0x11, v3;
	_ =	sdelay $0x3  }
0x246: {  	[tilespmem:s10+$0xFFFFF280] =	vst v2  }
0x247: {  	v2 =	vld.idx.msk [tilespmem:v4+s4+$0x0], $0xffff;
	_ =	sdelay $0x2  }
0x248: {  	v4 =	vor.u32 $0x8, v3;
	_ =	sdelay $0x1  }
0x249: {  	v2 =	vcvt.s32.f32 v2;
	_ =	sdelay $0x1  }
0x24a: {  	[tilespmem:s9+$0xFFFFF280] =	vst v2  }
0x24b: {  	v2 =	vld.idx.msk [tilespmem:v4+s4+$0x0], $0xffff  }
0x24c: {  	v4 =	vor.u32 $0x12, v3;
	_ =	sdelay $0x3  }
0x24d: {  	[tilespmem:s10+$0xFFFFF300] =	vst v2  }
0x24e: {  	v2 =	vld.idx.msk [tilespmem:v4+s4+$0x0], $0xffff;
	_ =	sdelay $0x2  }
0x24f: {  	v4 =	vor.u32 $0x9, v3;
	_ =	sdelay $0x1  }
0x250: {  	v2 =	vcvt.s32.f32 v2;
	_ =	sdelay $0x1  }
0x251: {  	[tilespmem:s9+$0xFFFFF300] =	vst v2  }
0x252: {  	v2 =	vld.idx.msk [tilespmem:v4+s4+$0x0], $0xffff  }
0x253: {  	v4 =	vor.u32 $0x13, v3;
	_ =	sdelay $0x3  }
0x254: {  	[tilespmem:s10+$0xFFFFF380] =	vst v2  }
0x255: {  	v2 =	vld.idx.msk [tilespmem:v4+s4+$0x0], $0xffff;
	_ =	sdelay $0x2  }
0x256: {  	v4 =	vor.u32 $0xA, v3;
	_ =	sdelay $0x1  }
0x257: {  	v2 =	vcvt.s32.f32 v2;
	_ =	sdelay $0x1  }
0x258: {  	[tilespmem:s9+$0xFFFFF380] =	vst v2  }
0x259: {  	v2 =	vld.idx.msk [tilespmem:v4+s4+$0x0], $0xffff  }
0x25a: {  	v4 =	vor.u32 $0x14, v3;
	_ =	sdelay $0x3  }
0x25b: {  	[tilespmem:s10+$0x0] =	vst v2  }
0x25c: {  	v2 =	vld.idx.msk [tilespmem:v4+s4+$0x0], $0xffff;
	_ =	sdelay $0x2  }
0x25d: {  	v4 =	vor.u32 $0xB, v3;
	_ =	sdelay $0x1  }
0x25e: {  	v2 =	vcvt.s32.f32 v2;
	_ =	sdelay $0x1  }
0x25f: {  	[tilespmem:s9+$0x0] =	vst v2  }
0x260: {  	v2 =	vld.idx.msk [tilespmem:v4+s4+$0x0], $0xffff  }
0x261: {  	v3 =	vor.u32 $0x15, v3;
	_ =	sdelay $0x3  }
0x262: {  	[tilespmem:s10+$0x80] =	vst v2  }
0x263: {  	s26 =	simm.s32 $0x10;
	v4 =	vld.idx.msk [tilespmem:v3+s4+$0x0], $0xffff  }
0x264: {  	v2 =	vmov s26  }
0x265: {  	v2 =	vshll.u32 v2, $0x7  }
0x266: {  	v2 =	vor.u32 v1, v2  }
0x267: {  	v3 =	vor.u32 $0x1, v2  }
0x268: {  	v4 =	vcvt.s32.f32 v4  }
0x269: {  	s11 =	simm.s32 $0x4310;
	s12 =	simm.s32 $0x4110;
	s15 =	simm.s32 $0x20  }
.LBB2_6:
0x26a: {  	[tilespmem:s9+$0x80] =	vst v4;
	s9 =	sadd.s32 $0x10, s9  }
0x26b: {  	s10 =	sadd.s32 $0x10, s10;
	s14 =	smov.u32 s15;
	s13 =	sadd.s32 $0x10, s15  }
0x26c: {  	p0 =	sne.s32 s15, $0x70;
	v3 =	vld.idx.msk [tilespmem:v3+s4+$0x0], $0xffff  }
0x26d: {  	v4 =	vld.idx.msk [tilespmem:v2+s4+$0x0], $0xffff;
	_ =	sdelay $0x1  }
0x26e: {  	v5 =	vor.u32 $0x2, v2;
	_ =	sdelay $0x2  }
0x26f: {  	[tilespmem:s12+$0x0] =	vst v3  }
0x270: {  	[tilespmem:s11+$0x0] =	vst v4  }
0x271: {  	v3 =	vld.idx.msk [tilespmem:v5+s4+$0x0], $0xffff;
	_ =	sdelay $0x1  }
0x272: {  	v4 =	vor.u32 $0xC, v2;
	_ =	sdelay $0x3  }
0x273: {  	[tilespmem:s10+$0xFFFFF000] =	vst v3  }
0x274: {  	v3 =	vld.idx.msk [tilespmem:v4+s4+$0x0], $0xffff;
	_ =	sdelay $0x3  }
0x275: {  	v4 =	vor.u32 $0x3, v2;
	_ =	sdelay $0x1  }
0x276: {  	v3 =	vcvt.s32.f32 v3;
	_ =	sdelay $0x1  }
0x277: {  	[tilespmem:s9+$0xFFFFF000] =	vst v3  }
0x278: {  	v3 =	vld.idx.msk [tilespmem:v4+s4+$0x0], $0xffff;
	_ =	sdelay $0x1  }
0x279: {  	v4 =	vor.u32 $0xD, v2;
	_ =	sdelay $0x3  }
0x27a: {  	[tilespmem:s10+$0xFFFFF080] =	vst v3  }
0x27b: {  	v3 =	vld.idx.msk [tilespmem:v4+s4+$0x0], $0xffff;
	_ =	sdelay $0x3  }
0x27c: {  	v4 =	vor.u32 $0x4, v2;
	_ =	sdelay $0x1  }
0x27d: {  	v3 =	vcvt.s32.f32 v3;
	_ =	sdelay $0x1  }
0x27e: {  	[tilespmem:s9+$0xFFFFF080] =	vst v3  }
0x27f: {  	v3 =	vld.idx.msk [tilespmem:v4+s4+$0x0], $0xffff;
	_ =	sdelay $0x1  }
0x280: {  	v4 =	vor.u32 $0xE, v2;
	_ =	sdelay $0x3  }
0x281: {  	[tilespmem:s10+$0xFFFFF100] =	vst v3  }
0x282: {  	v3 =	vld.idx.msk [tilespmem:v4+s4+$0x0], $0xffff;
	_ =	sdelay $0x3  }
0x283: {  	v4 =	vor.u32 $0x5, v2;
	_ =	sdelay $0x1  }
0x284: {  	v3 =	vcvt.s32.f32 v3;
	_ =	sdelay $0x1  }
0x285: {  	[tilespmem:s9+$0xFFFFF100] =	vst v3  }
0x286: {  	v3 =	vld.idx.msk [tilespmem:v4+s4+$0x0], $0xffff;
	_ =	sdelay $0x1  }
0x287: {  	v4 =	vor.u32 $0xF, v2;
	_ =	sdelay $0x3  }
0x288: {  	[tilespmem:s10+$0xFFFFF180] =	vst v3  }
0x289: {  	v3 =	vld.idx.msk [tilespmem:v4+s4+$0x0], $0xffff;
	_ =	sdelay $0x3  }
0x28a: {  	v4 =	vor.u32 $0x6, v2;
	_ =	sdelay $0x1  }
0x28b: {  	v3 =	vcvt.s32.f32 v3;
	_ =	sdelay $0x1  }
0x28c: {  	[tilespmem:s9+$0xFFFFF180] =	vst v3  }
0x28d: {  	v3 =	vld.idx.msk [tilespmem:v4+s4+$0x0], $0xffff;
	_ =	sdelay $0x1  }
0x28e: {  	v4 =	vor.u32 $0x10, v2;
	_ =	sdelay $0x3  }
0x28f: {  	[tilespmem:s10+$0xFFFFF200] =	vst v3  }
0x290: {  	v3 =	vld.idx.msk [tilespmem:v4+s4+$0x0], $0xffff;
	_ =	sdelay $0x3  }
0x291: {  	v4 =	vor.u32 $0x7, v2;
	_ =	sdelay $0x1  }
0x292: {  	v3 =	vcvt.s32.f32 v3;
	_ =	sdelay $0x1  }
0x293: {  	[tilespmem:s9+$0xFFFFF200] =	vst v3  }
0x294: {  	v3 =	vld.idx.msk [tilespmem:v4+s4+$0x0], $0xffff;
	_ =	sdelay $0x1  }
0x295: {  	v4 =	vor.u32 $0x11, v2;
	_ =	sdelay $0x3  }
0x296: {  	[tilespmem:s10+$0xFFFFF280] =	vst v3  }
0x297: {  	v3 =	vld.idx.msk [tilespmem:v4+s4+$0x0], $0xffff;
	_ =	sdelay $0x3  }
0x298: {  	v4 =	vor.u32 $0x8, v2;
	_ =	sdelay $0x1  }
0x299: {  	v3 =	vcvt.s32.f32 v3;
	_ =	sdelay $0x1  }
0x29a: {  	[tilespmem:s9+$0xFFFFF280] =	vst v3  }
0x29b: {  	v3 =	vld.idx.msk [tilespmem:v4+s4+$0x0], $0xffff;
	_ =	sdelay $0x1  }
0x29c: {  	v4 =	vor.u32 $0x12, v2;
	_ =	sdelay $0x3  }
0x29d: {  	[tilespmem:s10+$0xFFFFF300] =	vst v3  }
0x29e: {  	v3 =	vld.idx.msk [tilespmem:v4+s4+$0x0], $0xffff;
	_ =	sdelay $0x3  }
0x29f: {  	v4 =	vor.u32 $0x9, v2;
	_ =	sdelay $0x1  }
0x2a0: {  	v3 =	vcvt.s32.f32 v3;
	_ =	sdelay $0x1  }
0x2a1: {  	[tilespmem:s9+$0xFFFFF300] =	vst v3  }
0x2a2: {  	v3 =	vld.idx.msk [tilespmem:v4+s4+$0x0], $0xffff;
	_ =	sdelay $0x1  }
0x2a3: {  	v4 =	vor.u32 $0x13, v2;
	_ =	sdelay $0x3  }
0x2a4: {  	[tilespmem:s10+$0xFFFFF380] =	vst v3  }
0x2a5: {  	v3 =	vld.idx.msk [tilespmem:v4+s4+$0x0], $0xffff;
	_ =	sdelay $0x3  }
0x2a6: {  	v4 =	vor.u32 $0xA, v2;
	_ =	sdelay $0x1  }
0x2a7: {  	v3 =	vcvt.s32.f32 v3;
	_ =	sdelay $0x1  }
0x2a8: {  	[tilespmem:s9+$0xFFFFF380] =	vst v3  }
0x2a9: {  	v3 =	vld.idx.msk [tilespmem:v4+s4+$0x0], $0xffff;
	_ =	sdelay $0x1  }
0x2aa: {  	v4 =	vor.u32 $0x14, v2;
	_ =	sdelay $0x3  }
0x2ab: {  	[tilespmem:s10+$0x0] =	vst v3  }
0x2ac: {  	v3 =	vld.idx.msk [tilespmem:v4+s4+$0x0], $0xffff;
	_ =	sdelay $0x3  }
0x2ad: {  	v4 =	vor.u32 $0xB, v2;
	_ =	sdelay $0x1  }
0x2ae: {  	v3 =	vcvt.s32.f32 v3;
	_ =	sdelay $0x1  }
0x2af: {  	[tilespmem:s9+$0x0] =	vst v3  }
0x2b0: {  	v3 =	vld.idx.msk [tilespmem:v4+s4+$0x0], $0xffff;
	_ =	sdelay $0x1  }
0x2b1: {  	v2 =	vor.u32 $0x15, v2;
	_ =	sdelay $0x3  }
0x2b2: {  	[tilespmem:s10+$0x80] =	vst v3  }
0x2b3: {  	v4 =	vld.idx.msk [tilespmem:v2+s4+$0x0], $0xffff  }
0x2b4: {  	v2 =	vmov s14  }
0x2b5: {  	v2 =	vshll.u32 v2, $0x7  }
.Ltmp4:
0x2b6: {  	v2 =	vor.u32 v1, v2;
	(pc) =	sbr.rel @p0 .LBB2_6-.Ltmp4, $3  }
0x2b7: {  	v3 =	vor.u32 $0x1, v2;
	_ =	sdelay $0x1  }
0x2b8: {  	v4 =	vcvt.s32.f32 v4  }
0x2b9: {  	s15 =	smov.u32 s13;
	s12 =	sadd.s32 $0x10, s12;
	s11 =	sadd.s32 $0x10, s11  }
0x2ba: {  	_ =	sdelay $0x2  }
0x2bb: {  	[tilespmem:s9+$0x80] =	vst v4  }
0x2bc: {  	v3 =	vld.idx.msk [tilespmem:v3+s4+$0x0], $0xffff  }
0x2bd: {  	v4 =	vld.idx.msk [tilespmem:v2+s4+$0x0], $0xffff  }
0x2be: {  	v5 =	vor.u32 $0x2, v2;
	_ =	sdelay $0x2  }
0x2bf: {  	[tilespmem:s12+$0x0] =	vst v3  }
0x2c0: {  	[tilespmem:s11+$0x0] =	vst v4  }
0x2c1: {  	v3 =	vld.idx.msk [tilespmem:v5+s4+$0x0], $0xffff  }
0x2c2: {  	v4 =	vor.u32 $0xC, v2;
	_ =	sdelay $0x2  }
0x2c3: {  	s10 =	sadd.s32 $0x10, s10  }
0x2c4: {  	[tilespmem:s10+$0xFFFFF000] =	vst v3  }
0x2c5: {  	v3 =	vld.idx.msk [tilespmem:v4+s4+$0x0], $0xffff;
	_ =	sdelay $0x2  }
0x2c6: {  	v4 =	vor.u32 $0x3, v2;
	_ =	sdelay $0x1  }
0x2c7: {  	v3 =	vcvt.s32.f32 v3  }
0x2c8: {  	s14 =	sadd.s32 $0x10, s9  }
0x2c9: {  	[tilespmem:s14+$0xFFFFF000] =	vst v3  }
0x2ca: {  	v3 =	vld.idx.msk [tilespmem:v4+s4+$0x0], $0xffff  }
0x2cb: {  	v4 =	vor.u32 $0xD, v2;
	_ =	sdelay $0x3  }
0x2cc: {  	[tilespmem:s10+$0xFFFFF080] =	vst v3  }
0x2cd: {  	v3 =	vld.idx.msk [tilespmem:v4+s4+$0x0], $0xffff;
	_ =	sdelay $0x2  }
0x2ce: {  	v4 =	vor.u32 $0x4, v2;
	_ =	sdelay $0x1  }
0x2cf: {  	v3 =	vcvt.s32.f32 v3;
	_ =	sdelay $0x1  }
0x2d0: {  	[tilespmem:s14+$0xFFFFF080] =	vst v3  }
0x2d1: {  	v3 =	vld.idx.msk [tilespmem:v4+s4+$0x0], $0xffff  }
0x2d2: {  	v4 =	vor.u32 $0xE, v2;
	_ =	sdelay $0x3  }
0x2d3: {  	[tilespmem:s10+$0xFFFFF100] =	vst v3  }
0x2d4: {  	v3 =	vld.idx.msk [tilespmem:v4+s4+$0x0], $0xffff;
	_ =	sdelay $0x2  }
0x2d5: {  	v4 =	vor.u32 $0x5, v2;
	_ =	sdelay $0x1  }
0x2d6: {  	v3 =	vcvt.s32.f32 v3;
	_ =	sdelay $0x1  }
0x2d7: {  	[tilespmem:s14+$0xFFFFF100] =	vst v3  }
0x2d8: {  	v3 =	vld.idx.msk [tilespmem:v4+s4+$0x0], $0xffff  }
0x2d9: {  	v4 =	vor.u32 $0xF, v2;
	_ =	sdelay $0x3  }
0x2da: {  	[tilespmem:s10+$0xFFFFF180] =	vst v3  }
0x2db: {  	v3 =	vld.idx.msk [tilespmem:v4+s4+$0x0], $0xffff;
	_ =	sdelay $0x2  }
0x2dc: {  	v4 =	vor.u32 $0x6, v2;
	_ =	sdelay $0x1  }
0x2dd: {  	v3 =	vcvt.s32.f32 v3;
	_ =	sdelay $0x1  }
0x2de: {  	[tilespmem:s14+$0xFFFFF180] =	vst v3  }
0x2df: {  	v3 =	vld.idx.msk [tilespmem:v4+s4+$0x0], $0xffff  }
0x2e0: {  	v4 =	vor.u32 $0x10, v2;
	_ =	sdelay $0x3  }
0x2e1: {  	[tilespmem:s10+$0xFFFFF200] =	vst v3  }
0x2e2: {  	v3 =	vld.idx.msk [tilespmem:v4+s4+$0x0], $0xffff;
	_ =	sdelay $0x2  }
0x2e3: {  	v4 =	vor.u32 $0x7, v2;
	_ =	sdelay $0x1  }
0x2e4: {  	v3 =	vcvt.s32.f32 v3;
	_ =	sdelay $0x1  }
0x2e5: {  	[tilespmem:s14+$0xFFFFF200] =	vst v3  }
0x2e6: {  	v3 =	vld.idx.msk [tilespmem:v4+s4+$0x0], $0xffff  }
0x2e7: {  	v4 =	vor.u32 $0x11, v2;
	_ =	sdelay $0x3  }
0x2e8: {  	[tilespmem:s10+$0xFFFFF280] =	vst v3  }
0x2e9: {  	v3 =	vld.idx.msk [tilespmem:v4+s4+$0x0], $0xffff;
	_ =	sdelay $0x2  }
0x2ea: {  	v4 =	vor.u32 $0x8, v2;
	_ =	sdelay $0x1  }
0x2eb: {  	v3 =	vcvt.s32.f32 v3;
	_ =	sdelay $0x1  }
0x2ec: {  	[tilespmem:s14+$0xFFFFF280] =	vst v3  }
0x2ed: {  	v3 =	vld.idx.msk [tilespmem:v4+s4+$0x0], $0xffff  }
0x2ee: {  	v4 =	vor.u32 $0x12, v2;
	_ =	sdelay $0x3  }
0x2ef: {  	[tilespmem:s10+$0xFFFFF300] =	vst v3  }
0x2f0: {  	v3 =	vld.idx.msk [tilespmem:v4+s4+$0x0], $0xffff;
	_ =	sdelay $0x2  }
0x2f1: {  	v4 =	vor.u32 $0x9, v2;
	_ =	sdelay $0x1  }
0x2f2: {  	v3 =	vcvt.s32.f32 v3;
	_ =	sdelay $0x1  }
0x2f3: {  	[tilespmem:s14+$0xFFFFF300] =	vst v3  }
0x2f4: {  	v3 =	vld.idx.msk [tilespmem:v4+s4+$0x0], $0xffff  }
0x2f5: {  	v4 =	vor.u32 $0x13, v2;
	_ =	sdelay $0x3  }
0x2f6: {  	[tilespmem:s10+$0xFFFFF380] =	vst v3  }
0x2f7: {  	v3 =	vld.idx.msk [tilespmem:v4+s4+$0x0], $0xffff;
	_ =	sdelay $0x2  }
0x2f8: {  	v4 =	vor.u32 $0xA, v2;
	_ =	sdelay $0x1  }
0x2f9: {  	v3 =	vcvt.s32.f32 v3;
	_ =	sdelay $0x1  }
0x2fa: {  	[tilespmem:s14+$0xFFFFF380] =	vst v3  }
0x2fb: {  	v3 =	vld.idx.msk [tilespmem:v4+s4+$0x0], $0xffff  }
0x2fc: {  	v4 =	vor.u32 $0x14, v2;
	_ =	sdelay $0x3  }
0x2fd: {  	[tilespmem:s10+$0x0] =	vst v3  }
0x2fe: {  	v3 =	vld.idx.msk [tilespmem:v4+s4+$0x0], $0xffff;
	_ =	sdelay $0x2  }
0x2ff: {  	v4 =	vor.u32 $0xB, v2;
	_ =	sdelay $0x1  }
0x300: {  	v3 =	vcvt.s32.f32 v3;
	_ =	sdelay $0x1  }
0x301: {  	[tilespmem:s14+$0x0] =	vst v3  }
0x302: {  	v3 =	vld.idx.msk [tilespmem:v4+s4+$0x0], $0xffff  }
0x303: {  	v2 =	vor.u32 $0x15, v2;
	_ =	sdelay $0x3  }
0x304: {  	[tilespmem:s10+$0x80] =	vst v3  }
0x305: {  	v2 =	vld.idx.msk [tilespmem:v2+s4+$0x0], $0xffff;
	_ =	sdelay $0x2  }
0x306: {  	s15 =	simm.s32 $0x0  }
0x307: {  	v3 =	vmov s15  }
0x308: {  	v3 =	vshll.u32 v3, $0x7;
	v2 =	vcvt.s32.f32 v2  }
0x309: {  	v3 =	vor.u32 v1, v3  }
0x30a: {  	s16 =	rddreg [dreg:$0x7];
	[tilespmem:s14+$0x80] =	vst v2;
	v2 =	vor.u32 $0x1, v3  }
0x30b: {  	[tilespmem:s15], [sflag:$0x3] =	stream.linear.gather [hbm4b:s16+s15], $0x4000, $0x38;
	[tilespmem:$0x17600] =	vst v63  }
0x30c: {  	_ =	swait.ge [sflag:s17], $0x4000  }
0x30d: {  	[sflag:s17] =	ssyncset.done $0x0  }
0x30e: {  	[sflag:s17] =	ssyncadd.s32 $0xFFFFC000  }
0x30f: {  	v2 =	vld.idx.msk [tilespmem:v2+s4+$0x0], $0xffff  }
0x310: {  	v4 =	vld.idx.msk [tilespmem:v3+s4+$0x0], $0xffff  }
0x311: {  	v5 =	vor.u32 $0x2, v3;
	_ =	sdelay $0x1  }
0x312: {  	s10 =	simm.s32 $0x4180  }
0x313: {  	s9 =	simm.s32 $0x4380;
	[tilespmem:s10+$0x0] =	vst v2  }
0x314: {  	[tilespmem:s9+$0x0] =	vst v4  }
0x315: {  	v2 =	vld.idx.msk [tilespmem:v5+s4+$0x0], $0xffff  }
0x316: {  	v4 =	vor.u32 $0xC, v3;
	_ =	sdelay $0x2  }
0x317: {  	s17 =	simm.s32 $0x5280  }
0x318: {  	[tilespmem:s17+$0xFFFFFD80] =	vst v2  }
0x319: {  	v2 =	vld.idx.msk [tilespmem:v4+s4+$0x0], $0xffff;
	_ =	sdelay $0x2  }
0x31a: {  	v4 =	vor.u32 $0x3, v3;
	_ =	sdelay $0x1  }
0x31b: {  	v2 =	vcvt.s32.f32 v2  }
0x31c: {  	s13 =	simm.s32 $0x16480  }
0x31d: {  	[tilespmem:s13+$0xFFFFFD80] =	vst v2  }
0x31e: {  	v2 =	vld.idx.msk [tilespmem:v4+s4+$0x0], $0xffff  }
0x31f: {  	v4 =	vor.u32 $0xD, v3;
	_ =	sdelay $0x3  }
0x320: {  	[tilespmem:s17+$0xFFFFFE00] =	vst v2  }
0x321: {  	v2 =	vld.idx.msk [tilespmem:v4+s4+$0x0], $0xffff;
	_ =	sdelay $0x2  }
0x322: {  	v4 =	vor.u32 $0x4, v3;
	_ =	sdelay $0x1  }
0x323: {  	v2 =	vcvt.s32.f32 v2;
	_ =	sdelay $0x1  }
0x324: {  	[tilespmem:s13+$0xFFFFFE00] =	vst v2  }
0x325: {  	v2 =	vld.idx.msk [tilespmem:v4+s4+$0x0], $0xffff  }
0x326: {  	v4 =	vor.u32 $0xE, v3;
	_ =	sdelay $0x3  }
0x327: {  	[tilespmem:s17+$0xFFFFFE80] =	vst v2  }
0x328: {  	v2 =	vld.idx.msk [tilespmem:v4+s4+$0x0], $0xffff;
	_ =	sdelay $0x2  }
0x329: {  	v4 =	vor.u32 $0x5, v3;
	_ =	sdelay $0x1  }
0x32a: {  	v2 =	vcvt.s32.f32 v2;
	_ =	sdelay $0x1  }
0x32b: {  	[tilespmem:s13+$0xFFFFFE80] =	vst v2  }
0x32c: {  	v2 =	vld.idx.msk [tilespmem:v4+s4+$0x0], $0xffff  }
0x32d: {  	v4 =	vor.u32 $0xF, v3;
	_ =	sdelay $0x3  }
0x32e: {  	[tilespmem:s17+$0xFFFFFF00] =	vst v2  }
0x32f: {  	v2 =	vld.idx.msk [tilespmem:v4+s4+$0x0], $0xffff;
	_ =	sdelay $0x2  }
0x330: {  	v4 =	vor.u32 $0x6, v3;
	_ =	sdelay $0x1  }
0x331: {  	v2 =	vcvt.s32.f32 v2;
	_ =	sdelay $0x1  }
0x332: {  	[tilespmem:s13+$0xFFFFFF00] =	vst v2  }
0x333: {  	v2 =	vld.idx.msk [tilespmem:v4+s4+$0x0], $0xffff  }
0x334: {  	v4 =	vor.u32 $0x10, v3;
	_ =	sdelay $0x3  }
0x335: {  	[tilespmem:s17+$0xFFFFFF80] =	vst v2  }
0x336: {  	v2 =	vld.idx.msk [tilespmem:v4+s4+$0x0], $0xffff;
	_ =	sdelay $0x2  }
0x337: {  	v4 =	vor.u32 $0x7, v3;
	_ =	sdelay $0x1  }
0x338: {  	v2 =	vcvt.s32.f32 v2;
	_ =	sdelay $0x1  }
0x339: {  	[tilespmem:s13+$0xFFFFFF80] =	vst v2  }
0x33a: {  	v2 =	vld.idx.msk [tilespmem:v4+s4+$0x0], $0xffff  }
0x33b: {  	v4 =	vor.u32 $0x11, v3;
	_ =	sdelay $0x3  }
0x33c: {  	[tilespmem:s17+$0x0] =	vst v2  }
0x33d: {  	v2 =	vld.idx.msk [tilespmem:v4+s4+$0x0], $0xffff;
	_ =	sdelay $0x2  }
0x33e: {  	v4 =	vor.u32 $0x8, v3;
	_ =	sdelay $0x1  }
0x33f: {  	v2 =	vcvt.s32.f32 v2;
	_ =	sdelay $0x1  }
0x340: {  	[tilespmem:s13+$0x0] =	vst v2  }
0x341: {  	v2 =	vld.idx.msk [tilespmem:v4+s4+$0x0], $0xffff  }
0x342: {  	v4 =	vor.u32 $0x12, v3;
	_ =	sdelay $0x3  }
0x343: {  	[tilespmem:s17+$0x80] =	vst v2  }
0x344: {  	v2 =	vld.idx.msk [tilespmem:v4+s4+$0x0], $0xffff;
	_ =	sdelay $0x2  }
0x345: {  	v4 =	vor.u32 $0x9, v3;
	_ =	sdelay $0x1  }
0x346: {  	v2 =	vcvt.s32.f32 v2;
	_ =	sdelay $0x1  }
0x347: {  	[tilespmem:s13+$0x80] =	vst v2  }
0x348: {  	v2 =	vld.idx.msk [tilespmem:v4+s4+$0x0], $0xffff  }
0x349: {  	v4 =	vor.u32 $0x13, v3;
	_ =	sdelay $0x3  }
0x34a: {  	[tilespmem:s17+$0x100] =	vst v2  }
0x34b: {  	v2 =	vld.idx.msk [tilespmem:v4+s4+$0x0], $0xffff;
	_ =	sdelay $0x2  }
0x34c: {  	v4 =	vor.u32 $0xA, v3;
	_ =	sdelay $0x1  }
0x34d: {  	v2 =	vcvt.s32.f32 v2;
	_ =	sdelay $0x1  }
0x34e: {  	[tilespmem:s13+$0x100] =	vst v2  }
0x34f: {  	v2 =	vld.idx.msk [tilespmem:v4+s4+$0x0], $0xffff  }
0x350: {  	v4 =	vor.u32 $0x14, v3;
	_ =	sdelay $0x3  }
0x351: {  	[tilespmem:s17+$0xD80] =	vst v2  }
0x352: {  	v2 =	vld.idx.msk [tilespmem:v4+s4+$0x0], $0xffff;
	_ =	sdelay $0x2  }
0x353: {  	v4 =	vor.u32 $0xB, v3;
	_ =	sdelay $0x1  }
0x354: {  	v2 =	vcvt.s32.f32 v2;
	_ =	sdelay $0x1  }
0x355: {  	[tilespmem:s13+$0xD80] =	vst v2  }
0x356: {  	v2 =	vld.idx.msk [tilespmem:v4+s4+$0x0], $0xffff  }
0x357: {  	v3 =	vor.u32 $0x15, v3;
	_ =	sdelay $0x3  }
0x358: {  	s26 =	simm.s32 $0x10;
	[tilespmem:s17+$0xE00] =	vst v2  }
0x359: {  	v2 =	vmov s26;
	v4 =	vld.idx.msk [tilespmem:v3+s4+$0x0], $0xffff  }
0x35a: {  	v2 =	vshll.u32 v2, $0x7  }
0x35b: {  	v2 =	vor.u32 v1, v2  }
0x35c: {  	v3 =	vor.u32 $0x1, v2;
	_ =	sdelay $0x1  }
0x35d: {  	s12 =	simm.s32 $0x5290;
	s11 =	simm.s32 $0x16490;
	s16 =	simm.s32 $0x20;
	v4 =	vcvt.s32.f32 v4  }
.LBB2_8:
0x35e: {  	s9 =	sadd.s32 $0x10, s9;
	s10 =	sadd.s32 $0x10, s10  }
0x35f: {  	[tilespmem:s13+$0xE00] =	vst v4;
	s15 =	smov.u32 s16;
	s14 =	sadd.s32 $0x10, s16;
	s13 =	smov.u32 s11  }
0x360: {  	p0 =	sne.s32 s16, $0x70;
	v3 =	vld.idx.msk [tilespmem:v3+s4+$0x0], $0xffff  }
0x361: {  	v4 =	vld.idx.msk [tilespmem:v2+s4+$0x0], $0xffff;
	_ =	sdelay $0x1  }
0x362: {  	v5 =	vor.u32 $0x2, v2;
	_ =	sdelay $0x2  }
0x363: {  	[tilespmem:s10+$0x0] =	vst v3  }
0x364: {  	[tilespmem:s9+$0x0] =	vst v4  }
0x365: {  	v3 =	vld.idx.msk [tilespmem:v5+s4+$0x0], $0xffff;
	_ =	sdelay $0x1  }
0x366: {  	v4 =	vor.u32 $0xC, v2;
	_ =	sdelay $0x3  }
0x367: {  	[tilespmem:s12+$0xFFFFFD80] =	vst v3  }
0x368: {  	v3 =	vld.idx.msk [tilespmem:v4+s4+$0x0], $0xffff;
	_ =	sdelay $0x3  }
0x369: {  	v4 =	vor.u32 $0x3, v2;
	_ =	sdelay $0x1  }
0x36a: {  	v3 =	vcvt.s32.f32 v3;
	_ =	sdelay $0x1  }
0x36b: {  	[tilespmem:s11+$0xFFFFFD80] =	vst v3  }
0x36c: {  	v3 =	vld.idx.msk [tilespmem:v4+s4+$0x0], $0xffff;
	_ =	sdelay $0x1  }
0x36d: {  	v4 =	vor.u32 $0xD, v2;
	_ =	sdelay $0x3  }
0x36e: {  	[tilespmem:s12+$0xFFFFFE00] =	vst v3  }
0x36f: {  	v3 =	vld.idx.msk [tilespmem:v4+s4+$0x0], $0xffff;
	_ =	sdelay $0x3  }
0x370: {  	v4 =	vor.u32 $0x4, v2;
	_ =	sdelay $0x1  }
0x371: {  	v3 =	vcvt.s32.f32 v3;
	_ =	sdelay $0x1  }
0x372: {  	[tilespmem:s11+$0xFFFFFE00] =	vst v3  }
0x373: {  	v3 =	vld.idx.msk [tilespmem:v4+s4+$0x0], $0xffff;
	_ =	sdelay $0x1  }
0x374: {  	v4 =	vor.u32 $0xE, v2;
	_ =	sdelay $0x3  }
0x375: {  	[tilespmem:s12+$0xFFFFFE80] =	vst v3  }
0x376: {  	v3 =	vld.idx.msk [tilespmem:v4+s4+$0x0], $0xffff;
	_ =	sdelay $0x3  }
0x377: {  	v4 =	vor.u32 $0x5, v2;
	_ =	sdelay $0x1  }
0x378: {  	v3 =	vcvt.s32.f32 v3;
	_ =	sdelay $0x1  }
0x379: {  	[tilespmem:s11+$0xFFFFFE80] =	vst v3  }
0x37a: {  	v3 =	vld.idx.msk [tilespmem:v4+s4+$0x0], $0xffff;
	_ =	sdelay $0x1  }
0x37b: {  	v4 =	vor.u32 $0xF, v2;
	_ =	sdelay $0x3  }
0x37c: {  	[tilespmem:s12+$0xFFFFFF00] =	vst v3  }
0x37d: {  	v3 =	vld.idx.msk [tilespmem:v4+s4+$0x0], $0xffff;
	_ =	sdelay $0x3  }
0x37e: {  	v4 =	vor.u32 $0x6, v2;
	_ =	sdelay $0x1  }
0x37f: {  	v3 =	vcvt.s32.f32 v3;
	_ =	sdelay $0x1  }
0x380: {  	[tilespmem:s11+$0xFFFFFF00] =	vst v3  }
0x381: {  	v3 =	vld.idx.msk [tilespmem:v4+s4+$0x0], $0xffff;
	_ =	sdelay $0x1  }
0x382: {  	v4 =	vor.u32 $0x10, v2;
	_ =	sdelay $0x3  }
0x383: {  	[tilespmem:s12+$0xFFFFFF80] =	vst v3  }
0x384: {  	v3 =	vld.idx.msk [tilespmem:v4+s4+$0x0], $0xffff;
	_ =	sdelay $0x3  }
0x385: {  	v4 =	vor.u32 $0x7, v2;
	_ =	sdelay $0x1  }
0x386: {  	v3 =	vcvt.s32.f32 v3;
	_ =	sdelay $0x1  }
0x387: {  	[tilespmem:s11+$0xFFFFFF80] =	vst v3  }
0x388: {  	v3 =	vld.idx.msk [tilespmem:v4+s4+$0x0], $0xffff;
	_ =	sdelay $0x1  }
0x389: {  	v4 =	vor.u32 $0x11, v2;
	_ =	sdelay $0x3  }
0x38a: {  	[tilespmem:s12+$0x0] =	vst v3  }
0x38b: {  	v3 =	vld.idx.msk [tilespmem:v4+s4+$0x0], $0xffff;
	_ =	sdelay $0x3  }
0x38c: {  	v4 =	vor.u32 $0x8, v2;
	_ =	sdelay $0x1  }
0x38d: {  	v3 =	vcvt.s32.f32 v3;
	_ =	sdelay $0x1  }
0x38e: {  	[tilespmem:s11+$0x0] =	vst v3  }
0x38f: {  	v3 =	vld.idx.msk [tilespmem:v4+s4+$0x0], $0xffff;
	_ =	sdelay $0x1  }
0x390: {  	v4 =	vor.u32 $0x12, v2;
	_ =	sdelay $0x3  }
0x391: {  	[tilespmem:s12+$0x80] =	vst v3  }
0x392: {  	v3 =	vld.idx.msk [tilespmem:v4+s4+$0x0], $0xffff;
	_ =	sdelay $0x3  }
0x393: {  	v4 =	vor.u32 $0x9, v2;
	_ =	sdelay $0x1  }
0x394: {  	v3 =	vcvt.s32.f32 v3;
	_ =	sdelay $0x1  }
0x395: {  	[tilespmem:s11+$0x80] =	vst v3  }
0x396: {  	v3 =	vld.idx.msk [tilespmem:v4+s4+$0x0], $0xffff;
	_ =	sdelay $0x1  }
0x397: {  	v4 =	vor.u32 $0x13, v2;
	_ =	sdelay $0x3  }
0x398: {  	[tilespmem:s12+$0x100] =	vst v3  }
0x399: {  	v3 =	vld.idx.msk [tilespmem:v4+s4+$0x0], $0xffff;
	_ =	sdelay $0x3  }
0x39a: {  	v4 =	vor.u32 $0xA, v2;
	_ =	sdelay $0x1  }
0x39b: {  	v3 =	vcvt.s32.f32 v3;
	_ =	sdelay $0x1  }
0x39c: {  	[tilespmem:s11+$0x100] =	vst v3  }
0x39d: {  	v3 =	vld.idx.msk [tilespmem:v4+s4+$0x0], $0xffff;
	_ =	sdelay $0x1  }
0x39e: {  	v4 =	vor.u32 $0x14, v2;
	_ =	sdelay $0x3  }
0x39f: {  	[tilespmem:s12+$0xD80] =	vst v3  }
0x3a0: {  	v3 =	vld.idx.msk [tilespmem:v4+s4+$0x0], $0xffff;
	_ =	sdelay $0x3  }
0x3a1: {  	v4 =	vor.u32 $0xB, v2;
	_ =	sdelay $0x1  }
0x3a2: {  	v3 =	vcvt.s32.f32 v3;
	_ =	sdelay $0x1  }
0x3a3: {  	[tilespmem:s11+$0xD80] =	vst v3  }
0x3a4: {  	v3 =	vld.idx.msk [tilespmem:v4+s4+$0x0], $0xffff;
	_ =	sdelay $0x1  }
0x3a5: {  	v2 =	vor.u32 $0x15, v2;
	_ =	sdelay $0x3  }
0x3a6: {  	[tilespmem:s12+$0xE00] =	vst v3  }
0x3a7: {  	v4 =	vld.idx.msk [tilespmem:v2+s4+$0x0], $0xffff  }
0x3a8: {  	v2 =	vmov s15  }
0x3a9: {  	v2 =	vshll.u32 v2, $0x7  }
.Ltmp5:
0x3aa: {  	v2 =	vor.u32 v1, v2;
	(pc) =	sbr.rel @p0 .LBB2_8-.Ltmp5, $3  }
0x3ab: {  	v3 =	vor.u32 $0x1, v2;
	_ =	sdelay $0x1  }
0x3ac: {  	v4 =	vcvt.s32.f32 v4  }
0x3ad: {  	s16 =	smov.u32 s14;
	s11 =	sadd.s32 $0x10, s11;
	s12 =	sadd.s32 $0x10, s12  }
0x3ae: {  	_ =	sdelay $0x2  }
0x3af: {  	[tilespmem:s13+$0xE00] =	vst v4  }
0x3b0: {  	v3 =	vld.idx.msk [tilespmem:v3+s4+$0x0], $0xffff  }
0x3b1: {  	v4 =	vld.idx.msk [tilespmem:v2+s4+$0x0], $0xffff  }
0x3b2: {  	v5 =	vor.u32 $0x2, v2;
	_ =	sdelay $0x1  }
0x3b3: {  	s10 =	sadd.s32 $0x10, s10  }
0x3b4: {  	s9 =	sadd.s32 $0x10, s9;
	[tilespmem:s10+$0x0] =	vst v3  }
0x3b5: {  	[tilespmem:s9+$0x0] =	vst v4  }
0x3b6: {  	v3 =	vld.idx.msk [tilespmem:v5+s4+$0x0], $0xffff  }
0x3b7: {  	v46 =	vor.u32 $0xC, v2;
	_ =	sdelay $0x3  }
0x3b8: {  	[tilespmem:s12+$0xFFFFFD80] =	vst v3  }
0x3b9: {  	v3 =	vld.idx.msk [tilespmem:v46+s4+$0x0], $0xffff;
	_ =	sdelay $0x2  }
0x3ba: {  	v47 =	vor.u32 $0x3, v2;
	_ =	sdelay $0x1  }
0x3bb: {  	v3 =	vcvt.s32.f32 v3;
	_ =	sdelay $0x1  }
0x3bc: {  	[tilespmem:s11+$0xFFFFFD80] =	vst v3  }
0x3bd: {  	v3 =	vld.idx.msk [tilespmem:v47+s4+$0x0], $0xffff  }
0x3be: {  	v48 =	vor.u32 $0xD, v2;
	_ =	sdelay $0x3  }
0x3bf: {  	[tilespmem:s12+$0xFFFFFE00] =	vst v3  }
0x3c0: {  	v3 =	vld.idx.msk [tilespmem:v48+s4+$0x0], $0xffff;
	_ =	sdelay $0x2  }
0x3c1: {  	v49 =	vor.u32 $0x4, v2;
	_ =	sdelay $0x1  }
0x3c2: {  	v3 =	vcvt.s32.f32 v3;
	_ =	sdelay $0x1  }
0x3c3: {  	[tilespmem:s11+$0xFFFFFE00] =	vst v3  }
0x3c4: {  	v3 =	vld.idx.msk [tilespmem:v49+s4+$0x0], $0xffff  }
0x3c5: {  	v50 =	vor.u32 $0xE, v2;
	_ =	sdelay $0x3  }
0x3c6: {  	[tilespmem:s12+$0xFFFFFE80] =	vst v3  }
0x3c7: {  	v3 =	vld.idx.msk [tilespmem:v50+s4+$0x0], $0xffff;
	_ =	sdelay $0x2  }
0x3c8: {  	v51 =	vor.u32 $0x5, v2;
	_ =	sdelay $0x1  }
0x3c9: {  	v3 =	vcvt.s32.f32 v3;
	_ =	sdelay $0x1  }
0x3ca: {  	[tilespmem:s11+$0xFFFFFE80] =	vst v3  }
0x3cb: {  	v3 =	vld.idx.msk [tilespmem:v51+s4+$0x0], $0xffff  }
0x3cc: {  	v52 =	vor.u32 $0xF, v2;
	_ =	sdelay $0x3  }
0x3cd: {  	[tilespmem:s12+$0xFFFFFF00] =	vst v3  }
0x3ce: {  	v3 =	vld.idx.msk [tilespmem:v52+s4+$0x0], $0xffff;
	_ =	sdelay $0x2  }
0x3cf: {  	v53 =	vor.u32 $0x6, v2;
	_ =	sdelay $0x1  }
0x3d0: {  	v3 =	vcvt.s32.f32 v3;
	_ =	sdelay $0x1  }
0x3d1: {  	[tilespmem:s11+$0xFFFFFF00] =	vst v3  }
0x3d2: {  	v3 =	vld.idx.msk [tilespmem:v53+s4+$0x0], $0xffff  }
0x3d3: {  	v54 =	vor.u32 $0x10, v2;
	_ =	sdelay $0x3  }
0x3d4: {  	[tilespmem:s12+$0xFFFFFF80] =	vst v3  }
0x3d5: {  	v3 =	vld.idx.msk [tilespmem:v54+s4+$0x0], $0xffff;
	_ =	sdelay $0x2  }
0x3d6: {  	v55 =	vor.u32 $0x7, v2;
	_ =	sdelay $0x1  }
0x3d7: {  	v3 =	vcvt.s32.f32 v3;
	_ =	sdelay $0x1  }
0x3d8: {  	[tilespmem:s11+$0xFFFFFF80] =	vst v3  }
0x3d9: {  	v3 =	vld.idx.msk [tilespmem:v55+s4+$0x0], $0xffff  }
0x3da: {  	v56 =	vor.u32 $0x11, v2;
	_ =	sdelay $0x3  }
0x3db: {  	[tilespmem:s12+$0x0] =	vst v3  }
0x3dc: {  	v3 =	vld.idx.msk [tilespmem:v56+s4+$0x0], $0xffff;
	_ =	sdelay $0x2  }
0x3dd: {  	v57 =	vor.u32 $0x8, v2;
	_ =	sdelay $0x1  }
0x3de: {  	v3 =	vcvt.s32.f32 v3;
	_ =	sdelay $0x1  }
0x3df: {  	[tilespmem:s11+$0x0] =	vst v3  }
0x3e0: {  	v3 =	vld.idx.msk [tilespmem:v57+s4+$0x0], $0xffff  }
0x3e1: {  	v58 =	vor.u32 $0x12, v2;
	_ =	sdelay $0x3  }
0x3e2: {  	[tilespmem:s12+$0x80] =	vst v3  }
0x3e3: {  	v3 =	vld.idx.msk [tilespmem:v58+s4+$0x0], $0xffff;
	_ =	sdelay $0x2  }
0x3e4: {  	v59 =	vor.u32 $0x9, v2;
	_ =	sdelay $0x1  }
0x3e5: {  	v3 =	vcvt.s32.f32 v3;
	_ =	sdelay $0x1  }
0x3e6: {  	[tilespmem:s11+$0x80] =	vst v3  }
0x3e7: {  	v3 =	vld.idx.msk [tilespmem:v59+s4+$0x0], $0xffff  }
0x3e8: {  	v60 =	vor.u32 $0x13, v2;
	_ =	sdelay $0x3  }
0x3e9: {  	[tilespmem:s12+$0x100] =	vst v3  }
0x3ea: {  	v3 =	vld.idx.msk [tilespmem:v60+s4+$0x0], $0xffff;
	_ =	sdelay $0x2  }
0x3eb: {  	v61 =	vor.u32 $0xA, v2;
	_ =	sdelay $0x1  }
0x3ec: {  	v3 =	vcvt.s32.f32 v3;
	_ =	sdelay $0x1  }
0x3ed: {  	[tilespmem:s11+$0x100] =	vst v3  }
0x3ee: {  	v3 =	vld.idx.msk [tilespmem:v61+s4+$0x0], $0xffff  }
0x3ef: {  	v62 =	vor.u32 $0x14, v2;
	_ =	sdelay $0x3  }
0x3f0: {  	[tilespmem:s12+$0xD80] =	vst v3  }
0x3f1: {  	v3 =	vld.idx.msk [tilespmem:v62+s4+$0x0], $0xffff;
	_ =	sdelay $0x2  }
0x3f2: {  	v63 =	vor.u32 $0xB, v2;
	_ =	sdelay $0x1  }
0x3f3: {  	v3 =	vcvt.s32.f32 v3;
	_ =	sdelay $0x1  }
0x3f4: {  	[tilespmem:s11+$0xD80] =	vst v3  }
0x3f5: {  	v3 =	vld.idx.msk [tilespmem:v63+s4+$0x0], $0xffff  }
0x3f6: {  	v2 =	vor.u32 $0x15, v2;
	_ =	sdelay $0x3  }
0x3f7: {  	[tilespmem:s12+$0xE00] =	vst v3  }
0x3f8: {  	v2 =	vld.idx.msk [tilespmem:v2+s4+$0x0], $0xffff;
	_ =	sdelay $0x4  }
0x3f9: {  	v2 =	vcvt.s32.f32 v2;
	_ =	sdelay $0x1  }
0x3fa: {  	s13 =	simm.s32 $0x6400;
	[tilespmem:s11+$0xE00] =	vst v2  }
0x3fb: {  	[tilespmem:s13], [sflag:$0x1] =	stream.indirect.gather [hbm4b:s2+s18], $0x80, s22, s18, $0xb8;
	[tilespmem:$0x17600] =	vst v63  }
0x3fc: {  	s14 =	simm.s32 $0x7400  }
0x3fd: {  	[tilespmem:s14], [sflag:$0x1] =	stream.indirect.gather [hbm4b:s3+s18], $0x80, s24, s18, $0xb8;
	[tilespmem:$0x17600] =	vst v63  }
0x3fe: {  	s15 =	rddreg [dreg:$0x8];
	s16 =	simm.s32 $0x8400;
	s12 =	simm.s32 $0x0  }
0x3ff: {  	[tilespmem:s16], [sflag:$0x1] =	stream.linear.gather [hbm4b:s15+s12], $0x800, $0x38;
	[tilespmem:$0x17600] =	vst v63  }
0x400: {  	s17 =	simm.s32 $0x9400  }
0x401: {  	[tilespmem:s17], [sflag:$0x1] =	stream.indirect.gather [hbm4b:s3+s18], $0x80, s25, s18, $0xb8;
	[tilespmem:$0x17600] =	vst v63  }
0x402: {  	s22 =	simm.s32 $0x4480;
	s24 =	simm.s32 $0x9C00  }
0x403: {  	[tilespmem:s24], [sflag:$0x1] =	stream.indirect.gather [hbm4b:s3+s18], $0x80, s22, s18, $0xb8;
	[tilespmem:$0x17600] =	vst v63  }
0x404: {  	s26 =	simm.s32 $0xA400;
	s25 =	simm.s32 $0x4500  }
0x405: {  	[tilespmem:s26], [sflag:$0x1] =	stream.indirect.gather [hbm4b:s3+s18], $0x80, s25, s18, $0xb8;
	[tilespmem:$0x17600] =	vst v63  }
0x406: {  	s11 =	simm.s32 $0x4580;
	s13 =	simm.s32 $0xAC00  }
0x407: {  	[tilespmem:s13], [sflag:$0x1] =	stream.indirect.gather [hbm4b:s3+s18], $0x80, s11, s18, $0xb8;
	[tilespmem:$0x17600] =	vst v63  }
0x408: {  	s14 =	simm.s32 $0x4600;
	s15 =	simm.s32 $0xB400  }
0x409: {  	[tilespmem:s15], [sflag:$0x1] =	stream.indirect.gather [hbm4b:s3+s18], $0x80, s14, s18, $0xb8;
	[tilespmem:$0x17600] =	vst v63  }
0x40a: {  	s16 =	simm.s32 $0x4680;
	s17 =	simm.s32 $0xBC00  }
0x40b: {  	[tilespmem:s17], [sflag:$0x1] =	stream.indirect.gather [hbm4b:s3+s18], $0x80, s16, s18, $0xb8;
	[tilespmem:$0x17600] =	vst v63  }
0x40c: {  	s22 =	simm.s32 $0x4700;
	s24 =	simm.s32 $0xC400  }
0x40d: {  	[tilespmem:s24], [sflag:$0x1] =	stream.indirect.gather [hbm4b:s3+s18], $0x80, s22, s18, $0xb8;
	[tilespmem:$0x17600] =	vst v63  }
0x40e: {  	s25 =	simm.s32 $0x4780;
	s26 =	simm.s32 $0xCC00  }
0x40f: {  	[tilespmem:s26], [sflag:$0x1] =	stream.indirect.gather [hbm4b:s3+s18], $0x80, s25, s18, $0xb8;
	[tilespmem:$0x17600] =	vst v63  }
0x410: {  	s11 =	simm.s32 $0x5400;
	s13 =	simm.s32 $0xD400  }
0x411: {  	[tilespmem:s13], [sflag:$0x1] =	stream.indirect.gather [hbm4b:s3+s18], $0x80, s11, s18, $0xb8;
	[tilespmem:$0x17600] =	vst v63  }
0x412: {  	s14 =	simm.s32 $0x5480;
	s15 =	simm.s32 $0xDC00  }
0x413: {  	[tilespmem:s15], [sflag:$0x1] =	stream.indirect.gather [hbm4b:s3+s18], $0x80, s14, s18, $0xb8;
	[tilespmem:$0x17600] =	vst v63  }
0x414: {  	s16 =	simm.s32 $0x4010;
	s17 =	simm.s32 $0x6C00  }
0x415: {  	[tilespmem:s17], [sflag:$0x2] =	stream.indirect.gather [hbm4b:s2+s18], $0x80, s16, s18, $0xb8;
	[tilespmem:$0x17600] =	vst v63  }
0x416: {  	s22 =	simm.s32 $0x4210;
	s24 =	simm.s32 $0x7C00  }
0x417: {  	[tilespmem:s24], [sflag:$0x2] =	stream.indirect.gather [hbm4b:s3+s18], $0x80, s22, s18, $0xb8;
	[tilespmem:$0x17600] =	vst v63  }
0x418: {  	s25 =	rddreg [dreg:$0x9];
	s26 =	simm.s32 $0x8C00  }
0x419: {  	[tilespmem:s26], [sflag:$0x2] =	stream.linear.gather [hbm4b:s25+s12], $0x800, $0x38;
	[tilespmem:$0x17600] =	vst v63  }
0x41a: {  	s11 =	simm.s32 $0x4410  }
0x41b: {  	[tilespmem:s29], [sflag:$0x2] =	stream.indirect.gather [hbm4b:s3+s18], $0x80, s11, s18, $0xb8;
	[tilespmem:$0x17600] =	vst v63  }
0x41c: {  	s13 =	simm.s32 $0x4490  }
0x41d: {  	[tilespmem:s31], [sflag:$0x2] =	stream.indirect.gather [hbm4b:s3+s18], $0x80, s13, s18, $0xb8;
	[tilespmem:$0x17600] =	vst v63  }
0x41e: {  	s14 =	simm.s32 $0x4510  }
0x41f: {  	[tilespmem:s1], [sflag:$0x2] =	stream.indirect.gather [hbm4b:s3+s18], $0x80, s14, s18, $0xb8;
	[tilespmem:$0x17600] =	vst v63  }
0x420: {  	s15 =	simm.s32 $0x4590  }
0x421: {  	[tilespmem:s23], [sflag:$0x2] =	stream.indirect.gather [hbm4b:s3+s18], $0x80, s15, s18, $0xb8;
	[tilespmem:$0x17600] =	vst v63  }
0x422: {  	s16 =	simm.s32 $0x4610  }
0x423: {  	[tilespmem:s30], [sflag:$0x2] =	stream.indirect.gather [hbm4b:s3+s18], $0x80, s16, s18, $0xb8;
	[tilespmem:$0x17600] =	vst v63  }
0x424: {  	s17 =	simm.s32 $0x4690  }
0x425: {  	[tilespmem:s20], [sflag:$0x2] =	stream.indirect.gather [hbm4b:s3+s18], $0x80, s17, s18, $0xb8;
	[tilespmem:$0x17600] =	vst v63  }
0x426: {  	s22 =	simm.s32 $0x4710  }
0x427: {  	[tilespmem:s0], [sflag:$0x2] =	stream.indirect.gather [hbm4b:s3+s18], $0x80, s22, s18, $0xb8;
	[tilespmem:$0x17600] =	vst v63  }
0x428: {  	s24 =	simm.s32 $0x4790  }
0x429: {  	[tilespmem:s28], [sflag:$0x2] =	stream.indirect.gather [hbm4b:s3+s18], $0x80, s24, s18, $0xb8;
	[tilespmem:$0x17600] =	vst v63  }
0x42a: {  	s25 =	simm.s32 $0x5410  }
0x42b: {  	[tilespmem:s19], [sflag:$0x2] =	stream.indirect.gather [hbm4b:s3+s18], $0x80, s25, s18, $0xb8;
	[tilespmem:$0x17600] =	vst v63  }
0x42c: {  	s26 =	simm.s32 $0x5490;
	s13 =	simm.s32 $0x0  }
0x42d: {  	[tilespmem:s21], [sflag:$0x2] =	stream.indirect.gather [hbm4b:s3+s18], $0x80, s26, s18, $0xb8;
	[tilespmem:$0x17600] =	vst v63  }
.LBB2_10:
0x42e: {  	_ =	swait.ge [sflag:s7], $0x800  }
0x42f: {  	[sflag:s7] =	ssyncset.done $0x0  }
0x430: {  	[sflag:s7] =	ssyncadd.s32 $0xFFFFF800  }
0x431: {  	_ =	swait.ge [sflag:s7], $0x800  }
0x432: {  	[sflag:s7] =	ssyncset.done $0x0  }
0x433: {  	[sflag:s7] =	ssyncadd.s32 $0xFFFFF800  }
0x434: {  	_ =	swait.ge [sflag:s7], $0x800  }
0x435: {  	[sflag:s7] =	ssyncset.done $0x0  }
0x436: {  	[sflag:s7] =	ssyncadd.s32 $0xFFFFF800  }
0x437: {  	_ =	swait.ge [sflag:s7], $0x800  }
0x438: {  	[sflag:s7] =	ssyncset.done $0x0  }
0x439: {  	[sflag:s7] =	ssyncadd.s32 $0xFFFFF800  }
0x43a: {  	_ =	swait.ge [sflag:s7], $0x800  }
0x43b: {  	[sflag:s7] =	ssyncset.done $0x0  }
0x43c: {  	[sflag:s7] =	ssyncadd.s32 $0xFFFFF800  }
0x43d: {  	_ =	swait.ge [sflag:s7], $0x800  }
0x43e: {  	[sflag:s7] =	ssyncset.done $0x0  }
0x43f: {  	[sflag:s7] =	ssyncadd.s32 $0xFFFFF800  }
0x440: {  	_ =	swait.ge [sflag:s7], $0x800  }
0x441: {  	[sflag:s7] =	ssyncset.done $0x0  }
0x442: {  	[sflag:s7] =	ssyncadd.s32 $0xFFFFF800  }
0x443: {  	_ =	swait.ge [sflag:s7], $0x800  }
0x444: {  	[sflag:s7] =	ssyncset.done $0x0  }
0x445: {  	[sflag:s7] =	ssyncadd.s32 $0xFFFFF800  }
0x446: {  	_ =	swait.ge [sflag:s7], $0x800  }
0x447: {  	[sflag:s7] =	ssyncset.done $0x0  }
0x448: {  	[sflag:s7] =	ssyncadd.s32 $0xFFFFF800  }
0x449: {  	_ =	swait.ge [sflag:s7], $0x800  }
0x44a: {  	[sflag:s7] =	ssyncset.done $0x0  }
0x44b: {  	[sflag:s7] =	ssyncadd.s32 $0xFFFFF800  }
0x44c: {  	_ =	swait.ge [sflag:s7], $0x800  }
0x44d: {  	[sflag:s7] =	ssyncset.done $0x0  }
0x44e: {  	[sflag:s7] =	ssyncadd.s32 $0xFFFFF800  }
0x44f: {  	_ =	swait.ge [sflag:s7], $0x800  }
0x450: {  	[sflag:s7] =	ssyncset.done $0x0  }
0x451: {  	[sflag:s7] =	ssyncadd.s32 $0xFFFFF800  }
0x452: {  	_ =	swait.ge [sflag:s7], $0x800  }
0x453: {  	[sflag:s7] =	ssyncset.done $0x0  }
0x454: {  	s9 =	simm.s32 $0x0;
	[sflag:s7] =	ssyncadd.s32 $0xFFFFF800  }
0x455: {  	v3 =	vld [tilespmem:s9+$0x6470]  }
0x456: {  	v4 =	vld [tilespmem:s9+$0x6460]  }
0x457: {  	v5 =	vld [tilespmem:s9+$0x6450]  }
0x458: {  	v2 =	vld [tilespmem:s9+$0x6440]  }
0x459: {  	v6 =	vld [tilespmem:s9+$0x6430]  }
0x45a: {  	v7 =	vld [tilespmem:s9+$0x6420]  }
0x45b: {  	v8 =	vld [tilespmem:s9+$0x8420]  }
0x45c: {  	v9 =	vld [tilespmem:s9+$0x6400]  }
0x45d: {  	v10 =	vld [tilespmem:s9+$0x8400]  }
0x45e: {  	v11 =	vld [tilespmem:s9+$0x6410]  }
0x45f: {  	v12 =	vld [tilespmem:s9+$0x8410]  }
0x460: {  	v13 =	vld [tilespmem:s9+$0xDC00]  }
0x461: {  	v14 =	vld [tilespmem:s9+$0xDC10]  }
0x462: {  	v15 =	vld [tilespmem:s9+$0x8430]  }
0x463: {  	v16 =	vld [tilespmem:s9+$0xDC20]  }
0x464: {  	v17 =	vld [tilespmem:s9+$0x8440]  }
0x465: {  	v18 =	vld [tilespmem:s9+$0xDC30]  }
0x466: {  	v19 =	vld [tilespmem:s9+$0x8450]  }
0x467: {  	v20 =	vld [tilespmem:s9+$0xDC40]  }
0x468: {  	v21 =	vld [tilespmem:s9+$0x8460]  }
0x469: {  	v22 =	vld [tilespmem:s9+$0xDC50]  }
0x46a: {  	v23 =	vld [tilespmem:s9+$0x8470]  }
0x46b: {  	v24 =	vld [tilespmem:s9+$0xDC60]  }
0x46c: {  	v25 =	vld [tilespmem:s9+$0x7400]  }
0x46d: {  	v26 =	vld [tilespmem:s9+$0xDC70]  }
0x46e: {  	v27 =	vld [tilespmem:s9+$0x7410]  }
0x46f: {  	v28 =	vld [tilespmem:s9+$0x9400]  }
0x470: {  	v29 =	vld [tilespmem:s9+$0x9410]  }
0x471: {  	v30 =	vld [tilespmem:s9+$0x9C00]  }
0x472: {  	v31 =	vld [tilespmem:s9+$0x9C10]  }
0x473: {  	v32 =	vld [tilespmem:s9+$0xA400]  }
0x474: {  	v33 =	vld [tilespmem:s9+$0xA410]  }
0x475: {  	v34 =	vld [tilespmem:s9+$0xAC00]  }
0x476: {  	v35 =	vld [tilespmem:s9+$0xAC10]  }
0x477: {  	v36 =	vld [tilespmem:s9+$0xB400]  }
0x478: {  	v37 =	vld [tilespmem:s9+$0xB410]  }
0x479: {  	v38 =	vld [tilespmem:s9+$0xBC00]  }
0x47a: {  	v39 =	vld [tilespmem:s9+$0xBC10]  }
0x47b: {  	v40 =	vld [tilespmem:s9+$0xC400]  }
0x47c: {  	v41 =	vld [tilespmem:s9+$0xC410]  }
0x47d: {  	v42 =	vld [tilespmem:s9+$0xCC00]  }
0x47e: {  	v43 =	vld [tilespmem:s9+$0xCC10]  }
0x47f: {  	v44 =	vld [tilespmem:s9+$0xD400]  }
0x480: {  	v45 =	vld [tilespmem:s9+$0xD410]  }
0x481: {  	v46 =	vld [tilespmem:s9+$0xA420]  }
0x482: {  	v47 =	vld [tilespmem:s9+$0xB430]  }
0x483: {  	v61 =	vld [tilespmem:s9+$0xCC30]  }
0x484: {  	v63 =	vld [tilespmem:s9+$0xD430]  }
0x485: {  	v50 =	vld [tilespmem:s9+$0x7440];
	v9 =	vmul.f32 v10, v9;
	v10 =	vmul.f32 v12, v11  }
0x486: {  	v53 =	vld [tilespmem:s9+$0x9440];
	v7 =	vmul.f32 v8, v7;
	v6 =	vmul.f32 v15, v6  }
0x487: {  	v56 =	vld [tilespmem:s9+$0x9C40];
	v2 =	vmul.f32 v17, v2;
	v5 =	vmul.f32 v19, v5  }
0x488: {  	v57 =	vld [tilespmem:s9+$0xA440];
	v4 =	vmul.f32 v21, v4;
	v3 =	vmul.f32 v23, v3  }
0x489: {  	v58 =	vld [tilespmem:s9+$0xAC40];
	v12 =	vmul.f32 v13, v9;
	v13 =	vmul.f32 v14, v10  }
0x48a: {  	v11 =	vld [tilespmem:s9+$0x7420];
	v28 =	vmul.f32 v28, v9;
	v29 =	vmul.f32 v29, v10  }
0x48b: {  	v8 =	vld [tilespmem:s9+$0x9420];
	v59 =	vmul.f32 v33, v10;
	v60 =	vmul.f32 v35, v10  }
0x48c: {  	v15 =	vld [tilespmem:s9+$0xAC20];
	v62 =	vmul.f32 v37, v10;
	v12 =	vadd.f32 v13, v12;
	v13 =	vmul.f32 v16, v7  }
0x48d: {  	v17 =	vld [tilespmem:s9+$0xBC20];
	v48 =	vmul.f32 v38, v9;
	v49 =	vmul.f32 v39, v10  }
0x48e: {  	v19 =	vld [tilespmem:s9+$0xCC20];
	v51 =	vmul.f32 v40, v9;
	v12 =	vadd.f32 v13, v12;
	v13 =	vmul.f32 v18, v6  }
0x48f: {  	v21 =	vld [tilespmem:s9+$0x7430];
	v52 =	vmul.f32 v41, v10;
	v54 =	vmul.f32 v42, v9  }
0x490: {  	v55 =	vmul.f32 v43, v10;
	v18 =	vld [tilespmem:s9+$0xC420];
	v12 =	vadd.f32 v13, v12;
	v13 =	vmul.f32 v20, v2  }
0x491: {  	v23 =	vld [tilespmem:s9+$0x9C30];
	v28 =	vadd.f32 v29, v28;
	v29 =	vmul.f32 v34, v9;
	v34 =	vadd.f32 v52, v51  }
0x492: {  	v11 =	vmul.f32 v11, v7;
	v12 =	vadd.f32 v13, v12;
	v13 =	vmul.f32 v22, v5;
	v22 =	vld [tilespmem:s9+$0x9430]  }
0x493: {  	v14 =	vld [tilespmem:s9+$0x9C20];
	v8 =	vmul.f32 v8, v7;
	v15 =	vmul.f32 v15, v7;
	v29 =	vadd.f32 v60, v29  }
0x494: {  	v33 =	vld [tilespmem:s9+$0xC430];
	v17 =	vmul.f32 v17, v7;
	v12 =	vadd.f32 v13, v12;
	v13 =	vmul.f32 v24, v4  }
0x495: {  	v16 =	vld [tilespmem:s9+$0xB420];
	v8 =	vadd.f32 v8, v28;
	v15 =	vadd.f32 v15, v29;
	v18 =	vmul.f32 v18, v7  }
0x496: {  	v28 =	vld [tilespmem:s9+$0xD440];
	v24 =	vmul.f32 v25, v9;
	v12 =	vadd.f32 v13, v12;
	v13 =	vmul.f32 v26, v3  }
0x497: {  	v25 =	vld [tilespmem:s9+$0xA430];
	v18 =	vadd.f32 v18, v34;
	v26 =	vmul.f32 v27, v10;
	v22 =	vmul.f32 v22, v6  }
0x498: {  	v20 =	vld [tilespmem:s9+$0xD420];
	v12 =	vadd.f32 v13, v12;
	v13 =	vmul.f32 v30, v9;
	v30 =	vmul.f32 v31, v10  }
0x499: {  	v29 =	vld [tilespmem:s9+$0x9450];
	v24 =	vadd.f32 v26, v24;
	v26 =	vmul.f32 v32, v9;
	v10 =	vmul.f32 v45, v10  }
0x49a: {  	v27 =	vld [tilespmem:s9+$0xAC30];
	v13 =	vadd.f32 v30, v13;
	v30 =	vmul.f32 v36, v9;
	v9 =	vmul.f32 v44, v9  }
0x49b: {  	v19 =	vmul.f32 v19, v7;
	v31 =	vld [tilespmem:s9+$0xBC30];
	v32 =	vadd.f32 v49, v48;
	v8 =	vadd.f32 v22, v8  }
0x49c: {  	v22 =	vmul.f32 v25, v6;
	v25 =	vld [tilespmem:s9+$0xA450];
	v9 =	vadd.f32 v10, v9;
	v10 =	vmul.f32 v14, v7  }
0x49d: {  	v26 =	vadd.f32 v59, v26;
	v11 =	vadd.f32 v11, v24;
	v24 =	vmul.f32 v46, v7;
	v59 =	vld [tilespmem:s9+$0xBC40]  }
0x49e: {  	v36 =	vadd.f32 v55, v54;
	v14 =	vld [tilespmem:s9+$0xB440];
	v10 =	vadd.f32 v10, v13;
	v13 =	vmul.f32 v16, v7  }
0x49f: {  	v24 =	vadd.f32 v24, v26;
	v26 =	vld [tilespmem:s9+$0xCC40];
	v7 =	vmul.f32 v20, v7;
	v20 =	vmul.f32 v21, v6  }
0x4a0: {  	v17 =	vadd.f32 v17, v32;
	v30 =	vadd.f32 v62, v30;
	v62 =	vld [tilespmem:s9+$0x7460]  }
0x4a1: {  	v16 =	vld [tilespmem:s9+$0xC440];
	v7 =	vadd.f32 v7, v9;
	v9 =	vadd.f32 v20, v11;
	v11 =	vmul.f32 v23, v6  }
0x4a2: {  	v60 =	vmul.f32 v56, v2;
	v21 =	vld [tilespmem:s9+$0x7450];
	v22 =	vadd.f32 v22, v24;
	v13 =	vadd.f32 v13, v30  }
0x4a3: {  	v24 =	vld [tilespmem:s9+$0xB450];
	v23 =	vmul.f32 v27, v6;
	v10 =	vadd.f32 v11, v10;
	v11 =	vmul.f32 v47, v6  }
0x4a4: {  	v19 =	vadd.f32 v19, v36;
	v20 =	vld [tilespmem:s9+$0x9C50];
	v27 =	vmul.f32 v31, v6;
	v14 =	vmul.f32 v14, v2  }
0x4a5: {  	v30 =	vld [tilespmem:s9+$0xAC50];
	v15 =	vadd.f32 v23, v15;
	v23 =	vmul.f32 v33, v6;
	v11 =	vadd.f32 v11, v13  }
0x4a6: {  	v31 =	vld [tilespmem:s9+$0xC450];
	v13 =	vadd.f32 v27, v17;
	v17 =	vmul.f32 v61, v6;
	v6 =	vmul.f32 v63, v6  }
0x4a7: {  	v16 =	vmul.f32 v16, v2;
	v27 =	vld [tilespmem:s9+$0xBC50];
	v18 =	vadd.f32 v23, v18;
	v23 =	vmul.f32 v50, v2  }
0x4a8: {  	v61 =	vld [tilespmem:s9+$0xCC50];
	v17 =	vadd.f32 v17, v19;
	v19 =	vmul.f32 v53, v2;
	v6 =	vadd.f32 v6, v7  }
0x4a9: {  	v63 =	vld [tilespmem:s9+$0x9460];
	v7 =	vadd.f32 v23, v9;
	v9 =	vmul.f32 v57, v2;
	v11 =	vadd.f32 v14, v11  }
0x4aa: {  	v14 =	vadd.f32 v16, v18;
	v16 =	vmul.f32 v21, v5;
	v18 =	vld [tilespmem:s9+$0xAC60];
	v21 =	vmul.f32 v30, v5  }
0x4ab: {  	v23 =	vld [tilespmem:s9+$0xD450];
	v8 =	vadd.f32 v19, v8;
	v19 =	vmul.f32 v58, v2;
	v9 =	vadd.f32 v9, v22  }
0x4ac: {  	v30 =	vld [tilespmem:s9+$0xBC70];
	v22 =	vmul.f32 v59, v2;
	v7 =	vadd.f32 v16, v7;
	v16 =	vmul.f32 v25, v5  }
0x4ad: {  	v10 =	vadd.f32 v60, v10;
	v25 =	vld [tilespmem:s9+$0xD460];
	v15 =	vadd.f32 v19, v15;
	v19 =	vmul.f32 v26, v2  }
0x4ae: {  	(xrf2) =	vadd.scan.msk.f32 $0xffff, v12;
	v26 =	vld [tilespmem:s9+$0x9C60];
	v12 =	vadd.f32 v22, v13;
	v2 =	vmul.f32 v28, v2;
	v9 =	vadd.f32 v16, v9  }
0x4af: {  	v13 =	vld [tilespmem:s9+$0xA460];
	v18 =	vmul.f32 v18, v4;
	v17 =	vadd.f32 v19, v17;
	v19 =	vmul.f32 v29, v5  }
0x4b0: {  	v22 =	vld [tilespmem:s9+$0xBC60];
	v6 =	vadd.f32 v2, v6;
	v2 =	vmul.f32 v20, v5;
	v15 =	vadd.f32 v21, v15  }
0x4b1: {  	v16 =	vld [tilespmem:s9+$0xCC60];
	v21 =	vmul.f32 v27, v5;
	v27 =	vmul.f32 v61, v5;
	v29 =	vmov s12  }
0x4b2: {  	v20 =	vld [tilespmem:s9+$0xB460];
	vm0 =	veq.s32 v29, v0;
	v10 =	vadd.f32 v2, v10;
	v2 =	vmul.f32 v24, v5  }
0x4b3: {  	v8 =	vadd.f32 v19, v8;
	v24 =	vmul.f32 v31, v5;
	v5 =	vmul.f32 v23, v5;
	v23 =	vld [tilespmem:s9+$0x7470]  }
0x4b4: {  	s22 =	simm.s32 $0x80;
	v19 =	vld [tilespmem:s9+$0xC460];
	v12 =	vadd.f32 v21, v12;
	v21 =	vmul.f32 v62, v4;
	v17 =	vadd.f32 v27, v17  }
0x4b5: {  	v29 =	vld [tilespmem:s22+$0x6410];
	v15 =	vadd.f32 v18, v15;
	v13 =	vmul.f32 v13, v4;
	v11 =	vadd.f32 v2, v11  }
0x4b6: {  	v14 =	vadd.f32 v24, v14;
	v24 =	vld [tilespmem:s9+$0x9470];
	v7 =	vadd.f32 v21, v7;
	v21 =	vmul.f32 v26, v4  }
0x4b7: {  	v27 =	vmul.f32 v63, v4;
	v5 =	vadd.f32 v5, v6;
	v6 =	vld [tilespmem:s9+$0x9C70];
	v9 =	vadd.f32 v13, v9  }
0x4b8: {  	v26 =	vld [tilespmem:s9+$0xA470];
	v13 =	vmul.f32 v20, v4;
	v10 =	vadd.f32 v21, v10;
	v21 =	vmul.f32 v23, v3  }
0x4b9: {  	v8 =	vadd.f32 v27, v8;
	v27 =	vld [tilespmem:s9+$0xAC70];
	v20 =	vmul.f32 v22, v4;
	v18 =	vmul.f32 v19, v4  }
0x4ba: {  	v19 =	vld [tilespmem:s9+$0xC470];
	v11 =	vadd.f32 v13, v11;
	v13 =	vmul.f32 v16, v4;
	v7 =	vadd.f32 v21, v7  }
0x4bb: {  	v28, _, _ =	vpop (xrf2);
	v23 =	vld [tilespmem:s9+$0xB470];
	v4 =	vmul.f32 v25, v4;
	v14 =	vadd.f32 v18, v14;
	v18 =	vmul.f32 v24, v3  }
0x4bc: {  	v28 =	vbroadcast v28, $0xF;
	v2 =	vimm.f32 $0.0e+00;
	v22 =	vld [tilespmem:s22+$0x6450];
	(xrf2) =	vadd.scan.msk.f32 $0xffff, v7  }
0x4bd: {  	v16 =	vld [tilespmem:s9+$0xCC70];
	v6 =	vmul.f32 v6, v3;
	v4 =	vadd.f32 v4, v5;
	v5 =	vadd.f32 v18, v8  }
0x4be: {  	v24 =	vld [tilespmem:s9+$0xD470];
	v7 =	vadd.f32 v13, v17;
	v13 =	vmul.f32 v26, v3;
	v8 =	vmul.f32 v27, v3  }
0x4bf: {  	v12 =	vadd.f32 v20, v12;
	v20 =	vld [tilespmem:s22+$0x6470];
	v6 =	vadd.f32 v6, v10;
	v10 =	vmul.f32 v19, v3;
	(xrf2) =	vadd.scan.msk.f32 $0xffff, v5  }
0x4c0: {  	v25 =	vld [tilespmem:s22+$0x6430];
	v31 =	vadd.f32 v13, v9;
	v9 =	vmul.f32 v23, v3;
	v18 =	vadd.f32 v8, v15  }
0x4c1: {  	s26 =	sshll.u32 s13, $0x8;
	v21 =	vld [tilespmem:s22+$0x6460];
	v8 =	vmul.f32 v30, v3;
	v5 =	vimm.f32 $0.0e+00;
	v15 =	vadd.f32 v10, v14  }
0x4c2: {  	s16 =	sshll.u32 s13, $0x5;
	s17 =	sand.u32 $0xC00, s26;
	v26 =	vld [tilespmem:s22+$0x6420];
	v10 =	vimm.f32 $0.0e+00;
	(xrf2) =	vadd.scan.msk.f32 $0xffff, v6;
	v6 =	vimm.f32 $0.0e+00;
	v17 =	vadd.f32 v9, v11  }
0x4c3: {  	s25 =	sand.u32 $0x60, s16;
	s14 =	sadd.s32 $0x13600, s17;
	v27 =	vld [tilespmem:s22+$0x8420];
	v9 =	vmul.f32 v16, v3;
	v11 =	vmul.f32 v24, v3;
	v16 =	vadd.f32 v8, v12  }
0x4c4: {  	s15 =	sadd.s32 $0x14600, s17;
	s11 =	sor.u32 s25, s14;
	s9 =	sor.u32 s26, s16;
	v23 =	vld [tilespmem:s22+$0x6440];
	v3 =	vsel vm0, v28, v2;
	v12 =	vimm.f32 $0.0e+00;
	v8 =	vimm.f32 $0.0e+00  }
0x4c5: {  	s24 =	sor.u32 s25, s15;
	s10 =	sor.u32 $0x380, s9;
	s9 =	sadd.s32 $0x14680, s17;
	v24 =	vld [tilespmem:s22+$0x6400];
	(xrf2) =	vadd.scan.msk.f32 $0xffff, v31;
	v14 =	vadd.f32 v9, v7;
	v13 =	vadd.f32 v11, v4;
	v11 =	vimm.f32 $0.0e+00  }
0x4c6: {  	s26 =	simm.s32 $0x400;
	s17 =	sor.u32 s25, s9;
	s25 =	simm.s32 $0x0;
	v28 =	vld [tilespmem:s22+$0x8400];
	v9 =	vimm.f32 $0.0e+00;
	v7 =	vimm.f32 $0.0e+00;
	v4 =	vimm.f32 $0.0e+00;
	v19, _, _ =	vpop (xrf2)  }
.LBB2_11:
0x4c7: {  	p0 =	sne.s32 s26, $0x1E00;
	v30 =	vld [tilespmem:s22+$0x8410];
	v19 =	vbroadcast v19, $0xF  }
0x4c8: {  	v31 =	vld [tilespmem:s22+$0xDC00];
	(xrf2) =	vadd.scan.msk.f32 $0xffff, v18  }
0x4c9: {  	v32 =	vld [tilespmem:s22+$0xDC10];
	v2 =	vsel vm0, v19, v2;
	v18, _, _ =	vpop (xrf2)  }
0x4ca: {  	v33 =	vld [tilespmem:s22+$0x8430];
	v18 =	vbroadcast v18, $0xF  }
0x4cb: {  	v34 =	vld [tilespmem:s22+$0xDC20];
	(xrf2) =	vadd.scan.msk.f32 $0xffff, v17  }
0x4cc: {  	v24 =	vmul.f32 v28, v24;
	v19 =	vmul.f32 v30, v29;
	v28 =	vld [tilespmem:s22+$0x8440];
	v12 =	vsel vm0, v18, v12;
	v17, _, _ =	vpop (xrf2)  }
0x4cd: {  	v18 =	vmul.f32 v27, v26;
	v26 =	vld [tilespmem:s22+$0xDC30];
	v17 =	vbroadcast v17, $0xF  }
0x4ce: {  	v29 =	vmul.f32 v31, v24;
	v27 =	vld [tilespmem:s22+$0x8450];
	v30 =	vmul.f32 v32, v19;
	(xrf2) =	vadd.scan.msk.f32 $0xffff, v16  }
0x4cf: {  	v31 =	vld [tilespmem:s22+$0xDC40];
	v10 =	vsel vm0, v17, v10;
	v16, _, _ =	vpop (xrf2)  }
0x4d0: {  	v17 =	vmul.f32 v33, v25;
	v25 =	vld [tilespmem:s22+$0x8460];
	v29 =	vadd.f32 v30, v29;
	v30 =	vmul.f32 v34, v18  }
0x4d1: {  	v33 =	vbroadcast v16, $0xF;
	v32 =	vld [tilespmem:s22+$0xDC50];
	(xrf2) =	vadd.scan.msk.f32 $0xffff, v15  }
0x4d2: {  	v16 =	vmul.f32 v28, v23;
	v23 =	vld [tilespmem:s22+$0x8470];
	v28 =	vadd.f32 v30, v29;
	v26 =	vmul.f32 v26, v17;
	v15, _, _ =	vpop (xrf2)  }
0x4d3: {  	v11 =	vsel vm0, v33, v11;
	v29 =	vld [tilespmem:s22+$0xDC60];
	v33 =	vbroadcast v15, $0xF  }
0x4d4: {  	v15 =	vmul.f32 v27, v22;
	v22 =	vld [tilespmem:s22+$0x7400];
	v26 =	vadd.f32 v26, v28;
	v27 =	vmul.f32 v31, v16;
	(xrf2) =	vadd.scan.msk.f32 $0xffff, v14  }
0x4d5: {  	v28 =	vld [tilespmem:s22+$0xDC70];
	v9 =	vsel vm0, v33, v9;
	v30, _, _ =	vpop (xrf2)  }
0x4d6: {  	v14 =	vmul.f32 v25, v21;
	v21 =	vld [tilespmem:s22+$0x7410];
	v25 =	vadd.f32 v27, v26;
	v31 =	vmul.f32 v32, v15  }
0x4d7: {  	v30 =	vbroadcast v30, $0xF;
	v27 =	vld [tilespmem:s22+$0x9400];
	(xrf2) =	vadd.scan.msk.f32 $0xffff, v13  }
0x4d8: {  	v13 =	vmul.f32 v23, v20;
	v20 =	vld [tilespmem:s22+$0x9410];
	v23 =	vadd.f32 v31, v25;
	v25 =	vmul.f32 v29, v14;
	v26, _, _ =	vpop (xrf2)  }
0x4d9: {  	v8 =	vsel vm0, v30, v8;
	v22 =	vmul.f32 v22, v24;
	v29 =	vld [tilespmem:s22+$0x9C00];
	v31 =	vbroadcast v26, $0xF  }
0x4da: {  	v30 =	vld [tilespmem:s22+$0x9C10];
	v23 =	vadd.f32 v25, v23;
	v25 =	vmul.f32 v28, v13  }
0x4db: {  	v21 =	vmul.f32 v21, v19;
	v28 =	vld [tilespmem:s22+$0xA400];
	v6 =	vsel vm0, v31, v6;
	v26, _, _ =	vpop (xrf2)  }
0x4dc: {  	v27 =	vmul.f32 v27, v24;
	v31 =	vld [tilespmem:s22+$0xA410];
	v32 =	vadd.f32 v25, v23;
	v25 =	vbroadcast v26, $0xF  }
0x4dd: {  	v21 =	vadd.f32 v21, v22;
	v20 =	vmul.f32 v20, v19;
	v22 =	vld [tilespmem:s22+$0xAC00]  }
0x4de: {  	v26 =	vmul.f32 v29, v24;
	v29 =	vld [tilespmem:s22+$0xAC10];
	(xrf2) =	vadd.scan.msk.f32 $0xffff, v32;
	v7 =	vsel vm0, v25, v7;
	v23, _, _ =	vpop (xrf2)  }
0x4df: {  	v20 =	vadd.f32 v20, v27;
	v25 =	vmul.f32 v30, v19;
	v27 =	vld [tilespmem:s22+$0xB400];
	v32 =	vbroadcast v23, $0xF  }
0x4e0: {  	v28 =	vmul.f32 v28, v24;
	v30 =	vld [tilespmem:s22+$0xB410]  }
0x4e1: {  	v25 =	vadd.f32 v25, v26;
	v26 =	vmul.f32 v31, v19;
	v31 =	vld [tilespmem:s22+$0xBC00];
	v5 =	vsel vm0, v32, v5;
	v23, _, _ =	vpop (xrf2)  }
0x4e2: {  	v22 =	vmul.f32 v22, v24;
	v32 =	vld [tilespmem:s22+$0xBC10];
	v23 =	vbroadcast v23, $0xF  }
0x4e3: {  	v26 =	vadd.f32 v26, v28;
	v28 =	vmul.f32 v29, v19;
	v29 =	vld [tilespmem:s22+$0xC400]  }
0x4e4: {  	v27 =	vmul.f32 v27, v24;
	v33 =	vld [tilespmem:s22+$0xC410];
	v4 =	vsel vm0, v23, v4  }
0x4e5: {  	v22 =	vadd.f32 v28, v22;
	v23 =	vmul.f32 v30, v19;
	v28 =	vld [tilespmem:s22+$0xCC00]  }
0x4e6: {  	v30 =	vmul.f32 v31, v24;
	v31 =	vld [tilespmem:s22+$0xCC10]  }
0x4e7: {  	v23 =	vadd.f32 v23, v27;
	v27 =	vmul.f32 v32, v19;
	v32 =	vld [tilespmem:s22+$0xD400]  }
0x4e8: {  	s25 =	sadd.s32 $0x1, s25;
	v29 =	vmul.f32 v29, v24;
	v34 =	vld [tilespmem:s22+$0xD410];
	v35, _, _ =	vpop (xrf2)  }
0x4e9: {  	v36 =	vmov s25;
	v37 =	vld [tilespmem:s22+$0x7420];
	v33 =	vmul.f32 v33, v19;
	v35 =	vbroadcast v35, $0xF  }
0x4ea: {  	vm0 =	veq.s32 v36, v0;
	v27 =	vadd.f32 v27, v30;
	v36 =	vld [tilespmem:s22+$0x9420];
	v28 =	vmul.f32 v28, v24  }
0x4eb: {  	v30 =	vld [tilespmem:s22+$0x9C20];
	v29 =	vadd.f32 v33, v29;
	v31 =	vmul.f32 v31, v19;
	v3 =	vsel vm0, v35, v3  }
0x4ec: {  	v33 =	vld [tilespmem:s22+$0xA420];
	v24 =	vmul.f32 v32, v24  }
0x4ed: {  	v32 =	vld [tilespmem:s22+$0xAC20];
	v28 =	vadd.f32 v31, v28;
	v19 =	vmul.f32 v34, v19  }
0x4ee: {  	v31 =	vmul.f32 v37, v18;
	v34 =	vld [tilespmem:s22+$0xB420]  }
0x4ef: {  	v35 =	vmul.f32 v36, v18;
	v36 =	vld [tilespmem:s22+$0xBC20];
	v19 =	vadd.f32 v19, v24  }
0x4f0: {  	v21 =	vadd.f32 v31, v21;
	v24 =	vmul.f32 v30, v18;
	v30 =	vld [tilespmem:s22+$0xC420]  }
0x4f1: {  	v20 =	vadd.f32 v35, v20;
	v31 =	vmul.f32 v33, v18;
	v33 =	vld [tilespmem:s22+$0xCC20]  }
0x4f2: {  	v24 =	vadd.f32 v24, v25;
	v25 =	vmul.f32 v32, v18;
	v32 =	vld [tilespmem:s22+$0xD420]  }
0x4f3: {  	v35 =	vld [tilespmem:s22+$0x7430];
	v26 =	vadd.f32 v31, v26;
	v31 =	vmul.f32 v34, v18  }
0x4f4: {  	v34 =	vld [tilespmem:s22+$0x9430];
	v22 =	vadd.f32 v25, v22;
	v25 =	vmul.f32 v36, v18  }
0x4f5: {  	v36 =	vld [tilespmem:s22+$0x9C30];
	v23 =	vadd.f32 v31, v23;
	v30 =	vmul.f32 v30, v18  }
0x4f6: {  	v31 =	vld [tilespmem:s22+$0xA430];
	v25 =	vadd.f32 v25, v27;
	v27 =	vmul.f32 v33, v18  }
0x4f7: {  	v33 =	vld [tilespmem:s22+$0xAC30];
	v29 =	vadd.f32 v30, v29;
	v18 =	vmul.f32 v32, v18  }
0x4f8: {  	v30 =	vmul.f32 v35, v17;
	v32 =	vld [tilespmem:s22+$0xB430];
	v27 =	vadd.f32 v27, v28  }
0x4f9: {  	v28 =	vmul.f32 v34, v17;
	v34 =	vld [tilespmem:s22+$0xBC30];
	v18 =	vadd.f32 v18, v19  }
0x4fa: {  	v19 =	vadd.f32 v30, v21;
	v21 =	vmul.f32 v36, v17;
	v30 =	vld [tilespmem:s22+$0xC430]  }
0x4fb: {  	v20 =	vadd.f32 v28, v20;
	v28 =	vmul.f32 v31, v17;
	v31 =	vld [tilespmem:s22+$0xCC30]  }
0x4fc: {  	v21 =	vadd.f32 v21, v24;
	v24 =	vmul.f32 v33, v17;
	v33 =	vld [tilespmem:s22+$0xD430]  }
0x4fd: {  	v35 =	vld [tilespmem:s22+$0x7440];
	v26 =	vadd.f32 v28, v26;
	v28 =	vmul.f32 v32, v17  }
0x4fe: {  	v32 =	vld [tilespmem:s22+$0x9440];
	v22 =	vadd.f32 v24, v22;
	v24 =	vmul.f32 v34, v17  }
0x4ff: {  	v34 =	vld [tilespmem:s22+$0x9C40];
	v23 =	vadd.f32 v28, v23;
	v28 =	vmul.f32 v30, v17  }
0x500: {  	v30 =	vld [tilespmem:s22+$0xA440];
	v24 =	vadd.f32 v24, v25;
	v25 =	vmul.f32 v31, v17  }
0x501: {  	v31 =	vld [tilespmem:s22+$0xAC40];
	v28 =	vadd.f32 v28, v29;
	v17 =	vmul.f32 v33, v17  }
0x502: {  	v29 =	vmul.f32 v35, v16;
	v33 =	vld [tilespmem:s22+$0xB440];
	v25 =	vadd.f32 v25, v27  }
0x503: {  	v27 =	vmul.f32 v32, v16;
	v32 =	vld [tilespmem:s22+$0xBC40];
	v17 =	vadd.f32 v17, v18  }
0x504: {  	v18 =	vadd.f32 v29, v19;
	v19 =	vmul.f32 v34, v16;
	v29 =	vld [tilespmem:s22+$0xC440]  }
0x505: {  	v20 =	vadd.f32 v27, v20;
	v27 =	vmul.f32 v30, v16;
	v30 =	vld [tilespmem:s22+$0xCC40]  }
0x506: {  	v19 =	vadd.f32 v19, v21;
	v21 =	vmul.f32 v31, v16;
	v31 =	vld [tilespmem:s22+$0xD440]  }
0x507: {  	v34 =	vld [tilespmem:s22+$0x7450];
	v26 =	vadd.f32 v27, v26;
	v27 =	vmul.f32 v33, v16  }
0x508: {  	v33 =	vld [tilespmem:s22+$0x9450];
	v21 =	vadd.f32 v21, v22;
	v22 =	vmul.f32 v32, v16  }
0x509: {  	v32 =	vld [tilespmem:s22+$0x9C50];
	v23 =	vadd.f32 v27, v23;
	v27 =	vmul.f32 v29, v16  }
0x50a: {  	v29 =	vld [tilespmem:s22+$0xA450];
	v22 =	vadd.f32 v22, v24;
	v24 =	vmul.f32 v30, v16  }
0x50b: {  	v30 =	vld [tilespmem:s22+$0xAC50];
	v27 =	vadd.f32 v27, v28;
	v16 =	vmul.f32 v31, v16  }
0x50c: {  	v28 =	vmul.f32 v34, v15;
	v31 =	vld [tilespmem:s22+$0xB450];
	v24 =	vadd.f32 v24, v25  }
0x50d: {  	v25 =	vmul.f32 v33, v15;
	v33 =	vld [tilespmem:s22+$0xBC50];
	v16 =	vadd.f32 v16, v17  }
0x50e: {  	v17 =	vadd.f32 v28, v18;
	v18 =	vmul.f32 v32, v15;
	v28 =	vld [tilespmem:s22+$0xC450]  }
0x50f: {  	v20 =	vadd.f32 v25, v20;
	v25 =	vmul.f32 v29, v15;
	v29 =	vld [tilespmem:s22+$0xCC50]  }
0x510: {  	v18 =	vadd.f32 v18, v19;
	v19 =	vmul.f32 v30, v15;
	v30 =	vld [tilespmem:s22+$0xD450]  }
0x511: {  	v32 =	vld [tilespmem:s22+$0x7460];
	v25 =	vadd.f32 v25, v26;
	v26 =	vmul.f32 v31, v15  }
0x512: {  	v31 =	vld [tilespmem:s22+$0x9460];
	v19 =	vadd.f32 v19, v21;
	v21 =	vmul.f32 v33, v15  }
0x513: {  	v33 =	vld [tilespmem:s22+$0x9C60];
	v23 =	vadd.f32 v26, v23;
	v26 =	vmul.f32 v28, v15  }
0x514: {  	v28 =	vld [tilespmem:s22+$0xA460];
	v21 =	vadd.f32 v21, v22;
	v22 =	vmul.f32 v29, v15  }
0x515: {  	v29 =	vld [tilespmem:s22+$0xAC60];
	v26 =	vadd.f32 v26, v27;
	v15 =	vmul.f32 v30, v15  }
0x516: {  	v27 =	vmul.f32 v32, v14;
	v30 =	vld [tilespmem:s22+$0xB460];
	v22 =	vadd.f32 v22, v24  }
0x517: {  	v24 =	vmul.f32 v31, v14;
	v31 =	vld [tilespmem:s22+$0xBC60];
	v15 =	vadd.f32 v15, v16  }
0x518: {  	v16 =	vadd.f32 v27, v17;
	v17 =	vmul.f32 v33, v14;
	v27 =	vld [tilespmem:s22+$0xC460]  }
0x519: {  	v20 =	vadd.f32 v24, v20;
	v24 =	vmul.f32 v28, v14;
	v28 =	vld [tilespmem:s22+$0xCC60]  }
0x51a: {  	v17 =	vadd.f32 v17, v18;
	v18 =	vmul.f32 v29, v14;
	v29 =	vld [tilespmem:s22+$0xD460]  }
0x51b: {  	v32 =	vld [tilespmem:s22+$0x7470];
	v24 =	vadd.f32 v24, v25;
	v25 =	vmul.f32 v30, v14  }
0x51c: {  	v30 =	vld [tilespmem:s22+$0x9470];
	v18 =	vadd.f32 v18, v19;
	v19 =	vmul.f32 v31, v14  }
0x51d: {  	v31 =	vld [tilespmem:s22+$0x9C70];
	v23 =	vadd.f32 v25, v23;
	v25 =	vmul.f32 v27, v14  }
0x51e: {  	v27 =	vld [tilespmem:s22+$0xA470];
	v19 =	vadd.f32 v19, v21;
	v21 =	vmul.f32 v28, v14  }
0x51f: {  	v28 =	vld [tilespmem:s22+$0xAC70];
	v26 =	vadd.f32 v25, v26;
	v14 =	vmul.f32 v29, v14  }
0x520: {  	v25 =	vmul.f32 v32, v13;
	v29 =	vld [tilespmem:s22+$0xB470];
	v32 =	vadd.f32 v21, v22  }
0x521: {  	v21 =	vmul.f32 v30, v13;
	v22 =	vld [tilespmem:s22+$0xBC70];
	v30 =	vadd.f32 v14, v15  }
0x522: {  	v14 =	vadd.f32 v25, v16;
	v15 =	vmul.f32 v31, v13;
	v16 =	vld [tilespmem:s22+$0xC470]  }
0x523: {  	v25 =	vadd.f32 v21, v20;
	v21 =	vmul.f32 v27, v13;
	v27 =	vld [tilespmem:s22+$0xCC70]  }
0x524: {  	v31 =	vadd.f32 v15, v17;
	v15 =	vmul.f32 v28, v13;
	v28 =	vld [tilespmem:s22+$0xD470];
	s22 =	sshra.s32 s26, $0x2;
	(xrf2) =	vadd.scan.msk.f32 $0xffff, v14  }
0x525: {  	v20 =	vld [tilespmem:s22+$0x6470];
	v33 =	vadd.f32 v21, v24;
	v14 =	vmul.f32 v29, v13  }
0x526: {  	v21 =	vld [tilespmem:s22+$0x6460];
	v18 =	vadd.f32 v15, v18;
	v15 =	vmul.f32 v22, v13  }
0x527: {  	v22 =	vld [tilespmem:s22+$0x6450];
	v17 =	vadd.f32 v14, v23;
	v14 =	vmul.f32 v16, v13;
	(xrf2) =	vadd.scan.msk.f32 $0xffff, v25  }
0x528: {  	v23 =	vld [tilespmem:s22+$0x6440];
	v16 =	vadd.f32 v15, v19;
	v19 =	vmul.f32 v27, v13  }
0x529: {  	v25 =	vld [tilespmem:s22+$0x6430];
	v15 =	vadd.f32 v14, v26;
	v13 =	vmul.f32 v28, v13  }
.Ltmp6:
0x52a: {  	v26 =	vld [tilespmem:s22+$0x6420];
	v14 =	vadd.f32 v19, v32;
	(xrf2) =	vadd.scan.msk.f32 $0xffff, v31;
	(pc) =	sbr.rel @p0 .LBB2_11-.Ltmp6, $4  }
0x52b: {  	v27 =	vld [tilespmem:s22+$0x8420];
	v13 =	vadd.f32 v13, v30  }
0x52c: {  	v24 =	vld [tilespmem:s22+$0x6400]  }
0x52d: {  	v28 =	vld [tilespmem:s22+$0x8400];
	(xrf2) =	vadd.scan.msk.f32 $0xffff, v33  }
0x52e: {  	s26 =	sadd.s32 $0x200, s26;
	v29 =	vld [tilespmem:s22+$0x6410];
	v19, _, _ =	vpop (xrf2)  }
0x52f: {  	v30 =	vld [tilespmem:s22+$0x8410]  }
0x530: {  	v31 =	vld [tilespmem:s22+$0xDC00]  }
0x531: {  	v32 =	vld [tilespmem:s22+$0xDC10]  }
0x532: {  	v33 =	vld [tilespmem:s22+$0x8430]  }
0x533: {  	v34 =	vld [tilespmem:s22+$0xDC20]  }
0x534: {  	v35 =	vld [tilespmem:s22+$0x8440]  }
0x535: {  	v36 =	vld [tilespmem:s22+$0xDC30]  }
0x536: {  	v37 =	vld [tilespmem:s22+$0x8450]  }
0x537: {  	v38 =	vld [tilespmem:s22+$0xDC40]  }
0x538: {  	v39 =	vld [tilespmem:s22+$0x8460]  }
0x539: {  	v40 =	vld [tilespmem:s22+$0xDC50]  }
0x53a: {  	v41 =	vld [tilespmem:s22+$0x8470]  }
0x53b: {  	v42 =	vld [tilespmem:s22+$0xDC60]  }
0x53c: {  	v43 =	vld [tilespmem:s22+$0x7400]  }
0x53d: {  	v44 =	vld [tilespmem:s22+$0xDC70]  }
0x53e: {  	v45 =	vld [tilespmem:s22+$0x7410]  }
0x53f: {  	v46 =	vld [tilespmem:s22+$0x9400]  }
0x540: {  	v47 =	vld [tilespmem:s22+$0x9410]  }
0x541: {  	v48 =	vld [tilespmem:s22+$0x9C00]  }
0x542: {  	v49 =	vld [tilespmem:s22+$0x9C10]  }
0x543: {  	v50 =	vld [tilespmem:s22+$0xA400]  }
0x544: {  	v51 =	vld [tilespmem:s22+$0xA410]  }
0x545: {  	v52 =	vld [tilespmem:s22+$0xAC00]  }
0x546: {  	v53 =	vld [tilespmem:s22+$0xAC10]  }
0x547: {  	v54 =	vld [tilespmem:s22+$0xB400]  }
0x548: {  	v55 =	vld [tilespmem:s22+$0xB410]  }
0x549: {  	v56 =	vld [tilespmem:s22+$0xBC00]  }
0x54a: {  	v57 =	vld [tilespmem:s22+$0xBC10]  }
0x54b: {  	v58 =	vld [tilespmem:s22+$0xC400]  }
0x54c: {  	v59 =	vld [tilespmem:s22+$0xC410]  }
0x54d: {  	v63 =	vld [tilespmem:s22+$0xD410]  }
0x54e: {  	v60 =	vld [tilespmem:s22+$0xCC00]  }
0x54f: {  	v61 =	vld [tilespmem:s22+$0xCC10]  }
0x550: {  	v28 =	vmul.f32 v28, v24;
	v24 =	vld [tilespmem:s22+$0x9C20]  }
0x551: {  	v62 =	vld [tilespmem:s22+$0xD400]  }
0x552: {  	[tilespmem:$0x1FFC0] =	vst v63;
	v63 =	vld [tilespmem:s22+$0x7420]  }
0x553: {  	v26 =	vmul.f32 v27, v26;
	v27 =	vld [tilespmem:s22+$0xAC20];
	v29 =	vmul.f32 v30, v29  }
0x554: {  	v30 =	vld [tilespmem:s22+$0x9420];
	v25 =	vmul.f32 v33, v25  }
0x555: {  	v33 =	vld [tilespmem:s22+$0xD420];
	[tilespmem:$0x1FFE0] =	vst v24;
	v24 =	vmul.f32 v31, v28;
	v31 =	vmul.f32 v32, v29  }
0x556: {  	v21 =	vmul.f32 v39, v21;
	v20 =	vmul.f32 v41, v20;
	v39 =	vld [tilespmem:s22+$0x9C30]  }
0x557: {  	v41 =	vmul.f32 v43, v28;
	v43 =	vld [tilespmem:s22+$0xAC30];
	[tilespmem:$0x1FFD0] =	vst v63;
	v31 =	vadd.f32 v31, v24;
	v63 =	vmul.f32 v34, v26  }
0x558: {  	[tilespmem:$0x1FFF0] =	vst v27;
	v27 =	vld [tilespmem:s22+$0xBC20]  }
0x559: {  	v32 =	vld [tilespmem:s22+$0xA420];
	v24 =	vmul.f32 v35, v23;
	v31 =	vadd.f32 v63, v31;
	v63 =	vmul.f32 v36, v25  }
0x55a: {  	v34 =	vld [tilespmem:s22+$0xB420]  }
0x55b: {  	v35 =	vld [tilespmem:s22+$0xC420];
	v23 =	vmul.f32 v37, v22;
	v22 =	vadd.f32 v63, v31;
	v31 =	vmul.f32 v38, v24  }
0x55c: {  	v37 =	vld [tilespmem:s22+$0x7430]  }
0x55d: {  	v36 =	vld [tilespmem:s22+$0xCC20];
	v22 =	vadd.f32 v31, v22;
	v31 =	vmul.f32 v40, v23  }
0x55e: {  	v38 =	vld [tilespmem:s22+$0x9430];
	v63 =	vmul.f32 v47, v29  }
0x55f: {  	v47 =	vmul.f32 v48, v28;
	v48 =	vld [tilespmem:s22+$0xBC30];
	v22 =	vadd.f32 v31, v22;
	v31 =	vmul.f32 v42, v21  }
0x560: {  	v40 =	vld [tilespmem:s22+$0xA430];
	v42 =	vmul.f32 v44, v20;
	v44 =	vmul.f32 v46, v28  }
0x561: {  	v22 =	vadd.f32 v31, v22;
	v31 =	vmul.f32 v45, v29;
	v45 =	vld [tilespmem:s22+$0xB430]  }
0x562: {  	v44 =	vadd.f32 v63, v44;
	v63 =	vmul.f32 v53, v29;
	v53 =	vmul.f32 v54, v28;
	v54 =	vld [tilespmem:s22+$0xD430]  }
0x563: {  	v22 =	vadd.f32 v42, v22;
	v42 =	vmul.f32 v49, v29;
	v49 =	vmul.f32 v50, v28;
	v50 =	vld [tilespmem:s22+$0xC430]  }
0x564: {  	v31 =	vadd.f32 v31, v41;
	v41 =	vmul.f32 v51, v29;
	v51 =	vmul.f32 v52, v28;
	v52 =	vld [tilespmem:s22+$0xCC30]  }
0x565: {  	v42 =	vadd.f32 v42, v47;
	v47 =	vmul.f32 v55, v29;
	v55 =	vmul.f32 v56, v28;
	v56 =	vld [tilespmem:s22+$0x7440]  }
0x566: {  	v41 =	vadd.f32 v41, v49;
	v49 =	vmul.f32 v57, v29;
	v57 =	vmul.f32 v58, v28;
	v58 =	vld [tilespmem:s22+$0x9440]  }
0x567: {  	v46 =	vadd.f32 v63, v51;
	v51 =	vmul.f32 v59, v29;
	v59 =	vmul.f32 v60, v28;
	v60 =	vld [tilespmem:s22+$0x9C40]  }
0x568: {  	v28 =	vmul.f32 v62, v28;
	v62 =	vld [tilespmem:$0x1FFC0]  }
0x569: {  	v63 =	vld [tilespmem:$0x1FFD0]  }
0x56a: {  	v32 =	vmul.f32 v32, v26;
	v47 =	vadd.f32 v47, v53;
	v53 =	vmul.f32 v61, v29;
	v61 =	vld [tilespmem:s22+$0xA440]  }
0x56b: {  	v51 =	vadd.f32 v51, v57;
	v57 =	vld [tilespmem:s22+$0xB440]  }
0x56c: {  	v35 =	vmul.f32 v35, v26;
	v32 =	vadd.f32 v32, v41;
	v41 =	vld [tilespmem:s22+$0xCC50]  }
0x56d: {  	v27 =	vmul.f32 v27, v26;
	v34 =	vmul.f32 v34, v26;
	v53 =	vadd.f32 v53, v59;
	v59 =	vld [tilespmem:$0x1FFF0]  }
0x56e: {  	v49 =	vadd.f32 v49, v55;
	v35 =	vadd.f32 v35, v51;
	v51 =	vmul.f32 v37, v25;
	v37 =	vld [tilespmem:s22+$0x9450]  }
0x56f: {  	v34 =	vadd.f32 v34, v47;
	v47 =	vld [tilespmem:s22+$0x9C50];
	v29 =	vmul.f32 v62, v29;
	v55 =	vmul.f32 v63, v26  }
0x570: {  	v30 =	vmul.f32 v30, v26;
	v27 =	vadd.f32 v27, v49;
	v49 =	vld [tilespmem:s22+$0xD450]  }
0x571: {  	v36 =	vmul.f32 v36, v26;
	v28 =	vadd.f32 v29, v28;
	v29 =	vadd.f32 v55, v31;
	v31 =	vld [tilespmem:$0x1FFE0]  }
0x572: {  	v38 =	vmul.f32 v38, v25;
	v30 =	vadd.f32 v30, v44;
	v62 =	vld [tilespmem:s22+$0xAC40]  }
0x573: {  	v36 =	vadd.f32 v36, v53;
	v53 =	vmul.f32 v43, v25;
	v43 =	vld [tilespmem:s22+$0xB450];
	v44 =	vmul.f32 v59, v26  }
0x574: {  	v30 =	vadd.f32 v38, v30;
	v58 =	vmul.f32 v58, v24;
	v55 =	vld [tilespmem:s22+$0xBC40]  }
0x575: {  	v39 =	vmul.f32 v39, v25;
	v59 =	vld [tilespmem:s22+$0xC440];
	v63 =	vadd.f32 v44, v46  }
0x576: {  	v30 =	vadd.f32 v58, v30;
	v58 =	vld [tilespmem:s22+$0xBC60];
	v31 =	vmul.f32 v31, v26;
	v26 =	vmul.f32 v33, v26  }
0x577: {  	v56 =	vmul.f32 v56, v24;
	v46 =	vld [tilespmem:s22+$0x7450];
	v38 =	vadd.f32 v53, v63;
	v63 =	vmul.f32 v50, v25  }
0x578: {  	v33 =	vld [tilespmem:s22+$0xA450];
	v53 =	vmul.f32 v52, v25;
	v31 =	vadd.f32 v31, v42;
	v26 =	vadd.f32 v26, v28  }
0x579: {  	v44 =	vld [tilespmem:s22+$0xD440];
	v28 =	vadd.f32 v51, v29;
	v29 =	vmul.f32 v40, v25;
	v40 =	vmul.f32 v48, v25  }
0x57a: {  	v50 =	vld [tilespmem:s22+$0x9C60];
	v35 =	vadd.f32 v63, v35;
	v36 =	vadd.f32 v53, v36;
	v63 =	vmul.f32 v59, v24  }
0x57b: {  	v42 =	vld [tilespmem:s22+$0xCC40];
	v31 =	vadd.f32 v39, v31;
	v29 =	vadd.f32 v29, v32;
	v32 =	vmul.f32 v45, v25  }
0x57c: {  	v52 =	vld [tilespmem:s22+$0xA460];
	v27 =	vadd.f32 v40, v27;
	v25 =	vmul.f32 v54, v25;
	v53 =	vmul.f32 v46, v23  }
0x57d: {  	v48 =	vld [tilespmem:s22+$0xBC50];
	v28 =	vadd.f32 v56, v28;
	v56 =	vmul.f32 v37, v23;
	v33 =	vmul.f32 v33, v23  }
0x57e: {  	v51 =	vld [tilespmem:s22+$0x7460];
	v25 =	vadd.f32 v25, v26;
	v26 =	vmul.f32 v60, v24;
	v60 =	vmul.f32 v61, v24  }
0x57f: {  	v39 =	vld [tilespmem:s22+$0xAC50];
	v32 =	vadd.f32 v32, v34;
	v61 =	vmul.f32 v62, v24;
	v62 =	vmul.f32 v55, v24  }
0x580: {  	v45 =	vld [tilespmem:s22+$0x9460];
	v30 =	vadd.f32 v56, v30;
	v42 =	vmul.f32 v42, v24;
	v26 =	vadd.f32 v26, v31  }
0x581: {  	v54 =	vld [tilespmem:s22+$0xAC60];
	v31 =	vmul.f32 v57, v24;
	v29 =	vadd.f32 v60, v29;
	v24 =	vmul.f32 v44, v24  }
0x582: {  	v34 =	vld [tilespmem:s22+$0xC450];
	v38 =	vadd.f32 v61, v38;
	v27 =	vadd.f32 v62, v27;
	v61 =	vmul.f32 v48, v23  }
0x583: {  	v46 =	vld [tilespmem:s22+$0xD460];
	v24 =	vadd.f32 v24, v25;
	v25 =	vadd.f32 v53, v28;
	v28 =	vmul.f32 v47, v23  }
0x584: {  	v56 =	vld [tilespmem:s22+$0xBC70];
	v48 =	vmul.f32 v51, v21;
	v51 =	vmul.f32 v50, v21;
	v55 =	vadd.f32 v42, v36  }
0x585: {  	v57 =	vld [tilespmem:s22+$0xB460];
	v31 =	vadd.f32 v31, v32;
	v26 =	vadd.f32 v28, v26;
	v28 =	vmul.f32 v43, v23  }
0x586: {  	v60 =	vld [tilespmem:s22+$0xC460];
	v59 =	vmul.f32 v39, v23;
	v32 =	vadd.f32 v63, v35;
	v29 =	vadd.f32 v33, v29  }
0x587: {  	v47 =	vld [tilespmem:s22+$0x7470];
	v34 =	vmul.f32 v34, v23;
	v28 =	vadd.f32 v28, v31;
	v31 =	vmul.f32 v41, v23  }
0x588: {  	v27 =	vadd.f32 v61, v27;
	v63 =	vadd.f32 v59, v38;
	v23 =	vmul.f32 v49, v23;
	v49 =	vld [tilespmem:s22+$0x9470]  }
0x589: {  	(xrf2) =	vadd.scan.msk.f32 $0xffff, v18;
	v53 =	vld [tilespmem:s22+$0x9C70];
	v32 =	vadd.f32 v34, v32;
	v18 =	vadd.f32 v31, v55;
	v31 =	vmul.f32 v45, v21  }
0x58a: {  	(xrf2) =	vadd.scan.msk.f32 $0xffff, v17;
	v17 =	vadd.f32 v23, v24;
	v23 =	vadd.f32 v48, v25;
	v24 =	vmul.f32 v52, v21;
	v25 =	vld [tilespmem:s22+$0xA470]  }
0x58b: {  	(xrf2) =	vadd.scan.msk.f32 $0xffff, v16;
	v26 =	vadd.f32 v51, v26;
	v16 =	vadd.f32 v31, v30;
	v30 =	vmul.f32 v54, v21;
	v31 =	vld [tilespmem:s22+$0xAC70]  }
0x58c: {  	(xrf2) =	vadd.scan.msk.f32 $0xffff, v15;
	v15 =	vadd.f32 v24, v29;
	v24 =	vmul.f32 v57, v21;
	v29 =	vmul.f32 v47, v20;
	v54 =	vld [tilespmem:s22+$0xB470]  }
0x58d: {  	(xrf2) =	vadd.scan.msk.f32 $0xffff, v14;
	v62 =	vld [tilespmem:s22+$0xCC60];
	v55 =	vmul.f32 v49, v20;
	v14 =	vadd.f32 v30, v63;
	v30 =	vmul.f32 v58, v21  }
0x58e: {  	(xrf2) =	vadd.scan.msk.f32 $0xffff, v13;
	v13 =	vadd.f32 v24, v28;
	v23 =	vadd.f32 v29, v23;
	v24 =	vmul.f32 v53, v20;
	v28 =	vld [tilespmem:s22+$0xC470]  }
0x58f: {  	(xrf2) =	vadd.scan.msk.f32 $0xffff, v22;
	v22 =	vmul.f32 v60, v21;
	v29 =	vld [tilespmem:s22+$0xCC70];
	v16 =	vadd.f32 v55, v16;
	v25 =	vmul.f32 v25, v20  }
0x590: {  	v27 =	vadd.f32 v30, v27;
	v24 =	vadd.f32 v24, v26;
	v30 =	vld [tilespmem:s22+$0xD470];
	v26 =	vmul.f32 v31, v20  }
0x591: {  	v22 =	vadd.f32 v22, v32;
	v57, _, _ =	vpop (xrf2);
	(xrf2) =	vadd.scan.msk.f32 $0xffff, v23;
	v15 =	vadd.f32 v25, v15;
	v25 =	vmul.f32 v54, v20  }
0x592: {  	v31 =	vmul.f32 v62, v21;
	v23, _, _ =	vpop (xrf2);
	(xrf2) =	vadd.scan.msk.f32 $0xffff, v16;
	v14 =	vadd.f32 v26, v14;
	v26 =	vmul.f32 v56, v20  }
0x593: {  	v21 =	vmul.f32 v46, v21;
	v16, _, _ =	vpop (xrf2);
	v13 =	vadd.f32 v25, v13;
	v25 =	vmul.f32 v28, v20  }
0x594: {  	(xrf2) =	vadd.scan.msk.f32 $0xffff, v24;
	v18 =	vadd.f32 v31, v18;
	v24, _, _ =	vpop (xrf2);
	v26 =	vadd.f32 v26, v27;
	v27 =	vmul.f32 v29, v20  }
0x595: {  	v17 =	vadd.f32 v21, v17;
	(xrf2) =	vadd.scan.msk.f32 $0xffff, v15;
	v15, _, _ =	vpop (xrf2);
	v21 =	vadd.f32 v25, v22;
	v20 =	vmul.f32 v30, v20  }
0x596: {  	(xrf2) =	vadd.scan.msk.f32 $0xffff, v14;
	v14, _, _ =	vpop (xrf2);
	v18 =	vadd.f32 v27, v18  }
0x597: {  	(xrf2) =	vadd.scan.msk.f32 $0xffff, v13;
	v17 =	vadd.f32 v20, v17;
	v13, _, _ =	vpop (xrf2)  }
0x598: {  	v19 =	vbroadcast v19, $0xF;
	(xrf2) =	vadd.scan.msk.f32 $0xffff, v26;
	v25, _, _ =	vpop (xrf2)  }
0x599: {  	v16 =	vbroadcast v16, $0xF;
	(xrf2) =	vadd.scan.msk.f32 $0xffff, v21;
	v21, _, _ =	vpop (xrf2)  }
0x59a: {  	v2 =	vsel vm0, v19, v2;
	v22 =	vbroadcast v57, $0xF;
	v20 =	vbroadcast v23, $0xF;
	(xrf2) =	vadd.scan.msk.f32 $0xffff, v18;
	v18, _, _ =	vpop (xrf2)  }
0x59b: {  	s26 =	sadd.s32 $0x1, s25;
	v11 =	vsel vm0, v16, v11;
	v16 =	vbroadcast v24, $0xF;
	v15 =	vbroadcast v15, $0xF;
	(xrf2) =	vadd.scan.msk.f32 $0xffff, v17;
	v17, _, _ =	vpop (xrf2)  }
0x59c: {  	v10 =	vsel vm0, v20, v10;
	v20 =	vmov s26;
	v19, _, _ =	vpop (xrf2);
	v17 =	vbroadcast v17, $0xF  }
0x59d: {  	v9 =	vsel vm0, v16, v9;
	vm1 =	veq.s32 v20, v0;
	v16 =	vbroadcast v19, $0xF  }
0x59e: {  	v12 =	vsel vm0, v22, v12;
	v22, _, _ =	vpop (xrf2);
	v2 =	vsel vm1, v17, v2  }
0x59f: {  	v8 =	vsel vm0, v15, v8;
	v19, _, _ =	vpop (xrf2);
	v15 =	vbroadcast v22, $0xF;
	v12 =	vsel vm1, v16, v12  }
0x5a0: {  	v14 =	vbroadcast v14, $0xF;
	v16 =	vbroadcast v19, $0xF;
	[tilespmem:s16+$0x13400] =	vst v2;
	v17, _, _ =	vpop (xrf2)  }
0x5a1: {  	v13 =	vbroadcast v13, $0xF;
	v10 =	vsel vm1, v15, v10;
	[tilespmem:s11+$0x0] =	vst v12;
	v2, _, _ =	vpop (xrf2);
	v15 =	vbroadcast v17, $0xF  }
0x5a2: {  	v6 =	vsel vm0, v14, v6;
	v11 =	vsel vm1, v16, v11;
	[tilespmem:s11+$0x80] =	vst v10;
	v2 =	vbroadcast v2, $0xF;
	v12, _, _ =	vpop (xrf2)  }
0x5a3: {  	v7 =	vsel vm0, v13, v7;
	[tilespmem:s11+$0x100] =	vst v11;
	v9 =	vsel vm1, v15, v9;
	v10 =	vbroadcast v12, $0xF;
	v12, _, _ =	vpop (xrf2)  }
0x5a4: {  	v11 =	vbroadcast v25, $0xF;
	v2 =	vsel vm1, v2, v8;
	v8 =	vbroadcast v12, $0xF;
	v12, _, _ =	vpop (xrf2);
	[tilespmem:s11+$0x180] =	vst v9  }
0x5a5: {  	v9 =	vbroadcast v21, $0xF;
	v6 =	vsel vm1, v10, v6;
	v10 =	vbroadcast v12, $0xF;
	v12, _, _ =	vpop (xrf2);
	[tilespmem:s11+$0x200] =	vst v2  }
0x5a6: {  	v2 =	vsel vm0, v11, v5;
	v5 =	vsel vm1, v8, v7;
	v7 =	vbroadcast v12, $0xF;
	[tilespmem:s11+$0x280] =	vst v6  }
0x5a7: {  	p0 =	seq.s32 s13, $0xF;
	v4 =	vsel vm0, v9, v4;
	v6 =	vbroadcast v18, $0xF;
	v2 =	vsel vm1, v10, v2;
	[tilespmem:s11+$0x300] =	vst v5;
	s11 =	sshll.u32 s13, $0x1  }
0x5a8: {  	v4 =	vsel vm1, v7, v4;
	[tilespmem:s10+$0x13600] =	vst v2;
	s10 =	sadd.s32 @!p0 $0x2, s11  }
0x5a9: {  	v2 =	vsel vm1, v6, v3;
	[tilespmem:s24+$0x0] =	vst v4;
	s22 =	sshll.u32 @!p0 s10, $0x4  }
0x5aa: {  	s25 =	simm.s32 @!p0 $0x6400;
	s24 =	simm.s32 @!p0 $0x10;
	[tilespmem:s17+$0x0] =	vst v2;
	s17 =	sadd.s32 @!p0 $0x4000, s22  }
0x5ab: {  	[tilespmem:s25], [sflag:$0x1] =	stream.indirect.gather @!p0 [hbm4b:s2+s24], $0x80, s17, s24, $0xb8;
	[tilespmem:$0x17600] =	vst v63  }
0x5ac: {  	s17 =	sadd.s32 @!p0 $0x4200, s22;
	s25 =	simm.s32 @!p0 $0x7400  }
0x5ad: {  	[tilespmem:s25], [sflag:$0x1] =	stream.indirect.gather @!p0 [hbm4b:s3+s24], $0x80, s17, s24, $0xb8;
	[tilespmem:$0x17600] =	vst v63  }
0x5ae: {  	s17 =	sadd.s32 @!p0 s6, s22  }
0x5af: {  	s26 =	simm.s32 @!p0 $0x8400;
	s17 =	sshll.u32 @!p0 s17, $0x4  }
0x5b0: {  	s10 =	sshll.u32 @!p0 s10, $0x7;
	s25 =	simm.s32 @!p0 $0x0;
	s17 =	sadd.s32 @!p0 s5, s17  }
0x5b1: {  	[tilespmem:s26], [sflag:$0x1] =	stream.linear.gather @!p0 [hbm4b:s17+s25], $0x800, $0x38;
	[tilespmem:$0x17600] =	vst v63  }
0x5b2: {  	s17 =	sand.u32 @!p0 $0x60, s22;
	s22 =	sand.u32 @!p0 $0x1C00, s10  }
0x5b3: {  	s22 =	sor.u32 @!p0 s17, s22  }
0x5b4: {  	s26 =	simm.s32 @!p0 $0x9400;
	s25 =	sadd.s32 @!p0 $0x4400, s22  }
0x5b5: {  	[tilespmem:s26], [sflag:$0x1] =	stream.indirect.gather @!p0 [hbm4b:s3+s24], $0x80, s25, s24, $0xb8;
	[tilespmem:$0x17600] =	vst v63  }
0x5b6: {  	s25 =	sadd.s32 @!p0 $0x4480, s22;
	s26 =	simm.s32 @!p0 $0x9C00  }
0x5b7: {  	[tilespmem:s26], [sflag:$0x1] =	stream.indirect.gather @!p0 [hbm4b:s3+s24], $0x80, s25, s24, $0xb8;
	[tilespmem:$0x17600] =	vst v63  }
0x5b8: {  	s25 =	sadd.s32 @!p0 $0x4500, s22;
	s26 =	simm.s32 @!p0 $0xA400  }
0x5b9: {  	[tilespmem:s26], [sflag:$0x1] =	stream.indirect.gather @!p0 [hbm4b:s3+s24], $0x80, s25, s24, $0xb8;
	[tilespmem:$0x17600] =	vst v63  }
0x5ba: {  	s25 =	sadd.s32 @!p0 $0x4580, s22;
	s26 =	simm.s32 @!p0 $0xAC00  }
0x5bb: {  	[tilespmem:s26], [sflag:$0x1] =	stream.indirect.gather @!p0 [hbm4b:s3+s24], $0x80, s25, s24, $0xb8;
	[tilespmem:$0x17600] =	vst v63  }
0x5bc: {  	s10 =	sor.u32 @!p0 s10, s17;
	s25 =	sadd.s32 @!p0 $0x4600, s22;
	s26 =	simm.s32 @!p0 $0xB400  }
0x5bd: {  	[tilespmem:s26], [sflag:$0x1] =	stream.indirect.gather @!p0 [hbm4b:s3+s24], $0x80, s25, s24, $0xb8;
	[tilespmem:$0x17600] =	vst v63  }
0x5be: {  	s17 =	sor.u32 @!p0 $0x300, s10;
	s25 =	sadd.s32 @!p0 $0x4680, s22;
	s26 =	simm.s32 @!p0 $0xBC00  }
0x5bf: {  	[tilespmem:s26], [sflag:$0x1] =	stream.indirect.gather @!p0 [hbm4b:s3+s24], $0x80, s25, s24, $0xb8;
	[tilespmem:$0x17600] =	vst v63  }
0x5c0: {  	s10 =	sor.u32 @!p0 $0x380, s10;
	s17 =	sadd.s32 @!p0 $0x4400, s17;
	s25 =	simm.s32 @!p0 $0xC400  }
0x5c1: {  	[tilespmem:s25], [sflag:$0x1] =	stream.indirect.gather @!p0 [hbm4b:s3+s24], $0x80, s17, s24, $0xb8;
	[tilespmem:$0x17600] =	vst v63  }
0x5c2: {  	s10 =	sadd.s32 @!p0 $0x4400, s10;
	s17 =	simm.s32 @!p0 $0xCC00  }
0x5c3: {  	[tilespmem:s17], [sflag:$0x1] =	stream.indirect.gather @!p0 [hbm4b:s3+s24], $0x80, s10, s24, $0xb8;
	[tilespmem:$0x17600] =	vst v63  }
0x5c4: {  	s10 =	sadd.s32 @!p0 $0x5400, s22;
	s17 =	simm.s32 @!p0 $0xD400  }
0x5c5: {  	[tilespmem:s17], [sflag:$0x1] =	stream.indirect.gather @!p0 [hbm4b:s3+s24], $0x80, s10, s24, $0xb8;
	[tilespmem:$0x17600] =	vst v63  }
0x5c6: {  	s10 =	sadd.s32 @!p0 $0x5480, s22;
	s17 =	simm.s32 @!p0 $0xDC00  }
0x5c7: {  	[tilespmem:s17], [sflag:$0x1] =	stream.indirect.gather @!p0 [hbm4b:s3+s24], $0x80, s10, s24, $0xb8;
	[tilespmem:$0x17600] =	vst v63  }
0x5c8: {  	_ =	swait.ge [sflag:s8], $0x800  }
0x5c9: {  	[sflag:s8] =	ssyncset.done $0x0  }
0x5ca: {  	[sflag:s8] =	ssyncadd.s32 $0xFFFFF800  }
0x5cb: {  	_ =	swait.ge [sflag:s8], $0x800  }
0x5cc: {  	[sflag:s8] =	ssyncset.done $0x0  }
0x5cd: {  	[sflag:s8] =	ssyncadd.s32 $0xFFFFF800  }
0x5ce: {  	_ =	swait.ge [sflag:s8], $0x800  }
0x5cf: {  	[sflag:s8] =	ssyncset.done $0x0  }
0x5d0: {  	[sflag:s8] =	ssyncadd.s32 $0xFFFFF800  }
0x5d1: {  	_ =	swait.ge [sflag:s8], $0x800  }
0x5d2: {  	[sflag:s8] =	ssyncset.done $0x0  }
0x5d3: {  	[sflag:s8] =	ssyncadd.s32 $0xFFFFF800  }
0x5d4: {  	_ =	swait.ge [sflag:s8], $0x800  }
0x5d5: {  	[sflag:s8] =	ssyncset.done $0x0  }
0x5d6: {  	[sflag:s8] =	ssyncadd.s32 $0xFFFFF800  }
0x5d7: {  	_ =	swait.ge [sflag:s8], $0x800  }
0x5d8: {  	[sflag:s8] =	ssyncset.done $0x0  }
0x5d9: {  	[sflag:s8] =	ssyncadd.s32 $0xFFFFF800  }
0x5da: {  	_ =	swait.ge [sflag:s8], $0x800  }
0x5db: {  	[sflag:s8] =	ssyncset.done $0x0  }
0x5dc: {  	[sflag:s8] =	ssyncadd.s32 $0xFFFFF800  }
0x5dd: {  	_ =	swait.ge [sflag:s8], $0x800  }
0x5de: {  	[sflag:s8] =	ssyncset.done $0x0  }
0x5df: {  	[sflag:s8] =	ssyncadd.s32 $0xFFFFF800  }
0x5e0: {  	_ =	swait.ge [sflag:s8], $0x800  }
0x5e1: {  	[sflag:s8] =	ssyncset.done $0x0  }
0x5e2: {  	[sflag:s8] =	ssyncadd.s32 $0xFFFFF800  }
0x5e3: {  	_ =	swait.ge [sflag:s8], $0x800  }
0x5e4: {  	[sflag:s8] =	ssyncset.done $0x0  }
0x5e5: {  	[sflag:s8] =	ssyncadd.s32 $0xFFFFF800  }
0x5e6: {  	_ =	swait.ge [sflag:s8], $0x800  }
0x5e7: {  	[sflag:s8] =	ssyncset.done $0x0  }
0x5e8: {  	[sflag:s8] =	ssyncadd.s32 $0xFFFFF800  }
0x5e9: {  	_ =	swait.ge [sflag:s8], $0x800  }
0x5ea: {  	[sflag:s8] =	ssyncset.done $0x0  }
0x5eb: {  	[sflag:s8] =	ssyncadd.s32 $0xFFFFF800  }
0x5ec: {  	_ =	swait.ge [sflag:s8], $0x800  }
0x5ed: {  	[sflag:s8] =	ssyncset.done $0x0  }
0x5ee: {  	s25 =	simm.s32 $0x0;
	[sflag:s8] =	ssyncadd.s32 $0xFFFFF800  }
0x5ef: {  	v2 =	vld [tilespmem:s25+$0x6C70]  }
0x5f0: {  	v3 =	vld [tilespmem:s25+$0x6C60]  }
0x5f1: {  	v4 =	vld [tilespmem:s25+$0x6C50]  }
0x5f2: {  	v5 =	vld [tilespmem:s25+$0x6C40]  }
0x5f3: {  	v6 =	vld [tilespmem:s25+$0x6C30]  }
0x5f4: {  	v7 =	vld [tilespmem:s25+$0x6C20]  }
0x5f5: {  	v8 =	vld [tilespmem:s25+$0x8C20]  }
0x5f6: {  	v9 =	vld [tilespmem:s25+$0x6C00]  }
0x5f7: {  	v10 =	vld [tilespmem:s25+$0x8C00]  }
0x5f8: {  	v11 =	vld [tilespmem:s25+$0x6C10]  }
0x5f9: {  	v12 =	vld [tilespmem:s25+$0x8C10]  }
0x5fa: {  	v13 =	vld [tilespmem:s25+$0x12C00]  }
0x5fb: {  	v14 =	vld [tilespmem:s25+$0x12C10]  }
0x5fc: {  	v15 =	vld [tilespmem:s25+$0x8C30]  }
0x5fd: {  	v16 =	vld [tilespmem:s25+$0x12C20]  }
0x5fe: {  	v17 =	vld [tilespmem:s25+$0x8C40]  }
0x5ff: {  	v18 =	vld [tilespmem:s25+$0x12C30]  }
0x600: {  	v19 =	vld [tilespmem:s25+$0x8C50]  }
0x601: {  	v20 =	vld [tilespmem:s25+$0x12C40]  }
0x602: {  	v21 =	vld [tilespmem:s25+$0x8C60]  }
0x603: {  	v22 =	vld [tilespmem:s25+$0x12C50]  }
0x604: {  	v23 =	vld [tilespmem:s25+$0x8C70]  }
0x605: {  	v24 =	vld [tilespmem:s25+$0x12C60]  }
0x606: {  	v25 =	vld [tilespmem:s25+$0x7C00]  }
0x607: {  	v26 =	vld [tilespmem:s25+$0x12C70]  }
0x608: {  	v27 =	vld [tilespmem:s25+$0x7C10]  }
0x609: {  	v28 =	vld [tilespmem:s25+$0xE400]  }
0x60a: {  	v29 =	vld [tilespmem:s25+$0xE410]  }
0x60b: {  	v30 =	vld [tilespmem:s25+$0xEC00]  }
0x60c: {  	v31 =	vld [tilespmem:s25+$0xEC10]  }
0x60d: {  	v58 =	vld [tilespmem:s25+$0xF400]  }
0x60e: {  	v59 =	vld [tilespmem:s25+$0xF410]  }
0x60f: {  	v60 =	vld [tilespmem:s25+$0xFC00]  }
0x610: {  	v61 =	vld [tilespmem:s25+$0xFC10]  }
0x611: {  	v62 =	vld [tilespmem:s25+$0x10400]  }
0x612: {  	v63 =	vld [tilespmem:s25+$0x10410]  }
0x613: {  	v48 =	vld [tilespmem:s25+$0x10C00]  }
0x614: {  	v49 =	vld [tilespmem:s25+$0x10C10]  }
0x615: {  	v50 =	vld [tilespmem:s25+$0x11400]  }
0x616: {  	v51 =	vld [tilespmem:s25+$0x11410]  }
0x617: {  	v52 =	vld [tilespmem:s25+$0x11C00]  }
0x618: {  	v53 =	vld [tilespmem:s25+$0x11C10]  }
0x619: {  	v54 =	vld [tilespmem:s25+$0x12400]  }
0x61a: {  	v55 =	vld [tilespmem:s25+$0x12410]  }
0x61b: {  	v46 =	vld [tilespmem:s25+$0xF420]  }
0x61c: {  	v47 =	vld [tilespmem:s25+$0x10420];
	v9 =	vmul.f32 v10, v9  }
0x61d: {  	v33 =	vld [tilespmem:s25+$0x11430];
	v10 =	vmul.f32 v12, v11;
	v7 =	vmul.f32 v8, v7  }
0x61e: {  	v11 =	vld [tilespmem:s25+$0x7C20];
	v15 =	vmul.f32 v15, v6;
	v6 =	vmul.f32 v17, v5  }
0x61f: {  	v8 =	vld [tilespmem:s25+$0xE420];
	v5 =	vmul.f32 v19, v4;
	v4 =	vmul.f32 v21, v3  }
0x620: {  	v17 =	vld [tilespmem:s25+$0x10C20];
	v3 =	vmul.f32 v23, v2;
	v12 =	vmul.f32 v13, v9  }
0x621: {  	v19 =	vld [tilespmem:s25+$0x11C20];
	v13 =	vmul.f32 v14, v10;
	v23 =	vmul.f32 v25, v9  }
0x622: {  	v21 =	vld [tilespmem:s25+$0x7C30];
	v25 =	vmul.f32 v27, v10;
	v27 =	vmul.f32 v28, v9  }
0x623: {  	v14 =	vld [tilespmem:s25+$0xEC20];
	v28 =	vmul.f32 v29, v10;
	v12 =	vadd.f32 v13, v12;
	v13 =	vmul.f32 v16, v7  }
0x624: {  	v29 =	vld [tilespmem:s25+$0x10430];
	v56 =	vmul.f32 v59, v10;
	v57 =	vmul.f32 v61, v10  }
0x625: {  	v59 =	vmul.f32 v63, v10;
	v63 =	vld [tilespmem:s25+$0x7C40];
	v12 =	vadd.f32 v13, v12;
	v13 =	vmul.f32 v18, v15  }
0x626: {  	v61 =	vmul.f32 v48, v9;
	v48 =	vmul.f32 v50, v9;
	v50 =	vld [tilespmem:s25+$0xE440]  }
0x627: {  	v16 =	vld [tilespmem:s25+$0xFC20];
	v12 =	vadd.f32 v13, v12;
	v13 =	vmul.f32 v20, v6  }
0x628: {  	v23 =	vadd.f32 v25, v23;
	v25 =	vmul.f32 v58, v9;
	v27 =	vadd.f32 v28, v27;
	v58 =	vld [tilespmem:s25+$0x11C30]  }
0x629: {  	v28 =	vmul.f32 v60, v9;
	v60 =	vld [tilespmem:s25+$0x12430];
	v12 =	vadd.f32 v13, v12;
	v13 =	vmul.f32 v22, v5  }
0x62a: {  	v11 =	vmul.f32 v11, v7;
	v8 =	vmul.f32 v8, v7;
	v18 =	vld [tilespmem:s25+$0x11420]  }
0x62b: {  	v25 =	vadd.f32 v56, v25;
	v56 =	vld [tilespmem:s25+$0x10C40];
	v2 =	vadd.f32 v13, v12;
	v12 =	vmul.f32 v24, v4  }
0x62c: {  	v11 =	vadd.f32 v11, v23;
	v23 =	vmul.f32 v46, v7;
	v8 =	vadd.f32 v8, v27;
	v27 =	vld [tilespmem:s25+$0x11440]  }
0x62d: {  	v20 =	vld [tilespmem:s25+$0x12420];
	v2 =	vadd.f32 v12, v2;
	v12 =	vmul.f32 v26, v3  }
0x62e: {  	v28 =	vadd.f32 v57, v28;
	v16 =	vmul.f32 v16, v7;
	v23 =	vadd.f32 v23, v25;
	v25 =	vld [tilespmem:s25+$0x11C40]  }
0x62f: {  	v22 =	vld [tilespmem:s25+$0xE430];
	v2 =	vadd.f32 v12, v2;
	v12 =	vmul.f32 v30, v9;
	v30 =	vmul.f32 v31, v10  }
0x630: {  	v16 =	vadd.f32 v16, v28;
	v28 =	vld [tilespmem:s25+$0x12440]  }
0x631: {  	v13 =	vld [tilespmem:s25+$0xEC30];
	v12 =	vadd.f32 v30, v12;
	v30 =	vmul.f32 v62, v9  }
0x632: {  	v24 =	vld [tilespmem:s25+$0xF430];
	v62 =	vmul.f32 v49, v10;
	v49 =	vmul.f32 v51, v10  }
0x633: {  	v26 =	vld [tilespmem:s25+$0xFC30];
	v51 =	vmul.f32 v52, v9;
	v52 =	vmul.f32 v53, v10  }
0x634: {  	v31 =	vld [tilespmem:s25+$0x10C30];
	v9 =	vmul.f32 v54, v9;
	v10 =	vmul.f32 v55, v10  }
0x635: {  	v17 =	vmul.f32 v17, v7;
	v19 =	vmul.f32 v19, v7;
	v53 =	vld [tilespmem:s25+$0xEC40]  }
0x636: {  	v18 =	vmul.f32 v18, v7;
	v54 =	vld [tilespmem:s25+$0xF440];
	v9 =	vadd.f32 v10, v9;
	v10 =	vmul.f32 v14, v7  }
0x637: {  	v55 =	vld [tilespmem:s25+$0xFC40];
	(xrf2) =	vadd.scan.msk.f32 $0xffff, v2;
	v2 =	vmul.f32 v22, v15;
	v30 =	vadd.f32 v59, v30;
	v32 =	vadd.f32 v62, v61  }
0x638: {  	v22 =	vld [tilespmem:s25+$0xE450];
	v34 =	vadd.f32 v49, v48;
	v10 =	vadd.f32 v10, v12;
	v12 =	vmul.f32 v47, v7  }
0x639: {  	v36 =	vadd.f32 v52, v51;
	v14 =	vld [tilespmem:s25+$0x10440];
	v7 =	vmul.f32 v20, v7;
	v20 =	vmul.f32 v21, v15  }
0x63a: {  	v8 =	vadd.f32 v2, v8;
	v2 =	vmul.f32 v24, v15;
	v24 =	vld [tilespmem:s25+$0xF450];
	v17 =	vadd.f32 v17, v32  }
0x63b: {  	v59 =	vld [tilespmem:s25+$0x7C60];
	v7 =	vadd.f32 v7, v9;
	v9 =	vadd.f32 v20, v11;
	v11 =	vmul.f32 v13, v15  }
0x63c: {  	v57 =	vmul.f32 v50, v6;
	v62 =	vld [tilespmem:s25+$0xE460];
	v18 =	vadd.f32 v18, v34;
	v12 =	vadd.f32 v12, v30  }
0x63d: {  	v21 =	vld [tilespmem:s25+$0x7C50];
	v20 =	vmul.f32 v26, v15;
	v10 =	vadd.f32 v11, v10;
	v11 =	vmul.f32 v29, v15  }
0x63e: {  	v19 =	vadd.f32 v19, v36;
	v13 =	vld [tilespmem:s25+$0xEC50];
	v26 =	vmul.f32 v31, v15;
	v30 =	vmul.f32 v58, v15  }
0x63f: {  	v31 =	vld [tilespmem:s25+$0x11450];
	v11 =	vadd.f32 v11, v12;
	v12 =	vmul.f32 v33, v15;
	v15 =	vmul.f32 v60, v15  }
0x640: {  	v27 =	vmul.f32 v27, v6;
	v23 =	vadd.f32 v2, v23;
	v16 =	vadd.f32 v20, v16;
	v20 =	vld [tilespmem:s25+$0x10450]  }
0x641: {  	v8 =	vadd.f32 v57, v8;
	v58 =	vld [tilespmem:s25+$0x11C50];
	v7 =	vadd.f32 v15, v7;
	v15 =	vmul.f32 v53, v6  }
0x642: {  	v14 =	vmul.f32 v14, v6;
	v29 =	vld [tilespmem:s25+$0xFC50];
	v17 =	vadd.f32 v26, v17;
	v19 =	vadd.f32 v30, v19  }
0x643: {  	v26 =	vld [tilespmem:s25+$0x10C50];
	v12 =	vadd.f32 v12, v18;
	v10 =	vadd.f32 v15, v10;
	v15 =	vmul.f32 v55, v6  }
0x644: {  	v30 =	vld [tilespmem:s25+$0x12450];
	v18 =	vmul.f32 v63, v6;
	v11 =	vadd.f32 v14, v11;
	v14 =	vmul.f32 v25, v6  }
0x645: {  	v63 =	vld [tilespmem:s25+$0xF460];
	v20 =	vmul.f32 v20, v5;
	v15 =	vadd.f32 v15, v16;
	v16 =	vmul.f32 v56, v6  }
0x646: {  	v25 =	vld [tilespmem:s25+$0xFC60];
	v9 =	vadd.f32 v18, v9;
	v18 =	vmul.f32 v54, v6;
	v14 =	vadd.f32 v14, v19  }
0x647: {  	v19 =	vmul.f32 v22, v5;
	v22 =	vld [tilespmem:s25+$0x11460];
	v16 =	vadd.f32 v16, v17;
	v17 =	vmul.f32 v21, v5  }
0x648: {  	v13 =	vmul.f32 v13, v5;
	v12 =	vadd.f32 v27, v12;
	v11 =	vadd.f32 v20, v11;
	v20 =	vld [tilespmem:s25+$0x7C70]  }
0x649: {  	v18 =	vadd.f32 v18, v23;
	v23 =	vld [tilespmem:s25+$0xEC60];
	v9 =	vadd.f32 v17, v9;
	v17 =	vmul.f32 v24, v5  }
0x64a: {  	v6 =	vmul.f32 v28, v6;
	v8 =	vadd.f32 v19, v8;
	v19 =	vmul.f32 v29, v5;
	v28 =	vld [tilespmem:s25+$0xEC70]  }
0x64b: {  	v10 =	vadd.f32 v13, v10;
	v29 =	vld [tilespmem:s25+$0x11470];
	v13 =	vadd.f32 v17, v18;
	v17 =	vmul.f32 v26, v5  }
0x64c: {  	v21 =	vld [tilespmem:s25+$0x10460];
	v6 =	vadd.f32 v6, v7;
	v15 =	vadd.f32 v19, v15;
	v19 =	vmul.f32 v31, v5  }
0x64d: {  	v7 =	vld [tilespmem:s25+$0x10C60];
	v16 =	vadd.f32 v17, v16;
	v17 =	vmul.f32 v58, v5;
	v5 =	vmul.f32 v30, v5  }
0x64e: {  	s24 =	simm.s32 $0x0;
	v27 =	vmul.f32 v62, v4;
	v24 =	vld [tilespmem:s25+$0x11C60];
	v12 =	vadd.f32 v19, v12;
	v19 =	vmul.f32 v59, v4  }
0x64f: {  	v61 =	vmov s24;
	v18 =	vld [tilespmem:s25+$0x12460];
	v5 =	vadd.f32 v5, v6;
	v6 =	vmul.f32 v23, v4  }
0x650: {  	v8 =	vadd.f32 v27, v8;
	v26 =	vld [tilespmem:s25+$0xE470];
	v9 =	vadd.f32 v19, v9;
	v19 =	vmul.f32 v63, v4  }
0x651: {  	v14 =	vadd.f32 v17, v14;
	v17 =	vld [tilespmem:s25+$0xF470];
	v6 =	vadd.f32 v6, v10;
	v10 =	vmul.f32 v25, v4  }
0x652: {  	v27 =	vld [tilespmem:s25+$0x10C70];
	v20 =	vmul.f32 v20, v3;
	v7 =	vmul.f32 v7, v4;
	v13 =	vadd.f32 v19, v13  }
0x653: {  	v19 =	vmul.f32 v21, v4;
	v25 =	vld [tilespmem:s25+$0x10470];
	v10 =	vadd.f32 v10, v15;
	v15 =	vmul.f32 v22, v4  }
0x654: {  	v9 =	vadd.f32 v20, v9;
	v23 =	vld [tilespmem:s25+$0xFC70];
	v7 =	vadd.f32 v7, v16;
	v16 =	vmul.f32 v24, v4  }
0x655: {  	v24 =	vld [tilespmem:s25+$0x11C70];
	v4 =	vmul.f32 v18, v4;
	v12 =	vadd.f32 v15, v12;
	v15 =	vmul.f32 v26, v3  }
0x656: {  	s17 =	simm.s32 $0x80;
	v60, _, _ =	vpop (xrf2);
	v11 =	vadd.f32 v19, v11;
	(xrf2) =	vadd.scan.msk.f32 $0xffff, v9;
	v9 =	vadd.f32 v16, v14;
	v18 =	vld [tilespmem:s25+$0x12470];
	v16 =	vmul.f32 v17, v3  }
0x657: {  	vm0 =	veq.s32 v61, v0;
	v20 =	vld [tilespmem:s17+$0x6C70];
	v4 =	vadd.f32 v4, v5;
	v5 =	vadd.f32 v15, v8  }
0x658: {  	v21 =	vld [tilespmem:s17+$0x6C60];
	v14 =	vmul.f32 v28, v3;
	v30 =	vadd.f32 v16, v13;
	v13 =	vmul.f32 v25, v3  }
0x659: {  	v2 =	vimm.f32 $0.0e+00;
	v34 =	vbroadcast v60, $0xF;
	v28 =	vld [tilespmem:s17+$0x8C00];
	v8 =	vmul.f32 v23, v3;
	(xrf2) =	vadd.scan.msk.f32 $0xffff, v5  }
0x65a: {  	v6 =	vadd.f32 v14, v6;
	v22 =	vld [tilespmem:s17+$0x6C50];
	v17 =	vadd.f32 v13, v11;
	v11 =	vmul.f32 v24, v3  }
0x65b: {  	v26 =	vld [tilespmem:s17+$0x6C20];
	v13 =	vmul.f32 v18, v3;
	v19 =	vadd.f32 v8, v10;
	v8 =	vmul.f32 v27, v3  }
0x65c: {  	v25 =	vld [tilespmem:s17+$0x6C30];
	v10 =	vmul.f32 v29, v3;
	v3 =	vsel vm0, v34, v2;
	v5 =	vimm.f32 $0.0e+00;
	(xrf2) =	vadd.scan.msk.f32 $0xffff, v6  }
0x65d: {  	s16 =	sor.u32 $0x10, s16;
	v23 =	vld [tilespmem:s17+$0x6C40];
	v14 =	vadd.f32 v11, v9;
	v13 =	vadd.f32 v13, v4;
	v11 =	vimm.f32 $0.0e+00  }
0x65e: {  	s26 =	sand.u32 $0x70, s16;
	v24 =	vld [tilespmem:s17+$0x6C00];
	v9 =	vimm.f32 $0.0e+00;
	v6 =	vimm.f32 $0.0e+00;
	v4 =	vimm.f32 $0.0e+00  }
0x65f: {  	s9 =	sadd.s32 s26, s9;
	v27 =	vld [tilespmem:s17+$0x8C20];
	v16 =	vadd.f32 v8, v7;
	v15 =	vadd.f32 v10, v12;
	v12 =	vimm.f32 $0.0e+00;
	(xrf2) =	vadd.scan.msk.f32 $0xffff, v30  }
0x660: {  	s10 =	sadd.s32 s26, s14;
	s14 =	sadd.s32 s26, s15;
	s15 =	simm.s32 $0x400;
	v29 =	vld [tilespmem:s17+$0x6C10];
	v18, _, _ =	vpop (xrf2);
	v10 =	vimm.f32 $0.0e+00;
	v8 =	vimm.f32 $0.0e+00;
	v7 =	vimm.f32 $0.0e+00  }
.LBB2_13:
0x661: {  	p1 =	sne.s32 s15, $0x1E00;
	v30 =	vld [tilespmem:s17+$0x8C10];
	v33 =	vbroadcast v18, $0xF  }
0x662: {  	v31 =	vld [tilespmem:s17+$0x12C00];
	(xrf2) =	vadd.scan.msk.f32 $0xffff, v19  }
0x663: {  	v32 =	vld [tilespmem:s17+$0x12C10];
	v2 =	vsel vm0, v33, v2;
	v18, _, _ =	vpop (xrf2)  }
0x664: {  	v33 =	vld [tilespmem:s17+$0x8C30];
	v18 =	vbroadcast v18, $0xF  }
0x665: {  	v34 =	vld [tilespmem:s17+$0x12C20];
	(xrf2) =	vadd.scan.msk.f32 $0xffff, v17  }
0x666: {  	v24 =	vmul.f32 v28, v24;
	v19 =	vmul.f32 v30, v29;
	v28 =	vld [tilespmem:s17+$0x8C40];
	v12 =	vsel vm0, v18, v12;
	v17, _, _ =	vpop (xrf2)  }
0x667: {  	v18 =	vmul.f32 v27, v26;
	v26 =	vld [tilespmem:s17+$0x12C30];
	v17 =	vbroadcast v17, $0xF  }
0x668: {  	v29 =	vmul.f32 v31, v24;
	v27 =	vld [tilespmem:s17+$0x8C50];
	v30 =	vmul.f32 v32, v19;
	(xrf2) =	vadd.scan.msk.f32 $0xffff, v16  }
0x669: {  	v31 =	vld [tilespmem:s17+$0x12C40];
	v10 =	vsel vm0, v17, v10;
	v16, _, _ =	vpop (xrf2)  }
0x66a: {  	v17 =	vmul.f32 v33, v25;
	v25 =	vld [tilespmem:s17+$0x8C60];
	v29 =	vadd.f32 v30, v29;
	v30 =	vmul.f32 v34, v18  }
0x66b: {  	v33 =	vbroadcast v16, $0xF;
	v32 =	vld [tilespmem:s17+$0x12C50];
	(xrf2) =	vadd.scan.msk.f32 $0xffff, v15  }
0x66c: {  	v16 =	vmul.f32 v28, v23;
	v23 =	vld [tilespmem:s17+$0x8C70];
	v28 =	vadd.f32 v30, v29;
	v26 =	vmul.f32 v26, v17;
	v15, _, _ =	vpop (xrf2)  }
0x66d: {  	v11 =	vsel vm0, v33, v11;
	v29 =	vld [tilespmem:s17+$0x12C60];
	v33 =	vbroadcast v15, $0xF  }
0x66e: {  	v15 =	vmul.f32 v27, v22;
	v22 =	vld [tilespmem:s17+$0x7C00];
	v26 =	vadd.f32 v26, v28;
	v27 =	vmul.f32 v31, v16;
	(xrf2) =	vadd.scan.msk.f32 $0xffff, v14  }
0x66f: {  	v28 =	vld [tilespmem:s17+$0x12C70];
	v9 =	vsel vm0, v33, v9;
	v30, _, _ =	vpop (xrf2)  }
0x670: {  	v14 =	vmul.f32 v25, v21;
	v21 =	vld [tilespmem:s17+$0x7C10];
	v25 =	vadd.f32 v27, v26;
	v31 =	vmul.f32 v32, v15  }
0x671: {  	v30 =	vbroadcast v30, $0xF;
	v27 =	vld [tilespmem:s17+$0xE400];
	(xrf2) =	vadd.scan.msk.f32 $0xffff, v13  }
0x672: {  	v13 =	vmul.f32 v23, v20;
	v20 =	vld [tilespmem:s17+$0xE410];
	v23 =	vadd.f32 v31, v25;
	v25 =	vmul.f32 v29, v14;
	v26, _, _ =	vpop (xrf2)  }
0x673: {  	v8 =	vsel vm0, v30, v8;
	v22 =	vmul.f32 v22, v24;
	v29 =	vld [tilespmem:s17+$0xEC00];
	v31 =	vbroadcast v26, $0xF  }
0x674: {  	v30 =	vld [tilespmem:s17+$0xEC10];
	v23 =	vadd.f32 v25, v23;
	v25 =	vmul.f32 v28, v13  }
0x675: {  	v21 =	vmul.f32 v21, v19;
	v28 =	vld [tilespmem:s17+$0xF400];
	v6 =	vsel vm0, v31, v6;
	v26, _, _ =	vpop (xrf2)  }
0x676: {  	v27 =	vmul.f32 v27, v24;
	v31 =	vld [tilespmem:s17+$0xF410];
	v32 =	vadd.f32 v25, v23;
	v25 =	vbroadcast v26, $0xF  }
0x677: {  	v21 =	vadd.f32 v21, v22;
	v20 =	vmul.f32 v20, v19;
	v22 =	vld [tilespmem:s17+$0xFC00]  }
0x678: {  	v26 =	vmul.f32 v29, v24;
	v29 =	vld [tilespmem:s17+$0xFC10];
	(xrf2) =	vadd.scan.msk.f32 $0xffff, v32;
	v7 =	vsel vm0, v25, v7;
	v23, _, _ =	vpop (xrf2)  }
0x679: {  	v20 =	vadd.f32 v20, v27;
	v25 =	vmul.f32 v30, v19;
	v27 =	vld [tilespmem:s17+$0x10400];
	v32 =	vbroadcast v23, $0xF  }
0x67a: {  	v28 =	vmul.f32 v28, v24;
	v30 =	vld [tilespmem:s17+$0x10410]  }
0x67b: {  	v25 =	vadd.f32 v25, v26;
	v26 =	vmul.f32 v31, v19;
	v31 =	vld [tilespmem:s17+$0x10C00];
	v5 =	vsel vm0, v32, v5;
	v23, _, _ =	vpop (xrf2)  }
0x67c: {  	v22 =	vmul.f32 v22, v24;
	v32 =	vld [tilespmem:s17+$0x10C10];
	v23 =	vbroadcast v23, $0xF  }
0x67d: {  	v26 =	vadd.f32 v26, v28;
	v28 =	vmul.f32 v29, v19;
	v29 =	vld [tilespmem:s17+$0x11400]  }
0x67e: {  	v27 =	vmul.f32 v27, v24;
	v33 =	vld [tilespmem:s17+$0x11410];
	v4 =	vsel vm0, v23, v4  }
0x67f: {  	v22 =	vadd.f32 v28, v22;
	v23 =	vmul.f32 v30, v19;
	v28 =	vld [tilespmem:s17+$0x11C00]  }
0x680: {  	v30 =	vmul.f32 v31, v24;
	v31 =	vld [tilespmem:s17+$0x11C10]  }
0x681: {  	v23 =	vadd.f32 v23, v27;
	v27 =	vmul.f32 v32, v19;
	v32 =	vld [tilespmem:s17+$0x12400]  }
0x682: {  	s24 =	sadd.s32 $0x1, s24;
	v29 =	vmul.f32 v29, v24;
	v34 =	vld [tilespmem:s17+$0x12410];
	v35, _, _ =	vpop (xrf2)  }
0x683: {  	v36 =	vmov s24;
	v37 =	vld [tilespmem:s17+$0x7C20];
	v33 =	vmul.f32 v33, v19;
	v35 =	vbroadcast v35, $0xF  }
0x684: {  	vm0 =	veq.s32 v36, v0;
	v27 =	vadd.f32 v27, v30;
	v36 =	vld [tilespmem:s17+$0xE420];
	v28 =	vmul.f32 v28, v24  }
0x685: {  	v30 =	vld [tilespmem:s17+$0xEC20];
	v29 =	vadd.f32 v33, v29;
	v31 =	vmul.f32 v31, v19;
	v3 =	vsel vm0, v35, v3  }
0x686: {  	v33 =	vld [tilespmem:s17+$0xF420];
	v24 =	vmul.f32 v32, v24  }
0x687: {  	v32 =	vld [tilespmem:s17+$0xFC20];
	v28 =	vadd.f32 v31, v28;
	v19 =	vmul.f32 v34, v19  }
0x688: {  	v31 =	vmul.f32 v37, v18;
	v34 =	vld [tilespmem:s17+$0x10420]  }
0x689: {  	v35 =	vmul.f32 v36, v18;
	v36 =	vld [tilespmem:s17+$0x10C20];
	v19 =	vadd.f32 v19, v24  }
0x68a: {  	v21 =	vadd.f32 v31, v21;
	v24 =	vmul.f32 v30, v18;
	v30 =	vld [tilespmem:s17+$0x11420]  }
0x68b: {  	v20 =	vadd.f32 v35, v20;
	v31 =	vmul.f32 v33, v18;
	v33 =	vld [tilespmem:s17+$0x11C20]  }
0x68c: {  	v24 =	vadd.f32 v24, v25;
	v25 =	vmul.f32 v32, v18;
	v32 =	vld [tilespmem:s17+$0x12420]  }
0x68d: {  	v35 =	vld [tilespmem:s17+$0x7C30];
	v26 =	vadd.f32 v31, v26;
	v31 =	vmul.f32 v34, v18  }
0x68e: {  	v34 =	vld [tilespmem:s17+$0xE430];
	v22 =	vadd.f32 v25, v22;
	v25 =	vmul.f32 v36, v18  }
0x68f: {  	v36 =	vld [tilespmem:s17+$0xEC30];
	v23 =	vadd.f32 v31, v23;
	v30 =	vmul.f32 v30, v18  }
0x690: {  	v31 =	vld [tilespmem:s17+$0xF430];
	v25 =	vadd.f32 v25, v27;
	v27 =	vmul.f32 v33, v18  }
0x691: {  	v33 =	vld [tilespmem:s17+$0xFC30];
	v29 =	vadd.f32 v30, v29;
	v18 =	vmul.f32 v32, v18  }
0x692: {  	v30 =	vmul.f32 v35, v17;
	v32 =	vld [tilespmem:s17+$0x10430];
	v27 =	vadd.f32 v27, v28  }
0x693: {  	v28 =	vmul.f32 v34, v17;
	v34 =	vld [tilespmem:s17+$0x10C30];
	v18 =	vadd.f32 v18, v19  }
0x694: {  	v19 =	vadd.f32 v30, v21;
	v21 =	vmul.f32 v36, v17;
	v30 =	vld [tilespmem:s17+$0x11430]  }
0x695: {  	v20 =	vadd.f32 v28, v20;
	v28 =	vmul.f32 v31, v17;
	v31 =	vld [tilespmem:s17+$0x11C30]  }
0x696: {  	v21 =	vadd.f32 v21, v24;
	v24 =	vmul.f32 v33, v17;
	v33 =	vld [tilespmem:s17+$0x12430]  }
0x697: {  	v35 =	vld [tilespmem:s17+$0x7C40];
	v26 =	vadd.f32 v28, v26;
	v28 =	vmul.f32 v32, v17  }
0x698: {  	v32 =	vld [tilespmem:s17+$0xE440];
	v22 =	vadd.f32 v24, v22;
	v24 =	vmul.f32 v34, v17  }
0x699: {  	v34 =	vld [tilespmem:s17+$0xEC40];
	v23 =	vadd.f32 v28, v23;
	v28 =	vmul.f32 v30, v17  }
0x69a: {  	v30 =	vld [tilespmem:s17+$0xF440];
	v24 =	vadd.f32 v24, v25;
	v25 =	vmul.f32 v31, v17  }
0x69b: {  	v31 =	vld [tilespmem:s17+$0xFC40];
	v28 =	vadd.f32 v28, v29;
	v17 =	vmul.f32 v33, v17  }
0x69c: {  	v29 =	vmul.f32 v35, v16;
	v33 =	vld [tilespmem:s17+$0x10440];
	v25 =	vadd.f32 v25, v27  }
0x69d: {  	v27 =	vmul.f32 v32, v16;
	v32 =	vld [tilespmem:s17+$0x10C40];
	v17 =	vadd.f32 v17, v18  }
0x69e: {  	v18 =	vadd.f32 v29, v19;
	v19 =	vmul.f32 v34, v16;
	v29 =	vld [tilespmem:s17+$0x11440]  }
0x69f: {  	v20 =	vadd.f32 v27, v20;
	v27 =	vmul.f32 v30, v16;
	v30 =	vld [tilespmem:s17+$0x11C40]  }
0x6a0: {  	v19 =	vadd.f32 v19, v21;
	v21 =	vmul.f32 v31, v16;
	v31 =	vld [tilespmem:s17+$0x12440]  }
0x6a1: {  	v34 =	vld [tilespmem:s17+$0x7C50];
	v26 =	vadd.f32 v27, v26;
	v27 =	vmul.f32 v33, v16  }
0x6a2: {  	v33 =	vld [tilespmem:s17+$0xE450];
	v21 =	vadd.f32 v21, v22;
	v22 =	vmul.f32 v32, v16  }
0x6a3: {  	v32 =	vld [tilespmem:s17+$0xEC50];
	v23 =	vadd.f32 v27, v23;
	v27 =	vmul.f32 v29, v16  }
0x6a4: {  	v29 =	vld [tilespmem:s17+$0xF450];
	v22 =	vadd.f32 v22, v24;
	v24 =	vmul.f32 v30, v16  }
0x6a5: {  	v30 =	vld [tilespmem:s17+$0xFC50];
	v27 =	vadd.f32 v27, v28;
	v16 =	vmul.f32 v31, v16  }
0x6a6: {  	v28 =	vmul.f32 v34, v15;
	v31 =	vld [tilespmem:s17+$0x10450];
	v24 =	vadd.f32 v24, v25  }
0x6a7: {  	v25 =	vmul.f32 v33, v15;
	v33 =	vld [tilespmem:s17+$0x10C50];
	v16 =	vadd.f32 v16, v17  }
0x6a8: {  	v17 =	vadd.f32 v28, v18;
	v18 =	vmul.f32 v32, v15;
	v28 =	vld [tilespmem:s17+$0x11450]  }
0x6a9: {  	v20 =	vadd.f32 v25, v20;
	v25 =	vmul.f32 v29, v15;
	v29 =	vld [tilespmem:s17+$0x11C50]  }
0x6aa: {  	v18 =	vadd.f32 v18, v19;
	v19 =	vmul.f32 v30, v15;
	v30 =	vld [tilespmem:s17+$0x12450]  }
0x6ab: {  	v32 =	vld [tilespmem:s17+$0x7C60];
	v25 =	vadd.f32 v25, v26;
	v26 =	vmul.f32 v31, v15  }
0x6ac: {  	v31 =	vld [tilespmem:s17+$0xE460];
	v19 =	vadd.f32 v19, v21;
	v21 =	vmul.f32 v33, v15  }
0x6ad: {  	v33 =	vld [tilespmem:s17+$0xEC60];
	v23 =	vadd.f32 v26, v23;
	v26 =	vmul.f32 v28, v15  }
0x6ae: {  	v28 =	vld [tilespmem:s17+$0xF460];
	v21 =	vadd.f32 v21, v22;
	v22 =	vmul.f32 v29, v15  }
0x6af: {  	v29 =	vld [tilespmem:s17+$0xFC60];
	v26 =	vadd.f32 v26, v27;
	v15 =	vmul.f32 v30, v15  }
0x6b0: {  	v27 =	vmul.f32 v32, v14;
	v30 =	vld [tilespmem:s17+$0x10460];
	v22 =	vadd.f32 v22, v24  }
0x6b1: {  	v24 =	vmul.f32 v31, v14;
	v31 =	vld [tilespmem:s17+$0x10C60];
	v15 =	vadd.f32 v15, v16  }
0x6b2: {  	v16 =	vadd.f32 v27, v17;
	v17 =	vmul.f32 v33, v14;
	v27 =	vld [tilespmem:s17+$0x11460]  }
0x6b3: {  	v20 =	vadd.f32 v24, v20;
	v24 =	vmul.f32 v28, v14;
	v28 =	vld [tilespmem:s17+$0x11C60]  }
0x6b4: {  	v17 =	vadd.f32 v17, v18;
	v18 =	vmul.f32 v29, v14;
	v29 =	vld [tilespmem:s17+$0x12460]  }
0x6b5: {  	v32 =	vld [tilespmem:s17+$0x7C70];
	v24 =	vadd.f32 v24, v25;
	v25 =	vmul.f32 v30, v14  }
0x6b6: {  	v30 =	vld [tilespmem:s17+$0xE470];
	v18 =	vadd.f32 v18, v19;
	v19 =	vmul.f32 v31, v14  }
0x6b7: {  	v31 =	vld [tilespmem:s17+$0xEC70];
	v23 =	vadd.f32 v25, v23;
	v25 =	vmul.f32 v27, v14  }
0x6b8: {  	v27 =	vld [tilespmem:s17+$0xF470];
	v33 =	vadd.f32 v19, v21;
	v19 =	vmul.f32 v28, v14  }
0x6b9: {  	v21 =	vld [tilespmem:s17+$0xFC70];
	v26 =	vadd.f32 v25, v26;
	v14 =	vmul.f32 v29, v14  }
0x6ba: {  	v25 =	vmul.f32 v32, v13;
	v28 =	vld [tilespmem:s17+$0x10470];
	v29 =	vadd.f32 v19, v22  }
0x6bb: {  	v19 =	vmul.f32 v30, v13;
	v22 =	vld [tilespmem:s17+$0x10C70];
	v30 =	vadd.f32 v14, v15  }
0x6bc: {  	v14 =	vadd.f32 v25, v16;
	v15 =	vmul.f32 v31, v13;
	v16 =	vld [tilespmem:s17+$0x11470]  }
0x6bd: {  	v25 =	vadd.f32 v19, v20;
	v19 =	vmul.f32 v27, v13;
	v27 =	vld [tilespmem:s17+$0x11C70]  }
0x6be: {  	v31 =	vadd.f32 v15, v17;
	v15 =	vmul.f32 v21, v13;
	v32 =	vld [tilespmem:s17+$0x12470];
	s17 =	sshra.s32 s15, $0x2;
	(xrf2) =	vadd.scan.msk.f32 $0xffff, v14  }
0x6bf: {  	v20 =	vld [tilespmem:s17+$0x6C70];
	v34 =	vadd.f32 v19, v24;
	v14 =	vmul.f32 v28, v13  }
0x6c0: {  	v21 =	vld [tilespmem:s17+$0x6C60];
	v19 =	vadd.f32 v15, v18;
	v15 =	vmul.f32 v22, v13  }
0x6c1: {  	v22 =	vld [tilespmem:s17+$0x6C50];
	v17 =	vadd.f32 v14, v23;
	v14 =	vmul.f32 v16, v13;
	(xrf2) =	vadd.scan.msk.f32 $0xffff, v25  }
0x6c2: {  	v23 =	vld [tilespmem:s17+$0x6C40];
	v16 =	vadd.f32 v15, v33;
	v18 =	vmul.f32 v27, v13  }
0x6c3: {  	v25 =	vld [tilespmem:s17+$0x6C30];
	v15 =	vadd.f32 v14, v26;
	v13 =	vmul.f32 v32, v13  }
.Ltmp7:
0x6c4: {  	v26 =	vld [tilespmem:s17+$0x6C20];
	v14 =	vadd.f32 v18, v29;
	(xrf2) =	vadd.scan.msk.f32 $0xffff, v31;
	(pc) =	sbr.rel @p1 .LBB2_13-.Ltmp7, $4  }
0x6c5: {  	v27 =	vld [tilespmem:s17+$0x8C20];
	v13 =	vadd.f32 v13, v30  }
0x6c6: {  	v24 =	vld [tilespmem:s17+$0x6C00]  }
0x6c7: {  	v28 =	vld [tilespmem:s17+$0x8C00];
	(xrf2) =	vadd.scan.msk.f32 $0xffff, v34  }
0x6c8: {  	s15 =	sadd.s32 $0x200, s15;
	v29 =	vld [tilespmem:s17+$0x6C10];
	v18, _, _ =	vpop (xrf2)  }
0x6c9: {  	v30 =	vld [tilespmem:s17+$0x8C10]  }
0x6ca: {  	v31 =	vld [tilespmem:s17+$0x12C00]  }
0x6cb: {  	v32 =	vld [tilespmem:s17+$0x12C10]  }
0x6cc: {  	v33 =	vld [tilespmem:s17+$0x8C30]  }
0x6cd: {  	v34 =	vld [tilespmem:s17+$0x12C20]  }
0x6ce: {  	v35 =	vld [tilespmem:s17+$0x8C40]  }
0x6cf: {  	v36 =	vld [tilespmem:s17+$0x12C30]  }
0x6d0: {  	v37 =	vld [tilespmem:s17+$0x8C50]  }
0x6d1: {  	v38 =	vld [tilespmem:s17+$0x12C40]  }
0x6d2: {  	v39 =	vld [tilespmem:s17+$0x8C60]  }
0x6d3: {  	v40 =	vld [tilespmem:s17+$0x12C50]  }
0x6d4: {  	v41 =	vld [tilespmem:s17+$0x8C70]  }
0x6d5: {  	v42 =	vld [tilespmem:s17+$0x12C60]  }
0x6d6: {  	v43 =	vld [tilespmem:s17+$0x7C00]  }
0x6d7: {  	v44 =	vld [tilespmem:s17+$0x12C70]  }
0x6d8: {  	v45 =	vld [tilespmem:s17+$0x7C10]  }
0x6d9: {  	v46 =	vld [tilespmem:s17+$0xE400]  }
0x6da: {  	v47 =	vld [tilespmem:s17+$0xE410]  }
0x6db: {  	v48 =	vld [tilespmem:s17+$0xEC00]  }
0x6dc: {  	v49 =	vld [tilespmem:s17+$0xEC10]  }
0x6dd: {  	v50 =	vld [tilespmem:s17+$0xF400]  }
0x6de: {  	v51 =	vld [tilespmem:s17+$0xF410]  }
0x6df: {  	v52 =	vld [tilespmem:s17+$0xFC00]  }
0x6e0: {  	v53 =	vld [tilespmem:s17+$0xFC10]  }
0x6e1: {  	v54 =	vld [tilespmem:s17+$0x10400]  }
0x6e2: {  	v55 =	vld [tilespmem:s17+$0x10410]  }
0x6e3: {  	v56 =	vld [tilespmem:s17+$0x10C00]  }
0x6e4: {  	v57 =	vld [tilespmem:s17+$0x10C10]  }
0x6e5: {  	v58 =	vld [tilespmem:s17+$0x11400]  }
0x6e6: {  	v59 =	vld [tilespmem:s17+$0x11410]  }
0x6e7: {  	v60 =	vld [tilespmem:s17+$0x11C00]  }
0x6e8: {  	v61 =	vld [tilespmem:s17+$0x11C10];
	v28 =	vmul.f32 v28, v24;
	v29 =	vmul.f32 v30, v29  }
0x6e9: {  	v62 =	vld [tilespmem:s17+$0x12400]  }
0x6ea: {  	v63 =	vld [tilespmem:s17+$0x12410];
	v24 =	vmul.f32 v31, v28;
	v31 =	vmul.f32 v32, v29  }
0x6eb: {  	v26 =	vmul.f32 v27, v26;
	v27 =	vld [tilespmem:s17+$0xE420]  }
0x6ec: {  	v31 =	vadd.f32 v31, v24;
	v24 =	vld [tilespmem:s17+$0x10420]  }
0x6ed: {  	v30 =	vld [tilespmem:s17+$0x7C20]  }
0x6ee: {  	v25 =	vmul.f32 v33, v25;
	v33 =	vmul.f32 v34, v26;
	v34 =	vld [tilespmem:s17+$0xFC20]  }
0x6ef: {  	v21 =	vmul.f32 v39, v21;
	v39 =	vld [tilespmem:s17+$0xE430]  }
0x6f0: {  	v20 =	vmul.f32 v41, v20;
	v41 =	vld [tilespmem:s17+$0xF430]  }
0x6f1: {  	v32 =	vld [tilespmem:s17+$0xEC20];
	v31 =	vadd.f32 v33, v31;
	v33 =	vmul.f32 v36, v25;
	[tilespmem:$0x1FFB0] =	vst v24;
	v24 =	vmul.f32 v35, v23  }
0x6f2: {  	[tilespmem:$0x1FFA0] =	vst v30;
	v30 =	vld [tilespmem:s17+$0xF420]  }
0x6f3: {  	v36 =	vld [tilespmem:s17+$0x11420];
	v23 =	vmul.f32 v37, v22;
	v22 =	vadd.f32 v33, v31;
	v31 =	vmul.f32 v38, v24  }
0x6f4: {  	v35 =	vld [tilespmem:s17+$0x10C20]  }
0x6f5: {  	v33 =	vld [tilespmem:s17+$0x11C20];
	v22 =	vadd.f32 v31, v22;
	v31 =	vmul.f32 v40, v23  }
0x6f6: {  	v37 =	vld [tilespmem:s17+$0x12420]  }
0x6f7: {  	v38 =	vld [tilespmem:s17+$0x7C30];
	v22 =	vadd.f32 v31, v22;
	v31 =	vmul.f32 v42, v21  }
0x6f8: {  	v40 =	vld [tilespmem:s17+$0xEC30]  }
0x6f9: {  	v42 =	vld [tilespmem:s17+$0xFC30];
	v22 =	vadd.f32 v31, v22;
	v31 =	vmul.f32 v44, v20  }
0x6fa: {  	v43 =	vmul.f32 v43, v28;
	v44 =	vmul.f32 v45, v29;
	v45 =	vld [tilespmem:s17+$0x10430]  }
0x6fb: {  	v46 =	vmul.f32 v46, v28;
	v22 =	vadd.f32 v31, v22;
	v31 =	vmul.f32 v47, v29;
	v47 =	vld [tilespmem:s17+$0x10C30]  }
0x6fc: {  	v43 =	vadd.f32 v44, v43;
	v44 =	vmul.f32 v48, v28;
	v48 =	vmul.f32 v49, v29;
	v49 =	vld [tilespmem:s17+$0x11430]  }
0x6fd: {  	v31 =	vadd.f32 v31, v46;
	v46 =	vmul.f32 v50, v28;
	v50 =	vmul.f32 v51, v29;
	v51 =	vld [tilespmem:s17+$0x11C30]  }
0x6fe: {  	v44 =	vadd.f32 v48, v44;
	v48 =	vmul.f32 v52, v28;
	v52 =	vmul.f32 v53, v29;
	v53 =	vld [tilespmem:s17+$0x12430]  }
0x6ff: {  	v46 =	vadd.f32 v50, v46;
	v50 =	vmul.f32 v54, v28;
	v54 =	vmul.f32 v55, v29;
	v55 =	vld [tilespmem:s17+$0x7C40]  }
0x700: {  	v48 =	vadd.f32 v52, v48;
	v52 =	vmul.f32 v56, v28;
	v56 =	vmul.f32 v57, v29;
	v57 =	vld [tilespmem:s17+$0xE440]  }
0x701: {  	v50 =	vadd.f32 v54, v50;
	v54 =	vmul.f32 v58, v28;
	v58 =	vmul.f32 v59, v29;
	v59 =	vld [tilespmem:s17+$0xEC40]  }
0x702: {  	v52 =	vadd.f32 v56, v52;
	v56 =	vmul.f32 v60, v28;
	v60 =	vmul.f32 v61, v29;
	v61 =	vld [tilespmem:s17+$0xF440]  }
0x703: {  	v30 =	vmul.f32 v30, v26;
	v28 =	vmul.f32 v62, v28;
	v62 =	vld [tilespmem:s17+$0x10440]  }
0x704: {  	v29 =	vmul.f32 v63, v29;
	v63 =	vmul.f32 v32, v26;
	v32 =	vld [tilespmem:s17+$0x10C40]  }
0x705: {  	v30 =	vadd.f32 v30, v46;
	v46 =	vld [tilespmem:s17+$0x11C40]  }
0x706: {  	v27 =	vmul.f32 v27, v26;
	v54 =	vadd.f32 v58, v54;
	v58 =	vld [tilespmem:s17+$0xFC40]  }
0x707: {  	v39 =	vmul.f32 v39, v25;
	v41 =	vmul.f32 v41, v25;
	v56 =	vadd.f32 v60, v56;
	v60 =	vld [tilespmem:$0x1FFA0]  }
0x708: {  	v35 =	vmul.f32 v35, v26;
	v28 =	vadd.f32 v29, v28;
	v29 =	vadd.f32 v63, v44;
	v63 =	vld [tilespmem:$0x1FFB0]  }
0x709: {  	v36 =	vmul.f32 v36, v26;
	v40 =	vmul.f32 v40, v25;
	v30 =	vadd.f32 v41, v30;
	v41 =	vld [tilespmem:s17+$0x10450]  }
0x70a: {  	v27 =	vadd.f32 v27, v31;
	v35 =	vadd.f32 v35, v52;
	v52 =	vmul.f32 v49, v25;
	v49 =	vld [tilespmem:s17+$0x7C60]  }
0x70b: {  	v33 =	vmul.f32 v33, v26;
	v36 =	vadd.f32 v36, v54;
	v54 =	vmul.f32 v51, v25;
	v51 =	vld [tilespmem:s17+$0x11C50]  }
0x70c: {  	v27 =	vadd.f32 v39, v27;
	v57 =	vmul.f32 v57, v24;
	v29 =	vadd.f32 v40, v29;
	v40 =	vld [tilespmem:s17+$0x12450]  }
0x70d: {  	v38 =	vmul.f32 v38, v25;
	v33 =	vadd.f32 v33, v56;
	v56 =	vmul.f32 v42, v25;
	v42 =	vld [tilespmem:s17+$0xEC60]  }
0x70e: {  	v27 =	vadd.f32 v57, v27;
	v36 =	vadd.f32 v52, v36;
	v52 =	vld [tilespmem:s17+$0xE470];
	v60 =	vmul.f32 v60, v26  }
0x70f: {  	v33 =	vadd.f32 v54, v33;
	v44 =	vmul.f32 v63, v26;
	v63 =	vmul.f32 v47, v25;
	v47 =	vld [tilespmem:s17+$0x11450]  }
0x710: {  	v43 =	vadd.f32 v60, v43;
	v60 =	vmul.f32 v34, v26;
	v34 =	vld [tilespmem:s17+$0x11440];
	v26 =	vmul.f32 v37, v26  }
0x711: {  	v59 =	vmul.f32 v59, v24;
	v44 =	vadd.f32 v44, v50;
	v37 =	vld [tilespmem:s17+$0x7C50];
	v35 =	vadd.f32 v63, v35  }
0x712: {  	v32 =	vmul.f32 v32, v24;
	v50 =	vld [tilespmem:s17+$0xE450];
	v31 =	vadd.f32 v60, v48;
	v26 =	vadd.f32 v26, v28  }
0x713: {  	v48 =	vld [tilespmem:s17+$0x12440];
	v38 =	vadd.f32 v38, v43;
	v60 =	vmul.f32 v45, v25;
	v25 =	vmul.f32 v53, v25  }
0x714: {  	v63 =	vmul.f32 v62, v24;
	v28 =	vld [tilespmem:s17+$0xEC50];
	v32 =	vadd.f32 v32, v35;
	v31 =	vadd.f32 v56, v31  }
0x715: {  	v43 =	vld [tilespmem:s17+$0xF450];
	v39 =	vadd.f32 v60, v44;
	v56 =	vmul.f32 v55, v24;
	v25 =	vadd.f32 v25, v26  }
0x716: {  	v45 =	vld [tilespmem:s17+$0xFC50];
	v60 =	vmul.f32 v61, v24;
	v26 =	vadd.f32 v59, v29;
	v61 =	vmul.f32 v58, v24  }
0x717: {  	v53 =	vld [tilespmem:s17+$0xE460];
	v55 =	vmul.f32 v46, v24;
	v34 =	vmul.f32 v34, v24;
	v38 =	vadd.f32 v56, v38  }
0x718: {  	v35 =	vld [tilespmem:s17+$0xFC60];
	v57 =	vmul.f32 v50, v23;
	v30 =	vadd.f32 v60, v30;
	v29 =	vadd.f32 v61, v31  }
0x719: {  	v44 =	vld [tilespmem:s17+$0x10C50];
	v54 =	vadd.f32 v63, v39;
	v56 =	vmul.f32 v37, v23;
	v61 =	vmul.f32 v41, v23  }
0x71a: {  	v46 =	vld [tilespmem:s17+$0xF460];
	v33 =	vadd.f32 v55, v33;
	v63 =	vmul.f32 v47, v23;
	v24 =	vmul.f32 v48, v24  }
0x71b: {  	v50 =	vld [tilespmem:s17+$0x7C70];
	v34 =	vadd.f32 v34, v36;
	v58 =	vmul.f32 v28, v23;
	v59 =	vmul.f32 v43, v23  }
0x71c: {  	v39 =	vld [tilespmem:s17+$0x10460];
	v27 =	vadd.f32 v57, v27;
	v60 =	vmul.f32 v45, v23;
	v48 =	vmul.f32 v51, v23  }
0x71d: {  	v43 =	vld [tilespmem:s17+$0x10C60];
	v51 =	vmul.f32 v49, v21;
	v53 =	vmul.f32 v53, v21;
	v36 =	vadd.f32 v56, v38  }
0x71e: {  	v49 =	vmul.f32 v52, v20;
	v52 =	vld [tilespmem:s17+$0x11470];
	v28 =	vadd.f32 v61, v54;
	v24 =	vadd.f32 v24, v25  }
0x71f: {  	v38 =	vld [tilespmem:s17+$0x11460];
	v56 =	vmul.f32 v42, v21;
	v25 =	vadd.f32 v58, v26;
	v26 =	vadd.f32 v59, v30  }
0x720: {  	(xrf2) =	vadd.scan.msk.f32 $0xffff, v19;
	v54 =	vld [tilespmem:s17+$0xEC70];
	v29 =	vadd.f32 v60, v29;
	v62 =	vmul.f32 v44, v23;
	v23 =	vmul.f32 v40, v23  }
0x721: {  	(xrf2) =	vadd.scan.msk.f32 $0xffff, v17;
	v30 =	vld [tilespmem:s17+$0x11C60];
	v34 =	vadd.f32 v63, v34;
	v19 =	vadd.f32 v48, v33;
	v57 =	vmul.f32 v46, v21  }
0x722: {  	(xrf2) =	vadd.scan.msk.f32 $0xffff, v16;
	v58 =	vld [tilespmem:s17+$0xF470];
	v59 =	vadd.f32 v53, v27;
	v60 =	vmul.f32 v35, v21;
	v55 =	vadd.f32 v51, v36  }
0x723: {  	(xrf2) =	vadd.scan.msk.f32 $0xffff, v15;
	v45 =	vmul.f32 v50, v20;
	v32 =	vadd.f32 v62, v32;
	v23 =	vadd.f32 v23, v24;
	v62 =	vld [tilespmem:s17+$0xFC70]  }
0x724: {  	(xrf2) =	vadd.scan.msk.f32 $0xffff, v14;
	v46 =	vld [tilespmem:s17+$0x10470];
	v63 =	vadd.f32 v56, v25;
	v42 =	vadd.f32 v57, v26  }
0x725: {  	(xrf2) =	vadd.scan.msk.f32 $0xffff, v13;
	v50 =	vld [tilespmem:s17+$0x10C70];
	v61 =	vmul.f32 v39, v21;
	v47 =	vadd.f32 v60, v29;
	v17 =	vadd.f32 v45, v55  }
0x726: {  	(xrf2) =	vadd.scan.msk.f32 $0xffff, v22;
	v44 =	vld [tilespmem:s17+$0x12460];
	v16 =	vadd.f32 v49, v59;
	v51 =	vmul.f32 v43, v21;
	v24 =	vmul.f32 v54, v20  }
0x727: {  	v55 =	vld [tilespmem:s17+$0x11C70];
	v56, _, _ =	vpop (xrf2);
	v26 =	vmul.f32 v52, v20;
	v48 =	vadd.f32 v61, v28;
	v54 =	vmul.f32 v58, v20;
	(xrf2) =	vadd.scan.msk.f32 $0xffff, v17  }
0x728: {  	v53 =	vmul.f32 v38, v21;
	v59, _, _ =	vpop (xrf2);
	v58 =	vld [tilespmem:s17+$0x12470];
	v15 =	vadd.f32 v24, v63;
	v57 =	vmul.f32 v62, v20  }
0x729: {  	v13 =	vadd.f32 v51, v32;
	v60 =	vmul.f32 v46, v20;
	(xrf2) =	vadd.scan.msk.f32 $0xffff, v16;
	v61, _, _ =	vpop (xrf2);
	v25 =	vadd.f32 v54, v42  }
0x72a: {  	v30 =	vmul.f32 v30, v21;
	v62 =	vmul.f32 v50, v20;
	v63, _, _ =	vpop (xrf2);
	(xrf2) =	vadd.scan.msk.f32 $0xffff, v15;
	v14 =	vadd.f32 v57, v47  }
0x72b: {  	v21 =	vmul.f32 v44, v21;
	v22 =	vadd.f32 v53, v34;
	v27 =	vadd.f32 v60, v48;
	v29, _, _ =	vpop (xrf2);
	(xrf2) =	vadd.scan.msk.f32 $0xffff, v25  }
0x72c: {  	v19 =	vadd.f32 v30, v19;
	v31 =	vmul.f32 v55, v20;
	v13 =	vadd.f32 v62, v13;
	v33, _, _ =	vpop (xrf2);
	(xrf2) =	vadd.scan.msk.f32 $0xffff, v14  }
0x72d: {  	v21 =	vadd.f32 v21, v23;
	v22 =	vadd.f32 v26, v22;
	v20 =	vmul.f32 v58, v20;
	v34, _, _ =	vpop (xrf2);
	(xrf2) =	vadd.scan.msk.f32 $0xffff, v27  }
0x72e: {  	v19 =	vadd.f32 v31, v19;
	v37, _, _ =	vpop (xrf2);
	(xrf2) =	vadd.scan.msk.f32 $0xffff, v13  }
0x72f: {  	s15 =	sadd.s32 $0x1, s24;
	v35 =	vbroadcast v18, $0xF;
	v20 =	vadd.f32 v20, v21;
	v38, _, _ =	vpop (xrf2);
	(xrf2) =	vadd.scan.msk.f32 $0xffff, v22  }
0x730: {  	v43 =	vmov s15;
	v36 =	vbroadcast v56, $0xF;
	v39, _, _ =	vpop (xrf2);
	(xrf2) =	vadd.scan.msk.f32 $0xffff, v19  }
0x731: {  	v2 =	vsel vm0, v35, v2;
	vm1 =	veq.s32 v43, v0;
	v17 =	vbroadcast v59, $0xF;
	v40, _, _ =	vpop (xrf2);
	(xrf2) =	vadd.scan.msk.f32 $0xffff, v20  }
0x732: {  	v12 =	vsel vm0, v36, v12;
	v16 =	vbroadcast v61, $0xF;
	v18 =	vbroadcast v40, $0xF  }
0x733: {  	v10 =	vsel vm0, v17, v10;
	v15 =	vbroadcast v63, $0xF;
	v42 =	vbroadcast v29, $0xF;
	v41, _, _ =	vpop (xrf2)  }
0x734: {  	v11 =	vsel vm0, v16, v11;
	v45 =	vbroadcast v41, $0xF;
	v44, _, _ =	vpop (xrf2);
	v2 =	vsel vm1, v18, v2  }
0x735: {  	v9 =	vsel vm0, v15, v9;
	v8 =	vsel vm0, v42, v8;
	v46, _, _ =	vpop (xrf2);
	v47 =	vbroadcast v44, $0xF  }
0x736: {  	v14 =	vbroadcast v33, $0xF;
	v12 =	vsel vm1, v45, v12;
	[tilespmem:s16+$0x13400] =	vst v2;
	v49 =	vbroadcast v46, $0xF;
	v48, _, _ =	vpop (xrf2)  }
0x737: {  	v50 =	vbroadcast v34, $0xF;
	[tilespmem:s10+$0x0] =	vst v12;
	v10 =	vsel vm1, v47, v10;
	v2, _, _ =	vpop (xrf2);
	v51 =	vbroadcast v48, $0xF  }
0x738: {  	v55 =	vbroadcast v37, $0xF;
	v11 =	vsel vm1, v49, v11;
	[tilespmem:s10+$0x80] =	vst v10;
	v2 =	vbroadcast v2, $0xF;
	v52, _, _ =	vpop (xrf2)  }
0x739: {  	v6 =	vsel vm0, v14, v6;
	[tilespmem:s10+$0x100] =	vst v11;
	v9 =	vsel vm1, v51, v9;
	v53 =	vbroadcast v52, $0xF;
	v54, _, _ =	vpop (xrf2)  }
0x73a: {  	v7 =	vsel vm0, v50, v7;
	v2 =	vsel vm1, v2, v8;
	v56 =	vbroadcast v54, $0xF;
	v57, _, _ =	vpop (xrf2);
	[tilespmem:s10+$0x180] =	vst v9  }
0x73b: {  	v58 =	vbroadcast v38, $0xF;
	v6 =	vsel vm1, v53, v6;
	v59 =	vbroadcast v57, $0xF;
	v60, _, _ =	vpop (xrf2);
	[tilespmem:s10+$0x200] =	vst v2  }
.Ltmp8:
0x73c: {  	v2 =	vsel vm0, v55, v5;
	v61 =	vsel vm1, v56, v7;
	v62 =	vbroadcast v60, $0xF;
	[tilespmem:s10+$0x280] =	vst v6;
	(pc) =	sbr.rel @p0 .LBB2_16-.Ltmp8, $4  }
0x73d: {  	v63 =	vbroadcast v39, $0xF;
	v4 =	vsel vm0, v58, v4;
	v2 =	vsel vm1, v59, v2;
	[tilespmem:s10+$0x300] =	vst v61  }
0x73e: {  	v4 =	vsel vm1, v62, v4;
	[tilespmem:s10+$0x380] =	vst v2  }
0x73f: {  	v2 =	vsel vm1, v63, v3;
	[tilespmem:s14+$0x0] =	vst v4  }
0x740: {  	[tilespmem:s9+$0x0] =	vst v2  }
0x741: {  	s9 =	sadd.s32 $0x3, s11  }
0x742: {  	s14 =	simm.s32 $0x6C00;
	s16 =	simm.s32 $0x7C00;
	s10 =	sshll.u32 s9, $0x4  }
0x743: {  	s22 =	simm.s32 $0x8C00;
	s26 =	sadd.s32 $0x4000, s10;
	s17 =	sadd.s32 s6, s10  }
0x744: {  	[tilespmem:s14], [sflag:$0x2] =	stream.indirect.gather [hbm4b:s2+s18], $0x80, s26, s18, $0xb8;
	[tilespmem:$0x17600] =	vst v63  }
0x745: {  	s9 =	sshll.u32 s9, $0x7;
	s15 =	sadd.s32 $0x4200, s10;
	s11 =	sshll.u32 s17, $0x4  }
0x746: {  	[tilespmem:s16], [sflag:$0x2] =	stream.indirect.gather [hbm4b:s3+s18], $0x80, s15, s18, $0xb8;
	[tilespmem:$0x17600] =	vst v63  }
0x747: {  	s10 =	sand.u32 $0x70, s10;
	s24 =	sand.u32 $0x1C00, s9;
	s11 =	sadd.s32 s5, s11  }
0x748: {  	[tilespmem:s22], [sflag:$0x2] =	stream.linear.gather [hbm4b:s11+s4], $0x800, $0x38;
	[tilespmem:$0x17600] =	vst v63  }
0x749: {  	s11 =	sor.u32 s10, s24  }
0x74a: {  	s25 =	sadd.s32 $0x4400, s11  }
0x74b: {  	[tilespmem:s29], [sflag:$0x2] =	stream.indirect.gather [hbm4b:s3+s18], $0x80, s25, s18, $0xb8;
	[tilespmem:$0x17600] =	vst v63  }
0x74c: {  	s26 =	sadd.s32 $0x4480, s11  }
0x74d: {  	[tilespmem:s31], [sflag:$0x2] =	stream.indirect.gather [hbm4b:s3+s18], $0x80, s26, s18, $0xb8;
	[tilespmem:$0x17600] =	vst v63  }
0x74e: {  	s15 =	sadd.s32 $0x4500, s11  }
0x74f: {  	[tilespmem:s1], [sflag:$0x2] =	stream.indirect.gather [hbm4b:s3+s18], $0x80, s15, s18, $0xb8;
	[tilespmem:$0x17600] =	vst v63  }
0x750: {  	s16 =	sadd.s32 $0x4580, s11  }
0x751: {  	[tilespmem:s23], [sflag:$0x2] =	stream.indirect.gather [hbm4b:s3+s18], $0x80, s16, s18, $0xb8;
	[tilespmem:$0x17600] =	vst v63  }
0x752: {  	s17 =	sadd.s32 $0x4600, s11  }
0x753: {  	[tilespmem:s30], [sflag:$0x2] =	stream.indirect.gather [hbm4b:s3+s18], $0x80, s17, s18, $0xb8;
	[tilespmem:$0x17600] =	vst v63  }
0x754: {  	s9 =	sor.u32 s10, s9;
	s22 =	sadd.s32 $0x4680, s11  }
0x755: {  	[tilespmem:s20], [sflag:$0x2] =	stream.indirect.gather [hbm4b:s3+s18], $0x80, s22, s18, $0xb8;
	[tilespmem:$0x17600] =	vst v63  }
0x756: {  	s9 =	sor.u32 $0x380, s9;
	s24 =	sadd.s32 $0x4700, s11  }
0x757: {  	[tilespmem:s0], [sflag:$0x2] =	stream.indirect.gather [hbm4b:s3+s18], $0x80, s24, s18, $0xb8;
	[tilespmem:$0x17600] =	vst v63  }
0x758: {  	s9 =	sadd.s32 $0x4400, s9  }
0x759: {  	[tilespmem:s28], [sflag:$0x2] =	stream.indirect.gather [hbm4b:s3+s18], $0x80, s9, s18, $0xb8;
	[tilespmem:$0x17600] =	vst v63  }
.Ltmp9:
0x75a: {  	_ = 	snop;
	(pc) =	sbr.rel .LBB2_10-.Ltmp9, $4  }
0x75b: {  	s25 =	sadd.s32 $0x5400, s11  }
0x75c: {  	[tilespmem:s19], [sflag:$0x2] =	stream.indirect.gather [hbm4b:s3+s18], $0x80, s25, s18, $0xb8;
	[tilespmem:$0x17600] =	vst v63  }
0x75d: {  	s13 =	sadd.s32 $0x1, s13;
	s26 =	sadd.s32 $0x5480, s11  }
0x75e: {  	[tilespmem:s21], [sflag:$0x2] =	stream.indirect.gather [hbm4b:s3+s18], $0x80, s26, s18, $0xb8;
	[tilespmem:$0x17600] =	vst v63  }
.LBB2_17:
0x75f: {  	_ =	sfence.sel $0x180000  }
0x760: {  	[bflag:$0x0] =	sbarrier.arrive $0xFFFF  }
0x761: {  	_ =	strace $0x90000047  }
0x762: {  	s0 =	stileid.u32;
	[bflag:$0x2] =	sbarrier.arrive $0xFFFF  }
0x763: {  	p0 =	sne.s32 s0, $0x0;
	s0 =	rddreg [dreg:$0x3]  }
0x764: {  	s0 =	sadd.s32 @!p0 $0x100000, s0  }
0x765: {  	[sflag:s0] =	ssyncadd.tile.s32 @!p0 $0x1;
	_ =	shalt  }
.Lfunc_end2:
_tile_overlayer_lowered:
.L_overlay_start_2:
0x766: {  	(tag) =	ssettag $0x2  }
0x767: {  	s0 =	rddreg [dreg:$0x0];
	s2 =	stileid.u32  }
0x768: {  	s1 =	rddreg [dreg:$0x1];
	p0 =	sne.s32 s2, $0x0  }
0x769: {  	s3 =	rddreg [dreg:$0x2];
	[bflag:$0x3] =	sbarrier.arrive $0xFFFF;
	s2 =	simm.s32 @!p0 $0x1C03  }
0x76a: {  	[timem:s3], [sflag:s2] =	dma.local @!p0 [hbm:s0], s1  }
0x76b: {  	s0 =	simm.s32 @!p0 $0x3  }
0x76c: {  	_ =	swait.ge @!p0 [sflag:s0], s1  }
0x76d: {  	s1 =	ssub.s32 @!p0 $0x0, s1;
	[sflag:s0] =	ssyncset.done @!p0 $0x0  }
0x76e: {  	[sflag:s0] =	ssyncadd.s32 @!p0 s1  }
0x76f: {  	[bflag:$0x3] =	sbarrier.arrive $0xFFFF  }
0x770: {  	_ =	shalt  }

</sc_bundles>
